<compile_context>
chip_gen: v7x
topology: tpu7x:2x2x1
jax: 0.10.2.dev20260603
libtpu: 0.0.44.dev20260713+nightly
codegen_flags: <defaults>
</compile_context>

<pallas_src>
import functools

import jax
import jax.numpy as jnp
from jax import lax
from jax.experimental import pallas as pl
from jax.experimental.pallas import tpu as pltpu
from jax.experimental.pallas import tpu_sc as plsc

N_NODES = 10000
D = 128
N_EDGES = 320000

CHUNK = 128
CPW = 80
N_CHUNKS = 32 * CPW
E_PAD = N_CHUNKS * CHUNK
BLK = 8
N_BLK = CPW // BLK
N_PAD = 10240
ROWS_PER_TILE = N_PAD // 16

_mesh = plsc.VectorSubcoreMesh(core_axis_name="c", subcore_axis_name="s")
_f32 = jnp.float32
_sc_params = pltpu.CompilerParams(use_tc_tiling_on_sc=False)


@functools.partial(
    pl.kernel,
    out_type=jax.ShapeDtypeStruct((2, N_PAD, D), _f32),
    mesh=_mesh,
    scratch_types=[
        pltpu.VMEM((CHUNK,), jnp.int32),
        pltpu.VMEM((CHUNK, D), _f32),
        pltpu.VMEM((CHUNK, D), _f32),
        pltpu.VMEM_SHARED((N_PAD, D), _f32),
        pltpu.SemaphoreType.DMA,
    ],
    compiler_params=_sc_params,
)
def _deg_kernel(col_hbm, ones_hbm, zeros_hbm, deg_out, idx_v, ones_v, zero_v,
                acc_sh, sem):
    cid = lax.axis_index("c")
    sid = lax.axis_index("s")
    base = sid * ROWS_PER_TILE
    g0 = (sid * 2 + cid) * CPW

    pltpu.sync_copy(ones_hbm, ones_v)
    pltpu.sync_copy(zeros_hbm, zero_v)
    for k in range(ROWS_PER_TILE // CHUNK):
        pltpu.sync_copy(zero_v, acc_sh.at[pl.ds(base + k * CHUNK, CHUNK)])
    plsc.subcore_barrier()

    def body(j, carry):
        pltpu.sync_copy(col_hbm.at[g0 + j], idx_v)
        pltpu.sync_copy(ones_v, acc_sh.at[idx_v], add=True)
        return carry

    lax.fori_loop(0, CPW, body, 0)
    plsc.subcore_barrier()

    for k in range(ROWS_PER_TILE // CHUNK):
        pltpu.sync_copy(acc_sh.at[pl.ds(base + k * CHUNK, CHUNK)], zero_v)
        pltpu.sync_copy(zero_v, deg_out.at[cid, pl.ds(base + k * CHUNK, CHUNK)])


@functools.partial(
    pl.kernel,
    out_type=jax.ShapeDtypeStruct((2, N_PAD, D), _f32),
    mesh=_mesh,
    scratch_types=[
        pltpu.VMEM((4 * BLK, CHUNK), jnp.int32),
        pltpu.VMEM((CHUNK, D), _f32),
        pltpu.VMEM((CHUNK, D), _f32),
        pltpu.VMEM_SHARED((N_PAD, D), _f32),
        pltpu.SemaphoreType.DMA,
        pltpu.SemaphoreType.DMA,
        pltpu.SemaphoreType.DMA,
    ],
    compiler_params=_sc_params,
)
def _spmm_kernel(y_hbm, idx_hbm, zeros_hbm, s_out, idxp_v, gb_a, gb_b, acc_sh,
                 sem_a, sem_b, sem_i):
    cid = lax.axis_index("c")
    sid = lax.axis_index("s")
    base = sid * ROWS_PER_TILE
    r0_hbm = 2 * (sid * 2 + cid) * CPW
    gbs = (gb_a, gb_b)
    sems = (sem_a, sem_b)

    pltpu.sync_copy(zeros_hbm, gb_a)
    for k in range(ROWS_PER_TILE // CHUNK):
        pltpu.sync_copy(gb_a, acc_sh.at[pl.ds(base + k * CHUNK, CHUNK)])
    plsc.subcore_barrier()

    pltpu.sync_copy(idx_hbm.at[pl.ds(r0_hbm, 2 * BLK)],
                    idxp_v.at[pl.ds(0, 2 * BLK)])
    pltpu.async_copy(idx_hbm.at[pl.ds(r0_hbm + 2 * BLK, 2 * BLK)],
                     idxp_v.at[pl.ds(2 * BLK, 2 * BLK)], sem_i)
    pltpu.async_copy(y_hbm.at[idxp_v.at[0]], gb_a, sem_a)

    def block(b, carry):
        r0 = (b % 2) * (2 * BLK)
        rn = ((b + 1) % 2) * (2 * BLK)
        for i in range(BLK):
            cur, nxt = gbs[i % 2], gbs[(i + 1) % 2]
            scur, snxt = sems[i % 2], sems[(i + 1) % 2]
            if i < BLK - 1:
                pltpu.async_copy(y_hbm.at[idxp_v.at[r0 + 2 * i + 2]], nxt,
                                 snxt)
            else:
                @pl.when(b < N_BLK - 1)
                def _():
                    pltpu.make_async_copy(
                        idx_hbm.at[pl.ds(r0_hbm + (b + 1) * 2 * BLK, 2 * BLK)],
                        idxp_v.at[pl.ds(rn, 2 * BLK)], sem_i).wait()
                    pltpu.async_copy(y_hbm.at[idxp_v.at[rn]], nxt, snxt)
            pltpu.make_async_copy(y_hbm.at[idxp_v.at[r0 + 2 * i]], cur,
                                  scur).wait()
            pltpu.sync_copy(cur, acc_sh.at[idxp_v.at[r0 + 2 * i + 1]],
                            add=True)
            if i == BLK - 1:
                @pl.when(b < N_BLK - 2)
                def _():
                    pltpu.async_copy(
                        idx_hbm.at[pl.ds(r0_hbm + (b + 2) * 2 * BLK, 2 * BLK)],
                        idxp_v.at[pl.ds(r0, 2 * BLK)], sem_i)
        return carry

    lax.fori_loop(0, N_BLK, block, 0)
    plsc.subcore_barrier()

    for k in range(ROWS_PER_TILE // CHUNK):
        pltpu.sync_copy(acc_sh.at[pl.ds(base + k * CHUNK, CHUNK)], gb_a)
        pltpu.sync_copy(gb_a, s_out.at[cid, pl.ds(base + k * CHUNK, CHUNK)])


def _tc_prep_body(deg_ref, x_ref, w1_ref, d_ref, y_ref, dw_ref):
    d = lax.rsqrt(deg_ref[...] + 1.0)
    d_ref[...] = d
    xl = jnp.dot(x_ref[...], w1_ref[...], preferred_element_type=_f32)
    zpad = jnp.zeros((N_PAD - N_NODES, D), _f32)
    y_ref[0:N_NODES, :] = d[0:N_NODES] * xl
    y_ref[N_NODES:N_PAD, :] = zpad
    dw_ref[...] = jnp.broadcast_to(d, (N_PAD, D))


def _tc_mid_body(s_ref, y_ref, d_ref, b_ref, w_ref, out_ref):
    d = d_ref[0:N_NODES]
    s = s_ref[0, 0:N_NODES, :] + s_ref[1, 0:N_NODES, :] + y_ref[0:N_NODES, :]
    h = jnp.maximum(d * s + b_ref[...], 0.0)
    xl = jnp.dot(h, w_ref[...], preferred_element_type=_f32)
    out_ref[0:N_NODES, :] = d * xl
    out_ref[N_NODES:N_PAD, :] = jnp.zeros((N_PAD - N_NODES, D), _f32)


def _tc_final_body(s_ref, y_ref, d_ref, b_ref, c_ref, wo_ref, bo_ref,
                   out_ref):
    d = d_ref[0:N_NODES]
    s = s_ref[0, 0:N_NODES, :] + s_ref[1, 0:N_NODES, :] + y_ref[0:N_NODES, :]
    h2 = jnp.maximum(d * s + b_ref[...], 0.0)
    w = d * (c_ref[0:N_NODES] + d)
    z = jnp.sum(h2 * w, axis=0, keepdims=True)
    out_ref[...] = (jnp.dot(z, wo_ref[...], preferred_element_type=_f32)
                    * (1.0 / N_NODES) + bo_ref[...])


def kernel(x, edge_index, W1, b1, Wh, bh, Wo, bo):
    ei = edge_index.astype(jnp.int32)
    pad = N_NODES + jnp.arange(E_PAD - N_EDGES, dtype=jnp.int32) % (
        N_PAD - N_NODES)
    row2 = jnp.concatenate([ei[0], pad]).reshape(N_CHUNKS, CHUNK)
    col2 = jnp.concatenate([ei[1], pad]).reshape(N_CHUNKS, CHUNK)
    idx_fwd = jnp.stack([row2, col2], axis=1).reshape(2 * N_CHUNKS, CHUNK)
    idx_rev = jnp.stack([col2, row2], axis=1).reshape(2 * N_CHUNKS, CHUNK)

    ones_t = jnp.ones((CHUNK, D), _f32)
    zeros_t = jnp.zeros((CHUNK, D), _f32)

    degw = _deg_kernel(col2, ones_t, zeros_t)
    deg = degw[0, :, 0:1] + degw[1, :, 0:1]

    d_arr, y1, dwide = pl.pallas_call(
        _tc_prep_body,
        out_shape=(jax.ShapeDtypeStruct((N_PAD, 1), _f32),
                   jax.ShapeDtypeStruct((N_PAD, D), _f32),
                   jax.ShapeDtypeStruct((N_PAD, D), _f32)),
    )(deg, x, W1)

    s1 = _spmm_kernel(y1, idx_fwd, zeros_t)
    cw = _spmm_kernel(dwide, idx_rev, zeros_t)
    c_arr = cw[0, :, 0:1] + cw[1, :, 0:1]

    y2 = pl.pallas_call(
        _tc_mid_body,
        out_shape=jax.ShapeDtypeStruct((N_PAD, D), _f32),
    )(s1, y1, d_arr, b1.reshape(1, D), Wh)

    s2 = _spmm_kernel(y2, idx_fwd, zeros_t)

    out = pl.pallas_call(
        _tc_final_body,
        out_shape=jax.ShapeDtypeStruct((1, D), _f32),
    )(s2, y2, d_arr, bh.reshape(1, D), c_arr, Wo, bo.reshape(1, D))
    return out

# --- scband reference (transcript-rebuilt; emitter-appended) ---
"""Pipeline reference for scband-simple-gnn-60713657696826 (READ-ONLY COPY).

The authoritative reference and input builder live on the scoring server;
editing this copy changes nothing except your own understanding.
"""

import jax, jax.numpy as jnp
import numpy as np

N_NODES = 10000
N_EDGES = 320000
D_IN = 128
D_HID = 128
D_OUT = 128


def gcn_conv(x, edge_index, W, b):
    # PyG-style GCNConv: x @ W, add self-loops, symmetric normalization, scatter-add, + bias
    num_nodes = x.shape[0]
    x_lin = x @ W
    row = edge_index[0]
    col = edge_index[1]
    loop = jnp.arange(num_nodes, dtype=row.dtype)
    row = jnp.concatenate([row, loop])
    col = jnp.concatenate([col, loop])
    deg = jnp.zeros((num_nodes,), dtype=x.dtype).at[col].add(1.0)
    deg_inv_sqrt = jnp.where(deg > 0, deg ** -0.5, 0.0)
    norm = deg_inv_sqrt[row] * deg_inv_sqrt[col]
    msg = x_lin[row] * norm[:, None]
    out = jnp.zeros((num_nodes, W.shape[1]), dtype=x.dtype).at[col].add(msg)
    return out + b


def setup_inputs(seed: int = 0) -> dict:
    key = jax.random.key(seed)
    k_x, k_e, k1, k2, k3 = jax.random.split(key, 5)
    x = jax.random.normal(k_x, (N_NODES, D_IN), dtype=jnp.float32)
    edge_index = jax.random.randint(k_e, (2, N_EDGES), 0, N_NODES, dtype=jnp.int64)
    s1 = 1.0 / np.sqrt(D_IN)
    s2 = 1.0 / np.sqrt(D_HID)
    W1 = jax.random.uniform(k1, (D_IN, D_HID), jnp.float32, -s1, s1)
    b1 = jnp.zeros((D_HID,), jnp.float32)
    Wh = jax.random.uniform(k2, (D_HID, D_HID), jnp.float32, -s2, s2)
    bh = jnp.zeros((D_HID,), jnp.float32)
    Wo = jax.random.uniform(k3, (D_HID, D_OUT), jnp.float32, -s2, s2)
    bo = jnp.zeros((D_OUT,), jnp.float32)
    return {"x": x, "edge_index": edge_index, "W1": W1, "b1": b1, "Wh": Wh, "bh": bh, "Wo": Wo, "bo": bo}


def reference(x, edge_index, W1, b1, Wh, bh, Wo, bo):
    # SimpleGNN.forward with num_layers=2 (1 hidden conv), dropout inactive (eval), batch=None
    h = jax.nn.relu(gcn_conv(x, edge_index, W1, b1))
    h = jax.nn.relu(gcn_conv(h, edge_index, Wh, bh))
    out = gcn_conv(h, edge_index, Wo, bo)
    return out.mean(axis=0, keepdims=True)

if __name__ == "__main__":
    import jax
    _d = setup_inputs()
    print(jax.jit(kernel)(*tuple(_d.values())))

</pallas_src>

<mosaic_0001>
#map = affine_map<(d0, d1) -> (0, 0)>
#map1 = affine_map<(d0, d1) -> (0, 0, 0)>
module attributes {stable_mosaic.version = 14 : i64} {
  func.func @_spmm_kernel(%arg0: i32, %arg1: i32, %arg2: memref<10240x128xf32, #tpu.memory_space<hbm>>, %arg3: memref<5120x128xi32, #tpu.memory_space<hbm>>, %arg4: memref<128x128xf32, #tpu.memory_space<hbm>>, %arg5: memref<2x10240x128xf32, #tpu.memory_space<hbm>>, %arg6: memref<32x128xi32, #tpu.memory_space<vmem>>, %arg7: memref<128x128xf32, #tpu.memory_space<vmem>>, %arg8: memref<128x128xf32, #tpu.memory_space<vmem>>, %arg9: memref<10240x128xf32, #tpu.memory_space<vmem_shared>>, %arg10: memref<!tpu.dma_semaphore, #tpu.memory_space<semaphore_mem>>, %arg11: memref<!tpu.dma_semaphore, #tpu.memory_space<semaphore_mem>>, %arg12: memref<!tpu.dma_semaphore, #tpu.memory_space<semaphore_mem>>) attributes {dimension_semantics = [#tpu.dimension_semantics<core_parallel>, #tpu.dimension_semantics<subcore_parallel>], iteration_bounds = array<i64: 2, 16>, scalar_prefetch = 0 : i64, scratch_operands = 7 : i64, tpu.core_type = #tpu.core_type<sc_vector_subcore>, window_params = [{transform_indices = #map}, {transform_indices = #map}, {transform_indices = #map}, {transform_indices = #map1}]} {
    %mul3A = arith.constant 640 : i32
    %mul3A_0 = arith.muli %arg1, %mul3A : i32
    %mul3A_1 = arith.constant 2 : i32
    %mul3A_2 = arith.muli %arg1, %mul3A_1 : i32
    %add3A = arith.addi %mul3A_2, %arg0 : i32
    %mul3A_3 = arith.constant 2 : i32
    %mul3A_4 = arith.muli %mul3A_3, %add3A : i32
    %mul3A_5 = arith.constant 80 : i32
    %mul3A_6 = arith.muli %mul3A_4, %mul3A_5 : i32
    "tpu.region"() ({
      %run_scoped3A = tpu.sem_alloc : memref<!tpu.dma_semaphore, #tpu.memory_space<semaphore_mem>>
      tpu.enqueue_dma source(%arg4 : memref<128x128xf32, #tpu.memory_space<hbm>>) target(%arg7 : memref<128x128xf32, #tpu.memory_space<vmem>>) target_semaphore(%run_scoped3A : memref<!tpu.dma_semaphore, #tpu.memory_space<semaphore_mem>>)
      tpu.wait_dma2 semaphore(%run_scoped3A : memref<!tpu.dma_semaphore, #tpu.memory_space<semaphore_mem>>) src(%arg4 : memref<128x128xf32, #tpu.memory_space<hbm>>) dst(%arg7 : memref<128x128xf32, #tpu.memory_space<vmem>>)
      tpu.yield
    }) : () -> ()
    %add3A_7 = arith.constant 0 : i32
    %add3A_8 = arith.addi %mul3A_0, %add3A_7 : i32
    "tpu.region"() ({
      %run_scoped3A = tpu.sem_alloc : memref<!tpu.dma_semaphore, #tpu.memory_space<semaphore_mem>>
      %dma_start3A_61 = arith.constant 0 : i32
      %dma_start3A_62 = tpu.memref_slice %arg9[%add3A_8, %dma_start3A_61] : memref<10240x128xf32, #tpu.memory_space<vmem_shared>> -> memref<128x128xf32, #tpu.memory_space<vmem_shared>>
      %dma_start3A_63 = arith.constant 0 : i32
      %dma_start3A_64 = tpu.memref_slice %arg9[%add3A_8, %dma_start3A_63] : memref<10240x128xf32, #tpu.memory_space<vmem_shared>> -> memref<128x128xf32, #tpu.memory_space<vmem_shared>>
      tpu.enqueue_dma source(%arg7 : memref<128x128xf32, #tpu.memory_space<vmem>>) target(%dma_start3A_64 : memref<128x128xf32, #tpu.memory_space<vmem_shared>>) target_semaphore(%run_scoped3A : memref<!tpu.dma_semaphore, #tpu.memory_space<semaphore_mem>>)
      %dma_wait3A = arith.constant 0 : i32
      %dma_wait3A_65 = tpu.memref_slice %arg9[%add3A_8, %dma_wait3A] : memref<10240x128xf32, #tpu.memory_space<vmem_shared>> -> memref<128x128xf32, #tpu.memory_space<vmem_shared>>
      %dma_wait3A_66 = arith.constant 0 : i32
      %dma_wait3A_67 = tpu.memref_slice %arg9[%add3A_8, %dma_wait3A_66] : memref<10240x128xf32, #tpu.memory_space<vmem_shared>> -> memref<128x128xf32, #tpu.memory_space<vmem_shared>>
      tpu.wait_dma2 semaphore(%run_scoped3A : memref<!tpu.dma_semaphore, #tpu.memory_space<semaphore_mem>>) src(%arg7 : memref<128x128xf32, #tpu.memory_space<vmem>>) dst(%dma_wait3A_67 : memref<128x128xf32, #tpu.memory_space<vmem_shared>>)
      tpu.yield
    }) : () -> ()
    %add3A_9 = arith.constant 128 : i32
    %add3A_10 = arith.addi %mul3A_0, %add3A_9 : i32
    "tpu.region"() ({
      %run_scoped3A = tpu.sem_alloc : memref<!tpu.dma_semaphore, #tpu.memory_space<semaphore_mem>>
      %dma_start3A_61 = arith.constant 0 : i32
      %dma_start3A_62 = tpu.memref_slice %arg9[%add3A_10, %dma_start3A_61] : memref<10240x128xf32, #tpu.memory_space<vmem_shared>> -> memref<128x128xf32, #tpu.memory_space<vmem_shared>>
      %dma_start3A_63 = arith.constant 0 : i32
      %dma_start3A_64 = tpu.memref_slice %arg9[%add3A_10, %dma_start3A_63] : memref<10240x128xf32, #tpu.memory_space<vmem_shared>> -> memref<128x128xf32, #tpu.memory_space<vmem_shared>>
      tpu.enqueue_dma source(%arg7 : memref<128x128xf32, #tpu.memory_space<vmem>>) target(%dma_start3A_64 : memref<128x128xf32, #tpu.memory_space<vmem_shared>>) target_semaphore(%run_scoped3A : memref<!tpu.dma_semaphore, #tpu.memory_space<semaphore_mem>>)
      %dma_wait3A = arith.constant 0 : i32
      %dma_wait3A_65 = tpu.memref_slice %arg9[%add3A_10, %dma_wait3A] : memref<10240x128xf32, #tpu.memory_space<vmem_shared>> -> memref<128x128xf32, #tpu.memory_space<vmem_shared>>
      %dma_wait3A_66 = arith.constant 0 : i32
      %dma_wait3A_67 = tpu.memref_slice %arg9[%add3A_10, %dma_wait3A_66] : memref<10240x128xf32, #tpu.memory_space<vmem_shared>> -> memref<128x128xf32, #tpu.memory_space<vmem_shared>>
      tpu.wait_dma2 semaphore(%run_scoped3A : memref<!tpu.dma_semaphore, #tpu.memory_space<semaphore_mem>>) src(%arg7 : memref<128x128xf32, #tpu.memory_space<vmem>>) dst(%dma_wait3A_67 : memref<128x128xf32, #tpu.memory_space<vmem_shared>>)
      tpu.yield
    }) : () -> ()
    %add3A_11 = arith.constant 256 : i32
    %add3A_12 = arith.addi %mul3A_0, %add3A_11 : i32
    "tpu.region"() ({
      %run_scoped3A = tpu.sem_alloc : memref<!tpu.dma_semaphore, #tpu.memory_space<semaphore_mem>>
      %dma_start3A_61 = arith.constant 0 : i32
      %dma_start3A_62 = tpu.memref_slice %arg9[%add3A_12, %dma_start3A_61] : memref<10240x128xf32, #tpu.memory_space<vmem_shared>> -> memref<128x128xf32, #tpu.memory_space<vmem_shared>>
      %dma_start3A_63 = arith.constant 0 : i32
      %dma_start3A_64 = tpu.memref_slice %arg9[%add3A_12, %dma_start3A_63] : memref<10240x128xf32, #tpu.memory_space<vmem_shared>> -> memref<128x128xf32, #tpu.memory_space<vmem_shared>>
      tpu.enqueue_dma source(%arg7 : memref<128x128xf32, #tpu.memory_space<vmem>>) target(%dma_start3A_64 : memref<128x128xf32, #tpu.memory_space<vmem_shared>>) target_semaphore(%run_scoped3A : memref<!tpu.dma_semaphore, #tpu.memory_space<semaphore_mem>>)
      %dma_wait3A = arith.constant 0 : i32
      %dma_wait3A_65 = tpu.memref_slice %arg9[%add3A_12, %dma_wait3A] : memref<10240x128xf32, #tpu.memory_space<vmem_shared>> -> memref<128x128xf32, #tpu.memory_space<vmem_shared>>
      %dma_wait3A_66 = arith.constant 0 : i32
      %dma_wait3A_67 = tpu.memref_slice %arg9[%add3A_12, %dma_wait3A_66] : memref<10240x128xf32, #tpu.memory_space<vmem_shared>> -> memref<128x128xf32, #tpu.memory_space<vmem_shared>>
      tpu.wait_dma2 semaphore(%run_scoped3A : memref<!tpu.dma_semaphore, #tpu.memory_space<semaphore_mem>>) src(%arg7 : memref<128x128xf32, #tpu.memory_space<vmem>>) dst(%dma_wait3A_67 : memref<128x128xf32, #tpu.memory_space<vmem_shared>>)
      tpu.yield
    }) : () -> ()
    %add3A_13 = arith.constant 384 : i32
    %add3A_14 = arith.addi %mul3A_0, %add3A_13 : i32
    "tpu.region"() ({
      %run_scoped3A = tpu.sem_alloc : memref<!tpu.dma_semaphore, #tpu.memory_space<semaphore_mem>>
      %dma_start3A_61 = arith.constant 0 : i32
      %dma_start3A_62 = tpu.memref_slice %arg9[%add3A_14, %dma_start3A_61] : memref<10240x128xf32, #tpu.memory_space<vmem_shared>> -> memref<128x128xf32, #tpu.memory_space<vmem_shared>>
      %dma_start3A_63 = arith.constant 0 : i32
      %dma_start3A_64 = tpu.memref_slice %arg9[%add3A_14, %dma_start3A_63] : memref<10240x128xf32, #tpu.memory_space<vmem_shared>> -> memref<128x128xf32, #tpu.memory_space<vmem_shared>>
      tpu.enqueue_dma source(%arg7 : memref<128x128xf32, #tpu.memory_space<vmem>>) target(%dma_start3A_64 : memref<128x128xf32, #tpu.memory_space<vmem_shared>>) target_semaphore(%run_scoped3A : memref<!tpu.dma_semaphore, #tpu.memory_space<semaphore_mem>>)
      %dma_wait3A = arith.constant 0 : i32
      %dma_wait3A_65 = tpu.memref_slice %arg9[%add3A_14, %dma_wait3A] : memref<10240x128xf32, #tpu.memory_space<vmem_shared>> -> memref<128x128xf32, #tpu.memory_space<vmem_shared>>
      %dma_wait3A_66 = arith.constant 0 : i32
      %dma_wait3A_67 = tpu.memref_slice %arg9[%add3A_14, %dma_wait3A_66] : memref<10240x128xf32, #tpu.memory_space<vmem_shared>> -> memref<128x128xf32, #tpu.memory_space<vmem_shared>>
      tpu.wait_dma2 semaphore(%run_scoped3A : memref<!tpu.dma_semaphore, #tpu.memory_space<semaphore_mem>>) src(%arg7 : memref<128x128xf32, #tpu.memory_space<vmem>>) dst(%dma_wait3A_67 : memref<128x128xf32, #tpu.memory_space<vmem_shared>>)
      tpu.yield
    }) : () -> ()
    %add3A_15 = arith.constant 512 : i32
    %add3A_16 = arith.addi %mul3A_0, %add3A_15 : i32
    "tpu.region"() ({
      %run_scoped3A = tpu.sem_alloc : memref<!tpu.dma_semaphore, #tpu.memory_space<semaphore_mem>>
      %dma_start3A_61 = arith.constant 0 : i32
      %dma_start3A_62 = tpu.memref_slice %arg9[%add3A_16, %dma_start3A_61] : memref<10240x128xf32, #tpu.memory_space<vmem_shared>> -> memref<128x128xf32, #tpu.memory_space<vmem_shared>>
      %dma_start3A_63 = arith.constant 0 : i32
      %dma_start3A_64 = tpu.memref_slice %arg9[%add3A_16, %dma_start3A_63] : memref<10240x128xf32, #tpu.memory_space<vmem_shared>> -> memref<128x128xf32, #tpu.memory_space<vmem_shared>>
      tpu.enqueue_dma source(%arg7 : memref<128x128xf32, #tpu.memory_space<vmem>>) target(%dma_start3A_64 : memref<128x128xf32, #tpu.memory_space<vmem_shared>>) target_semaphore(%run_scoped3A : memref<!tpu.dma_semaphore, #tpu.memory_space<semaphore_mem>>)
      %dma_wait3A = arith.constant 0 : i32
      %dma_wait3A_65 = tpu.memref_slice %arg9[%add3A_16, %dma_wait3A] : memref<10240x128xf32, #tpu.memory_space<vmem_shared>> -> memref<128x128xf32, #tpu.memory_space<vmem_shared>>
      %dma_wait3A_66 = arith.constant 0 : i32
      %dma_wait3A_67 = tpu.memref_slice %arg9[%add3A_16, %dma_wait3A_66] : memref<10240x128xf32, #tpu.memory_space<vmem_shared>> -> memref<128x128xf32, #tpu.memory_space<vmem_shared>>
      tpu.wait_dma2 semaphore(%run_scoped3A : memref<!tpu.dma_semaphore, #tpu.memory_space<semaphore_mem>>) src(%arg7 : memref<128x128xf32, #tpu.memory_space<vmem>>) dst(%dma_wait3A_67 : memref<128x128xf32, #tpu.memory_space<vmem_shared>>)
      tpu.yield
    }) : () -> ()
    %barrier3A = arith.constant 0 : index
    tpu.barrier barrier_id(%barrier3A)
    "tpu.region"() ({
      %run_scoped3A = tpu.sem_alloc : memref<!tpu.dma_semaphore, #tpu.memory_space<semaphore_mem>>
      %dma_start3A_61 = arith.constant 0 : i32
      %dma_start3A_62 = arith.constant 0 : i32
      %dma_start3A_63 = tpu.memref_slice %arg6[%dma_start3A_61, %dma_start3A_62] : memref<32x128xi32, #tpu.memory_space<vmem>> -> memref<16x128xi32, #tpu.memory_space<vmem>>
      %dma_start3A_64 = arith.constant 0 : i32
      %dma_start3A_65 = tpu.memref_slice %arg3[%mul3A_6, %dma_start3A_64] : memref<5120x128xi32, #tpu.memory_space<hbm>> -> memref<16x128xi32, #tpu.memory_space<hbm>>
      %dma_start3A_66 = arith.constant 0 : i32
      %dma_start3A_67 = arith.constant 0 : i32
      %dma_start3A_68 = tpu.memref_slice %arg6[%dma_start3A_66, %dma_start3A_67] : memref<32x128xi32, #tpu.memory_space<vmem>> -> memref<16x128xi32, #tpu.memory_space<vmem>>
      %dma_start3A_69 = arith.constant 0 : i32
      %dma_start3A_70 = tpu.memref_slice %arg3[%mul3A_6, %dma_start3A_69] : memref<5120x128xi32, #tpu.memory_space<hbm>> -> memref<16x128xi32, #tpu.memory_space<hbm>>
      tpu.enqueue_dma source(%dma_start3A_70 : memref<16x128xi32, #tpu.memory_space<hbm>>) target(%dma_start3A_68 : memref<16x128xi32, #tpu.memory_space<vmem>>) target_semaphore(%run_scoped3A : memref<!tpu.dma_semaphore, #tpu.memory_space<semaphore_mem>>)
      %dma_wait3A = arith.constant 0 : i32
      %dma_wait3A_71 = arith.constant 0 : i32
      %dma_wait3A_72 = tpu.memref_slice %arg6[%dma_wait3A, %dma_wait3A_71] : memref<32x128xi32, #tpu.memory_space<vmem>> -> memref<16x128xi32, #tpu.memory_space<vmem>>
      %dma_wait3A_73 = arith.constant 0 : i32
      %dma_wait3A_74 = tpu.memref_slice %arg3[%mul3A_6, %dma_wait3A_73] : memref<5120x128xi32, #tpu.memory_space<hbm>> -> memref<16x128xi32, #tpu.memory_space<hbm>>
      %dma_wait3A_75 = arith.constant 0 : i32
      %dma_wait3A_76 = arith.constant 0 : i32
      %dma_wait3A_77 = tpu.memref_slice %arg6[%dma_wait3A_75, %dma_wait3A_76] : memref<32x128xi32, #tpu.memory_space<vmem>> -> memref<16x128xi32, #tpu.memory_space<vmem>>
      %dma_wait3A_78 = arith.constant 0 : i32
      %dma_wait3A_79 = tpu.memref_slice %arg3[%mul3A_6, %dma_wait3A_78] : memref<5120x128xi32, #tpu.memory_space<hbm>> -> memref<16x128xi32, #tpu.memory_space<hbm>>
      tpu.wait_dma2 semaphore(%run_scoped3A : memref<!tpu.dma_semaphore, #tpu.memory_space<semaphore_mem>>) src(%dma_wait3A_79 : memref<16x128xi32, #tpu.memory_space<hbm>>) dst(%dma_wait3A_77 : memref<16x128xi32, #tpu.memory_space<vmem>>)
      tpu.yield
    }) : () -> ()
    %add3A_17 = arith.constant 16 : i32
    %add3A_18 = arith.addi %mul3A_6, %add3A_17 : i32
    %dma_start3A = arith.constant 16 : i32
    %dma_start3A_19 = arith.constant 0 : i32
    %dma_start3A_20 = tpu.memref_slice %arg6[%dma_start3A, %dma_start3A_19] : memref<32x128xi32, #tpu.memory_space<vmem>> -> memref<16x128xi32, #tpu.memory_space<vmem>>
    %dma_start3A_21 = arith.constant 0 : i32
    %dma_start3A_22 = tpu.memref_slice %arg3[%add3A_18, %dma_start3A_21] : memref<5120x128xi32, #tpu.memory_space<hbm>> -> memref<16x128xi32, #tpu.memory_space<hbm>>
    %dma_start3A_23 = arith.constant 16 : i32
    %dma_start3A_24 = arith.constant 0 : i32
    %dma_start3A_25 = tpu.memref_slice %arg6[%dma_start3A_23, %dma_start3A_24] : memref<32x128xi32, #tpu.memory_space<vmem>> -> memref<16x128xi32, #tpu.memory_space<vmem>>
    %dma_start3A_26 = arith.constant 0 : i32
    %dma_start3A_27 = tpu.memref_slice %arg3[%add3A_18, %dma_start3A_26] : memref<5120x128xi32, #tpu.memory_space<hbm>> -> memref<16x128xi32, #tpu.memory_space<hbm>>
    tpu.enqueue_dma source(%dma_start3A_27 : memref<16x128xi32, #tpu.memory_space<hbm>>) target(%dma_start3A_25 : memref<16x128xi32, #tpu.memory_space<vmem>>) target_semaphore(%arg12 : memref<!tpu.dma_semaphore, #tpu.memory_space<semaphore_mem>>)
    %dma_start3A_28 = arith.constant 0 : i32
    %dma_start3A_29 = arith.constant 0 : i32
    %dma_start3A_30 = tpu.memref_slice %arg6[%dma_start3A_28, %dma_start3A_29] : memref<32x128xi32, #tpu.memory_space<vmem>> -> memref<1x128xi32, #tpu.memory_space<vmem>>
    %dma_start3A_31 = tpu.memref_squeeze %dma_start3A_30 : memref<1x128xi32, #tpu.memory_space<vmem>> -> memref<128xi32, #tpu.memory_space<vmem>>
    %dma_start3A_32 = arith.constant 0 : i32
    %dma_start3A_33 = arith.constant 0 : i32
    %dma_start3A_34 = tpu.memref_slice %arg2[%dma_start3A_32, %dma_start3A_33] : memref<10240x128xf32, #tpu.memory_space<hbm>> -> memref<10240x128xf32, #tpu.memory_space<hbm>>
    tpu.enqueue_indirect_dma source(%dma_start3A_34 : memref<10240x128xf32, #tpu.memory_space<hbm>>) target(%arg7 : memref<128x128xf32, #tpu.memory_space<vmem>>) offsets(%dma_start3A_31 : memref<128xi32, #tpu.memory_space<vmem>>) semaphore(%arg10 : memref<!tpu.dma_semaphore, #tpu.memory_space<semaphore_mem>>)
    %scan3A = arith.constant 0 : i32
    %scan3A_35 = arith.constant 0 : i32
    %scan3A_36 = arith.constant 10 : i32
    %scan3A_37 = arith.addi %scan3A_35, %scan3A_36 : i32
    %scan3A_38 = arith.constant 1 : i32
    scf.for %scan3A_61 = %scan3A_35 to %scan3A_37 step %scan3A_38  : i32 {
      %jit3A = arith.constant 2 : i32
      %eq3A = arith.constant 0 : i32
      %eq3A_62 = arith.cmpi eq, %jit3A, %eq3A : i32
      %jit3A_63 = arith.constant 1 : i32
      %select_n3A = arith.select %eq3A_62, %jit3A_63, %jit3A : i32
      %rem3A = arith.remsi %scan3A_61, %select_n3A : i32
      %ne3A = arith.constant 0 : i32
      %ne3A_64 = arith.cmpi ne, %rem3A, %ne3A : i32
      %lt3A = arith.constant 0 : i32
      %lt3A_65 = arith.cmpi slt, %rem3A, %lt3A : i32
      %lt3A_66 = arith.constant 0 : i32
      %lt3A_67 = arith.cmpi slt, %select_n3A, %lt3A_66 : i32
      %ne3A_68 = arith.xori %lt3A_65, %lt3A_67 : i1
      %and3A = arith.andi %ne3A_68, %ne3A_64 : i1
      %add3A_69 = arith.addi %rem3A, %select_n3A : i32
      %select_n3A_70 = arith.select %and3A, %add3A_69, %rem3A : i32
      %mul3A_71 = arith.constant 16 : i32
      %mul3A_72 = arith.muli %select_n3A_70, %mul3A_71 : i32
      %add3A_73 = arith.constant 1 : i32
      %add3A_74 = arith.addi %scan3A_61, %add3A_73 : i32
      %jit3A_75 = arith.constant 2 : i32
      %eq3A_76 = arith.constant 0 : i32
      %eq3A_77 = arith.cmpi eq, %jit3A_75, %eq3A_76 : i32
      %jit3A_78 = arith.constant 1 : i32
      %select_n3A_79 = arith.select %eq3A_77, %jit3A_78, %jit3A_75 : i32
      %rem3A_80 = arith.remsi %add3A_74, %select_n3A_79 : i32
      %ne3A_81 = arith.constant 0 : i32
      %ne3A_82 = arith.cmpi ne, %rem3A_80, %ne3A_81 : i32
      %lt3A_83 = arith.constant 0 : i32
      %lt3A_84 = arith.cmpi slt, %rem3A_80, %lt3A_83 : i32
      %lt3A_85 = arith.constant 0 : i32
      %lt3A_86 = arith.cmpi slt, %select_n3A_79, %lt3A_85 : i32
      %ne3A_87 = arith.xori %lt3A_84, %lt3A_86 : i1
      %and3A_88 = arith.andi %ne3A_87, %ne3A_82 : i1
      %add3A_89 = arith.addi %rem3A_80, %select_n3A_79 : i32
      %select_n3A_90 = arith.select %and3A_88, %add3A_89, %rem3A_80 : i32
      %mul3A_91 = arith.constant 16 : i32
      %mul3A_92 = arith.muli %select_n3A_90, %mul3A_91 : i32
      %add3A_93 = arith.constant 0 : i32
      %add3A_94 = arith.addi %mul3A_72, %add3A_93 : i32
      %add3A_95 = arith.constant 2 : i32
      %add3A_96 = arith.addi %add3A_94, %add3A_95 : i32
      %dma_start3A_97 = arith.constant 0 : i32
      %dma_start3A_98 = tpu.memref_slice %arg6[%add3A_96, %dma_start3A_97] : memref<32x128xi32, #tpu.memory_space<vmem>> -> memref<1x128xi32, #tpu.memory_space<vmem>>
      %dma_start3A_99 = tpu.memref_squeeze %dma_start3A_98 : memref<1x128xi32, #tpu.memory_space<vmem>> -> memref<128xi32, #tpu.memory_space<vmem>>
      %dma_start3A_100 = arith.constant 0 : i32
      %dma_start3A_101 = arith.constant 0 : i32
      %dma_start3A_102 = tpu.memref_slice %arg2[%dma_start3A_100, %dma_start3A_101] : memref<10240x128xf32, #tpu.memory_space<hbm>> -> memref<10240x128xf32, #tpu.memory_space<hbm>>
      tpu.enqueue_indirect_dma source(%dma_start3A_102 : memref<10240x128xf32, #tpu.memory_space<hbm>>) target(%arg8 : memref<128x128xf32, #tpu.memory_space<vmem>>) offsets(%dma_start3A_99 : memref<128xi32, #tpu.memory_space<vmem>>) semaphore(%arg11 : memref<!tpu.dma_semaphore, #tpu.memory_space<semaphore_mem>>)
      %add3A_103 = arith.constant 0 : i32
      %add3A_104 = arith.addi %mul3A_72, %add3A_103 : i32
      %dma_wait3A = arith.constant 0 : i32
      %dma_wait3A_105 = tpu.memref_slice %arg6[%add3A_104, %dma_wait3A] : memref<32x128xi32, #tpu.memory_space<vmem>> -> memref<1x128xi32, #tpu.memory_space<vmem>>
      %dma_wait3A_106 = tpu.memref_squeeze %dma_wait3A_105 : memref<1x128xi32, #tpu.memory_space<vmem>> -> memref<128xi32, #tpu.memory_space<vmem>>
      %dma_wait3A_107 = arith.constant 0 : i32
      %dma_wait3A_108 = arith.constant 0 : i32
      %dma_wait3A_109 = tpu.memref_slice %arg2[%dma_wait3A_107, %dma_wait3A_108] : memref<10240x128xf32, #tpu.memory_space<hbm>> -> memref<10240x128xf32, #tpu.memory_space<hbm>>
      tpu.wait_indirect_dma semaphore(%arg10 : memref<!tpu.dma_semaphore, #tpu.memory_space<semaphore_mem>>) src(%dma_wait3A_109 : memref<10240x128xf32, #tpu.memory_space<hbm>>) dst(%arg7 : memref<128x128xf32, #tpu.memory_space<vmem>>)
      %add3A_110 = arith.constant 0 : i32
      %add3A_111 = arith.addi %mul3A_72, %add3A_110 : i32
      %add3A_112 = arith.constant 1 : i32
      %add3A_113 = arith.addi %add3A_111, %add3A_112 : i32
      "tpu.region"() ({
        %run_scoped3A = tpu.sem_alloc : memref<!tpu.dma_semaphore, #tpu.memory_space<semaphore_mem>>
        %dma_start3A_266 = arith.constant 0 : i32
        %dma_start3A_267 = tpu.memref_slice %arg6[%add3A_113, %dma_start3A_266] : memref<32x128xi32, #tpu.memory_space<vmem>> -> memref<1x128xi32, #tpu.memory_space<vmem>>
        %dma_start3A_268 = tpu.memref_squeeze %dma_start3A_267 : memref<1x128xi32, #tpu.memory_space<vmem>> -> memref<128xi32, #tpu.memory_space<vmem>>
        %dma_start3A_269 = arith.constant 0 : i32
        %dma_start3A_270 = arith.constant 0 : i32
        %dma_start3A_271 = tpu.memref_slice %arg9[%dma_start3A_269, %dma_start3A_270] : memref<10240x128xf32, #tpu.memory_space<vmem_shared>> -> memref<10240x128xf32, #tpu.memory_space<vmem_shared>>
        tpu.enqueue_indirect_dma source(%arg7 : memref<128x128xf32, #tpu.memory_space<vmem>>) target(%dma_start3A_271 : memref<10240x128xf32, #tpu.memory_space<vmem_shared>>) offsets(%dma_start3A_268 : memref<128xi32, #tpu.memory_space<vmem>>) semaphore(%run_scoped3A : memref<!tpu.dma_semaphore, #tpu.memory_space<semaphore_mem>>) {add = true}
        %dma_wait3A_272 = arith.constant 0 : i32
        %dma_wait3A_273 = tpu.memref_slice %arg6[%add3A_113, %dma_wait3A_272] : memref<32x128xi32, #tpu.memory_space<vmem>> -> memref<1x128xi32, #tpu.memory_space<vmem>>
        %dma_wait3A_274 = tpu.memref_squeeze %dma_wait3A_273 : memref<1x128xi32, #tpu.memory_space<vmem>> -> memref<128xi32, #tpu.memory_space<vmem>>
        %dma_wait3A_275 = arith.constant 0 : i32
        %dma_wait3A_276 = arith.constant 0 : i32
        %dma_wait3A_277 = tpu.memref_slice %arg9[%dma_wait3A_275, %dma_wait3A_276] : memref<10240x128xf32, #tpu.memory_space<vmem_shared>> -> memref<10240x128xf32, #tpu.memory_space<vmem_shared>>
        tpu.wait_indirect_dma semaphore(%run_scoped3A : memref<!tpu.dma_semaphore, #tpu.memory_space<semaphore_mem>>) src(%arg7 : memref<128x128xf32, #tpu.memory_space<vmem>>) dst(%dma_wait3A_277 : memref<10240x128xf32, #tpu.memory_space<vmem_shared>>)
        tpu.yield
      }) : () -> ()
      %add3A_114 = arith.constant 2 : i32
      %add3A_115 = arith.addi %mul3A_72, %add3A_114 : i32
      %add3A_116 = arith.constant 2 : i32
      %add3A_117 = arith.addi %add3A_115, %add3A_116 : i32
      %dma_start3A_118 = arith.constant 0 : i32
      %dma_start3A_119 = tpu.memref_slice %arg6[%add3A_117, %dma_start3A_118] : memref<32x128xi32, #tpu.memory_space<vmem>> -> memref<1x128xi32, #tpu.memory_space<vmem>>
      %dma_start3A_120 = tpu.memref_squeeze %dma_start3A_119 : memref<1x128xi32, #tpu.memory_space<vmem>> -> memref<128xi32, #tpu.memory_space<vmem>>
      %dma_start3A_121 = arith.constant 0 : i32
      %dma_start3A_122 = arith.constant 0 : i32
      %dma_start3A_123 = tpu.memref_slice %arg2[%dma_start3A_121, %dma_start3A_122] : memref<10240x128xf32, #tpu.memory_space<hbm>> -> memref<10240x128xf32, #tpu.memory_space<hbm>>
      tpu.enqueue_indirect_dma source(%dma_start3A_123 : memref<10240x128xf32, #tpu.memory_space<hbm>>) target(%arg7 : memref<128x128xf32, #tpu.memory_space<vmem>>) offsets(%dma_start3A_120 : memref<128xi32, #tpu.memory_space<vmem>>) semaphore(%arg10 : memref<!tpu.dma_semaphore, #tpu.memory_space<semaphore_mem>>)
      %add3A_124 = arith.constant 2 : i32
      %add3A_125 = arith.addi %mul3A_72, %add3A_124 : i32
      %dma_wait3A_126 = arith.constant 0 : i32
      %dma_wait3A_127 = tpu.memref_slice %arg6[%add3A_125, %dma_wait3A_126] : memref<32x128xi32, #tpu.memory_space<vmem>> -> memref<1x128xi32, #tpu.memory_space<vmem>>
      %dma_wait3A_128 = tpu.memref_squeeze %dma_wait3A_127 : memref<1x128xi32, #tpu.memory_space<vmem>> -> memref<128xi32, #tpu.memory_space<vmem>>
      %dma_wait3A_129 = arith.constant 0 : i32
      %dma_wait3A_130 = arith.constant 0 : i32
      %dma_wait3A_131 = tpu.memref_slice %arg2[%dma_wait3A_129, %dma_wait3A_130] : memref<10240x128xf32, #tpu.memory_space<hbm>> -> memref<10240x128xf32, #tpu.memory_space<hbm>>
      tpu.wait_indirect_dma semaphore(%arg11 : memref<!tpu.dma_semaphore, #tpu.memory_space<semaphore_mem>>) src(%dma_wait3A_131 : memref<10240x128xf32, #tpu.memory_space<hbm>>) dst(%arg8 : memref<128x128xf32, #tpu.memory_space<vmem>>)
      %add3A_132 = arith.constant 2 : i32
      %add3A_133 = arith.addi %mul3A_72, %add3A_132 : i32
      %add3A_134 = arith.constant 1 : i32
      %add3A_135 = arith.addi %add3A_133, %add3A_134 : i32
      "tpu.region"() ({
        %run_scoped3A = tpu.sem_alloc : memref<!tpu.dma_semaphore, #tpu.memory_space<semaphore_mem>>
        %dma_start3A_266 = arith.constant 0 : i32
        %dma_start3A_267 = tpu.memref_slice %arg6[%add3A_135, %dma_start3A_266] : memref<32x128xi32, #tpu.memory_space<vmem>> -> memref<1x128xi32, #tpu.memory_space<vmem>>
        %dma_start3A_268 = tpu.memref_squeeze %dma_start3A_267 : memref<1x128xi32, #tpu.memory_space<vmem>> -> memref<128xi32, #tpu.memory_space<vmem>>
        %dma_start3A_269 = arith.constant 0 : i32
        %dma_start3A_270 = arith.constant 0 : i32
        %dma_start3A_271 = tpu.memref_slice %arg9[%dma_start3A_269, %dma_start3A_270] : memref<10240x128xf32, #tpu.memory_space<vmem_shared>> -> memref<10240x128xf32, #tpu.memory_space<vmem_shared>>
        tpu.enqueue_indirect_dma source(%arg8 : memref<128x128xf32, #tpu.memory_space<vmem>>) target(%dma_start3A_271 : memref<10240x128xf32, #tpu.memory_space<vmem_shared>>) offsets(%dma_start3A_268 : memref<128xi32, #tpu.memory_space<vmem>>) semaphore(%run_scoped3A : memref<!tpu.dma_semaphore, #tpu.memory_space<semaphore_mem>>) {add = true}
        %dma_wait3A_272 = arith.constant 0 : i32
        %dma_wait3A_273 = tpu.memref_slice %arg6[%add3A_135, %dma_wait3A_272] : memref<32x128xi32, #tpu.memory_space<vmem>> -> memref<1x128xi32, #tpu.memory_space<vmem>>
        %dma_wait3A_274 = tpu.memref_squeeze %dma_wait3A_273 : memref<1x128xi32, #tpu.memory_space<vmem>> -> memref<128xi32, #tpu.memory_space<vmem>>
        %dma_wait3A_275 = arith.constant 0 : i32
        %dma_wait3A_276 = arith.constant 0 : i32
        %dma_wait3A_277 = tpu.memref_slice %arg9[%dma_wait3A_275, %dma_wait3A_276] : memref<10240x128xf32, #tpu.memory_space<vmem_shared>> -> memref<10240x128xf32, #tpu.memory_space<vmem_shared>>
        tpu.wait_indirect_dma semaphore(%run_scoped3A : memref<!tpu.dma_semaphore, #tpu.memory_space<semaphore_mem>>) src(%arg8 : memref<128x128xf32, #tpu.memory_space<vmem>>) dst(%dma_wait3A_277 : memref<10240x128xf32, #tpu.memory_space<vmem_shared>>)
        tpu.yield
      }) : () -> ()
      %add3A_136 = arith.constant 4 : i32
      %add3A_137 = arith.addi %mul3A_72, %add3A_136 : i32
      %add3A_138 = arith.constant 2 : i32
      %add3A_139 = arith.addi %add3A_137, %add3A_138 : i32
      %dma_start3A_140 = arith.constant 0 : i32
      %dma_start3A_141 = tpu.memref_slice %arg6[%add3A_139, %dma_start3A_140] : memref<32x128xi32, #tpu.memory_space<vmem>> -> memref<1x128xi32, #tpu.memory_space<vmem>>
      %dma_start3A_142 = tpu.memref_squeeze %dma_start3A_141 : memref<1x128xi32, #tpu.memory_space<vmem>> -> memref<128xi32, #tpu.memory_space<vmem>>
      %dma_start3A_143 = arith.constant 0 : i32
      %dma_start3A_144 = arith.constant 0 : i32
      %dma_start3A_145 = tpu.memref_slice %arg2[%dma_start3A_143, %dma_start3A_144] : memref<10240x128xf32, #tpu.memory_space<hbm>> -> memref<10240x128xf32, #tpu.memory_space<hbm>>
      tpu.enqueue_indirect_dma source(%dma_start3A_145 : memref<10240x128xf32, #tpu.memory_space<hbm>>) target(%arg8 : memref<128x128xf32, #tpu.memory_space<vmem>>) offsets(%dma_start3A_142 : memref<128xi32, #tpu.memory_space<vmem>>) semaphore(%arg11 : memref<!tpu.dma_semaphore, #tpu.memory_space<semaphore_mem>>)
      %add3A_146 = arith.constant 4 : i32
      %add3A_147 = arith.addi %mul3A_72, %add3A_146 : i32
      %dma_wait3A_148 = arith.constant 0 : i32
      %dma_wait3A_149 = tpu.memref_slice %arg6[%add3A_147, %dma_wait3A_148] : memref<32x128xi32, #tpu.memory_space<vmem>> -> memref<1x128xi32, #tpu.memory_space<vmem>>
      %dma_wait3A_150 = tpu.memref_squeeze %dma_wait3A_149 : memref<1x128xi32, #tpu.memory_space<vmem>> -> memref<128xi32, #tpu.memory_space<vmem>>
      %dma_wait3A_151 = arith.constant 0 : i32
      %dma_wait3A_152 = arith.constant 0 : i32
      %dma_wait3A_153 = tpu.memref_slice %arg2[%dma_wait3A_151, %dma_wait3A_152] : memref<10240x128xf32, #tpu.memory_space<hbm>> -> memref<10240x128xf32, #tpu.memory_space<hbm>>
      tpu.wait_indirect_dma semaphore(%arg10 : memref<!tpu.dma_semaphore, #tpu.memory_space<semaphore_mem>>) src(%dma_wait3A_153 : memref<10240x128xf32, #tpu.memory_space<hbm>>) dst(%arg7 : memref<128x128xf32, #tpu.memory_space<vmem>>)
      %add3A_154 = arith.constant 4 : i32
      %add3A_155 = arith.addi %mul3A_72, %add3A_154 : i32
      %add3A_156 = arith.constant 1 : i32
      %add3A_157 = arith.addi %add3A_155, %add3A_156 : i32
      "tpu.region"() ({
        %run_scoped3A = tpu.sem_alloc : memref<!tpu.dma_semaphore, #tpu.memory_space<semaphore_mem>>
        %dma_start3A_266 = arith.constant 0 : i32
        %dma_start3A_267 = tpu.memref_slice %arg6[%add3A_157, %dma_start3A_266] : memref<32x128xi32, #tpu.memory_space<vmem>> -> memref<1x128xi32, #tpu.memory_space<vmem>>
        %dma_start3A_268 = tpu.memref_squeeze %dma_start3A_267 : memref<1x128xi32, #tpu.memory_space<vmem>> -> memref<128xi32, #tpu.memory_space<vmem>>
        %dma_start3A_269 = arith.constant 0 : i32
        %dma_start3A_270 = arith.constant 0 : i32
        %dma_start3A_271 = tpu.memref_slice %arg9[%dma_start3A_269, %dma_start3A_270] : memref<10240x128xf32, #tpu.memory_space<vmem_shared>> -> memref<10240x128xf32, #tpu.memory_space<vmem_shared>>
        tpu.enqueue_indirect_dma source(%arg7 : memref<128x128xf32, #tpu.memory_space<vmem>>) target(%dma_start3A_271 : memref<10240x128xf32, #tpu.memory_space<vmem_shared>>) offsets(%dma_start3A_268 : memref<128xi32, #tpu.memory_space<vmem>>) semaphore(%run_scoped3A : memref<!tpu.dma_semaphore, #tpu.memory_space<semaphore_mem>>) {add = true}
        %dma_wait3A_272 = arith.constant 0 : i32
        %dma_wait3A_273 = tpu.memref_slice %arg6[%add3A_157, %dma_wait3A_272] : memref<32x128xi32, #tpu.memory_space<vmem>> -> memref<1x128xi32, #tpu.memory_space<vmem>>
        %dma_wait3A_274 = tpu.memref_squeeze %dma_wait3A_273 : memref<1x128xi32, #tpu.memory_space<vmem>> -> memref<128xi32, #tpu.memory_space<vmem>>
        %dma_wait3A_275 = arith.constant 0 : i32
        %dma_wait3A_276 = arith.constant 0 : i32
        %dma_wait3A_277 = tpu.memref_slice %arg9[%dma_wait3A_275, %dma_wait3A_276] : memref<10240x128xf32, #tpu.memory_space<vmem_shared>> -> memref<10240x128xf32, #tpu.memory_space<vmem_shared>>
        tpu.wait_indirect_dma semaphore(%run_scoped3A : memref<!tpu.dma_semaphore, #tpu.memory_space<semaphore_mem>>) src(%arg7 : memref<128x128xf32, #tpu.memory_space<vmem>>) dst(%dma_wait3A_277 : memref<10240x128xf32, #tpu.memory_space<vmem_shared>>)
        tpu.yield
      }) : () -> ()
      %add3A_158 = arith.constant 6 : i32
      %add3A_159 = arith.addi %mul3A_72, %add3A_158 : i32
      %add3A_160 = arith.constant 2 : i32
      %add3A_161 = arith.addi %add3A_159, %add3A_160 : i32
      %dma_start3A_162 = arith.constant 0 : i32
      %dma_start3A_163 = tpu.memref_slice %arg6[%add3A_161, %dma_start3A_162] : memref<32x128xi32, #tpu.memory_space<vmem>> -> memref<1x128xi32, #tpu.memory_space<vmem>>
      %dma_start3A_164 = tpu.memref_squeeze %dma_start3A_163 : memref<1x128xi32, #tpu.memory_space<vmem>> -> memref<128xi32, #tpu.memory_space<vmem>>
      %dma_start3A_165 = arith.constant 0 : i32
      %dma_start3A_166 = arith.constant 0 : i32
      %dma_start3A_167 = tpu.memref_slice %arg2[%dma_start3A_165, %dma_start3A_166] : memref<10240x128xf32, #tpu.memory_space<hbm>> -> memref<10240x128xf32, #tpu.memory_space<hbm>>
      tpu.enqueue_indirect_dma source(%dma_start3A_167 : memref<10240x128xf32, #tpu.memory_space<hbm>>) target(%arg7 : memref<128x128xf32, #tpu.memory_space<vmem>>) offsets(%dma_start3A_164 : memref<128xi32, #tpu.memory_space<vmem>>) semaphore(%arg10 : memref<!tpu.dma_semaphore, #tpu.memory_space<semaphore_mem>>)
      %add3A_168 = arith.constant 6 : i32
      %add3A_169 = arith.addi %mul3A_72, %add3A_168 : i32
      %dma_wait3A_170 = arith.constant 0 : i32
      %dma_wait3A_171 = tpu.memref_slice %arg6[%add3A_169, %dma_wait3A_170] : memref<32x128xi32, #tpu.memory_space<vmem>> -> memref<1x128xi32, #tpu.memory_space<vmem>>
      %dma_wait3A_172 = tpu.memref_squeeze %dma_wait3A_171 : memref<1x128xi32, #tpu.memory_space<vmem>> -> memref<128xi32, #tpu.memory_space<vmem>>
      %dma_wait3A_173 = arith.constant 0 : i32
      %dma_wait3A_174 = arith.constant 0 : i32
      %dma_wait3A_175 = tpu.memref_slice %arg2[%dma_wait3A_173, %dma_wait3A_174] : memref<10240x128xf32, #tpu.memory_space<hbm>> -> memref<10240x128xf32, #tpu.memory_space<hbm>>
      tpu.wait_indirect_dma semaphore(%arg11 : memref<!tpu.dma_semaphore, #tpu.memory_space<semaphore_mem>>) src(%dma_wait3A_175 : memref<10240x128xf32, #tpu.memory_space<hbm>>) dst(%arg8 : memref<128x128xf32, #tpu.memory_space<vmem>>)
      %add3A_176 = arith.constant 6 : i32
      %add3A_177 = arith.addi %mul3A_72, %add3A_176 : i32
      %add3A_178 = arith.constant 1 : i32
      %add3A_179 = arith.addi %add3A_177, %add3A_178 : i32
      "tpu.region"() ({
        %run_scoped3A = tpu.sem_alloc : memref<!tpu.dma_semaphore, #tpu.memory_space<semaphore_mem>>
        %dma_start3A_266 = arith.constant 0 : i32
        %dma_start3A_267 = tpu.memref_slice %arg6[%add3A_179, %dma_start3A_266] : memref<32x128xi32, #tpu.memory_space<vmem>> -> memref<1x128xi32, #tpu.memory_space<vmem>>
        %dma_start3A_268 = tpu.memref_squeeze %dma_start3A_267 : memref<1x128xi32, #tpu.memory_space<vmem>> -> memref<128xi32, #tpu.memory_space<vmem>>
        %dma_start3A_269 = arith.constant 0 : i32
        %dma_start3A_270 = arith.constant 0 : i32
        %dma_start3A_271 = tpu.memref_slice %arg9[%dma_start3A_269, %dma_start3A_270] : memref<10240x128xf32, #tpu.memory_space<vmem_shared>> -> memref<10240x128xf32, #tpu.memory_space<vmem_shared>>
        tpu.enqueue_indirect_dma source(%arg8 : memref<128x128xf32, #tpu.memory_space<vmem>>) target(%dma_start3A_271 : memref<10240x128xf32, #tpu.memory_space<vmem_shared>>) offsets(%dma_start3A_268 : memref<128xi32, #tpu.memory_space<vmem>>) semaphore(%run_scoped3A : memref<!tpu.dma_semaphore, #tpu.memory_space<semaphore_mem>>) {add = true}
        %dma_wait3A_272 = arith.constant 0 : i32
        %dma_wait3A_273 = tpu.memref_slice %arg6[%add3A_179, %dma_wait3A_272] : memref<32x128xi32, #tpu.memory_space<vmem>> -> memref<1x128xi32, #tpu.memory_space<vmem>>
        %dma_wait3A_274 = tpu.memref_squeeze %dma_wait3A_273 : memref<1x128xi32, #tpu.memory_space<vmem>> -> memref<128xi32, #tpu.memory_space<vmem>>
        %dma_wait3A_275 = arith.constant 0 : i32
        %dma_wait3A_276 = arith.constant 0 : i32
        %dma_wait3A_277 = tpu.memref_slice %arg9[%dma_wait3A_275, %dma_wait3A_276] : memref<10240x128xf32, #tpu.memory_space<vmem_shared>> -> memref<10240x128xf32, #tpu.memory_space<vmem_shared>>
        tpu.wait_indirect_dma semaphore(%run_scoped3A : memref<!tpu.dma_semaphore, #tpu.memory_space<semaphore_mem>>) src(%arg8 : memref<128x128xf32, #tpu.memory_space<vmem>>) dst(%dma_wait3A_277 : memref<10240x128xf32, #tpu.memory_space<vmem_shared>>)
        tpu.yield
      }) : () -> ()
      %add3A_180 = arith.constant 8 : i32
      %add3A_181 = arith.addi %mul3A_72, %add3A_180 : i32
      %add3A_182 = arith.constant 2 : i32
      %add3A_183 = arith.addi %add3A_181, %add3A_182 : i32
      %dma_start3A_184 = arith.constant 0 : i32
      %dma_start3A_185 = tpu.memref_slice %arg6[%add3A_183, %dma_start3A_184] : memref<32x128xi32, #tpu.memory_space<vmem>> -> memref<1x128xi32, #tpu.memory_space<vmem>>
      %dma_start3A_186 = tpu.memref_squeeze %dma_start3A_185 : memref<1x128xi32, #tpu.memory_space<vmem>> -> memref<128xi32, #tpu.memory_space<vmem>>
      %dma_start3A_187 = arith.constant 0 : i32
      %dma_start3A_188 = arith.constant 0 : i32
      %dma_start3A_189 = tpu.memref_slice %arg2[%dma_start3A_187, %dma_start3A_188] : memref<10240x128xf32, #tpu.memory_space<hbm>> -> memref<10240x128xf32, #tpu.memory_space<hbm>>
      tpu.enqueue_indirect_dma source(%dma_start3A_189 : memref<10240x128xf32, #tpu.memory_space<hbm>>) target(%arg8 : memref<128x128xf32, #tpu.memory_space<vmem>>) offsets(%dma_start3A_186 : memref<128xi32, #tpu.memory_space<vmem>>) semaphore(%arg11 : memref<!tpu.dma_semaphore, #tpu.memory_space<semaphore_mem>>)
      %add3A_190 = arith.constant 8 : i32
      %add3A_191 = arith.addi %mul3A_72, %add3A_190 : i32
      %dma_wait3A_192 = arith.constant 0 : i32
      %dma_wait3A_193 = tpu.memref_slice %arg6[%add3A_191, %dma_wait3A_192] : memref<32x128xi32, #tpu.memory_space<vmem>> -> memref<1x128xi32, #tpu.memory_space<vmem>>
      %dma_wait3A_194 = tpu.memref_squeeze %dma_wait3A_193 : memref<1x128xi32, #tpu.memory_space<vmem>> -> memref<128xi32, #tpu.memory_space<vmem>>
      %dma_wait3A_195 = arith.constant 0 : i32
      %dma_wait3A_196 = arith.constant 0 : i32
      %dma_wait3A_197 = tpu.memref_slice %arg2[%dma_wait3A_195, %dma_wait3A_196] : memref<10240x128xf32, #tpu.memory_space<hbm>> -> memref<10240x128xf32, #tpu.memory_space<hbm>>
      tpu.wait_indirect_dma semaphore(%arg10 : memref<!tpu.dma_semaphore, #tpu.memory_space<semaphore_mem>>) src(%dma_wait3A_197 : memref<10240x128xf32, #tpu.memory_space<hbm>>) dst(%arg7 : memref<128x128xf32, #tpu.memory_space<vmem>>)
      %add3A_198 = arith.constant 8 : i32
      %add3A_199 = arith.addi %mul3A_72, %add3A_198 : i32
      %add3A_200 = arith.constant 1 : i32
      %add3A_201 = arith.addi %add3A_199, %add3A_200 : i32
      "tpu.region"() ({
        %run_scoped3A = tpu.sem_alloc : memref<!tpu.dma_semaphore, #tpu.memory_space<semaphore_mem>>
        %dma_start3A_266 = arith.constant 0 : i32
        %dma_start3A_267 = tpu.memref_slice %arg6[%add3A_201, %dma_start3A_266] : memref<32x128xi32, #tpu.memory_space<vmem>> -> memref<1x128xi32, #tpu.memory_space<vmem>>
        %dma_start3A_268 = tpu.memref_squeeze %dma_start3A_267 : memref<1x128xi32, #tpu.memory_space<vmem>> -> memref<128xi32, #tpu.memory_space<vmem>>
        %dma_start3A_269 = arith.constant 0 : i32
        %dma_start3A_270 = arith.constant 0 : i32
        %dma_start3A_271 = tpu.memref_slice %arg9[%dma_start3A_269, %dma_start3A_270] : memref<10240x128xf32, #tpu.memory_space<vmem_shared>> -> memref<10240x128xf32, #tpu.memory_space<vmem_shared>>
        tpu.enqueue_indirect_dma source(%arg7 : memref<128x128xf32, #tpu.memory_space<vmem>>) target(%dma_start3A_271 : memref<10240x128xf32, #tpu.memory_space<vmem_shared>>) offsets(%dma_start3A_268 : memref<128xi32, #tpu.memory_space<vmem>>) semaphore(%run_scoped3A : memref<!tpu.dma_semaphore, #tpu.memory_space<semaphore_mem>>) {add = true}
        %dma_wait3A_272 = arith.constant 0 : i32
        %dma_wait3A_273 = tpu.memref_slice %arg6[%add3A_201, %dma_wait3A_272] : memref<32x128xi32, #tpu.memory_space<vmem>> -> memref<1x128xi32, #tpu.memory_space<vmem>>
        %dma_wait3A_274 = tpu.memref_squeeze %dma_wait3A_273 : memref<1x128xi32, #tpu.memory_space<vmem>> -> memref<128xi32, #tpu.memory_space<vmem>>
        %dma_wait3A_275 = arith.constant 0 : i32
        %dma_wait3A_276 = arith.constant 0 : i32
        %dma_wait3A_277 = tpu.memref_slice %arg9[%dma_wait3A_275, %dma_wait3A_276] : memref<10240x128xf32, #tpu.memory_space<vmem_shared>> -> memref<10240x128xf32, #tpu.memory_space<vmem_shared>>
        tpu.wait_indirect_dma semaphore(%run_scoped3A : memref<!tpu.dma_semaphore, #tpu.memory_space<semaphore_mem>>) src(%arg7 : memref<128x128xf32, #tpu.memory_space<vmem>>) dst(%dma_wait3A_277 : memref<10240x128xf32, #tpu.memory_space<vmem_shared>>)
        tpu.yield
      }) : () -> ()
      %add3A_202 = arith.constant 10 : i32
      %add3A_203 = arith.addi %mul3A_72, %add3A_202 : i32
      %add3A_204 = arith.constant 2 : i32
      %add3A_205 = arith.addi %add3A_203, %add3A_204 : i32
      %dma_start3A_206 = arith.constant 0 : i32
      %dma_start3A_207 = tpu.memref_slice %arg6[%add3A_205, %dma_start3A_206] : memref<32x128xi32, #tpu.memory_space<vmem>> -> memref<1x128xi32, #tpu.memory_space<vmem>>
      %dma_start3A_208 = tpu.memref_squeeze %dma_start3A_207 : memref<1x128xi32, #tpu.memory_space<vmem>> -> memref<128xi32, #tpu.memory_space<vmem>>
      %dma_start3A_209 = arith.constant 0 : i32
      %dma_start3A_210 = arith.constant 0 : i32
      %dma_start3A_211 = tpu.memref_slice %arg2[%dma_start3A_209, %dma_start3A_210] : memref<10240x128xf32, #tpu.memory_space<hbm>> -> memref<10240x128xf32, #tpu.memory_space<hbm>>
      tpu.enqueue_indirect_dma source(%dma_start3A_211 : memref<10240x128xf32, #tpu.memory_space<hbm>>) target(%arg7 : memref<128x128xf32, #tpu.memory_space<vmem>>) offsets(%dma_start3A_208 : memref<128xi32, #tpu.memory_space<vmem>>) semaphore(%arg10 : memref<!tpu.dma_semaphore, #tpu.memory_space<semaphore_mem>>)
      %add3A_212 = arith.constant 10 : i32
      %add3A_213 = arith.addi %mul3A_72, %add3A_212 : i32
      %dma_wait3A_214 = arith.constant 0 : i32
      %dma_wait3A_215 = tpu.memref_slice %arg6[%add3A_213, %dma_wait3A_214] : memref<32x128xi32, #tpu.memory_space<vmem>> -> memref<1x128xi32, #tpu.memory_space<vmem>>
      %dma_wait3A_216 = tpu.memref_squeeze %dma_wait3A_215 : memref<1x128xi32, #tpu.memory_space<vmem>> -> memref<128xi32, #tpu.memory_space<vmem>>
      %dma_wait3A_217 = arith.constant 0 : i32
      %dma_wait3A_218 = arith.constant 0 : i32
      %dma_wait3A_219 = tpu.memref_slice %arg2[%dma_wait3A_217, %dma_wait3A_218] : memref<10240x128xf32, #tpu.memory_space<hbm>> -> memref<10240x128xf32, #tpu.memory_space<hbm>>
      tpu.wait_indirect_dma semaphore(%arg11 : memref<!tpu.dma_semaphore, #tpu.memory_space<semaphore_mem>>) src(%dma_wait3A_219 : memref<10240x128xf32, #tpu.memory_space<hbm>>) dst(%arg8 : memref<128x128xf32, #tpu.memory_space<vmem>>)
      %add3A_220 = arith.constant 10 : i32
      %add3A_221 = arith.addi %mul3A_72, %add3A_220 : i32
      %add3A_222 = arith.constant 1 : i32
      %add3A_223 = arith.addi %add3A_221, %add3A_222 : i32
      "tpu.region"() ({
        %run_scoped3A = tpu.sem_alloc : memref<!tpu.dma_semaphore, #tpu.memory_space<semaphore_mem>>
        %dma_start3A_266 = arith.constant 0 : i32
        %dma_start3A_267 = tpu.memref_slice %arg6[%add3A_223, %dma_start3A_266] : memref<32x128xi32, #tpu.memory_space<vmem>> -> memref<1x128xi32, #tpu.memory_space<vmem>>
        %dma_start3A_268 = tpu.memref_squeeze %dma_start3A_267 : memref<1x128xi32, #tpu.memory_space<vmem>> -> memref<128xi32, #tpu.memory_space<vmem>>
        %dma_start3A_269 = arith.constant 0 : i32
        %dma_start3A_270 = arith.constant 0 : i32
        %dma_start3A_271 = tpu.memref_slice %arg9[%dma_start3A_269, %dma_start3A_270] : memref<10240x128xf32, #tpu.memory_space<vmem_shared>> -> memref<10240x128xf32, #tpu.memory_space<vmem_shared>>
        tpu.enqueue_indirect_dma source(%arg8 : memref<128x128xf32, #tpu.memory_space<vmem>>) target(%dma_start3A_271 : memref<10240x128xf32, #tpu.memory_space<vmem_shared>>) offsets(%dma_start3A_268 : memref<128xi32, #tpu.memory_space<vmem>>) semaphore(%run_scoped3A : memref<!tpu.dma_semaphore, #tpu.memory_space<semaphore_mem>>) {add = true}
        %dma_wait3A_272 = arith.constant 0 : i32
        %dma_wait3A_273 = tpu.memref_slice %arg6[%add3A_223, %dma_wait3A_272] : memref<32x128xi32, #tpu.memory_space<vmem>> -> memref<1x128xi32, #tpu.memory_space<vmem>>
        %dma_wait3A_274 = tpu.memref_squeeze %dma_wait3A_273 : memref<1x128xi32, #tpu.memory_space<vmem>> -> memref<128xi32, #tpu.memory_space<vmem>>
        %dma_wait3A_275 = arith.constant 0 : i32
        %dma_wait3A_276 = arith.constant 0 : i32
        %dma_wait3A_277 = tpu.memref_slice %arg9[%dma_wait3A_275, %dma_wait3A_276] : memref<10240x128xf32, #tpu.memory_space<vmem_shared>> -> memref<10240x128xf32, #tpu.memory_space<vmem_shared>>
        tpu.wait_indirect_dma semaphore(%run_scoped3A : memref<!tpu.dma_semaphore, #tpu.memory_space<semaphore_mem>>) src(%arg8 : memref<128x128xf32, #tpu.memory_space<vmem>>) dst(%dma_wait3A_277 : memref<10240x128xf32, #tpu.memory_space<vmem_shared>>)
        tpu.yield
      }) : () -> ()
      %add3A_224 = arith.constant 12 : i32
      %add3A_225 = arith.addi %mul3A_72, %add3A_224 : i32
      %add3A_226 = arith.constant 2 : i32
      %add3A_227 = arith.addi %add3A_225, %add3A_226 : i32
      %dma_start3A_228 = arith.constant 0 : i32
      %dma_start3A_229 = tpu.memref_slice %arg6[%add3A_227, %dma_start3A_228] : memref<32x128xi32, #tpu.memory_space<vmem>> -> memref<1x128xi32, #tpu.memory_space<vmem>>
      %dma_start3A_230 = tpu.memref_squeeze %dma_start3A_229 : memref<1x128xi32, #tpu.memory_space<vmem>> -> memref<128xi32, #tpu.memory_space<vmem>>
      %dma_start3A_231 = arith.constant 0 : i32
      %dma_start3A_232 = arith.constant 0 : i32
      %dma_start3A_233 = tpu.memref_slice %arg2[%dma_start3A_231, %dma_start3A_232] : memref<10240x128xf32, #tpu.memory_space<hbm>> -> memref<10240x128xf32, #tpu.memory_space<hbm>>
      tpu.enqueue_indirect_dma source(%dma_start3A_233 : memref<10240x128xf32, #tpu.memory_space<hbm>>) target(%arg8 : memref<128x128xf32, #tpu.memory_space<vmem>>) offsets(%dma_start3A_230 : memref<128xi32, #tpu.memory_space<vmem>>) semaphore(%arg11 : memref<!tpu.dma_semaphore, #tpu.memory_space<semaphore_mem>>)
      %add3A_234 = arith.constant 12 : i32
      %add3A_235 = arith.addi %mul3A_72, %add3A_234 : i32
      %dma_wait3A_236 = arith.constant 0 : i32
      %dma_wait3A_237 = tpu.memref_slice %arg6[%add3A_235, %dma_wait3A_236] : memref<32x128xi32, #tpu.memory_space<vmem>> -> memref<1x128xi32, #tpu.memory_space<vmem>>
      %dma_wait3A_238 = tpu.memref_squeeze %dma_wait3A_237 : memref<1x128xi32, #tpu.memory_space<vmem>> -> memref<128xi32, #tpu.memory_space<vmem>>
      %dma_wait3A_239 = arith.constant 0 : i32
      %dma_wait3A_240 = arith.constant 0 : i32
      %dma_wait3A_241 = tpu.memref_slice %arg2[%dma_wait3A_239, %dma_wait3A_240] : memref<10240x128xf32, #tpu.memory_space<hbm>> -> memref<10240x128xf32, #tpu.memory_space<hbm>>
      tpu.wait_indirect_dma semaphore(%arg10 : memref<!tpu.dma_semaphore, #tpu.memory_space<semaphore_mem>>) src(%dma_wait3A_241 : memref<10240x128xf32, #tpu.memory_space<hbm>>) dst(%arg7 : memref<128x128xf32, #tpu.memory_space<vmem>>)
      %add3A_242 = arith.constant 12 : i32
      %add3A_243 = arith.addi %mul3A_72, %add3A_242 : i32
      %add3A_244 = arith.constant 1 : i32
      %add3A_245 = arith.addi %add3A_243, %add3A_244 : i32
      "tpu.region"() ({
        %run_scoped3A = tpu.sem_alloc : memref<!tpu.dma_semaphore, #tpu.memory_space<semaphore_mem>>
        %dma_start3A_266 = arith.constant 0 : i32
        %dma_start3A_267 = tpu.memref_slice %arg6[%add3A_245, %dma_start3A_266] : memref<32x128xi32, #tpu.memory_space<vmem>> -> memref<1x128xi32, #tpu.memory_space<vmem>>
        %dma_start3A_268 = tpu.memref_squeeze %dma_start3A_267 : memref<1x128xi32, #tpu.memory_space<vmem>> -> memref<128xi32, #tpu.memory_space<vmem>>
        %dma_start3A_269 = arith.constant 0 : i32
        %dma_start3A_270 = arith.constant 0 : i32
        %dma_start3A_271 = tpu.memref_slice %arg9[%dma_start3A_269, %dma_start3A_270] : memref<10240x128xf32, #tpu.memory_space<vmem_shared>> -> memref<10240x128xf32, #tpu.memory_space<vmem_shared>>
        tpu.enqueue_indirect_dma source(%arg7 : memref<128x128xf32, #tpu.memory_space<vmem>>) target(%dma_start3A_271 : memref<10240x128xf32, #tpu.memory_space<vmem_shared>>) offsets(%dma_start3A_268 : memref<128xi32, #tpu.memory_space<vmem>>) semaphore(%run_scoped3A : memref<!tpu.dma_semaphore, #tpu.memory_space<semaphore_mem>>) {add = true}
        %dma_wait3A_272 = arith.constant 0 : i32
        %dma_wait3A_273 = tpu.memref_slice %arg6[%add3A_245, %dma_wait3A_272] : memref<32x128xi32, #tpu.memory_space<vmem>> -> memref<1x128xi32, #tpu.memory_space<vmem>>
        %dma_wait3A_274 = tpu.memref_squeeze %dma_wait3A_273 : memref<1x128xi32, #tpu.memory_space<vmem>> -> memref<128xi32, #tpu.memory_space<vmem>>
        %dma_wait3A_275 = arith.constant 0 : i32
        %dma_wait3A_276 = arith.constant 0 : i32
        %dma_wait3A_277 = tpu.memref_slice %arg9[%dma_wait3A_275, %dma_wait3A_276] : memref<10240x128xf32, #tpu.memory_space<vmem_shared>> -> memref<10240x128xf32, #tpu.memory_space<vmem_shared>>
        tpu.wait_indirect_dma semaphore(%run_scoped3A : memref<!tpu.dma_semaphore, #tpu.memory_space<semaphore_mem>>) src(%arg7 : memref<128x128xf32, #tpu.memory_space<vmem>>) dst(%dma_wait3A_277 : memref<10240x128xf32, #tpu.memory_space<vmem_shared>>)
        tpu.yield
      }) : () -> ()
      %lt3A_246 = arith.constant 9 : i32
      %lt3A_247 = arith.cmpi slt, %scan3A_61, %lt3A_246 : i32
      %convert_element_type3A = arith.extui %lt3A_247 : i1 to i32
      %cond3A = arith.constant 0 : i32
      %cond3A_248 = arith.cmpi ne, %convert_element_type3A, %cond3A : i32
      scf.if %cond3A_248 {
        %add3A_266 = arith.constant 1 : i32
        %add3A_267 = arith.addi %scan3A_61, %add3A_266 : i32
        %mul3A_268 = arith.constant 2 : i32
        %mul3A_269 = arith.muli %add3A_267, %mul3A_268 : i32
        %mul3A_270 = arith.constant 8 : i32
        %mul3A_271 = arith.muli %mul3A_269, %mul3A_270 : i32
        %add3A_272 = arith.addi %mul3A_6, %mul3A_271 : i32
        %dma_wait3A_273 = arith.constant 0 : i32
        %dma_wait3A_274 = tpu.memref_slice %arg6[%mul3A_92, %dma_wait3A_273] : memref<32x128xi32, #tpu.memory_space<vmem>> -> memref<16x128xi32, #tpu.memory_space<vmem>>
        %dma_wait3A_275 = arith.constant 0 : i32
        %dma_wait3A_276 = tpu.memref_slice %arg3[%add3A_272, %dma_wait3A_275] : memref<5120x128xi32, #tpu.memory_space<hbm>> -> memref<16x128xi32, #tpu.memory_space<hbm>>
        %dma_wait3A_277 = arith.constant 0 : i32
        %dma_wait3A_278 = tpu.memref_slice %arg6[%mul3A_92, %dma_wait3A_277] : memref<32x128xi32, #tpu.memory_space<vmem>> -> memref<16x128xi32, #tpu.memory_space<vmem>>
        %dma_wait3A_279 = arith.constant 0 : i32
        %dma_wait3A_280 = tpu.memref_slice %arg3[%add3A_272, %dma_wait3A_279] : memref<5120x128xi32, #tpu.memory_space<hbm>> -> memref<16x128xi32, #tpu.memory_space<hbm>>
        tpu.wait_dma2 semaphore(%arg12 : memref<!tpu.dma_semaphore, #tpu.memory_space<semaphore_mem>>) src(%dma_wait3A_280 : memref<16x128xi32, #tpu.memory_space<hbm>>) dst(%dma_wait3A_278 : memref<16x128xi32, #tpu.memory_space<vmem>>)
        %dma_start3A_281 = arith.constant 0 : i32
        %dma_start3A_282 = tpu.memref_slice %arg6[%mul3A_92, %dma_start3A_281] : memref<32x128xi32, #tpu.memory_space<vmem>> -> memref<1x128xi32, #tpu.memory_space<vmem>>
        %dma_start3A_283 = tpu.memref_squeeze %dma_start3A_282 : memref<1x128xi32, #tpu.memory_space<vmem>> -> memref<128xi32, #tpu.memory_space<vmem>>
        %dma_start3A_284 = arith.constant 0 : i32
        %dma_start3A_285 = arith.constant 0 : i32
        %dma_start3A_286 = tpu.memref_slice %arg2[%dma_start3A_284, %dma_start3A_285] : memref<10240x128xf32, #tpu.memory_space<hbm>> -> memref<10240x128xf32, #tpu.memory_space<hbm>>
        tpu.enqueue_indirect_dma source(%dma_start3A_286 : memref<10240x128xf32, #tpu.memory_space<hbm>>) target(%arg7 : memref<128x128xf32, #tpu.memory_space<vmem>>) offsets(%dma_start3A_283 : memref<128xi32, #tpu.memory_space<vmem>>) semaphore(%arg10 : memref<!tpu.dma_semaphore, #tpu.memory_space<semaphore_mem>>)
      } else {
      }
      %add3A_249 = arith.constant 14 : i32
      %add3A_250 = arith.addi %mul3A_72, %add3A_249 : i32
      %dma_wait3A_251 = arith.constant 0 : i32
      %dma_wait3A_252 = tpu.memref_slice %arg6[%add3A_250, %dma_wait3A_251] : memref<32x128xi32, #tpu.memory_space<vmem>> -> memref<1x128xi32, #tpu.memory_space<vmem>>
      %dma_wait3A_253 = tpu.memref_squeeze %dma_wait3A_252 : memref<1x128xi32, #tpu.memory_space<vmem>> -> memref<128xi32, #tpu.memory_space<vmem>>
      %dma_wait3A_254 = arith.constant 0 : i32
      %dma_wait3A_255 = arith.constant 0 : i32
      %dma_wait3A_256 = tpu.memref_slice %arg2[%dma_wait3A_254, %dma_wait3A_255] : memref<10240x128xf32, #tpu.memory_space<hbm>> -> memref<10240x128xf32, #tpu.memory_space<hbm>>
      tpu.wait_indirect_dma semaphore(%arg11 : memref<!tpu.dma_semaphore, #tpu.memory_space<semaphore_mem>>) src(%dma_wait3A_256 : memref<10240x128xf32, #tpu.memory_space<hbm>>) dst(%arg8 : memref<128x128xf32, #tpu.memory_space<vmem>>)
      %add3A_257 = arith.constant 14 : i32
      %add3A_258 = arith.addi %mul3A_72, %add3A_257 : i32
      %add3A_259 = arith.constant 1 : i32
      %add3A_260 = arith.addi %add3A_258, %add3A_259 : i32
      "tpu.region"() ({
        %run_scoped3A = tpu.sem_alloc : memref<!tpu.dma_semaphore, #tpu.memory_space<semaphore_mem>>
        %dma_start3A_266 = arith.constant 0 : i32
        %dma_start3A_267 = tpu.memref_slice %arg6[%add3A_260, %dma_start3A_266] : memref<32x128xi32, #tpu.memory_space<vmem>> -> memref<1x128xi32, #tpu.memory_space<vmem>>
        %dma_start3A_268 = tpu.memref_squeeze %dma_start3A_267 : memref<1x128xi32, #tpu.memory_space<vmem>> -> memref<128xi32, #tpu.memory_space<vmem>>
        %dma_start3A_269 = arith.constant 0 : i32
        %dma_start3A_270 = arith.constant 0 : i32
        %dma_start3A_271 = tpu.memref_slice %arg9[%dma_start3A_269, %dma_start3A_270] : memref<10240x128xf32, #tpu.memory_space<vmem_shared>> -> memref<10240x128xf32, #tpu.memory_space<vmem_shared>>
        tpu.enqueue_indirect_dma source(%arg8 : memref<128x128xf32, #tpu.memory_space<vmem>>) target(%dma_start3A_271 : memref<10240x128xf32, #tpu.memory_space<vmem_shared>>) offsets(%dma_start3A_268 : memref<128xi32, #tpu.memory_space<vmem>>) semaphore(%run_scoped3A : memref<!tpu.dma_semaphore, #tpu.memory_space<semaphore_mem>>) {add = true}
        %dma_wait3A_272 = arith.constant 0 : i32
        %dma_wait3A_273 = tpu.memref_slice %arg6[%add3A_260, %dma_wait3A_272] : memref<32x128xi32, #tpu.memory_space<vmem>> -> memref<1x128xi32, #tpu.memory_space<vmem>>
        %dma_wait3A_274 = tpu.memref_squeeze %dma_wait3A_273 : memref<1x128xi32, #tpu.memory_space<vmem>> -> memref<128xi32, #tpu.memory_space<vmem>>
        %dma_wait3A_275 = arith.constant 0 : i32
        %dma_wait3A_276 = arith.constant 0 : i32
        %dma_wait3A_277 = tpu.memref_slice %arg9[%dma_wait3A_275, %dma_wait3A_276] : memref<10240x128xf32, #tpu.memory_space<vmem_shared>> -> memref<10240x128xf32, #tpu.memory_space<vmem_shared>>
        tpu.wait_indirect_dma semaphore(%run_scoped3A : memref<!tpu.dma_semaphore, #tpu.memory_space<semaphore_mem>>) src(%arg8 : memref<128x128xf32, #tpu.memory_space<vmem>>) dst(%dma_wait3A_277 : memref<10240x128xf32, #tpu.memory_space<vmem_shared>>)
        tpu.yield
      }) : () -> ()
      %lt3A_261 = arith.constant 8 : i32
      %lt3A_262 = arith.cmpi slt, %scan3A_61, %lt3A_261 : i32
      %convert_element_type3A_263 = arith.extui %lt3A_262 : i1 to i32
      %cond3A_264 = arith.constant 0 : i32
      %cond3A_265 = arith.cmpi ne, %convert_element_type3A_263, %cond3A_264 : i32
      scf.if %cond3A_265 {
        %add3A_266 = arith.constant 2 : i32
        %add3A_267 = arith.addi %scan3A_61, %add3A_266 : i32
        %mul3A_268 = arith.constant 2 : i32
        %mul3A_269 = arith.muli %add3A_267, %mul3A_268 : i32
        %mul3A_270 = arith.constant 8 : i32
        %mul3A_271 = arith.muli %mul3A_269, %mul3A_270 : i32
        %add3A_272 = arith.addi %mul3A_6, %mul3A_271 : i32
        %dma_start3A_273 = arith.constant 0 : i32
        %dma_start3A_274 = tpu.memref_slice %arg6[%mul3A_72, %dma_start3A_273] : memref<32x128xi32, #tpu.memory_space<vmem>> -> memref<16x128xi32, #tpu.memory_space<vmem>>
        %dma_start3A_275 = arith.constant 0 : i32
        %dma_start3A_276 = tpu.memref_slice %arg3[%add3A_272, %dma_start3A_275] : memref<5120x128xi32, #tpu.memory_space<hbm>> -> memref<16x128xi32, #tpu.memory_space<hbm>>
        %dma_start3A_277 = arith.constant 0 : i32
        %dma_start3A_278 = tpu.memref_slice %arg6[%mul3A_72, %dma_start3A_277] : memref<32x128xi32, #tpu.memory_space<vmem>> -> memref<16x128xi32, #tpu.memory_space<vmem>>
        %dma_start3A_279 = arith.constant 0 : i32
        %dma_start3A_280 = tpu.memref_slice %arg3[%add3A_272, %dma_start3A_279] : memref<5120x128xi32, #tpu.memory_space<hbm>> -> memref<16x128xi32, #tpu.memory_space<hbm>>
        tpu.enqueue_dma source(%dma_start3A_280 : memref<16x128xi32, #tpu.memory_space<hbm>>) target(%dma_start3A_278 : memref<16x128xi32, #tpu.memory_space<vmem>>) target_semaphore(%arg12 : memref<!tpu.dma_semaphore, #tpu.memory_space<semaphore_mem>>)
      } else {
      }
    }
    %scan3A_39 = arith.constant 10 : i32
    %barrier3A_40 = arith.constant 0 : index
    tpu.barrier barrier_id(%barrier3A_40)
    %add3A_41 = arith.constant 0 : i32
    %add3A_42 = arith.addi %mul3A_0, %add3A_41 : i32
    "tpu.region"() ({
      %run_scoped3A = tpu.sem_alloc : memref<!tpu.dma_semaphore, #tpu.memory_space<semaphore_mem>>
      %dma_start3A_61 = arith.constant 0 : i32
      %dma_start3A_62 = tpu.memref_slice %arg9[%add3A_42, %dma_start3A_61] : memref<10240x128xf32, #tpu.memory_space<vmem_shared>> -> memref<128x128xf32, #tpu.memory_space<vmem_shared>>
      %dma_start3A_63 = arith.constant 0 : i32
      %dma_start3A_64 = tpu.memref_slice %arg9[%add3A_42, %dma_start3A_63] : memref<10240x128xf32, #tpu.memory_space<vmem_shared>> -> memref<128x128xf32, #tpu.memory_space<vmem_shared>>
      tpu.enqueue_dma source(%dma_start3A_64 : memref<128x128xf32, #tpu.memory_space<vmem_shared>>) target(%arg7 : memref<128x128xf32, #tpu.memory_space<vmem>>) target_semaphore(%run_scoped3A : memref<!tpu.dma_semaphore, #tpu.memory_space<semaphore_mem>>)
      %dma_wait3A = arith.constant 0 : i32
      %dma_wait3A_65 = tpu.memref_slice %arg9[%add3A_42, %dma_wait3A] : memref<10240x128xf32, #tpu.memory_space<vmem_shared>> -> memref<128x128xf32, #tpu.memory_space<vmem_shared>>
      %dma_wait3A_66 = arith.constant 0 : i32
      %dma_wait3A_67 = tpu.memref_slice %arg9[%add3A_42, %dma_wait3A_66] : memref<10240x128xf32, #tpu.memory_space<vmem_shared>> -> memref<128x128xf32, #tpu.memory_space<vmem_shared>>
      tpu.wait_dma2 semaphore(%run_scoped3A : memref<!tpu.dma_semaphore, #tpu.memory_space<semaphore_mem>>) src(%dma_wait3A_67 : memref<128x128xf32, #tpu.memory_space<vmem_shared>>) dst(%arg7 : memref<128x128xf32, #tpu.memory_space<vmem>>)
      tpu.yield
    }) : () -> ()
    %add3A_43 = arith.constant 0 : i32
    %add3A_44 = arith.addi %mul3A_0, %add3A_43 : i32
    "tpu.region"() ({
      %run_scoped3A = tpu.sem_alloc : memref<!tpu.dma_semaphore, #tpu.memory_space<semaphore_mem>>
      %dma_start3A_61 = arith.constant 0 : i32
      %dma_start3A_62 = tpu.memref_slice %arg5[%arg0, %add3A_44, %dma_start3A_61] : memref<2x10240x128xf32, #tpu.memory_space<hbm>> -> memref<1x128x128xf32, #tpu.memory_space<hbm>>
      %dma_start3A_63 = tpu.memref_squeeze %dma_start3A_62 : memref<1x128x128xf32, #tpu.memory_space<hbm>> -> memref<128x128xf32, #tpu.memory_space<hbm>>
      %dma_start3A_64 = arith.constant 0 : i32
      %dma_start3A_65 = tpu.memref_slice %arg5[%arg0, %add3A_44, %dma_start3A_64] : memref<2x10240x128xf32, #tpu.memory_space<hbm>> -> memref<1x128x128xf32, #tpu.memory_space<hbm>>
      %dma_start3A_66 = tpu.memref_squeeze %dma_start3A_65 : memref<1x128x128xf32, #tpu.memory_space<hbm>> -> memref<128x128xf32, #tpu.memory_space<hbm>>
      tpu.enqueue_dma source(%arg7 : memref<128x128xf32, #tpu.memory_space<vmem>>) target(%dma_start3A_66 : memref<128x128xf32, #tpu.memory_space<hbm>>) target_semaphore(%run_scoped3A : memref<!tpu.dma_semaphore, #tpu.memory_space<semaphore_mem>>)
      %dma_wait3A = arith.constant 0 : i32
      %dma_wait3A_67 = tpu.memref_slice %arg5[%arg0, %add3A_44, %dma_wait3A] : memref<2x10240x128xf32, #tpu.memory_space<hbm>> -> memref<1x128x128xf32, #tpu.memory_space<hbm>>
      %dma_wait3A_68 = tpu.memref_squeeze %dma_wait3A_67 : memref<1x128x128xf32, #tpu.memory_space<hbm>> -> memref<128x128xf32, #tpu.memory_space<hbm>>
      %dma_wait3A_69 = arith.constant 0 : i32
      %dma_wait3A_70 = tpu.memref_slice %arg5[%arg0, %add3A_44, %dma_wait3A_69] : memref<2x10240x128xf32, #tpu.memory_space<hbm>> -> memref<1x128x128xf32, #tpu.memory_space<hbm>>
      %dma_wait3A_71 = tpu.memref_squeeze %dma_wait3A_70 : memref<1x128x128xf32, #tpu.memory_space<hbm>> -> memref<128x128xf32, #tpu.memory_space<hbm>>
      tpu.wait_dma2 semaphore(%run_scoped3A : memref<!tpu.dma_semaphore, #tpu.memory_space<semaphore_mem>>) src(%arg7 : memref<128x128xf32, #tpu.memory_space<vmem>>) dst(%dma_wait3A_71 : memref<128x128xf32, #tpu.memory_space<hbm>>)
      tpu.yield
    }) : () -> ()
    %add3A_45 = arith.constant 128 : i32
    %add3A_46 = arith.addi %mul3A_0, %add3A_45 : i32
    "tpu.region"() ({
      %run_scoped3A = tpu.sem_alloc : memref<!tpu.dma_semaphore, #tpu.memory_space<semaphore_mem>>
      %dma_start3A_61 = arith.constant 0 : i32
      %dma_start3A_62 = tpu.memref_slice %arg9[%add3A_46, %dma_start3A_61] : memref<10240x128xf32, #tpu.memory_space<vmem_shared>> -> memref<128x128xf32, #tpu.memory_space<vmem_shared>>
      %dma_start3A_63 = arith.constant 0 : i32
      %dma_start3A_64 = tpu.memref_slice %arg9[%add3A_46, %dma_start3A_63] : memref<10240x128xf32, #tpu.memory_space<vmem_shared>> -> memref<128x128xf32, #tpu.memory_space<vmem_shared>>
      tpu.enqueue_dma source(%dma_start3A_64 : memref<128x128xf32, #tpu.memory_space<vmem_shared>>) target(%arg7 : memref<128x128xf32, #tpu.memory_space<vmem>>) target_semaphore(%run_scoped3A : memref<!tpu.dma_semaphore, #tpu.memory_space<semaphore_mem>>)
      %dma_wait3A = arith.constant 0 : i32
      %dma_wait3A_65 = tpu.memref_slice %arg9[%add3A_46, %dma_wait3A] : memref<10240x128xf32, #tpu.memory_space<vmem_shared>> -> memref<128x128xf32, #tpu.memory_space<vmem_shared>>
      %dma_wait3A_66 = arith.constant 0 : i32
      %dma_wait3A_67 = tpu.memref_slice %arg9[%add3A_46, %dma_wait3A_66] : memref<10240x128xf32, #tpu.memory_space<vmem_shared>> -> memref<128x128xf32, #tpu.memory_space<vmem_shared>>
      tpu.wait_dma2 semaphore(%run_scoped3A : memref<!tpu.dma_semaphore, #tpu.memory_space<semaphore_mem>>) src(%dma_wait3A_67 : memref<128x128xf32, #tpu.memory_space<vmem_shared>>) dst(%arg7 : memref<128x128xf32, #tpu.memory_space<vmem>>)
      tpu.yield
    }) : () -> ()
    %add3A_47 = arith.constant 128 : i32
    %add3A_48 = arith.addi %mul3A_0, %add3A_47 : i32
    "tpu.region"() ({
      %run_scoped3A = tpu.sem_alloc : memref<!tpu.dma_semaphore, #tpu.memory_space<semaphore_mem>>
      %dma_start3A_61 = arith.constant 0 : i32
      %dma_start3A_62 = tpu.memref_slice %arg5[%arg0, %add3A_48, %dma_start3A_61] : memref<2x10240x128xf32, #tpu.memory_space<hbm>> -> memref<1x128x128xf32, #tpu.memory_space<hbm>>
      %dma_start3A_63 = tpu.memref_squeeze %dma_start3A_62 : memref<1x128x128xf32, #tpu.memory_space<hbm>> -> memref<128x128xf32, #tpu.memory_space<hbm>>
      %dma_start3A_64 = arith.constant 0 : i32
      %dma_start3A_65 = tpu.memref_slice %arg5[%arg0, %add3A_48, %dma_start3A_64] : memref<2x10240x128xf32, #tpu.memory_space<hbm>> -> memref<1x128x128xf32, #tpu.memory_space<hbm>>
      %dma_start3A_66 = tpu.memref_squeeze %dma_start3A_65 : memref<1x128x128xf32, #tpu.memory_space<hbm>> -> memref<128x128xf32, #tpu.memory_space<hbm>>
      tpu.enqueue_dma source(%arg7 : memref<128x128xf32, #tpu.memory_space<vmem>>) target(%dma_start3A_66 : memref<128x128xf32, #tpu.memory_space<hbm>>) target_semaphore(%run_scoped3A : memref<!tpu.dma_semaphore, #tpu.memory_space<semaphore_mem>>)
      %dma_wait3A = arith.constant 0 : i32
      %dma_wait3A_67 = tpu.memref_slice %arg5[%arg0, %add3A_48, %dma_wait3A] : memref<2x10240x128xf32, #tpu.memory_space<hbm>> -> memref<1x128x128xf32, #tpu.memory_space<hbm>>
      %dma_wait3A_68 = tpu.memref_squeeze %dma_wait3A_67 : memref<1x128x128xf32, #tpu.memory_space<hbm>> -> memref<128x128xf32, #tpu.memory_space<hbm>>
      %dma_wait3A_69 = arith.constant 0 : i32
      %dma_wait3A_70 = tpu.memref_slice %arg5[%arg0, %add3A_48, %dma_wait3A_69] : memref<2x10240x128xf32, #tpu.memory_space<hbm>> -> memref<1x128x128xf32, #tpu.memory_space<hbm>>
      %dma_wait3A_71 = tpu.memref_squeeze %dma_wait3A_70 : memref<1x128x128xf32, #tpu.memory_space<hbm>> -> memref<128x128xf32, #tpu.memory_space<hbm>>
      tpu.wait_dma2 semaphore(%run_scoped3A : memref<!tpu.dma_semaphore, #tpu.memory_space<semaphore_mem>>) src(%arg7 : memref<128x128xf32, #tpu.memory_space<vmem>>) dst(%dma_wait3A_71 : memref<128x128xf32, #tpu.memory_space<hbm>>)
      tpu.yield
    }) : () -> ()
    %add3A_49 = arith.constant 256 : i32
    %add3A_50 = arith.addi %mul3A_0, %add3A_49 : i32
    "tpu.region"() ({
      %run_scoped3A = tpu.sem_alloc : memref<!tpu.dma_semaphore, #tpu.memory_space<semaphore_mem>>
      %dma_start3A_61 = arith.constant 0 : i32
      %dma_start3A_62 = tpu.memref_slice %arg9[%add3A_50, %dma_start3A_61] : memref<10240x128xf32, #tpu.memory_space<vmem_shared>> -> memref<128x128xf32, #tpu.memory_space<vmem_shared>>
      %dma_start3A_63 = arith.constant 0 : i32
      %dma_start3A_64 = tpu.memref_slice %arg9[%add3A_50, %dma_start3A_63] : memref<10240x128xf32, #tpu.memory_space<vmem_shared>> -> memref<128x128xf32, #tpu.memory_space<vmem_shared>>
      tpu.enqueue_dma source(%dma_start3A_64 : memref<128x128xf32, #tpu.memory_space<vmem_shared>>) target(%arg7 : memref<128x128xf32, #tpu.memory_space<vmem>>) target_semaphore(%run_scoped3A : memref<!tpu.dma_semaphore, #tpu.memory_space<semaphore_mem>>)
      %dma_wait3A = arith.constant 0 : i32
      %dma_wait3A_65 = tpu.memref_slice %arg9[%add3A_50, %dma_wait3A] : memref<10240x128xf32, #tpu.memory_space<vmem_shared>> -> memref<128x128xf32, #tpu.memory_space<vmem_shared>>
      %dma_wait3A_66 = arith.constant 0 : i32
      %dma_wait3A_67 = tpu.memref_slice %arg9[%add3A_50, %dma_wait3A_66] : memref<10240x128xf32, #tpu.memory_space<vmem_shared>> -> memref<128x128xf32, #tpu.memory_space<vmem_shared>>
      tpu.wait_dma2 semaphore(%run_scoped3A : memref<!tpu.dma_semaphore, #tpu.memory_space<semaphore_mem>>) src(%dma_wait3A_67 : memref<128x128xf32, #tpu.memory_space<vmem_shared>>) dst(%arg7 : memref<128x128xf32, #tpu.memory_space<vmem>>)
      tpu.yield
    }) : () -> ()
    %add3A_51 = arith.constant 256 : i32
    %add3A_52 = arith.addi %mul3A_0, %add3A_51 : i32
    "tpu.region"() ({
      %run_scoped3A = tpu.sem_alloc : memref<!tpu.dma_semaphore, #tpu.memory_space<semaphore_mem>>
      %dma_start3A_61 = arith.constant 0 : i32
      %dma_start3A_62 = tpu.memref_slice %arg5[%arg0, %add3A_52, %dma_start3A_61] : memref<2x10240x128xf32, #tpu.memory_space<hbm>> -> memref<1x128x128xf32, #tpu.memory_space<hbm>>
      %dma_start3A_63 = tpu.memref_squeeze %dma_start3A_62 : memref<1x128x128xf32, #tpu.memory_space<hbm>> -> memref<128x128xf32, #tpu.memory_space<hbm>>
      %dma_start3A_64 = arith.constant 0 : i32
      %dma_start3A_65 = tpu.memref_slice %arg5[%arg0, %add3A_52, %dma_start3A_64] : memref<2x10240x128xf32, #tpu.memory_space<hbm>> -> memref<1x128x128xf32, #tpu.memory_space<hbm>>
      %dma_start3A_66 = tpu.memref_squeeze %dma_start3A_65 : memref<1x128x128xf32, #tpu.memory_space<hbm>> -> memref<128x128xf32, #tpu.memory_space<hbm>>
      tpu.enqueue_dma source(%arg7 : memref<128x128xf32, #tpu.memory_space<vmem>>) target(%dma_start3A_66 : memref<128x128xf32, #tpu.memory_space<hbm>>) target_semaphore(%run_scoped3A : memref<!tpu.dma_semaphore, #tpu.memory_space<semaphore_mem>>)
      %dma_wait3A = arith.constant 0 : i32
      %dma_wait3A_67 = tpu.memref_slice %arg5[%arg0, %add3A_52, %dma_wait3A] : memref<2x10240x128xf32, #tpu.memory_space<hbm>> -> memref<1x128x128xf32, #tpu.memory_space<hbm>>
      %dma_wait3A_68 = tpu.memref_squeeze %dma_wait3A_67 : memref<1x128x128xf32, #tpu.memory_space<hbm>> -> memref<128x128xf32, #tpu.memory_space<hbm>>
      %dma_wait3A_69 = arith.constant 0 : i32
      %dma_wait3A_70 = tpu.memref_slice %arg5[%arg0, %add3A_52, %dma_wait3A_69] : memref<2x10240x128xf32, #tpu.memory_space<hbm>> -> memref<1x128x128xf32, #tpu.memory_space<hbm>>
      %dma_wait3A_71 = tpu.memref_squeeze %dma_wait3A_70 : memref<1x128x128xf32, #tpu.memory_space<hbm>> -> memref<128x128xf32, #tpu.memory_space<hbm>>
      tpu.wait_dma2 semaphore(%run_scoped3A : memref<!tpu.dma_semaphore, #tpu.memory_space<semaphore_mem>>) src(%arg7 : memref<128x128xf32, #tpu.memory_space<vmem>>) dst(%dma_wait3A_71 : memref<128x128xf32, #tpu.memory_space<hbm>>)
      tpu.yield
    }) : () -> ()
    %add3A_53 = arith.constant 384 : i32
    %add3A_54 = arith.addi %mul3A_0, %add3A_53 : i32
    "tpu.region"() ({
      %run_scoped3A = tpu.sem_alloc : memref<!tpu.dma_semaphore, #tpu.memory_space<semaphore_mem>>
      %dma_start3A_61 = arith.constant 0 : i32
      %dma_start3A_62 = tpu.memref_slice %arg9[%add3A_54, %dma_start3A_61] : memref<10240x128xf32, #tpu.memory_space<vmem_shared>> -> memref<128x128xf32, #tpu.memory_space<vmem_shared>>
      %dma_start3A_63 = arith.constant 0 : i32
      %dma_start3A_64 = tpu.memref_slice %arg9[%add3A_54, %dma_start3A_63] : memref<10240x128xf32, #tpu.memory_space<vmem_shared>> -> memref<128x128xf32, #tpu.memory_space<vmem_shared>>
      tpu.enqueue_dma source(%dma_start3A_64 : memref<128x128xf32, #tpu.memory_space<vmem_shared>>) target(%arg7 : memref<128x128xf32, #tpu.memory_space<vmem>>) target_semaphore(%run_scoped3A : memref<!tpu.dma_semaphore, #tpu.memory_space<semaphore_mem>>)
      %dma_wait3A = arith.constant 0 : i32
      %dma_wait3A_65 = tpu.memref_slice %arg9[%add3A_54, %dma_wait3A] : memref<10240x128xf32, #tpu.memory_space<vmem_shared>> -> memref<128x128xf32, #tpu.memory_space<vmem_shared>>
      %dma_wait3A_66 = arith.constant 0 : i32
      %dma_wait3A_67 = tpu.memref_slice %arg9[%add3A_54, %dma_wait3A_66] : memref<10240x128xf32, #tpu.memory_space<vmem_shared>> -> memref<128x128xf32, #tpu.memory_space<vmem_shared>>
      tpu.wait_dma2 semaphore(%run_scoped3A : memref<!tpu.dma_semaphore, #tpu.memory_space<semaphore_mem>>) src(%dma_wait3A_67 : memref<128x128xf32, #tpu.memory_space<vmem_shared>>) dst(%arg7 : memref<128x128xf32, #tpu.memory_space<vmem>>)
      tpu.yield
    }) : () -> ()
    %add3A_55 = arith.constant 384 : i32
    %add3A_56 = arith.addi %mul3A_0, %add3A_55 : i32
    "tpu.region"() ({
      %run_scoped3A = tpu.sem_alloc : memref<!tpu.dma_semaphore, #tpu.memory_space<semaphore_mem>>
      %dma_start3A_61 = arith.constant 0 : i32
      %dma_start3A_62 = tpu.memref_slice %arg5[%arg0, %add3A_56, %dma_start3A_61] : memref<2x10240x128xf32, #tpu.memory_space<hbm>> -> memref<1x128x128xf32, #tpu.memory_space<hbm>>
      %dma_start3A_63 = tpu.memref_squeeze %dma_start3A_62 : memref<1x128x128xf32, #tpu.memory_space<hbm>> -> memref<128x128xf32, #tpu.memory_space<hbm>>
      %dma_start3A_64 = arith.constant 0 : i32
      %dma_start3A_65 = tpu.memref_slice %arg5[%arg0, %add3A_56, %dma_start3A_64] : memref<2x10240x128xf32, #tpu.memory_space<hbm>> -> memref<1x128x128xf32, #tpu.memory_space<hbm>>
      %dma_start3A_66 = tpu.memref_squeeze %dma_start3A_65 : memref<1x128x128xf32, #tpu.memory_space<hbm>> -> memref<128x128xf32, #tpu.memory_space<hbm>>
      tpu.enqueue_dma source(%arg7 : memref<128x128xf32, #tpu.memory_space<vmem>>) target(%dma_start3A_66 : memref<128x128xf32, #tpu.memory_space<hbm>>) target_semaphore(%run_scoped3A : memref<!tpu.dma_semaphore, #tpu.memory_space<semaphore_mem>>)
      %dma_wait3A = arith.constant 0 : i32
      %dma_wait3A_67 = tpu.memref_slice %arg5[%arg0, %add3A_56, %dma_wait3A] : memref<2x10240x128xf32, #tpu.memory_space<hbm>> -> memref<1x128x128xf32, #tpu.memory_space<hbm>>
      %dma_wait3A_68 = tpu.memref_squeeze %dma_wait3A_67 : memref<1x128x128xf32, #tpu.memory_space<hbm>> -> memref<128x128xf32, #tpu.memory_space<hbm>>
      %dma_wait3A_69 = arith.constant 0 : i32
      %dma_wait3A_70 = tpu.memref_slice %arg5[%arg0, %add3A_56, %dma_wait3A_69] : memref<2x10240x128xf32, #tpu.memory_space<hbm>> -> memref<1x128x128xf32, #tpu.memory_space<hbm>>
      %dma_wait3A_71 = tpu.memref_squeeze %dma_wait3A_70 : memref<1x128x128xf32, #tpu.memory_space<hbm>> -> memref<128x128xf32, #tpu.memory_space<hbm>>
      tpu.wait_dma2 semaphore(%run_scoped3A : memref<!tpu.dma_semaphore, #tpu.memory_space<semaphore_mem>>) src(%arg7 : memref<128x128xf32, #tpu.memory_space<vmem>>) dst(%dma_wait3A_71 : memref<128x128xf32, #tpu.memory_space<hbm>>)
      tpu.yield
    }) : () -> ()
    %add3A_57 = arith.constant 512 : i32
    %add3A_58 = arith.addi %mul3A_0, %add3A_57 : i32
    "tpu.region"() ({
      %run_scoped3A = tpu.sem_alloc : memref<!tpu.dma_semaphore, #tpu.memory_space<semaphore_mem>>
      %dma_start3A_61 = arith.constant 0 : i32
      %dma_start3A_62 = tpu.memref_slice %arg9[%add3A_58, %dma_start3A_61] : memref<10240x128xf32, #tpu.memory_space<vmem_shared>> -> memref<128x128xf32, #tpu.memory_space<vmem_shared>>
      %dma_start3A_63 = arith.constant 0 : i32
      %dma_start3A_64 = tpu.memref_slice %arg9[%add3A_58, %dma_start3A_63] : memref<10240x128xf32, #tpu.memory_space<vmem_shared>> -> memref<128x128xf32, #tpu.memory_space<vmem_shared>>
      tpu.enqueue_dma source(%dma_start3A_64 : memref<128x128xf32, #tpu.memory_space<vmem_shared>>) target(%arg7 : memref<128x128xf32, #tpu.memory_space<vmem>>) target_semaphore(%run_scoped3A : memref<!tpu.dma_semaphore, #tpu.memory_space<semaphore_mem>>)
      %dma_wait3A = arith.constant 0 : i32
      %dma_wait3A_65 = tpu.memref_slice %arg9[%add3A_58, %dma_wait3A] : memref<10240x128xf32, #tpu.memory_space<vmem_shared>> -> memref<128x128xf32, #tpu.memory_space<vmem_shared>>
      %dma_wait3A_66 = arith.constant 0 : i32
      %dma_wait3A_67 = tpu.memref_slice %arg9[%add3A_58, %dma_wait3A_66] : memref<10240x128xf32, #tpu.memory_space<vmem_shared>> -> memref<128x128xf32, #tpu.memory_space<vmem_shared>>
      tpu.wait_dma2 semaphore(%run_scoped3A : memref<!tpu.dma_semaphore, #tpu.memory_space<semaphore_mem>>) src(%dma_wait3A_67 : memref<128x128xf32, #tpu.memory_space<vmem_shared>>) dst(%arg7 : memref<128x128xf32, #tpu.memory_space<vmem>>)
      tpu.yield
    }) : () -> ()
    %add3A_59 = arith.constant 512 : i32
    %add3A_60 = arith.addi %mul3A_0, %add3A_59 : i32
    "tpu.region"() ({
      %run_scoped3A = tpu.sem_alloc : memref<!tpu.dma_semaphore, #tpu.memory_space<semaphore_mem>>
      %dma_start3A_61 = arith.constant 0 : i32
      %dma_start3A_62 = tpu.memref_slice %arg5[%arg0, %add3A_60, %dma_start3A_61] : memref<2x10240x128xf32, #tpu.memory_space<hbm>> -> memref<1x128x128xf32, #tpu.memory_space<hbm>>
      %dma_start3A_63 = tpu.memref_squeeze %dma_start3A_62 : memref<1x128x128xf32, #tpu.memory_space<hbm>> -> memref<128x128xf32, #tpu.memory_space<hbm>>
      %dma_start3A_64 = arith.constant 0 : i32
      %dma_start3A_65 = tpu.memref_slice %arg5[%arg0, %add3A_60, %dma_start3A_64] : memref<2x10240x128xf32, #tpu.memory_space<hbm>> -> memref<1x128x128xf32, #tpu.memory_space<hbm>>
      %dma_start3A_66 = tpu.memref_squeeze %dma_start3A_65 : memref<1x128x128xf32, #tpu.memory_space<hbm>> -> memref<128x128xf32, #tpu.memory_space<hbm>>
      tpu.enqueue_dma source(%arg7 : memref<128x128xf32, #tpu.memory_space<vmem>>) target(%dma_start3A_66 : memref<128x128xf32, #tpu.memory_space<hbm>>) target_semaphore(%run_scoped3A : memref<!tpu.dma_semaphore, #tpu.memory_space<semaphore_mem>>)
      %dma_wait3A = arith.constant 0 : i32
      %dma_wait3A_67 = tpu.memref_slice %arg5[%arg0, %add3A_60, %dma_wait3A] : memref<2x10240x128xf32, #tpu.memory_space<hbm>> -> memref<1x128x128xf32, #tpu.memory_space<hbm>>
      %dma_wait3A_68 = tpu.memref_squeeze %dma_wait3A_67 : memref<1x128x128xf32, #tpu.memory_space<hbm>> -> memref<128x128xf32, #tpu.memory_space<hbm>>
      %dma_wait3A_69 = arith.constant 0 : i32
      %dma_wait3A_70 = tpu.memref_slice %arg5[%arg0, %add3A_60, %dma_wait3A_69] : memref<2x10240x128xf32, #tpu.memory_space<hbm>> -> memref<1x128x128xf32, #tpu.memory_space<hbm>>
      %dma_wait3A_71 = tpu.memref_squeeze %dma_wait3A_70 : memref<1x128x128xf32, #tpu.memory_space<hbm>> -> memref<128x128xf32, #tpu.memory_space<hbm>>
      tpu.wait_dma2 semaphore(%run_scoped3A : memref<!tpu.dma_semaphore, #tpu.memory_space<semaphore_mem>>) src(%arg7 : memref<128x128xf32, #tpu.memory_space<vmem>>) dst(%dma_wait3A_71 : memref<128x128xf32, #tpu.memory_space<hbm>>)
      tpu.yield
    }) : () -> ()
    return
  }
}

#map = affine_map<(d0, d1) -> (0, 0)>
#map1 = affine_map<(d0, d1) -> (0, 0, 0)>
module attributes {stable_mosaic.version = 14 : i64} {
  func.func @_deg_kernel(%arg0: i32, %arg1: i32, %arg2: memref<2560x128xi32, #tpu.memory_space<hbm>>, %arg3: memref<128x128xf32, #tpu.memory_space<hbm>>, %arg4: memref<128x128xf32, #tpu.memory_space<hbm>>, %arg5: memref<2x10240x128xf32, #tpu.memory_space<hbm>>, %arg6: memref<128xi32, #tpu.memory_space<vmem>>, %arg7: memref<128x128xf32, #tpu.memory_space<vmem>>, %arg8: memref<128x128xf32, #tpu.memory_space<vmem>>, %arg9: memref<10240x128xf32, #tpu.memory_space<vmem_shared>>, %arg10: memref<!tpu.dma_semaphore, #tpu.memory_space<semaphore_mem>>) attributes {dimension_semantics = [#tpu.dimension_semantics<core_parallel>, #tpu.dimension_semantics<subcore_parallel>], iteration_bounds = array<i64: 2, 16>, scalar_prefetch = 0 : i64, scratch_operands = 5 : i64, tpu.core_type = #tpu.core_type<sc_vector_subcore>, window_params = [{transform_indices = #map}, {transform_indices = #map}, {transform_indices = #map}, {transform_indices = #map1}]} {
    %mul3A = arith.constant 640 : i32
    %mul3A_0 = arith.muli %arg1, %mul3A : i32
    %mul3A_1 = arith.constant 2 : i32
    %mul3A_2 = arith.muli %arg1, %mul3A_1 : i32
    %add3A = arith.addi %mul3A_2, %arg0 : i32
    %mul3A_3 = arith.constant 80 : i32
    %mul3A_4 = arith.muli %add3A, %mul3A_3 : i32
    "tpu.region"() ({
      %run_scoped3A = tpu.sem_alloc : memref<!tpu.dma_semaphore, #tpu.memory_space<semaphore_mem>>
      tpu.enqueue_dma source(%arg3 : memref<128x128xf32, #tpu.memory_space<hbm>>) target(%arg7 : memref<128x128xf32, #tpu.memory_space<vmem>>) target_semaphore(%run_scoped3A : memref<!tpu.dma_semaphore, #tpu.memory_space<semaphore_mem>>)
      tpu.wait_dma2 semaphore(%run_scoped3A : memref<!tpu.dma_semaphore, #tpu.memory_space<semaphore_mem>>) src(%arg3 : memref<128x128xf32, #tpu.memory_space<hbm>>) dst(%arg7 : memref<128x128xf32, #tpu.memory_space<vmem>>)
      tpu.yield
    }) : () -> ()
    "tpu.region"() ({
      %run_scoped3A = tpu.sem_alloc : memref<!tpu.dma_semaphore, #tpu.memory_space<semaphore_mem>>
      tpu.enqueue_dma source(%arg4 : memref<128x128xf32, #tpu.memory_space<hbm>>) target(%arg8 : memref<128x128xf32, #tpu.memory_space<vmem>>) target_semaphore(%run_scoped3A : memref<!tpu.dma_semaphore, #tpu.memory_space<semaphore_mem>>)
      tpu.wait_dma2 semaphore(%run_scoped3A : memref<!tpu.dma_semaphore, #tpu.memory_space<semaphore_mem>>) src(%arg4 : memref<128x128xf32, #tpu.memory_space<hbm>>) dst(%arg8 : memref<128x128xf32, #tpu.memory_space<vmem>>)
      tpu.yield
    }) : () -> ()
    %add3A_5 = arith.constant 0 : i32
    %add3A_6 = arith.addi %mul3A_0, %add3A_5 : i32
    "tpu.region"() ({
      %run_scoped3A = tpu.sem_alloc : memref<!tpu.dma_semaphore, #tpu.memory_space<semaphore_mem>>
      %dma_start3A = arith.constant 0 : i32
      %dma_start3A_41 = tpu.memref_slice %arg9[%add3A_6, %dma_start3A] : memref<10240x128xf32, #tpu.memory_space<vmem_shared>> -> memref<128x128xf32, #tpu.memory_space<vmem_shared>>
      %dma_start3A_42 = arith.constant 0 : i32
      %dma_start3A_43 = tpu.memref_slice %arg9[%add3A_6, %dma_start3A_42] : memref<10240x128xf32, #tpu.memory_space<vmem_shared>> -> memref<128x128xf32, #tpu.memory_space<vmem_shared>>
      tpu.enqueue_dma source(%arg8 : memref<128x128xf32, #tpu.memory_space<vmem>>) target(%dma_start3A_43 : memref<128x128xf32, #tpu.memory_space<vmem_shared>>) target_semaphore(%run_scoped3A : memref<!tpu.dma_semaphore, #tpu.memory_space<semaphore_mem>>)
      %dma_wait3A = arith.constant 0 : i32
      %dma_wait3A_44 = tpu.memref_slice %arg9[%add3A_6, %dma_wait3A] : memref<10240x128xf32, #tpu.memory_space<vmem_shared>> -> memref<128x128xf32, #tpu.memory_space<vmem_shared>>
      %dma_wait3A_45 = arith.constant 0 : i32
      %dma_wait3A_46 = tpu.memref_slice %arg9[%add3A_6, %dma_wait3A_45] : memref<10240x128xf32, #tpu.memory_space<vmem_shared>> -> memref<128x128xf32, #tpu.memory_space<vmem_shared>>
      tpu.wait_dma2 semaphore(%run_scoped3A : memref<!tpu.dma_semaphore, #tpu.memory_space<semaphore_mem>>) src(%arg8 : memref<128x128xf32, #tpu.memory_space<vmem>>) dst(%dma_wait3A_46 : memref<128x128xf32, #tpu.memory_space<vmem_shared>>)
      tpu.yield
    }) : () -> ()
    %add3A_7 = arith.constant 128 : i32
    %add3A_8 = arith.addi %mul3A_0, %add3A_7 : i32
    "tpu.region"() ({
      %run_scoped3A = tpu.sem_alloc : memref<!tpu.dma_semaphore, #tpu.memory_space<semaphore_mem>>
      %dma_start3A = arith.constant 0 : i32
      %dma_start3A_41 = tpu.memref_slice %arg9[%add3A_8, %dma_start3A] : memref<10240x128xf32, #tpu.memory_space<vmem_shared>> -> memref<128x128xf32, #tpu.memory_space<vmem_shared>>
      %dma_start3A_42 = arith.constant 0 : i32
      %dma_start3A_43 = tpu.memref_slice %arg9[%add3A_8, %dma_start3A_42] : memref<10240x128xf32, #tpu.memory_space<vmem_shared>> -> memref<128x128xf32, #tpu.memory_space<vmem_shared>>
      tpu.enqueue_dma source(%arg8 : memref<128x128xf32, #tpu.memory_space<vmem>>) target(%dma_start3A_43 : memref<128x128xf32, #tpu.memory_space<vmem_shared>>) target_semaphore(%run_scoped3A : memref<!tpu.dma_semaphore, #tpu.memory_space<semaphore_mem>>)
      %dma_wait3A = arith.constant 0 : i32
      %dma_wait3A_44 = tpu.memref_slice %arg9[%add3A_8, %dma_wait3A] : memref<10240x128xf32, #tpu.memory_space<vmem_shared>> -> memref<128x128xf32, #tpu.memory_space<vmem_shared>>
      %dma_wait3A_45 = arith.constant 0 : i32
      %dma_wait3A_46 = tpu.memref_slice %arg9[%add3A_8, %dma_wait3A_45] : memref<10240x128xf32, #tpu.memory_space<vmem_shared>> -> memref<128x128xf32, #tpu.memory_space<vmem_shared>>
      tpu.wait_dma2 semaphore(%run_scoped3A : memref<!tpu.dma_semaphore, #tpu.memory_space<semaphore_mem>>) src(%arg8 : memref<128x128xf32, #tpu.memory_space<vmem>>) dst(%dma_wait3A_46 : memref<128x128xf32, #tpu.memory_space<vmem_shared>>)
      tpu.yield
    }) : () -> ()
    %add3A_9 = arith.constant 256 : i32
    %add3A_10 = arith.addi %mul3A_0, %add3A_9 : i32
    "tpu.region"() ({
      %run_scoped3A = tpu.sem_alloc : memref<!tpu.dma_semaphore, #tpu.memory_space<semaphore_mem>>
      %dma_start3A = arith.constant 0 : i32
      %dma_start3A_41 = tpu.memref_slice %arg9[%add3A_10, %dma_start3A] : memref<10240x128xf32, #tpu.memory_space<vmem_shared>> -> memref<128x128xf32, #tpu.memory_space<vmem_shared>>
      %dma_start3A_42 = arith.constant 0 : i32
      %dma_start3A_43 = tpu.memref_slice %arg9[%add3A_10, %dma_start3A_42] : memref<10240x128xf32, #tpu.memory_space<vmem_shared>> -> memref<128x128xf32, #tpu.memory_space<vmem_shared>>
      tpu.enqueue_dma source(%arg8 : memref<128x128xf32, #tpu.memory_space<vmem>>) target(%dma_start3A_43 : memref<128x128xf32, #tpu.memory_space<vmem_shared>>) target_semaphore(%run_scoped3A : memref<!tpu.dma_semaphore, #tpu.memory_space<semaphore_mem>>)
      %dma_wait3A = arith.constant 0 : i32
      %dma_wait3A_44 = tpu.memref_slice %arg9[%add3A_10, %dma_wait3A] : memref<10240x128xf32, #tpu.memory_space<vmem_shared>> -> memref<128x128xf32, #tpu.memory_space<vmem_shared>>
      %dma_wait3A_45 = arith.constant 0 : i32
      %dma_wait3A_46 = tpu.memref_slice %arg9[%add3A_10, %dma_wait3A_45] : memref<10240x128xf32, #tpu.memory_space<vmem_shared>> -> memref<128x128xf32, #tpu.memory_space<vmem_shared>>
      tpu.wait_dma2 semaphore(%run_scoped3A : memref<!tpu.dma_semaphore, #tpu.memory_space<semaphore_mem>>) src(%arg8 : memref<128x128xf32, #tpu.memory_space<vmem>>) dst(%dma_wait3A_46 : memref<128x128xf32, #tpu.memory_space<vmem_shared>>)
      tpu.yield
    }) : () -> ()
    %add3A_11 = arith.constant 384 : i32
    %add3A_12 = arith.addi %mul3A_0, %add3A_11 : i32
    "tpu.region"() ({
      %run_scoped3A = tpu.sem_alloc : memref<!tpu.dma_semaphore, #tpu.memory_space<semaphore_mem>>
      %dma_start3A = arith.constant 0 : i32
      %dma_start3A_41 = tpu.memref_slice %arg9[%add3A_12, %dma_start3A] : memref<10240x128xf32, #tpu.memory_space<vmem_shared>> -> memref<128x128xf32, #tpu.memory_space<vmem_shared>>
      %dma_start3A_42 = arith.constant 0 : i32
      %dma_start3A_43 = tpu.memref_slice %arg9[%add3A_12, %dma_start3A_42] : memref<10240x128xf32, #tpu.memory_space<vmem_shared>> -> memref<128x128xf32, #tpu.memory_space<vmem_shared>>
      tpu.enqueue_dma source(%arg8 : memref<128x128xf32, #tpu.memory_space<vmem>>) target(%dma_start3A_43 : memref<128x128xf32, #tpu.memory_space<vmem_shared>>) target_semaphore(%run_scoped3A : memref<!tpu.dma_semaphore, #tpu.memory_space<semaphore_mem>>)
      %dma_wait3A = arith.constant 0 : i32
      %dma_wait3A_44 = tpu.memref_slice %arg9[%add3A_12, %dma_wait3A] : memref<10240x128xf32, #tpu.memory_space<vmem_shared>> -> memref<128x128xf32, #tpu.memory_space<vmem_shared>>
      %dma_wait3A_45 = arith.constant 0 : i32
      %dma_wait3A_46 = tpu.memref_slice %arg9[%add3A_12, %dma_wait3A_45] : memref<10240x128xf32, #tpu.memory_space<vmem_shared>> -> memref<128x128xf32, #tpu.memory_space<vmem_shared>>
      tpu.wait_dma2 semaphore(%run_scoped3A : memref<!tpu.dma_semaphore, #tpu.memory_space<semaphore_mem>>) src(%arg8 : memref<128x128xf32, #tpu.memory_space<vmem>>) dst(%dma_wait3A_46 : memref<128x128xf32, #tpu.memory_space<vmem_shared>>)
      tpu.yield
    }) : () -> ()
    %add3A_13 = arith.constant 512 : i32
    %add3A_14 = arith.addi %mul3A_0, %add3A_13 : i32
    "tpu.region"() ({
      %run_scoped3A = tpu.sem_alloc : memref<!tpu.dma_semaphore, #tpu.memory_space<semaphore_mem>>
      %dma_start3A = arith.constant 0 : i32
      %dma_start3A_41 = tpu.memref_slice %arg9[%add3A_14, %dma_start3A] : memref<10240x128xf32, #tpu.memory_space<vmem_shared>> -> memref<128x128xf32, #tpu.memory_space<vmem_shared>>
      %dma_start3A_42 = arith.constant 0 : i32
      %dma_start3A_43 = tpu.memref_slice %arg9[%add3A_14, %dma_start3A_42] : memref<10240x128xf32, #tpu.memory_space<vmem_shared>> -> memref<128x128xf32, #tpu.memory_space<vmem_shared>>
      tpu.enqueue_dma source(%arg8 : memref<128x128xf32, #tpu.memory_space<vmem>>) target(%dma_start3A_43 : memref<128x128xf32, #tpu.memory_space<vmem_shared>>) target_semaphore(%run_scoped3A : memref<!tpu.dma_semaphore, #tpu.memory_space<semaphore_mem>>)
      %dma_wait3A = arith.constant 0 : i32
      %dma_wait3A_44 = tpu.memref_slice %arg9[%add3A_14, %dma_wait3A] : memref<10240x128xf32, #tpu.memory_space<vmem_shared>> -> memref<128x128xf32, #tpu.memory_space<vmem_shared>>
      %dma_wait3A_45 = arith.constant 0 : i32
      %dma_wait3A_46 = tpu.memref_slice %arg9[%add3A_14, %dma_wait3A_45] : memref<10240x128xf32, #tpu.memory_space<vmem_shared>> -> memref<128x128xf32, #tpu.memory_space<vmem_shared>>
      tpu.wait_dma2 semaphore(%run_scoped3A : memref<!tpu.dma_semaphore, #tpu.memory_space<semaphore_mem>>) src(%arg8 : memref<128x128xf32, #tpu.memory_space<vmem>>) dst(%dma_wait3A_46 : memref<128x128xf32, #tpu.memory_space<vmem_shared>>)
      tpu.yield
    }) : () -> ()
    %barrier3A = arith.constant 0 : index
    tpu.barrier barrier_id(%barrier3A)
    %scan3A = arith.constant 0 : i32
    %scan3A_15 = arith.constant 0 : i32
    %scan3A_16 = arith.constant 80 : i32
    %scan3A_17 = arith.addi %scan3A_15, %scan3A_16 : i32
    %scan3A_18 = arith.constant 1 : i32
    scf.for %scan3A_41 = %scan3A_15 to %scan3A_17 step %scan3A_18  : i32 {
      %add3A_42 = arith.addi %mul3A_4, %scan3A_41 : i32
      "tpu.region"() ({
        %run_scoped3A = tpu.sem_alloc : memref<!tpu.dma_semaphore, #tpu.memory_space<semaphore_mem>>
        %dma_start3A = arith.constant 0 : i32
        %dma_start3A_43 = tpu.memref_slice %arg2[%add3A_42, %dma_start3A] : memref<2560x128xi32, #tpu.memory_space<hbm>> -> memref<1x128xi32, #tpu.memory_space<hbm>>
        %dma_start3A_44 = tpu.memref_squeeze %dma_start3A_43 : memref<1x128xi32, #tpu.memory_space<hbm>> -> memref<128xi32, #tpu.memory_space<hbm>>
        %dma_start3A_45 = arith.constant 0 : i32
        %dma_start3A_46 = tpu.memref_slice %arg2[%add3A_42, %dma_start3A_45] : memref<2560x128xi32, #tpu.memory_space<hbm>> -> memref<1x128xi32, #tpu.memory_space<hbm>>
        %dma_start3A_47 = tpu.memref_squeeze %dma_start3A_46 : memref<1x128xi32, #tpu.memory_space<hbm>> -> memref<128xi32, #tpu.memory_space<hbm>>
        tpu.enqueue_dma source(%dma_start3A_47 : memref<128xi32, #tpu.memory_space<hbm>>) target(%arg6 : memref<128xi32, #tpu.memory_space<vmem>>) target_semaphore(%run_scoped3A : memref<!tpu.dma_semaphore, #tpu.memory_space<semaphore_mem>>)
        %dma_wait3A = arith.constant 0 : i32
        %dma_wait3A_48 = tpu.memref_slice %arg2[%add3A_42, %dma_wait3A] : memref<2560x128xi32, #tpu.memory_space<hbm>> -> memref<1x128xi32, #tpu.memory_space<hbm>>
        %dma_wait3A_49 = tpu.memref_squeeze %dma_wait3A_48 : memref<1x128xi32, #tpu.memory_space<hbm>> -> memref<128xi32, #tpu.memory_space<hbm>>
        %dma_wait3A_50 = arith.constant 0 : i32
        %dma_wait3A_51 = tpu.memref_slice %arg2[%add3A_42, %dma_wait3A_50] : memref<2560x128xi32, #tpu.memory_space<hbm>> -> memref<1x128xi32, #tpu.memory_space<hbm>>
        %dma_wait3A_52 = tpu.memref_squeeze %dma_wait3A_51 : memref<1x128xi32, #tpu.memory_space<hbm>> -> memref<128xi32, #tpu.memory_space<hbm>>
        tpu.wait_dma2 semaphore(%run_scoped3A : memref<!tpu.dma_semaphore, #tpu.memory_space<semaphore_mem>>) src(%dma_wait3A_52 : memref<128xi32, #tpu.memory_space<hbm>>) dst(%arg6 : memref<128xi32, #tpu.memory_space<vmem>>)
        tpu.yield
      }) : () -> ()
      "tpu.region"() ({
        %run_scoped3A = tpu.sem_alloc : memref<!tpu.dma_semaphore, #tpu.memory_space<semaphore_mem>>
        %dma_start3A = arith.constant 0 : i32
        %dma_start3A_43 = arith.constant 0 : i32
        %dma_start3A_44 = tpu.memref_slice %arg9[%dma_start3A, %dma_start3A_43] : memref<10240x128xf32, #tpu.memory_space<vmem_shared>> -> memref<10240x128xf32, #tpu.memory_space<vmem_shared>>
        tpu.enqueue_indirect_dma source(%arg7 : memref<128x128xf32, #tpu.memory_space<vmem>>) target(%dma_start3A_44 : memref<10240x128xf32, #tpu.memory_space<vmem_shared>>) offsets(%arg6 : memref<128xi32, #tpu.memory_space<vmem>>) semaphore(%run_scoped3A : memref<!tpu.dma_semaphore, #tpu.memory_space<semaphore_mem>>) {add = true}
        %dma_wait3A = arith.constant 0 : i32
        %dma_wait3A_45 = arith.constant 0 : i32
        %dma_wait3A_46 = tpu.memref_slice %arg9[%dma_wait3A, %dma_wait3A_45] : memref<10240x128xf32, #tpu.memory_space<vmem_shared>> -> memref<10240x128xf32, #tpu.memory_space<vmem_shared>>
        tpu.wait_indirect_dma semaphore(%run_scoped3A : memref<!tpu.dma_semaphore, #tpu.memory_space<semaphore_mem>>) src(%arg7 : memref<128x128xf32, #tpu.memory_space<vmem>>) dst(%dma_wait3A_46 : memref<10240x128xf32, #tpu.memory_space<vmem_shared>>)
        tpu.yield
      }) : () -> ()
    }
    %scan3A_19 = arith.constant 80 : i32
    %barrier3A_20 = arith.constant 0 : index
    tpu.barrier barrier_id(%barrier3A_20)
    %add3A_21 = arith.constant 0 : i32
    %add3A_22 = arith.addi %mul3A_0, %add3A_21 : i32
    "tpu.region"() ({
      %run_scoped3A = tpu.sem_alloc : memref<!tpu.dma_semaphore, #tpu.memory_space<semaphore_mem>>
      %dma_start3A = arith.constant 0 : i32
      %dma_start3A_41 = tpu.memref_slice %arg9[%add3A_22, %dma_start3A] : memref<10240x128xf32, #tpu.memory_space<vmem_shared>> -> memref<128x128xf32, #tpu.memory_space<vmem_shared>>
      %dma_start3A_42 = arith.constant 0 : i32
      %dma_start3A_43 = tpu.memref_slice %arg9[%add3A_22, %dma_start3A_42] : memref<10240x128xf32, #tpu.memory_space<vmem_shared>> -> memref<128x128xf32, #tpu.memory_space<vmem_shared>>
      tpu.enqueue_dma source(%dma_start3A_43 : memref<128x128xf32, #tpu.memory_space<vmem_shared>>) target(%arg8 : memref<128x128xf32, #tpu.memory_space<vmem>>) target_semaphore(%run_scoped3A : memref<!tpu.dma_semaphore, #tpu.memory_space<semaphore_mem>>)
      %dma_wait3A = arith.constant 0 : i32
      %dma_wait3A_44 = tpu.memref_slice %arg9[%add3A_22, %dma_wait3A] : memref<10240x128xf32, #tpu.memory_space<vmem_shared>> -> memref<128x128xf32, #tpu.memory_space<vmem_shared>>
      %dma_wait3A_45 = arith.constant 0 : i32
      %dma_wait3A_46 = tpu.memref_slice %arg9[%add3A_22, %dma_wait3A_45] : memref<10240x128xf32, #tpu.memory_space<vmem_shared>> -> memref<128x128xf32, #tpu.memory_space<vmem_shared>>
      tpu.wait_dma2 semaphore(%run_scoped3A : memref<!tpu.dma_semaphore, #tpu.memory_space<semaphore_mem>>) src(%dma_wait3A_46 : memref<128x128xf32, #tpu.memory_space<vmem_shared>>) dst(%arg8 : memref<128x128xf32, #tpu.memory_space<vmem>>)
      tpu.yield
    }) : () -> ()
    %add3A_23 = arith.constant 0 : i32
    %add3A_24 = arith.addi %mul3A_0, %add3A_23 : i32
    "tpu.region"() ({
      %run_scoped3A = tpu.sem_alloc : memref<!tpu.dma_semaphore, #tpu.memory_space<semaphore_mem>>
      %dma_start3A = arith.constant 0 : i32
      %dma_start3A_41 = tpu.memref_slice %arg5[%arg0, %add3A_24, %dma_start3A] : memref<2x10240x128xf32, #tpu.memory_space<hbm>> -> memref<1x128x128xf32, #tpu.memory_space<hbm>>
      %dma_start3A_42 = tpu.memref_squeeze %dma_start3A_41 : memref<1x128x128xf32, #tpu.memory_space<hbm>> -> memref<128x128xf32, #tpu.memory_space<hbm>>
      %dma_start3A_43 = arith.constant 0 : i32
      %dma_start3A_44 = tpu.memref_slice %arg5[%arg0, %add3A_24, %dma_start3A_43] : memref<2x10240x128xf32, #tpu.memory_space<hbm>> -> memref<1x128x128xf32, #tpu.memory_space<hbm>>
      %dma_start3A_45 = tpu.memref_squeeze %dma_start3A_44 : memref<1x128x128xf32, #tpu.memory_space<hbm>> -> memref<128x128xf32, #tpu.memory_space<hbm>>
      tpu.enqueue_dma source(%arg8 : memref<128x128xf32, #tpu.memory_space<vmem>>) target(%dma_start3A_45 : memref<128x128xf32, #tpu.memory_space<hbm>>) target_semaphore(%run_scoped3A : memref<!tpu.dma_semaphore, #tpu.memory_space<semaphore_mem>>)
      %dma_wait3A = arith.constant 0 : i32
      %dma_wait3A_46 = tpu.memref_slice %arg5[%arg0, %add3A_24, %dma_wait3A] : memref<2x10240x128xf32, #tpu.memory_space<hbm>> -> memref<1x128x128xf32, #tpu.memory_space<hbm>>
      %dma_wait3A_47 = tpu.memref_squeeze %dma_wait3A_46 : memref<1x128x128xf32, #tpu.memory_space<hbm>> -> memref<128x128xf32, #tpu.memory_space<hbm>>
      %dma_wait3A_48 = arith.constant 0 : i32
      %dma_wait3A_49 = tpu.memref_slice %arg5[%arg0, %add3A_24, %dma_wait3A_48] : memref<2x10240x128xf32, #tpu.memory_space<hbm>> -> memref<1x128x128xf32, #tpu.memory_space<hbm>>
      %dma_wait3A_50 = tpu.memref_squeeze %dma_wait3A_49 : memref<1x128x128xf32, #tpu.memory_space<hbm>> -> memref<128x128xf32, #tpu.memory_space<hbm>>
      tpu.wait_dma2 semaphore(%run_scoped3A : memref<!tpu.dma_semaphore, #tpu.memory_space<semaphore_mem>>) src(%arg8 : memref<128x128xf32, #tpu.memory_space<vmem>>) dst(%dma_wait3A_50 : memref<128x128xf32, #tpu.memory_space<hbm>>)
      tpu.yield
    }) : () -> ()
    %add3A_25 = arith.constant 128 : i32
    %add3A_26 = arith.addi %mul3A_0, %add3A_25 : i32
    "tpu.region"() ({
      %run_scoped3A = tpu.sem_alloc : memref<!tpu.dma_semaphore, #tpu.memory_space<semaphore_mem>>
      %dma_start3A = arith.constant 0 : i32
      %dma_start3A_41 = tpu.memref_slice %arg9[%add3A_26, %dma_start3A] : memref<10240x128xf32, #tpu.memory_space<vmem_shared>> -> memref<128x128xf32, #tpu.memory_space<vmem_shared>>
      %dma_start3A_42 = arith.constant 0 : i32
      %dma_start3A_43 = tpu.memref_slice %arg9[%add3A_26, %dma_start3A_42] : memref<10240x128xf32, #tpu.memory_space<vmem_shared>> -> memref<128x128xf32, #tpu.memory_space<vmem_shared>>
      tpu.enqueue_dma source(%dma_start3A_43 : memref<128x128xf32, #tpu.memory_space<vmem_shared>>) target(%arg8 : memref<128x128xf32, #tpu.memory_space<vmem>>) target_semaphore(%run_scoped3A : memref<!tpu.dma_semaphore, #tpu.memory_space<semaphore_mem>>)
      %dma_wait3A = arith.constant 0 : i32
      %dma_wait3A_44 = tpu.memref_slice %arg9[%add3A_26, %dma_wait3A] : memref<10240x128xf32, #tpu.memory_space<vmem_shared>> -> memref<128x128xf32, #tpu.memory_space<vmem_shared>>
      %dma_wait3A_45 = arith.constant 0 : i32
      %dma_wait3A_46 = tpu.memref_slice %arg9[%add3A_26, %dma_wait3A_45] : memref<10240x128xf32, #tpu.memory_space<vmem_shared>> -> memref<128x128xf32, #tpu.memory_space<vmem_shared>>
      tpu.wait_dma2 semaphore(%run_scoped3A : memref<!tpu.dma_semaphore, #tpu.memory_space<semaphore_mem>>) src(%dma_wait3A_46 : memref<128x128xf32, #tpu.memory_space<vmem_shared>>) dst(%arg8 : memref<128x128xf32, #tpu.memory_space<vmem>>)
      tpu.yield
    }) : () -> ()
    %add3A_27 = arith.constant 128 : i32
    %add3A_28 = arith.addi %mul3A_0, %add3A_27 : i32
    "tpu.region"() ({
      %run_scoped3A = tpu.sem_alloc : memref<!tpu.dma_semaphore, #tpu.memory_space<semaphore_mem>>
      %dma_start3A = arith.constant 0 : i32
      %dma_start3A_41 = tpu.memref_slice %arg5[%arg0, %add3A_28, %dma_start3A] : memref<2x10240x128xf32, #tpu.memory_space<hbm>> -> memref<1x128x128xf32, #tpu.memory_space<hbm>>
      %dma_start3A_42 = tpu.memref_squeeze %dma_start3A_41 : memref<1x128x128xf32, #tpu.memory_space<hbm>> -> memref<128x128xf32, #tpu.memory_space<hbm>>
      %dma_start3A_43 = arith.constant 0 : i32
      %dma_start3A_44 = tpu.memref_slice %arg5[%arg0, %add3A_28, %dma_start3A_43] : memref<2x10240x128xf32, #tpu.memory_space<hbm>> -> memref<1x128x128xf32, #tpu.memory_space<hbm>>
      %dma_start3A_45 = tpu.memref_squeeze %dma_start3A_44 : memref<1x128x128xf32, #tpu.memory_space<hbm>> -> memref<128x128xf32, #tpu.memory_space<hbm>>
      tpu.enqueue_dma source(%arg8 : memref<128x128xf32, #tpu.memory_space<vmem>>) target(%dma_start3A_45 : memref<128x128xf32, #tpu.memory_space<hbm>>) target_semaphore(%run_scoped3A : memref<!tpu.dma_semaphore, #tpu.memory_space<semaphore_mem>>)
      %dma_wait3A = arith.constant 0 : i32
      %dma_wait3A_46 = tpu.memref_slice %arg5[%arg0, %add3A_28, %dma_wait3A] : memref<2x10240x128xf32, #tpu.memory_space<hbm>> -> memref<1x128x128xf32, #tpu.memory_space<hbm>>
      %dma_wait3A_47 = tpu.memref_squeeze %dma_wait3A_46 : memref<1x128x128xf32, #tpu.memory_space<hbm>> -> memref<128x128xf32, #tpu.memory_space<hbm>>
      %dma_wait3A_48 = arith.constant 0 : i32
      %dma_wait3A_49 = tpu.memref_slice %arg5[%arg0, %add3A_28, %dma_wait3A_48] : memref<2x10240x128xf32, #tpu.memory_space<hbm>> -> memref<1x128x128xf32, #tpu.memory_space<hbm>>
      %dma_wait3A_50 = tpu.memref_squeeze %dma_wait3A_49 : memref<1x128x128xf32, #tpu.memory_space<hbm>> -> memref<128x128xf32, #tpu.memory_space<hbm>>
      tpu.wait_dma2 semaphore(%run_scoped3A : memref<!tpu.dma_semaphore, #tpu.memory_space<semaphore_mem>>) src(%arg8 : memref<128x128xf32, #tpu.memory_space<vmem>>) dst(%dma_wait3A_50 : memref<128x128xf32, #tpu.memory_space<hbm>>)
      tpu.yield
    }) : () -> ()
    %add3A_29 = arith.constant 256 : i32
    %add3A_30 = arith.addi %mul3A_0, %add3A_29 : i32
    "tpu.region"() ({
      %run_scoped3A = tpu.sem_alloc : memref<!tpu.dma_semaphore, #tpu.memory_space<semaphore_mem>>
      %dma_start3A = arith.constant 0 : i32
      %dma_start3A_41 = tpu.memref_slice %arg9[%add3A_30, %dma_start3A] : memref<10240x128xf32, #tpu.memory_space<vmem_shared>> -> memref<128x128xf32, #tpu.memory_space<vmem_shared>>
      %dma_start3A_42 = arith.constant 0 : i32
      %dma_start3A_43 = tpu.memref_slice %arg9[%add3A_30, %dma_start3A_42] : memref<10240x128xf32, #tpu.memory_space<vmem_shared>> -> memref<128x128xf32, #tpu.memory_space<vmem_shared>>
      tpu.enqueue_dma source(%dma_start3A_43 : memref<128x128xf32, #tpu.memory_space<vmem_shared>>) target(%arg8 : memref<128x128xf32, #tpu.memory_space<vmem>>) target_semaphore(%run_scoped3A : memref<!tpu.dma_semaphore, #tpu.memory_space<semaphore_mem>>)
      %dma_wait3A = arith.constant 0 : i32
      %dma_wait3A_44 = tpu.memref_slice %arg9[%add3A_30, %dma_wait3A] : memref<10240x128xf32, #tpu.memory_space<vmem_shared>> -> memref<128x128xf32, #tpu.memory_space<vmem_shared>>
      %dma_wait3A_45 = arith.constant 0 : i32
      %dma_wait3A_46 = tpu.memref_slice %arg9[%add3A_30, %dma_wait3A_45] : memref<10240x128xf32, #tpu.memory_space<vmem_shared>> -> memref<128x128xf32, #tpu.memory_space<vmem_shared>>
      tpu.wait_dma2 semaphore(%run_scoped3A : memref<!tpu.dma_semaphore, #tpu.memory_space<semaphore_mem>>) src(%dma_wait3A_46 : memref<128x128xf32, #tpu.memory_space<vmem_shared>>) dst(%arg8 : memref<128x128xf32, #tpu.memory_space<vmem>>)
      tpu.yield
    }) : () -> ()
    %add3A_31 = arith.constant 256 : i32
    %add3A_32 = arith.addi %mul3A_0, %add3A_31 : i32
    "tpu.region"() ({
      %run_scoped3A = tpu.sem_alloc : memref<!tpu.dma_semaphore, #tpu.memory_space<semaphore_mem>>
      %dma_start3A = arith.constant 0 : i32
      %dma_start3A_41 = tpu.memref_slice %arg5[%arg0, %add3A_32, %dma_start3A] : memref<2x10240x128xf32, #tpu.memory_space<hbm>> -> memref<1x128x128xf32, #tpu.memory_space<hbm>>
      %dma_start3A_42 = tpu.memref_squeeze %dma_start3A_41 : memref<1x128x128xf32, #tpu.memory_space<hbm>> -> memref<128x128xf32, #tpu.memory_space<hbm>>
      %dma_start3A_43 = arith.constant 0 : i32
      %dma_start3A_44 = tpu.memref_slice %arg5[%arg0, %add3A_32, %dma_start3A_43] : memref<2x10240x128xf32, #tpu.memory_space<hbm>> -> memref<1x128x128xf32, #tpu.memory_space<hbm>>
      %dma_start3A_45 = tpu.memref_squeeze %dma_start3A_44 : memref<1x128x128xf32, #tpu.memory_space<hbm>> -> memref<128x128xf32, #tpu.memory_space<hbm>>
      tpu.enqueue_dma source(%arg8 : memref<128x128xf32, #tpu.memory_space<vmem>>) target(%dma_start3A_45 : memref<128x128xf32, #tpu.memory_space<hbm>>) target_semaphore(%run_scoped3A : memref<!tpu.dma_semaphore, #tpu.memory_space<semaphore_mem>>)
      %dma_wait3A = arith.constant 0 : i32
      %dma_wait3A_46 = tpu.memref_slice %arg5[%arg0, %add3A_32, %dma_wait3A] : memref<2x10240x128xf32, #tpu.memory_space<hbm>> -> memref<1x128x128xf32, #tpu.memory_space<hbm>>
      %dma_wait3A_47 = tpu.memref_squeeze %dma_wait3A_46 : memref<1x128x128xf32, #tpu.memory_space<hbm>> -> memref<128x128xf32, #tpu.memory_space<hbm>>
      %dma_wait3A_48 = arith.constant 0 : i32
      %dma_wait3A_49 = tpu.memref_slice %arg5[%arg0, %add3A_32, %dma_wait3A_48] : memref<2x10240x128xf32, #tpu.memory_space<hbm>> -> memref<1x128x128xf32, #tpu.memory_space<hbm>>
      %dma_wait3A_50 = tpu.memref_squeeze %dma_wait3A_49 : memref<1x128x128xf32, #tpu.memory_space<hbm>> -> memref<128x128xf32, #tpu.memory_space<hbm>>
      tpu.wait_dma2 semaphore(%run_scoped3A : memref<!tpu.dma_semaphore, #tpu.memory_space<semaphore_mem>>) src(%arg8 : memref<128x128xf32, #tpu.memory_space<vmem>>) dst(%dma_wait3A_50 : memref<128x128xf32, #tpu.memory_space<hbm>>)
      tpu.yield
    }) : () -> ()
    %add3A_33 = arith.constant 384 : i32
    %add3A_34 = arith.addi %mul3A_0, %add3A_33 : i32
    "tpu.region"() ({
      %run_scoped3A = tpu.sem_alloc : memref<!tpu.dma_semaphore, #tpu.memory_space<semaphore_mem>>
      %dma_start3A = arith.constant 0 : i32
      %dma_start3A_41 = tpu.memref_slice %arg9[%add3A_34, %dma_start3A] : memref<10240x128xf32, #tpu.memory_space<vmem_shared>> -> memref<128x128xf32, #tpu.memory_space<vmem_shared>>
      %dma_start3A_42 = arith.constant 0 : i32
      %dma_start3A_43 = tpu.memref_slice %arg9[%add3A_34, %dma_start3A_42] : memref<10240x128xf32, #tpu.memory_space<vmem_shared>> -> memref<128x128xf32, #tpu.memory_space<vmem_shared>>
      tpu.enqueue_dma source(%dma_start3A_43 : memref<128x128xf32, #tpu.memory_space<vmem_shared>>) target(%arg8 : memref<128x128xf32, #tpu.memory_space<vmem>>) target_semaphore(%run_scoped3A : memref<!tpu.dma_semaphore, #tpu.memory_space<semaphore_mem>>)
      %dma_wait3A = arith.constant 0 : i32
      %dma_wait3A_44 = tpu.memref_slice %arg9[%add3A_34, %dma_wait3A] : memref<10240x128xf32, #tpu.memory_space<vmem_shared>> -> memref<128x128xf32, #tpu.memory_space<vmem_shared>>
      %dma_wait3A_45 = arith.constant 0 : i32
      %dma_wait3A_46 = tpu.memref_slice %arg9[%add3A_34, %dma_wait3A_45] : memref<10240x128xf32, #tpu.memory_space<vmem_shared>> -> memref<128x128xf32, #tpu.memory_space<vmem_shared>>
      tpu.wait_dma2 semaphore(%run_scoped3A : memref<!tpu.dma_semaphore, #tpu.memory_space<semaphore_mem>>) src(%dma_wait3A_46 : memref<128x128xf32, #tpu.memory_space<vmem_shared>>) dst(%arg8 : memref<128x128xf32, #tpu.memory_space<vmem>>)
      tpu.yield
    }) : () -> ()
    %add3A_35 = arith.constant 384 : i32
    %add3A_36 = arith.addi %mul3A_0, %add3A_35 : i32
    "tpu.region"() ({
      %run_scoped3A = tpu.sem_alloc : memref<!tpu.dma_semaphore, #tpu.memory_space<semaphore_mem>>
      %dma_start3A = arith.constant 0 : i32
      %dma_start3A_41 = tpu.memref_slice %arg5[%arg0, %add3A_36, %dma_start3A] : memref<2x10240x128xf32, #tpu.memory_space<hbm>> -> memref<1x128x128xf32, #tpu.memory_space<hbm>>
      %dma_start3A_42 = tpu.memref_squeeze %dma_start3A_41 : memref<1x128x128xf32, #tpu.memory_space<hbm>> -> memref<128x128xf32, #tpu.memory_space<hbm>>
      %dma_start3A_43 = arith.constant 0 : i32
      %dma_start3A_44 = tpu.memref_slice %arg5[%arg0, %add3A_36, %dma_start3A_43] : memref<2x10240x128xf32, #tpu.memory_space<hbm>> -> memref<1x128x128xf32, #tpu.memory_space<hbm>>
      %dma_start3A_45 = tpu.memref_squeeze %dma_start3A_44 : memref<1x128x128xf32, #tpu.memory_space<hbm>> -> memref<128x128xf32, #tpu.memory_space<hbm>>
      tpu.enqueue_dma source(%arg8 : memref<128x128xf32, #tpu.memory_space<vmem>>) target(%dma_start3A_45 : memref<128x128xf32, #tpu.memory_space<hbm>>) target_semaphore(%run_scoped3A : memref<!tpu.dma_semaphore, #tpu.memory_space<semaphore_mem>>)
      %dma_wait3A = arith.constant 0 : i32
      %dma_wait3A_46 = tpu.memref_slice %arg5[%arg0, %add3A_36, %dma_wait3A] : memref<2x10240x128xf32, #tpu.memory_space<hbm>> -> memref<1x128x128xf32, #tpu.memory_space<hbm>>
      %dma_wait3A_47 = tpu.memref_squeeze %dma_wait3A_46 : memref<1x128x128xf32, #tpu.memory_space<hbm>> -> memref<128x128xf32, #tpu.memory_space<hbm>>
      %dma_wait3A_48 = arith.constant 0 : i32
      %dma_wait3A_49 = tpu.memref_slice %arg5[%arg0, %add3A_36, %dma_wait3A_48] : memref<2x10240x128xf32, #tpu.memory_space<hbm>> -> memref<1x128x128xf32, #tpu.memory_space<hbm>>
      %dma_wait3A_50 = tpu.memref_squeeze %dma_wait3A_49 : memref<1x128x128xf32, #tpu.memory_space<hbm>> -> memref<128x128xf32, #tpu.memory_space<hbm>>
      tpu.wait_dma2 semaphore(%run_scoped3A : memref<!tpu.dma_semaphore, #tpu.memory_space<semaphore_mem>>) src(%arg8 : memref<128x128xf32, #tpu.memory_space<vmem>>) dst(%dma_wait3A_50 : memref<128x128xf32, #tpu.memory_space<hbm>>)
      tpu.yield
    }) : () -> ()
    %add3A_37 = arith.constant 512 : i32
    %add3A_38 = arith.addi %mul3A_0, %add3A_37 : i32
    "tpu.region"() ({
      %run_scoped3A = tpu.sem_alloc : memref<!tpu.dma_semaphore, #tpu.memory_space<semaphore_mem>>
      %dma_start3A = arith.constant 0 : i32
      %dma_start3A_41 = tpu.memref_slice %arg9[%add3A_38, %dma_start3A] : memref<10240x128xf32, #tpu.memory_space<vmem_shared>> -> memref<128x128xf32, #tpu.memory_space<vmem_shared>>
      %dma_start3A_42 = arith.constant 0 : i32
      %dma_start3A_43 = tpu.memref_slice %arg9[%add3A_38, %dma_start3A_42] : memref<10240x128xf32, #tpu.memory_space<vmem_shared>> -> memref<128x128xf32, #tpu.memory_space<vmem_shared>>
      tpu.enqueue_dma source(%dma_start3A_43 : memref<128x128xf32, #tpu.memory_space<vmem_shared>>) target(%arg8 : memref<128x128xf32, #tpu.memory_space<vmem>>) target_semaphore(%run_scoped3A : memref<!tpu.dma_semaphore, #tpu.memory_space<semaphore_mem>>)
      %dma_wait3A = arith.constant 0 : i32
      %dma_wait3A_44 = tpu.memref_slice %arg9[%add3A_38, %dma_wait3A] : memref<10240x128xf32, #tpu.memory_space<vmem_shared>> -> memref<128x128xf32, #tpu.memory_space<vmem_shared>>
      %dma_wait3A_45 = arith.constant 0 : i32
      %dma_wait3A_46 = tpu.memref_slice %arg9[%add3A_38, %dma_wait3A_45] : memref<10240x128xf32, #tpu.memory_space<vmem_shared>> -> memref<128x128xf32, #tpu.memory_space<vmem_shared>>
      tpu.wait_dma2 semaphore(%run_scoped3A : memref<!tpu.dma_semaphore, #tpu.memory_space<semaphore_mem>>) src(%dma_wait3A_46 : memref<128x128xf32, #tpu.memory_space<vmem_shared>>) dst(%arg8 : memref<128x128xf32, #tpu.memory_space<vmem>>)
      tpu.yield
    }) : () -> ()
    %add3A_39 = arith.constant 512 : i32
    %add3A_40 = arith.addi %mul3A_0, %add3A_39 : i32
    "tpu.region"() ({
      %run_scoped3A = tpu.sem_alloc : memref<!tpu.dma_semaphore, #tpu.memory_space<semaphore_mem>>
      %dma_start3A = arith.constant 0 : i32
      %dma_start3A_41 = tpu.memref_slice %arg5[%arg0, %add3A_40, %dma_start3A] : memref<2x10240x128xf32, #tpu.memory_space<hbm>> -> memref<1x128x128xf32, #tpu.memory_space<hbm>>
      %dma_start3A_42 = tpu.memref_squeeze %dma_start3A_41 : memref<1x128x128xf32, #tpu.memory_space<hbm>> -> memref<128x128xf32, #tpu.memory_space<hbm>>
      %dma_start3A_43 = arith.constant 0 : i32
      %dma_start3A_44 = tpu.memref_slice %arg5[%arg0, %add3A_40, %dma_start3A_43] : memref<2x10240x128xf32, #tpu.memory_space<hbm>> -> memref<1x128x128xf32, #tpu.memory_space<hbm>>
      %dma_start3A_45 = tpu.memref_squeeze %dma_start3A_44 : memref<1x128x128xf32, #tpu.memory_space<hbm>> -> memref<128x128xf32, #tpu.memory_space<hbm>>
      tpu.enqueue_dma source(%arg8 : memref<128x128xf32, #tpu.memory_space<vmem>>) target(%dma_start3A_45 : memref<128x128xf32, #tpu.memory_space<hbm>>) target_semaphore(%run_scoped3A : memref<!tpu.dma_semaphore, #tpu.memory_space<semaphore_mem>>)
      %dma_wait3A = arith.constant 0 : i32
      %dma_wait3A_46 = tpu.memref_slice %arg5[%arg0, %add3A_40, %dma_wait3A] : memref<2x10240x128xf32, #tpu.memory_space<hbm>> -> memref<1x128x128xf32, #tpu.memory_space<hbm>>
      %dma_wait3A_47 = tpu.memref_squeeze %dma_wait3A_46 : memref<1x128x128xf32, #tpu.memory_space<hbm>> -> memref<128x128xf32, #tpu.memory_space<hbm>>
      %dma_wait3A_48 = arith.constant 0 : i32
      %dma_wait3A_49 = tpu.memref_slice %arg5[%arg0, %add3A_40, %dma_wait3A_48] : memref<2x10240x128xf32, #tpu.memory_space<hbm>> -> memref<1x128x128xf32, #tpu.memory_space<hbm>>
      %dma_wait3A_50 = tpu.memref_squeeze %dma_wait3A_49 : memref<1x128x128xf32, #tpu.memory_space<hbm>> -> memref<128x128xf32, #tpu.memory_space<hbm>>
      tpu.wait_dma2 semaphore(%run_scoped3A : memref<!tpu.dma_semaphore, #tpu.memory_space<semaphore_mem>>) src(%arg8 : memref<128x128xf32, #tpu.memory_space<vmem>>) dst(%dma_wait3A_50 : memref<128x128xf32, #tpu.memory_space<hbm>>)
      tpu.yield
    }) : () -> ()
    return
  }
}

#map = affine_map<(d0, d1) -> (0, 0)>
#map1 = affine_map<(d0, d1) -> (0, 0, 0)>
module attributes {stable_mosaic.version = 14 : i64} {
  func.func @_spmm_kernel(%arg0: i32, %arg1: i32, %arg2: memref<10240x128xf32, #tpu.memory_space<hbm>>, %arg3: memref<5120x128xi32, #tpu.memory_space<hbm>>, %arg4: memref<128x128xf32, #tpu.memory_space<hbm>>, %arg5: memref<2x10240x128xf32, #tpu.memory_space<hbm>>, %arg6: memref<32x128xi32, #tpu.memory_space<vmem>>, %arg7: memref<128x128xf32, #tpu.memory_space<vmem>>, %arg8: memref<128x128xf32, #tpu.memory_space<vmem>>, %arg9: memref<10240x128xf32, #tpu.memory_space<vmem_shared>>, %arg10: memref<!tpu.dma_semaphore, #tpu.memory_space<semaphore_mem>>, %arg11: memref<!tpu.dma_semaphore, #tpu.memory_space<semaphore_mem>>, %arg12: memref<!tpu.dma_semaphore, #tpu.memory_space<semaphore_mem>>) attributes {dimension_semantics = [#tpu.dimension_semantics<core_parallel>, #tpu.dimension_semantics<subcore_parallel>], iteration_bounds = array<i64: 2, 16>, scalar_prefetch = 0 : i64, scratch_operands = 7 : i64, tpu.core_type = #tpu.core_type<sc_vector_subcore>, window_params = [{transform_indices = #map}, {transform_indices = #map}, {transform_indices = #map}, {transform_indices = #map1}]} {
    %mul3A = arith.constant 640 : i32
    %mul3A_0 = arith.muli %arg1, %mul3A : i32
    %mul3A_1 = arith.constant 2 : i32
    %mul3A_2 = arith.muli %arg1, %mul3A_1 : i32
    %add3A = arith.addi %mul3A_2, %arg0 : i32
    %mul3A_3 = arith.constant 2 : i32
    %mul3A_4 = arith.muli %mul3A_3, %add3A : i32
    %mul3A_5 = arith.constant 80 : i32
    %mul3A_6 = arith.muli %mul3A_4, %mul3A_5 : i32
    "tpu.region"() ({
      %run_scoped3A = tpu.sem_alloc : memref<!tpu.dma_semaphore, #tpu.memory_space<semaphore_mem>>
      tpu.enqueue_dma source(%arg4 : memref<128x128xf32, #tpu.memory_space<hbm>>) target(%arg7 : memref<128x128xf32, #tpu.memory_space<vmem>>) target_semaphore(%run_scoped3A : memref<!tpu.dma_semaphore, #tpu.memory_space<semaphore_mem>>)
      tpu.wait_dma2 semaphore(%run_scoped3A : memref<!tpu.dma_semaphore, #tpu.memory_space<semaphore_mem>>) src(%arg4 : memref<128x128xf32, #tpu.memory_space<hbm>>) dst(%arg7 : memref<128x128xf32, #tpu.memory_space<vmem>>)
      tpu.yield
    }) : () -> ()
    %add3A_7 = arith.constant 0 : i32
    %add3A_8 = arith.addi %mul3A_0, %add3A_7 : i32
    "tpu.region"() ({
      %run_scoped3A = tpu.sem_alloc : memref<!tpu.dma_semaphore, #tpu.memory_space<semaphore_mem>>
      %dma_start3A_61 = arith.constant 0 : i32
      %dma_start3A_62 = tpu.memref_slice %arg9[%add3A_8, %dma_start3A_61] : memref<10240x128xf32, #tpu.memory_space<vmem_shared>> -> memref<128x128xf32, #tpu.memory_space<vmem_shared>>
      %dma_start3A_63 = arith.constant 0 : i32
      %dma_start3A_64 = tpu.memref_slice %arg9[%add3A_8, %dma_start3A_63] : memref<10240x128xf32, #tpu.memory_space<vmem_shared>> -> memref<128x128xf32, #tpu.memory_space<vmem_shared>>
      tpu.enqueue_dma source(%arg7 : memref<128x128xf32, #tpu.memory_space<vmem>>) target(%dma_start3A_64 : memref<128x128xf32, #tpu.memory_space<vmem_shared>>) target_semaphore(%run_scoped3A : memref<!tpu.dma_semaphore, #tpu.memory_space<semaphore_mem>>)
      %dma_wait3A = arith.constant 0 : i32
      %dma_wait3A_65 = tpu.memref_slice %arg9[%add3A_8, %dma_wait3A] : memref<10240x128xf32, #tpu.memory_space<vmem_shared>> -> memref<128x128xf32, #tpu.memory_space<vmem_shared>>
      %dma_wait3A_66 = arith.constant 0 : i32
      %dma_wait3A_67 = tpu.memref_slice %arg9[%add3A_8, %dma_wait3A_66] : memref<10240x128xf32, #tpu.memory_space<vmem_shared>> -> memref<128x128xf32, #tpu.memory_space<vmem_shared>>
      tpu.wait_dma2 semaphore(%run_scoped3A : memref<!tpu.dma_semaphore, #tpu.memory_space<semaphore_mem>>) src(%arg7 : memref<128x128xf32, #tpu.memory_space<vmem>>) dst(%dma_wait3A_67 : memref<128x128xf32, #tpu.memory_space<vmem_shared>>)
      tpu.yield
    }) : () -> ()
    %add3A_9 = arith.constant 128 : i32
    %add3A_10 = arith.addi %mul3A_0, %add3A_9 : i32
    "tpu.region"() ({
      %run_scoped3A = tpu.sem_alloc : memref<!tpu.dma_semaphore, #tpu.memory_space<semaphore_mem>>
      %dma_start3A_61 = arith.constant 0 : i32
      %dma_start3A_62 = tpu.memref_slice %arg9[%add3A_10, %dma_start3A_61] : memref<10240x128xf32, #tpu.memory_space<vmem_shared>> -> memref<128x128xf32, #tpu.memory_space<vmem_shared>>
      %dma_start3A_63 = arith.constant 0 : i32
      %dma_start3A_64 = tpu.memref_slice %arg9[%add3A_10, %dma_start3A_63] : memref<10240x128xf32, #tpu.memory_space<vmem_shared>> -> memref<128x128xf32, #tpu.memory_space<vmem_shared>>
      tpu.enqueue_dma source(%arg7 : memref<128x128xf32, #tpu.memory_space<vmem>>) target(%dma_start3A_64 : memref<128x128xf32, #tpu.memory_space<vmem_shared>>) target_semaphore(%run_scoped3A : memref<!tpu.dma_semaphore, #tpu.memory_space<semaphore_mem>>)
      %dma_wait3A = arith.constant 0 : i32
      %dma_wait3A_65 = tpu.memref_slice %arg9[%add3A_10, %dma_wait3A] : memref<10240x128xf32, #tpu.memory_space<vmem_shared>> -> memref<128x128xf32, #tpu.memory_space<vmem_shared>>
      %dma_wait3A_66 = arith.constant 0 : i32
      %dma_wait3A_67 = tpu.memref_slice %arg9[%add3A_10, %dma_wait3A_66] : memref<10240x128xf32, #tpu.memory_space<vmem_shared>> -> memref<128x128xf32, #tpu.memory_space<vmem_shared>>
      tpu.wait_dma2 semaphore(%run_scoped3A : memref<!tpu.dma_semaphore, #tpu.memory_space<semaphore_mem>>) src(%arg7 : memref<128x128xf32, #tpu.memory_space<vmem>>) dst(%dma_wait3A_67 : memref<128x128xf32, #tpu.memory_space<vmem_shared>>)
      tpu.yield
    }) : () -> ()
    %add3A_11 = arith.constant 256 : i32
    %add3A_12 = arith.addi %mul3A_0, %add3A_11 : i32
    "tpu.region"() ({
      %run_scoped3A = tpu.sem_alloc : memref<!tpu.dma_semaphore, #tpu.memory_space<semaphore_mem>>
      %dma_start3A_61 = arith.constant 0 : i32
      %dma_start3A_62 = tpu.memref_slice %arg9[%add3A_12, %dma_start3A_61] : memref<10240x128xf32, #tpu.memory_space<vmem_shared>> -> memref<128x128xf32, #tpu.memory_space<vmem_shared>>
      %dma_start3A_63 = arith.constant 0 : i32
      %dma_start3A_64 = tpu.memref_slice %arg9[%add3A_12, %dma_start3A_63] : memref<10240x128xf32, #tpu.memory_space<vmem_shared>> -> memref<128x128xf32, #tpu.memory_space<vmem_shared>>
      tpu.enqueue_dma source(%arg7 : memref<128x128xf32, #tpu.memory_space<vmem>>) target(%dma_start3A_64 : memref<128x128xf32, #tpu.memory_space<vmem_shared>>) target_semaphore(%run_scoped3A : memref<!tpu.dma_semaphore, #tpu.memory_space<semaphore_mem>>)
      %dma_wait3A = arith.constant 0 : i32
      %dma_wait3A_65 = tpu.memref_slice %arg9[%add3A_12, %dma_wait3A] : memref<10240x128xf32, #tpu.memory_space<vmem_shared>> -> memref<128x128xf32, #tpu.memory_space<vmem_shared>>
      %dma_wait3A_66 = arith.constant 0 : i32
      %dma_wait3A_67 = tpu.memref_slice %arg9[%add3A_12, %dma_wait3A_66] : memref<10240x128xf32, #tpu.memory_space<vmem_shared>> -> memref<128x128xf32, #tpu.memory_space<vmem_shared>>
      tpu.wait_dma2 semaphore(%run_scoped3A : memref<!tpu.dma_semaphore, #tpu.memory_space<semaphore_mem>>) src(%arg7 : memref<128x128xf32, #tpu.memory_space<vmem>>) dst(%dma_wait3A_67 : memref<128x128xf32, #tpu.memory_space<vmem_shared>>)
      tpu.yield
    }) : () -> ()
    %add3A_13 = arith.constant 384 : i32
    %add3A_14 = arith.addi %mul3A_0, %add3A_13 : i32
    "tpu.region"() ({
      %run_scoped3A = tpu.sem_alloc : memref<!tpu.dma_semaphore, #tpu.memory_space<semaphore_mem>>
      %dma_start3A_61 = arith.constant 0 : i32
      %dma_start3A_62 = tpu.memref_slice %arg9[%add3A_14, %dma_start3A_61] : memref<10240x128xf32, #tpu.memory_space<vmem_shared>> -> memref<128x128xf32, #tpu.memory_space<vmem_shared>>
      %dma_start3A_63 = arith.constant 0 : i32
      %dma_start3A_64 = tpu.memref_slice %arg9[%add3A_14, %dma_start3A_63] : memref<10240x128xf32, #tpu.memory_space<vmem_shared>> -> memref<128x128xf32, #tpu.memory_space<vmem_shared>>
      tpu.enqueue_dma source(%arg7 : memref<128x128xf32, #tpu.memory_space<vmem>>) target(%dma_start3A_64 : memref<128x128xf32, #tpu.memory_space<vmem_shared>>) target_semaphore(%run_scoped3A : memref<!tpu.dma_semaphore, #tpu.memory_space<semaphore_mem>>)
      %dma_wait3A = arith.constant 0 : i32
      %dma_wait3A_65 = tpu.memref_slice %arg9[%add3A_14, %dma_wait3A] : memref<10240x128xf32, #tpu.memory_space<vmem_shared>> -> memref<128x128xf32, #tpu.memory_space<vmem_shared>>
      %dma_wait3A_66 = arith.constant 0 : i32
      %dma_wait3A_67 = tpu.memref_slice %arg9[%add3A_14, %dma_wait3A_66] : memref<10240x128xf32, #tpu.memory_space<vmem_shared>> -> memref<128x128xf32, #tpu.memory_space<vmem_shared>>
      tpu.wait_dma2 semaphore(%run_scoped3A : memref<!tpu.dma_semaphore, #tpu.memory_space<semaphore_mem>>) src(%arg7 : memref<128x128xf32, #tpu.memory_space<vmem>>) dst(%dma_wait3A_67 : memref<128x128xf32, #tpu.memory_space<vmem_shared>>)
      tpu.yield
    }) : () -> ()
    %add3A_15 = arith.constant 512 : i32
    %add3A_16 = arith.addi %mul3A_0, %add3A_15 : i32
    "tpu.region"() ({
      %run_scoped3A = tpu.sem_alloc : memref<!tpu.dma_semaphore, #tpu.memory_space<semaphore_mem>>
      %dma_start3A_61 = arith.constant 0 : i32
      %dma_start3A_62 = tpu.memref_slice %arg9[%add3A_16, %dma_start3A_61] : memref<10240x128xf32, #tpu.memory_space<vmem_shared>> -> memref<128x128xf32, #tpu.memory_space<vmem_shared>>
      %dma_start3A_63 = arith.constant 0 : i32
      %dma_start3A_64 = tpu.memref_slice %arg9[%add3A_16, %dma_start3A_63] : memref<10240x128xf32, #tpu.memory_space<vmem_shared>> -> memref<128x128xf32, #tpu.memory_space<vmem_shared>>
      tpu.enqueue_dma source(%arg7 : memref<128x128xf32, #tpu.memory_space<vmem>>) target(%dma_start3A_64 : memref<128x128xf32, #tpu.memory_space<vmem_shared>>) target_semaphore(%run_scoped3A : memref<!tpu.dma_semaphore, #tpu.memory_space<semaphore_mem>>)
      %dma_wait3A = arith.constant 0 : i32
      %dma_wait3A_65 = tpu.memref_slice %arg9[%add3A_16, %dma_wait3A] : memref<10240x128xf32, #tpu.memory_space<vmem_shared>> -> memref<128x128xf32, #tpu.memory_space<vmem_shared>>
      %dma_wait3A_66 = arith.constant 0 : i32
      %dma_wait3A_67 = tpu.memref_slice %arg9[%add3A_16, %dma_wait3A_66] : memref<10240x128xf32, #tpu.memory_space<vmem_shared>> -> memref<128x128xf32, #tpu.memory_space<vmem_shared>>
      tpu.wait_dma2 semaphore(%run_scoped3A : memref<!tpu.dma_semaphore, #tpu.memory_space<semaphore_mem>>) src(%arg7 : memref<128x128xf32, #tpu.memory_space<vmem>>) dst(%dma_wait3A_67 : memref<128x128xf32, #tpu.memory_space<vmem_shared>>)
      tpu.yield
    }) : () -> ()
    %barrier3A = arith.constant 0 : index
    tpu.barrier barrier_id(%barrier3A)
    "tpu.region"() ({
      %run_scoped3A = tpu.sem_alloc : memref<!tpu.dma_semaphore, #tpu.memory_space<semaphore_mem>>
      %dma_start3A_61 = arith.constant 0 : i32
      %dma_start3A_62 = arith.constant 0 : i32
      %dma_start3A_63 = tpu.memref_slice %arg6[%dma_start3A_61, %dma_start3A_62] : memref<32x128xi32, #tpu.memory_space<vmem>> -> memref<16x128xi32, #tpu.memory_space<vmem>>
      %dma_start3A_64 = arith.constant 0 : i32
      %dma_start3A_65 = tpu.memref_slice %arg3[%mul3A_6, %dma_start3A_64] : memref<5120x128xi32, #tpu.memory_space<hbm>> -> memref<16x128xi32, #tpu.memory_space<hbm>>
      %dma_start3A_66 = arith.constant 0 : i32
      %dma_start3A_67 = arith.constant 0 : i32
      %dma_start3A_68 = tpu.memref_slice %arg6[%dma_start3A_66, %dma_start3A_67] : memref<32x128xi32, #tpu.memory_space<vmem>> -> memref<16x128xi32, #tpu.memory_space<vmem>>
      %dma_start3A_69 = arith.constant 0 : i32
      %dma_start3A_70 = tpu.memref_slice %arg3[%mul3A_6, %dma_start3A_69] : memref<5120x128xi32, #tpu.memory_space<hbm>> -> memref<16x128xi32, #tpu.memory_space<hbm>>
      tpu.enqueue_dma source(%dma_start3A_70 : memref<16x128xi32, #tpu.memory_space<hbm>>) target(%dma_start3A_68 : memref<16x128xi32, #tpu.memory_space<vmem>>) target_semaphore(%run_scoped3A : memref<!tpu.dma_semaphore, #tpu.memory_space<semaphore_mem>>)
      %dma_wait3A = arith.constant 0 : i32
      %dma_wait3A_71 = arith.constant 0 : i32
      %dma_wait3A_72 = tpu.memref_slice %arg6[%dma_wait3A, %dma_wait3A_71] : memref<32x128xi32, #tpu.memory_space<vmem>> -> memref<16x128xi32, #tpu.memory_space<vmem>>
      %dma_wait3A_73 = arith.constant 0 : i32
      %dma_wait3A_74 = tpu.memref_slice %arg3[%mul3A_6, %dma_wait3A_73] : memref<5120x128xi32, #tpu.memory_space<hbm>> -> memref<16x128xi32, #tpu.memory_space<hbm>>
      %dma_wait3A_75 = arith.constant 0 : i32
      %dma_wait3A_76 = arith.constant 0 : i32
      %dma_wait3A_77 = tpu.memref_slice %arg6[%dma_wait3A_75, %dma_wait3A_76] : memref<32x128xi32, #tpu.memory_space<vmem>> -> memref<16x128xi32, #tpu.memory_space<vmem>>
      %dma_wait3A_78 = arith.constant 0 : i32
      %dma_wait3A_79 = tpu.memref_slice %arg3[%mul3A_6, %dma_wait3A_78] : memref<5120x128xi32, #tpu.memory_space<hbm>> -> memref<16x128xi32, #tpu.memory_space<hbm>>
      tpu.wait_dma2 semaphore(%run_scoped3A : memref<!tpu.dma_semaphore, #tpu.memory_space<semaphore_mem>>) src(%dma_wait3A_79 : memref<16x128xi32, #tpu.memory_space<hbm>>) dst(%dma_wait3A_77 : memref<16x128xi32, #tpu.memory_space<vmem>>)
      tpu.yield
    }) : () -> ()
    %add3A_17 = arith.constant 16 : i32
    %add3A_18 = arith.addi %mul3A_6, %add3A_17 : i32
    %dma_start3A = arith.constant 16 : i32
    %dma_start3A_19 = arith.constant 0 : i32
    %dma_start3A_20 = tpu.memref_slice %arg6[%dma_start3A, %dma_start3A_19] : memref<32x128xi32, #tpu.memory_space<vmem>> -> memref<16x128xi32, #tpu.memory_space<vmem>>
    %dma_start3A_21 = arith.constant 0 : i32
    %dma_start3A_22 = tpu.memref_slice %arg3[%add3A_18, %dma_start3A_21] : memref<5120x128xi32, #tpu.memory_space<hbm>> -> memref<16x128xi32, #tpu.memory_space<hbm>>
    %dma_start3A_23 = arith.constant 16 : i32
    %dma_start3A_24 = arith.constant 0 : i32
    %dma_start3A_25 = tpu.memref_slice %arg6[%dma_start3A_23, %dma_start3A_24] : memref<32x128xi32, #tpu.memory_space<vmem>> -> memref<16x128xi32, #tpu.memory_space<vmem>>
    %dma_start3A_26 = arith.constant 0 : i32
    %dma_start3A_27 = tpu.memref_slice %arg3[%add3A_18, %dma_start3A_26] : memref<5120x128xi32, #tpu.memory_space<hbm>> -> memref<16x128xi32, #tpu.memory_space<hbm>>
    tpu.enqueue_dma source(%dma_start3A_27 : memref<16x128xi32, #tpu.memory_space<hbm>>) target(%dma_start3A_25 : memref<16x128xi32, #tpu.memory_space<vmem>>) target_semaphore(%arg12 : memref<!tpu.dma_semaphore, #tpu.memory_space<semaphore_mem>>)
    %dma_start3A_28 = arith.constant 0 : i32
    %dma_start3A_29 = arith.constant 0 : i32
    %dma_start3A_30 = tpu.memref_slice %arg6[%dma_start3A_28, %dma_start3A_29] : memref<32x128xi32, #tpu.memory_space<vmem>> -> memref<1x128xi32, #tpu.memory_space<vmem>>
    %dma_start3A_31 = tpu.memref_squeeze %dma_start3A_30 : memref<1x128xi32, #tpu.memory_space<vmem>> -> memref<128xi32, #tpu.memory_space<vmem>>
    %dma_start3A_32 = arith.constant 0 : i32
    %dma_start3A_33 = arith.constant 0 : i32
    %dma_start3A_34 = tpu.memref_slice %arg2[%dma_start3A_32, %dma_start3A_33] : memref<10240x128xf32, #tpu.memory_space<hbm>> -> memref<10240x128xf32, #tpu.memory_space<hbm>>
    tpu.enqueue_indirect_dma source(%dma_start3A_34 : memref<10240x128xf32, #tpu.memory_space<hbm>>) target(%arg7 : memref<128x128xf32, #tpu.memory_space<vmem>>) offsets(%dma_start3A_31 : memref<128xi32, #tpu.memory_space<vmem>>) semaphore(%arg10 : memref<!tpu.dma_semaphore, #tpu.memory_space<semaphore_mem>>)
    %scan3A = arith.constant 0 : i32
    %scan3A_35 = arith.constant 0 : i32
    %scan3A_36 = arith.constant 10 : i32
    %scan3A_37 = arith.addi %scan3A_35, %scan3A_36 : i32
    %scan3A_38 = arith.constant 1 : i32
    scf.for %scan3A_61 = %scan3A_35 to %scan3A_37 step %scan3A_38  : i32 {
      %jit3A = arith.constant 2 : i32
      %eq3A = arith.constant 0 : i32
      %eq3A_62 = arith.cmpi eq, %jit3A, %eq3A : i32
      %jit3A_63 = arith.constant 1 : i32
      %select_n3A = arith.select %eq3A_62, %jit3A_63, %jit3A : i32
      %rem3A = arith.remsi %scan3A_61, %select_n3A : i32
      %ne3A = arith.constant 0 : i32
      %ne3A_64 = arith.cmpi ne, %rem3A, %ne3A : i32
      %lt3A = arith.constant 0 : i32
      %lt3A_65 = arith.cmpi slt, %rem3A, %lt3A : i32
      %lt3A_66 = arith.constant 0 : i32
      %lt3A_67 = arith.cmpi slt, %select_n3A, %lt3A_66 : i32
      %ne3A_68 = arith.xori %lt3A_65, %lt3A_67 : i1
      %and3A = arith.andi %ne3A_68, %ne3A_64 : i1
      %add3A_69 = arith.addi %rem3A, %select_n3A : i32
      %select_n3A_70 = arith.select %and3A, %add3A_69, %rem3A : i32
      %mul3A_71 = arith.constant 16 : i32
      %mul3A_72 = arith.muli %select_n3A_70, %mul3A_71 : i32
      %add3A_73 = arith.constant 1 : i32
      %add3A_74 = arith.addi %scan3A_61, %add3A_73 : i32
      %jit3A_75 = arith.constant 2 : i32
      %eq3A_76 = arith.constant 0 : i32
      %eq3A_77 = arith.cmpi eq, %jit3A_75, %eq3A_76 : i32
      %jit3A_78 = arith.constant 1 : i32
      %select_n3A_79 = arith.select %eq3A_77, %jit3A_78, %jit3A_75 : i32
      %rem3A_80 = arith.remsi %add3A_74, %select_n3A_79 : i32
      %ne3A_81 = arith.constant 0 : i32
      %ne3A_82 = arith.cmpi ne, %rem3A_80, %ne3A_81 : i32
      %lt3A_83 = arith.constant 0 : i32
      %lt3A_84 = arith.cmpi slt, %rem3A_80, %lt3A_83 : i32
      %lt3A_85 = arith.constant 0 : i32
      %lt3A_86 = arith.cmpi slt, %select_n3A_79, %lt3A_85 : i32
      %ne3A_87 = arith.xori %lt3A_84, %lt3A_86 : i1
      %and3A_88 = arith.andi %ne3A_87, %ne3A_82 : i1
      %add3A_89 = arith.addi %rem3A_80, %select_n3A_79 : i32
      %select_n3A_90 = arith.select %and3A_88, %add3A_89, %rem3A_80 : i32
      %mul3A_91 = arith.constant 16 : i32
      %mul3A_92 = arith.muli %select_n3A_90, %mul3A_91 : i32
      %add3A_93 = arith.constant 0 : i32
      %add3A_94 = arith.addi %mul3A_72, %add3A_93 : i32
      %add3A_95 = arith.constant 2 : i32
      %add3A_96 = arith.addi %add3A_94, %add3A_95 : i32
      %dma_start3A_97 = arith.constant 0 : i32
      %dma_start3A_98 = tpu.memref_slice %arg6[%add3A_96, %dma_start3A_97] : memref<32x128xi32, #tpu.memory_space<vmem>> -> memref<1x128xi32, #tpu.memory_space<vmem>>
      %dma_start3A_99 = tpu.memref_squeeze %dma_start3A_98 : memref<1x128xi32, #tpu.memory_space<vmem>> -> memref<128xi32, #tpu.memory_space<vmem>>
      %dma_start3A_100 = arith.constant 0 : i32
      %dma_start3A_101 = arith.constant 0 : i32
      %dma_start3A_102 = tpu.memref_slice %arg2[%dma_start3A_100, %dma_start3A_101] : memref<10240x128xf32, #tpu.memory_space<hbm>> -> memref<10240x128xf32, #tpu.memory_space<hbm>>
      tpu.enqueue_indirect_dma source(%dma_start3A_102 : memref<10240x128xf32, #tpu.memory_space<hbm>>) target(%arg8 : memref<128x128xf32, #tpu.memory_space<vmem>>) offsets(%dma_start3A_99 : memref<128xi32, #tpu.memory_space<vmem>>) semaphore(%arg11 : memref<!tpu.dma_semaphore, #tpu.memory_space<semaphore_mem>>)
      %add3A_103 = arith.constant 0 : i32
      %add3A_104 = arith.addi %mul3A_72, %add3A_103 : i32
      %dma_wait3A = arith.constant 0 : i32
      %dma_wait3A_105 = tpu.memref_slice %arg6[%add3A_104, %dma_wait3A] : memref<32x128xi32, #tpu.memory_space<vmem>> -> memref<1x128xi32, #tpu.memory_space<vmem>>
      %dma_wait3A_106 = tpu.memref_squeeze %dma_wait3A_105 : memref<1x128xi32, #tpu.memory_space<vmem>> -> memref<128xi32, #tpu.memory_space<vmem>>
      %dma_wait3A_107 = arith.constant 0 : i32
      %dma_wait3A_108 = arith.constant 0 : i32
      %dma_wait3A_109 = tpu.memref_slice %arg2[%dma_wait3A_107, %dma_wait3A_108] : memref<10240x128xf32, #tpu.memory_space<hbm>> -> memref<10240x128xf32, #tpu.memory_space<hbm>>
      tpu.wait_indirect_dma semaphore(%arg10 : memref<!tpu.dma_semaphore, #tpu.memory_space<semaphore_mem>>) src(%dma_wait3A_109 : memref<10240x128xf32, #tpu.memory_space<hbm>>) dst(%arg7 : memref<128x128xf32, #tpu.memory_space<vmem>>)
      %add3A_110 = arith.constant 0 : i32
      %add3A_111 = arith.addi %mul3A_72, %add3A_110 : i32
      %add3A_112 = arith.constant 1 : i32
      %add3A_113 = arith.addi %add3A_111, %add3A_112 : i32
      "tpu.region"() ({
        %run_scoped3A = tpu.sem_alloc : memref<!tpu.dma_semaphore, #tpu.memory_space<semaphore_mem>>
        %dma_start3A_266 = arith.constant 0 : i32
        %dma_start3A_267 = tpu.memref_slice %arg6[%add3A_113, %dma_start3A_266] : memref<32x128xi32, #tpu.memory_space<vmem>> -> memref<1x128xi32, #tpu.memory_space<vmem>>
        %dma_start3A_268 = tpu.memref_squeeze %dma_start3A_267 : memref<1x128xi32, #tpu.memory_space<vmem>> -> memref<128xi32, #tpu.memory_space<vmem>>
        %dma_start3A_269 = arith.constant 0 : i32
        %dma_start3A_270 = arith.constant 0 : i32
        %dma_start3A_271 = tpu.memref_slice %arg9[%dma_start3A_269, %dma_start3A_270] : memref<10240x128xf32, #tpu.memory_space<vmem_shared>> -> memref<10240x128xf32, #tpu.memory_space<vmem_shared>>
        tpu.enqueue_indirect_dma source(%arg7 : memref<128x128xf32, #tpu.memory_space<vmem>>) target(%dma_start3A_271 : memref<10240x128xf32, #tpu.memory_space<vmem_shared>>) offsets(%dma_start3A_268 : memref<128xi32, #tpu.memory_space<vmem>>) semaphore(%run_scoped3A : memref<!tpu.dma_semaphore, #tpu.memory_space<semaphore_mem>>) {add = true}
        %dma_wait3A_272 = arith.constant 0 : i32
        %dma_wait3A_273 = tpu.memref_slice %arg6[%add3A_113, %dma_wait3A_272] : memref<32x128xi32, #tpu.memory_space<vmem>> -> memref<1x128xi32, #tpu.memory_space<vmem>>
        %dma_wait3A_274 = tpu.memref_squeeze %dma_wait3A_273 : memref<1x128xi32, #tpu.memory_space<vmem>> -> memref<128xi32, #tpu.memory_space<vmem>>
        %dma_wait3A_275 = arith.constant 0 : i32
        %dma_wait3A_276 = arith.constant 0 : i32
        %dma_wait3A_277 = tpu.memref_slice %arg9[%dma_wait3A_275, %dma_wait3A_276] : memref<10240x128xf32, #tpu.memory_space<vmem_shared>> -> memref<10240x128xf32, #tpu.memory_space<vmem_shared>>
        tpu.wait_indirect_dma semaphore(%run_scoped3A : memref<!tpu.dma_semaphore, #tpu.memory_space<semaphore_mem>>) src(%arg7 : memref<128x128xf32, #tpu.memory_space<vmem>>) dst(%dma_wait3A_277 : memref<10240x128xf32, #tpu.memory_space<vmem_shared>>)
        tpu.yield
      }) : () -> ()
      %add3A_114 = arith.constant 2 : i32
      %add3A_115 = arith.addi %mul3A_72, %add3A_114 : i32
      %add3A_116 = arith.constant 2 : i32
      %add3A_117 = arith.addi %add3A_115, %add3A_116 : i32
      %dma_start3A_118 = arith.constant 0 : i32
      %dma_start3A_119 = tpu.memref_slice %arg6[%add3A_117, %dma_start3A_118] : memref<32x128xi32, #tpu.memory_space<vmem>> -> memref<1x128xi32, #tpu.memory_space<vmem>>
      %dma_start3A_120 = tpu.memref_squeeze %dma_start3A_119 : memref<1x128xi32, #tpu.memory_space<vmem>> -> memref<128xi32, #tpu.memory_space<vmem>>
      %dma_start3A_121 = arith.constant 0 : i32
      %dma_start3A_122 = arith.constant 0 : i32
      %dma_start3A_123 = tpu.memref_slice %arg2[%dma_start3A_121, %dma_start3A_122] : memref<10240x128xf32, #tpu.memory_space<hbm>> -> memref<10240x128xf32, #tpu.memory_space<hbm>>
      tpu.enqueue_indirect_dma source(%dma_start3A_123 : memref<10240x128xf32, #tpu.memory_space<hbm>>) target(%arg7 : memref<128x128xf32, #tpu.memory_space<vmem>>) offsets(%dma_start3A_120 : memref<128xi32, #tpu.memory_space<vmem>>) semaphore(%arg10 : memref<!tpu.dma_semaphore, #tpu.memory_space<semaphore_mem>>)
      %add3A_124 = arith.constant 2 : i32
      %add3A_125 = arith.addi %mul3A_72, %add3A_124 : i32
      %dma_wait3A_126 = arith.constant 0 : i32
      %dma_wait3A_127 = tpu.memref_slice %arg6[%add3A_125, %dma_wait3A_126] : memref<32x128xi32, #tpu.memory_space<vmem>> -> memref<1x128xi32, #tpu.memory_space<vmem>>
      %dma_wait3A_128 = tpu.memref_squeeze %dma_wait3A_127 : memref<1x128xi32, #tpu.memory_space<vmem>> -> memref<128xi32, #tpu.memory_space<vmem>>
      %dma_wait3A_129 = arith.constant 0 : i32
      %dma_wait3A_130 = arith.constant 0 : i32
      %dma_wait3A_131 = tpu.memref_slice %arg2[%dma_wait3A_129, %dma_wait3A_130] : memref<10240x128xf32, #tpu.memory_space<hbm>> -> memref<10240x128xf32, #tpu.memory_space<hbm>>
      tpu.wait_indirect_dma semaphore(%arg11 : memref<!tpu.dma_semaphore, #tpu.memory_space<semaphore_mem>>) src(%dma_wait3A_131 : memref<10240x128xf32, #tpu.memory_space<hbm>>) dst(%arg8 : memref<128x128xf32, #tpu.memory_space<vmem>>)
      %add3A_132 = arith.constant 2 : i32
      %add3A_133 = arith.addi %mul3A_72, %add3A_132 : i32
      %add3A_134 = arith.constant 1 : i32
      %add3A_135 = arith.addi %add3A_133, %add3A_134 : i32
      "tpu.region"() ({
        %run_scoped3A = tpu.sem_alloc : memref<!tpu.dma_semaphore, #tpu.memory_space<semaphore_mem>>
        %dma_start3A_266 = arith.constant 0 : i32
        %dma_start3A_267 = tpu.memref_slice %arg6[%add3A_135, %dma_start3A_266] : memref<32x128xi32, #tpu.memory_space<vmem>> -> memref<1x128xi32, #tpu.memory_space<vmem>>
        %dma_start3A_268 = tpu.memref_squeeze %dma_start3A_267 : memref<1x128xi32, #tpu.memory_space<vmem>> -> memref<128xi32, #tpu.memory_space<vmem>>
        %dma_start3A_269 = arith.constant 0 : i32
        %dma_start3A_270 = arith.constant 0 : i32
        %dma_start3A_271 = tpu.memref_slice %arg9[%dma_start3A_269, %dma_start3A_270] : memref<10240x128xf32, #tpu.memory_space<vmem_shared>> -> memref<10240x128xf32, #tpu.memory_space<vmem_shared>>
        tpu.enqueue_indirect_dma source(%arg8 : memref<128x128xf32, #tpu.memory_space<vmem>>) target(%dma_start3A_271 : memref<10240x128xf32, #tpu.memory_space<vmem_shared>>) offsets(%dma_start3A_268 : memref<128xi32, #tpu.memory_space<vmem>>) semaphore(%run_scoped3A : memref<!tpu.dma_semaphore, #tpu.memory_space<semaphore_mem>>) {add = true}
        %dma_wait3A_272 = arith.constant 0 : i32
        %dma_wait3A_273 = tpu.memref_slice %arg6[%add3A_135, %dma_wait3A_272] : memref<32x128xi32, #tpu.memory_space<vmem>> -> memref<1x128xi32, #tpu.memory_space<vmem>>
        %dma_wait3A_274 = tpu.memref_squeeze %dma_wait3A_273 : memref<1x128xi32, #tpu.memory_space<vmem>> -> memref<128xi32, #tpu.memory_space<vmem>>
        %dma_wait3A_275 = arith.constant 0 : i32
        %dma_wait3A_276 = arith.constant 0 : i32
        %dma_wait3A_277 = tpu.memref_slice %arg9[%dma_wait3A_275, %dma_wait3A_276] : memref<10240x128xf32, #tpu.memory_space<vmem_shared>> -> memref<10240x128xf32, #tpu.memory_space<vmem_shared>>
        tpu.wait_indirect_dma semaphore(%run_scoped3A : memref<!tpu.dma_semaphore, #tpu.memory_space<semaphore_mem>>) src(%arg8 : memref<128x128xf32, #tpu.memory_space<vmem>>) dst(%dma_wait3A_277 : memref<10240x128xf32, #tpu.memory_space<vmem_shared>>)
        tpu.yield
      }) : () -> ()
      %add3A_136 = arith.constant 4 : i32
      %add3A_137 = arith.addi %mul3A_72, %add3A_136 : i32
      %add3A_138 = arith.constant 2 : i32
      %add3A_139 = arith.addi %add3A_137, %add3A_138 : i32
      %dma_start3A_140 = arith.constant 0 : i32
      %dma_start3A_141 = tpu.memref_slice %arg6[%add3A_139, %dma_start3A_140] : memref<32x128xi32, #tpu.memory_space<vmem>> -> memref<1x128xi32, #tpu.memory_space<vmem>>
      %dma_start3A_142 = tpu.memref_squeeze %dma_start3A_141 : memref<1x128xi32, #tpu.memory_space<vmem>> -> memref<128xi32, #tpu.memory_space<vmem>>
      %dma_start3A_143 = arith.constant 0 : i32
      %dma_start3A_144 = arith.constant 0 : i32
      %dma_start3A_145 = tpu.memref_slice %arg2[%dma_start3A_143, %dma_start3A_144] : memref<10240x128xf32, #tpu.memory_space<hbm>> -> memref<10240x128xf32, #tpu.memory_space<hbm>>
      tpu.enqueue_indirect_dma source(%dma_start3A_145 : memref<10240x128xf32, #tpu.memory_space<hbm>>) target(%arg8 : memref<128x128xf32, #tpu.memory_space<vmem>>) offsets(%dma_start3A_142 : memref<128xi32, #tpu.memory_space<vmem>>) semaphore(%arg11 : memref<!tpu.dma_semaphore, #tpu.memory_space<semaphore_mem>>)
      %add3A_146 = arith.constant 4 : i32
      %add3A_147 = arith.addi %mul3A_72, %add3A_146 : i32
      %dma_wait3A_148 = arith.constant 0 : i32
      %dma_wait3A_149 = tpu.memref_slice %arg6[%add3A_147, %dma_wait3A_148] : memref<32x128xi32, #tpu.memory_space<vmem>> -> memref<1x128xi32, #tpu.memory_space<vmem>>
      %dma_wait3A_150 = tpu.memref_squeeze %dma_wait3A_149 : memref<1x128xi32, #tpu.memory_space<vmem>> -> memref<128xi32, #tpu.memory_space<vmem>>
      %dma_wait3A_151 = arith.constant 0 : i32
      %dma_wait3A_152 = arith.constant 0 : i32
      %dma_wait3A_153 = tpu.memref_slice %arg2[%dma_wait3A_151, %dma_wait3A_152] : memref<10240x128xf32, #tpu.memory_space<hbm>> -> memref<10240x128xf32, #tpu.memory_space<hbm>>
      tpu.wait_indirect_dma semaphore(%arg10 : memref<!tpu.dma_semaphore, #tpu.memory_space<semaphore_mem>>) src(%dma_wait3A_153 : memref<10240x128xf32, #tpu.memory_space<hbm>>) dst(%arg7 : memref<128x128xf32, #tpu.memory_space<vmem>>)
      %add3A_154 = arith.constant 4 : i32
      %add3A_155 = arith.addi %mul3A_72, %add3A_154 : i32
      %add3A_156 = arith.constant 1 : i32
      %add3A_157 = arith.addi %add3A_155, %add3A_156 : i32
      "tpu.region"() ({
        %run_scoped3A = tpu.sem_alloc : memref<!tpu.dma_semaphore, #tpu.memory_space<semaphore_mem>>
        %dma_start3A_266 = arith.constant 0 : i32
        %dma_start3A_267 = tpu.memref_slice %arg6[%add3A_157, %dma_start3A_266] : memref<32x128xi32, #tpu.memory_space<vmem>> -> memref<1x128xi32, #tpu.memory_space<vmem>>
        %dma_start3A_268 = tpu.memref_squeeze %dma_start3A_267 : memref<1x128xi32, #tpu.memory_space<vmem>> -> memref<128xi32, #tpu.memory_space<vmem>>
        %dma_start3A_269 = arith.constant 0 : i32
        %dma_start3A_270 = arith.constant 0 : i32
        %dma_start3A_271 = tpu.memref_slice %arg9[%dma_start3A_269, %dma_start3A_270] : memref<10240x128xf32, #tpu.memory_space<vmem_shared>> -> memref<10240x128xf32, #tpu.memory_space<vmem_shared>>
        tpu.enqueue_indirect_dma source(%arg7 : memref<128x128xf32, #tpu.memory_space<vmem>>) target(%dma_start3A_271 : memref<10240x128xf32, #tpu.memory_space<vmem_shared>>) offsets(%dma_start3A_268 : memref<128xi32, #tpu.memory_space<vmem>>) semaphore(%run_scoped3A : memref<!tpu.dma_semaphore, #tpu.memory_space<semaphore_mem>>) {add = true}
        %dma_wait3A_272 = arith.constant 0 : i32
        %dma_wait3A_273 = tpu.memref_slice %arg6[%add3A_157, %dma_wait3A_272] : memref<32x128xi32, #tpu.memory_space<vmem>> -> memref<1x128xi32, #tpu.memory_space<vmem>>
        %dma_wait3A_274 = tpu.memref_squeeze %dma_wait3A_273 : memref<1x128xi32, #tpu.memory_space<vmem>> -> memref<128xi32, #tpu.memory_space<vmem>>
        %dma_wait3A_275 = arith.constant 0 : i32
        %dma_wait3A_276 = arith.constant 0 : i32
        %dma_wait3A_277 = tpu.memref_slice %arg9[%dma_wait3A_275, %dma_wait3A_276] : memref<10240x128xf32, #tpu.memory_space<vmem_shared>> -> memref<10240x128xf32, #tpu.memory_space<vmem_shared>>
        tpu.wait_indirect_dma semaphore(%run_scoped3A : memref<!tpu.dma_semaphore, #tpu.memory_space<semaphore_mem>>) src(%arg7 : memref<128x128xf32, #tpu.memory_space<vmem>>) dst(%dma_wait3A_277 : memref<10240x128xf32, #tpu.memory_space<vmem_shared>>)
        tpu.yield
      }) : () -> ()
      %add3A_158 = arith.constant 6 : i32
      %add3A_159 = arith.addi %mul3A_72, %add3A_158 : i32
      %add3A_160 = arith.constant 2 : i32
      %add3A_161 = arith.addi %add3A_159, %add3A_160 : i32
      %dma_start3A_162 = arith.constant 0 : i32
      %dma_start3A_163 = tpu.memref_slice %arg6[%add3A_161, %dma_start3A_162] : memref<32x128xi32, #tpu.memory_space<vmem>> -> memref<1x128xi32, #tpu.memory_space<vmem>>
      %dma_start3A_164 = tpu.memref_squeeze %dma_start3A_163 : memref<1x128xi32, #tpu.memory_space<vmem>> -> memref<128xi32, #tpu.memory_space<vmem>>
      %dma_start3A_165 = arith.constant 0 : i32
      %dma_start3A_166 = arith.constant 0 : i32
      %dma_start3A_167 = tpu.memref_slice %arg2[%dma_start3A_165, %dma_start3A_166] : memref<10240x128xf32, #tpu.memory_space<hbm>> -> memref<10240x128xf32, #tpu.memory_space<hbm>>
      tpu.enqueue_indirect_dma source(%dma_start3A_167 : memref<10240x128xf32, #tpu.memory_space<hbm>>) target(%arg7 : memref<128x128xf32, #tpu.memory_space<vmem>>) offsets(%dma_start3A_164 : memref<128xi32, #tpu.memory_space<vmem>>) semaphore(%arg10 : memref<!tpu.dma_semaphore, #tpu.memory_space<semaphore_mem>>)
      %add3A_168 = arith.constant 6 : i32
      %add3A_169 = arith.addi %mul3A_72, %add3A_168 : i32
      %dma_wait3A_170 = arith.constant 0 : i32
      %dma_wait3A_171 = tpu.memref_slice %arg6[%add3A_169, %dma_wait3A_170] : memref<32x128xi32, #tpu.memory_space<vmem>> -> memref<1x128xi32, #tpu.memory_space<vmem>>
      %dma_wait3A_172 = tpu.memref_squeeze %dma_wait3A_171 : memref<1x128xi32, #tpu.memory_space<vmem>> -> memref<128xi32, #tpu.memory_space<vmem>>
      %dma_wait3A_173 = arith.constant 0 : i32
      %dma_wait3A_174 = arith.constant 0 : i32
      %dma_wait3A_175 = tpu.memref_slice %arg2[%dma_wait3A_173, %dma_wait3A_174] : memref<10240x128xf32, #tpu.memory_space<hbm>> -> memref<10240x128xf32, #tpu.memory_space<hbm>>
      tpu.wait_indirect_dma semaphore(%arg11 : memref<!tpu.dma_semaphore, #tpu.memory_space<semaphore_mem>>) src(%dma_wait3A_175 : memref<10240x128xf32, #tpu.memory_space<hbm>>) dst(%arg8 : memref<128x128xf32, #tpu.memory_space<vmem>>)
      %add3A_176 = arith.constant 6 : i32
      %add3A_177 = arith.addi %mul3A_72, %add3A_176 : i32
      %add3A_178 = arith.constant 1 : i32
      %add3A_179 = arith.addi %add3A_177, %add3A_178 : i32
      "tpu.region"() ({
        %run_scoped3A = tpu.sem_alloc : memref<!tpu.dma_semaphore, #tpu.memory_space<semaphore_mem>>
        %dma_start3A_266 = arith.constant 0 : i32
        %dma_start3A_267 = tpu.memref_slice %arg6[%add3A_179, %dma_start3A_266] : memref<32x128xi32, #tpu.memory_space<vmem>> -> memref<1x128xi32, #tpu.memory_space<vmem>>
        %dma_start3A_268 = tpu.memref_squeeze %dma_start3A_267 : memref<1x128xi32, #tpu.memory_space<vmem>> -> memref<128xi32, #tpu.memory_space<vmem>>
        %dma_start3A_269 = arith.constant 0 : i32
        %dma_start3A_270 = arith.constant 0 : i32
        %dma_start3A_271 = tpu.memref_slice %arg9[%dma_start3A_269, %dma_start3A_270] : memref<10240x128xf32, #tpu.memory_space<vmem_shared>> -> memref<10240x128xf32, #tpu.memory_space<vmem_shared>>
        tpu.enqueue_indirect_dma source(%arg8 : memref<128x128xf32, #tpu.memory_space<vmem>>) target(%dma_start3A_271 : memref<10240x128xf32, #tpu.memory_space<vmem_shared>>) offsets(%dma_start3A_268 : memref<128xi32, #tpu.memory_space<vmem>>) semaphore(%run_scoped3A : memref<!tpu.dma_semaphore, #tpu.memory_space<semaphore_mem>>) {add = true}
        %dma_wait3A_272 = arith.constant 0 : i32
        %dma_wait3A_273 = tpu.memref_slice %arg6[%add3A_179, %dma_wait3A_272] : memref<32x128xi32, #tpu.memory_space<vmem>> -> memref<1x128xi32, #tpu.memory_space<vmem>>
        %dma_wait3A_274 = tpu.memref_squeeze %dma_wait3A_273 : memref<1x128xi32, #tpu.memory_space<vmem>> -> memref<128xi32, #tpu.memory_space<vmem>>
        %dma_wait3A_275 = arith.constant 0 : i32
        %dma_wait3A_276 = arith.constant 0 : i32
        %dma_wait3A_277 = tpu.memref_slice %arg9[%dma_wait3A_275, %dma_wait3A_276] : memref<10240x128xf32, #tpu.memory_space<vmem_shared>> -> memref<10240x128xf32, #tpu.memory_space<vmem_shared>>
        tpu.wait_indirect_dma semaphore(%run_scoped3A : memref<!tpu.dma_semaphore, #tpu.memory_space<semaphore_mem>>) src(%arg8 : memref<128x128xf32, #tpu.memory_space<vmem>>) dst(%dma_wait3A_277 : memref<10240x128xf32, #tpu.memory_space<vmem_shared>>)
        tpu.yield
      }) : () -> ()
      %add3A_180 = arith.constant 8 : i32
      %add3A_181 = arith.addi %mul3A_72, %add3A_180 : i32
      %add3A_182 = arith.constant 2 : i32
      %add3A_183 = arith.addi %add3A_181, %add3A_182 : i32
      %dma_start3A_184 = arith.constant 0 : i32
      %dma_start3A_185 = tpu.memref_slice %arg6[%add3A_183, %dma_start3A_184] : memref<32x128xi32, #tpu.memory_space<vmem>> -> memref<1x128xi32, #tpu.memory_space<vmem>>
      %dma_start3A_186 = tpu.memref_squeeze %dma_start3A_185 : memref<1x128xi32, #tpu.memory_space<vmem>> -> memref<128xi32, #tpu.memory_space<vmem>>
      %dma_start3A_187 = arith.constant 0 : i32
      %dma_start3A_188 = arith.constant 0 : i32
      %dma_start3A_189 = tpu.memref_slice %arg2[%dma_start3A_187, %dma_start3A_188] : memref<10240x128xf32, #tpu.memory_space<hbm>> -> memref<10240x128xf32, #tpu.memory_space<hbm>>
      tpu.enqueue_indirect_dma source(%dma_start3A_189 : memref<10240x128xf32, #tpu.memory_space<hbm>>) target(%arg8 : memref<128x128xf32, #tpu.memory_space<vmem>>) offsets(%dma_start3A_186 : memref<128xi32, #tpu.memory_space<vmem>>) semaphore(%arg11 : memref<!tpu.dma_semaphore, #tpu.memory_space<semaphore_mem>>)
      %add3A_190 = arith.constant 8 : i32
      %add3A_191 = arith.addi %mul3A_72, %add3A_190 : i32
      %dma_wait3A_192 = arith.constant 0 : i32
      %dma_wait3A_193 = tpu.memref_slice %arg6[%add3A_191, %dma_wait3A_192] : memref<32x128xi32, #tpu.memory_space<vmem>> -> memref<1x128xi32, #tpu.memory_space<vmem>>
      %dma_wait3A_194 = tpu.memref_squeeze %dma_wait3A_193 : memref<1x128xi32, #tpu.memory_space<vmem>> -> memref<128xi32, #tpu.memory_space<vmem>>
      %dma_wait3A_195 = arith.constant 0 : i32
      %dma_wait3A_196 = arith.constant 0 : i32
      %dma_wait3A_197 = tpu.memref_slice %arg2[%dma_wait3A_195, %dma_wait3A_196] : memref<10240x128xf32, #tpu.memory_space<hbm>> -> memref<10240x128xf32, #tpu.memory_space<hbm>>
      tpu.wait_indirect_dma semaphore(%arg10 : memref<!tpu.dma_semaphore, #tpu.memory_space<semaphore_mem>>) src(%dma_wait3A_197 : memref<10240x128xf32, #tpu.memory_space<hbm>>) dst(%arg7 : memref<128x128xf32, #tpu.memory_space<vmem>>)
      %add3A_198 = arith.constant 8 : i32
      %add3A_199 = arith.addi %mul3A_72, %add3A_198 : i32
      %add3A_200 = arith.constant 1 : i32
      %add3A_201 = arith.addi %add3A_199, %add3A_200 : i32
      "tpu.region"() ({
        %run_scoped3A = tpu.sem_alloc : memref<!tpu.dma_semaphore, #tpu.memory_space<semaphore_mem>>
        %dma_start3A_266 = arith.constant 0 : i32
        %dma_start3A_267 = tpu.memref_slice %arg6[%add3A_201, %dma_start3A_266] : memref<32x128xi32, #tpu.memory_space<vmem>> -> memref<1x128xi32, #tpu.memory_space<vmem>>
        %dma_start3A_268 = tpu.memref_squeeze %dma_start3A_267 : memref<1x128xi32, #tpu.memory_space<vmem>> -> memref<128xi32, #tpu.memory_space<vmem>>
        %dma_start3A_269 = arith.constant 0 : i32
        %dma_start3A_270 = arith.constant 0 : i32
        %dma_start3A_271 = tpu.memref_slice %arg9[%dma_start3A_269, %dma_start3A_270] : memref<10240x128xf32, #tpu.memory_space<vmem_shared>> -> memref<10240x128xf32, #tpu.memory_space<vmem_shared>>
        tpu.enqueue_indirect_dma source(%arg7 : memref<128x128xf32, #tpu.memory_space<vmem>>) target(%dma_start3A_271 : memref<10240x128xf32, #tpu.memory_space<vmem_shared>>) offsets(%dma_start3A_268 : memref<128xi32, #tpu.memory_space<vmem>>) semaphore(%run_scoped3A : memref<!tpu.dma_semaphore, #tpu.memory_space<semaphore_mem>>) {add = true}
        %dma_wait3A_272 = arith.constant 0 : i32
        %dma_wait3A_273 = tpu.memref_slice %arg6[%add3A_201, %dma_wait3A_272] : memref<32x128xi32, #tpu.memory_space<vmem>> -> memref<1x128xi32, #tpu.memory_space<vmem>>
        %dma_wait3A_274 = tpu.memref_squeeze %dma_wait3A_273 : memref<1x128xi32, #tpu.memory_space<vmem>> -> memref<128xi32, #tpu.memory_space<vmem>>
        %dma_wait3A_275 = arith.constant 0 : i32
        %dma_wait3A_276 = arith.constant 0 : i32
        %dma_wait3A_277 = tpu.memref_slice %arg9[%dma_wait3A_275, %dma_wait3A_276] : memref<10240x128xf32, #tpu.memory_space<vmem_shared>> -> memref<10240x128xf32, #tpu.memory_space<vmem_shared>>
        tpu.wait_indirect_dma semaphore(%run_scoped3A : memref<!tpu.dma_semaphore, #tpu.memory_space<semaphore_mem>>) src(%arg7 : memref<128x128xf32, #tpu.memory_space<vmem>>) dst(%dma_wait3A_277 : memref<10240x128xf32, #tpu.memory_space<vmem_shared>>)
        tpu.yield
      }) : () -> ()
      %add3A_202 = arith.constant 10 : i32
      %add3A_203 = arith.addi %mul3A_72, %add3A_202 : i32
      %add3A_204 = arith.constant 2 : i32
      %add3A_205 = arith.addi %add3A_203, %add3A_204 : i32
      %dma_start3A_206 = arith.constant 0 : i32
      %dma_start3A_207 = tpu.memref_slice %arg6[%add3A_205, %dma_start3A_206] : memref<32x128xi32, #tpu.memory_space<vmem>> -> memref<1x128xi32, #tpu.memory_space<vmem>>
      %dma_start3A_208 = tpu.memref_squeeze %dma_start3A_207 : memref<1x128xi32, #tpu.memory_space<vmem>> -> memref<128xi32, #tpu.memory_space<vmem>>
      %dma_start3A_209 = arith.constant 0 : i32
      %dma_start3A_210 = arith.constant 0 : i32
      %dma_start3A_211 = tpu.memref_slice %arg2[%dma_start3A_209, %dma_start3A_210] : memref<10240x128xf32, #tpu.memory_space<hbm>> -> memref<10240x128xf32, #tpu.memory_space<hbm>>
      tpu.enqueue_indirect_dma source(%dma_start3A_211 : memref<10240x128xf32, #tpu.memory_space<hbm>>) target(%arg7 : memref<128x128xf32, #tpu.memory_space<vmem>>) offsets(%dma_start3A_208 : memref<128xi32, #tpu.memory_space<vmem>>) semaphore(%arg10 : memref<!tpu.dma_semaphore, #tpu.memory_space<semaphore_mem>>)
      %add3A_212 = arith.constant 10 : i32
      %add3A_213 = arith.addi %mul3A_72, %add3A_212 : i32
      %dma_wait3A_214 = arith.constant 0 : i32
      %dma_wait3A_215 = tpu.memref_slice %arg6[%add3A_213, %dma_wait3A_214] : memref<32x128xi32, #tpu.memory_space<vmem>> -> memref<1x128xi32, #tpu.memory_space<vmem>>
      %dma_wait3A_216 = tpu.memref_squeeze %dma_wait3A_215 : memref<1x128xi32, #tpu.memory_space<vmem>> -> memref<128xi32, #tpu.memory_space<vmem>>
      %dma_wait3A_217 = arith.constant 0 : i32
      %dma_wait3A_218 = arith.constant 0 : i32
      %dma_wait3A_219 = tpu.memref_slice %arg2[%dma_wait3A_217, %dma_wait3A_218] : memref<10240x128xf32, #tpu.memory_space<hbm>> -> memref<10240x128xf32, #tpu.memory_space<hbm>>
      tpu.wait_indirect_dma semaphore(%arg11 : memref<!tpu.dma_semaphore, #tpu.memory_space<semaphore_mem>>) src(%dma_wait3A_219 : memref<10240x128xf32, #tpu.memory_space<hbm>>) dst(%arg8 : memref<128x128xf32, #tpu.memory_space<vmem>>)
      %add3A_220 = arith.constant 10 : i32
      %add3A_221 = arith.addi %mul3A_72, %add3A_220 : i32
      %add3A_222 = arith.constant 1 : i32
      %add3A_223 = arith.addi %add3A_221, %add3A_222 : i32
      "tpu.region"() ({
        %run_scoped3A = tpu.sem_alloc : memref<!tpu.dma_semaphore, #tpu.memory_space<semaphore_mem>>
        %dma_start3A_266 = arith.constant 0 : i32
        %dma_start3A_267 = tpu.memref_slice %arg6[%add3A_223, %dma_start3A_266] : memref<32x128xi32, #tpu.memory_space<vmem>> -> memref<1x128xi32, #tpu.memory_space<vmem>>
        %dma_start3A_268 = tpu.memref_squeeze %dma_start3A_267 : memref<1x128xi32, #tpu.memory_space<vmem>> -> memref<128xi32, #tpu.memory_space<vmem>>
        %dma_start3A_269 = arith.constant 0 : i32
        %dma_start3A_270 = arith.constant 0 : i32
        %dma_start3A_271 = tpu.memref_slice %arg9[%dma_start3A_269, %dma_start3A_270] : memref<10240x128xf32, #tpu.memory_space<vmem_shared>> -> memref<10240x128xf32, #tpu.memory_space<vmem_shared>>
        tpu.enqueue_indirect_dma source(%arg8 : memref<128x128xf32, #tpu.memory_space<vmem>>) target(%dma_start3A_271 : memref<10240x128xf32, #tpu.memory_space<vmem_shared>>) offsets(%dma_start3A_268 : memref<128xi32, #tpu.memory_space<vmem>>) semaphore(%run_scoped3A : memref<!tpu.dma_semaphore, #tpu.memory_space<semaphore_mem>>) {add = true}
        %dma_wait3A_272 = arith.constant 0 : i32
        %dma_wait3A_273 = tpu.memref_slice %arg6[%add3A_223, %dma_wait3A_272] : memref<32x128xi32, #tpu.memory_space<vmem>> -> memref<1x128xi32, #tpu.memory_space<vmem>>
        %dma_wait3A_274 = tpu.memref_squeeze %dma_wait3A_273 : memref<1x128xi32, #tpu.memory_space<vmem>> -> memref<128xi32, #tpu.memory_space<vmem>>
        %dma_wait3A_275 = arith.constant 0 : i32
        %dma_wait3A_276 = arith.constant 0 : i32
        %dma_wait3A_277 = tpu.memref_slice %arg9[%dma_wait3A_275, %dma_wait3A_276] : memref<10240x128xf32, #tpu.memory_space<vmem_shared>> -> memref<10240x128xf32, #tpu.memory_space<vmem_shared>>
        tpu.wait_indirect_dma semaphore(%run_scoped3A : memref<!tpu.dma_semaphore, #tpu.memory_space<semaphore_mem>>) src(%arg8 : memref<128x128xf32, #tpu.memory_space<vmem>>) dst(%dma_wait3A_277 : memref<10240x128xf32, #tpu.memory_space<vmem_shared>>)
        tpu.yield
      }) : () -> ()
      %add3A_224 = arith.constant 12 : i32
      %add3A_225 = arith.addi %mul3A_72, %add3A_224 : i32
      %add3A_226 = arith.constant 2 : i32
      %add3A_227 = arith.addi %add3A_225, %add3A_226 : i32
      %dma_start3A_228 = arith.constant 0 : i32
      %dma_start3A_229 = tpu.memref_slice %arg6[%add3A_227, %dma_start3A_228] : memref<32x128xi32, #tpu.memory_space<vmem>> -> memref<1x128xi32, #tpu.memory_space<vmem>>
      %dma_start3A_230 = tpu.memref_squeeze %dma_start3A_229 : memref<1x128xi32, #tpu.memory_space<vmem>> -> memref<128xi32, #tpu.memory_space<vmem>>
      %dma_start3A_231 = arith.constant 0 : i32
      %dma_start3A_232 = arith.constant 0 : i32
      %dma_start3A_233 = tpu.memref_slice %arg2[%dma_start3A_231, %dma_start3A_232] : memref<10240x128xf32, #tpu.memory_space<hbm>> -> memref<10240x128xf32, #tpu.memory_space<hbm>>
      tpu.enqueue_indirect_dma source(%dma_start3A_233 : memref<10240x128xf32, #tpu.memory_space<hbm>>) target(%arg8 : memref<128x128xf32, #tpu.memory_space<vmem>>) offsets(%dma_start3A_230 : memref<128xi32, #tpu.memory_space<vmem>>) semaphore(%arg11 : memref<!tpu.dma_semaphore, #tpu.memory_space<semaphore_mem>>)
      %add3A_234 = arith.constant 12 : i32
      %add3A_235 = arith.addi %mul3A_72, %add3A_234 : i32
      %dma_wait3A_236 = arith.constant 0 : i32
      %dma_wait3A_237 = tpu.memref_slice %arg6[%add3A_235, %dma_wait3A_236] : memref<32x128xi32, #tpu.memory_space<vmem>> -> memref<1x128xi32, #tpu.memory_space<vmem>>
      %dma_wait3A_238 = tpu.memref_squeeze %dma_wait3A_237 : memref<1x128xi32, #tpu.memory_space<vmem>> -> memref<128xi32, #tpu.memory_space<vmem>>
      %dma_wait3A_239 = arith.constant 0 : i32
      %dma_wait3A_240 = arith.constant 0 : i32
      %dma_wait3A_241 = tpu.memref_slice %arg2[%dma_wait3A_239, %dma_wait3A_240] : memref<10240x128xf32, #tpu.memory_space<hbm>> -> memref<10240x128xf32, #tpu.memory_space<hbm>>
      tpu.wait_indirect_dma semaphore(%arg10 : memref<!tpu.dma_semaphore, #tpu.memory_space<semaphore_mem>>) src(%dma_wait3A_241 : memref<10240x128xf32, #tpu.memory_space<hbm>>) dst(%arg7 : memref<128x128xf32, #tpu.memory_space<vmem>>)
      %add3A_242 = arith.constant 12 : i32
      %add3A_243 = arith.addi %mul3A_72, %add3A_242 : i32
      %add3A_244 = arith.constant 1 : i32
      %add3A_245 = arith.addi %add3A_243, %add3A_244 : i32
      "tpu.region"() ({
        %run_scoped3A = tpu.sem_alloc : memref<!tpu.dma_semaphore, #tpu.memory_space<semaphore_mem>>
        %dma_start3A_266 = arith.constant 0 : i32
        %dma_start3A_267 = tpu.memref_slice %arg6[%add3A_245, %dma_start3A_266] : memref<32x128xi32, #tpu.memory_space<vmem>> -> memref<1x128xi32, #tpu.memory_space<vmem>>
        %dma_start3A_268 = tpu.memref_squeeze %dma_start3A_267 : memref<1x128xi32, #tpu.memory_space<vmem>> -> memref<128xi32, #tpu.memory_space<vmem>>
        %dma_start3A_269 = arith.constant 0 : i32
        %dma_start3A_270 = arith.constant 0 : i32
        %dma_start3A_271 = tpu.memref_slice %arg9[%dma_start3A_269, %dma_start3A_270] : memref<10240x128xf32, #tpu.memory_space<vmem_shared>> -> memref<10240x128xf32, #tpu.memory_space<vmem_shared>>
        tpu.enqueue_indirect_dma source(%arg7 : memref<128x128xf32, #tpu.memory_space<vmem>>) target(%dma_start3A_271 : memref<10240x128xf32, #tpu.memory_space<vmem_shared>>) offsets(%dma_start3A_268 : memref<128xi32, #tpu.memory_space<vmem>>) semaphore(%run_scoped3A : memref<!tpu.dma_semaphore, #tpu.memory_space<semaphore_mem>>) {add = true}
        %dma_wait3A_272 = arith.constant 0 : i32
        %dma_wait3A_273 = tpu.memref_slice %arg6[%add3A_245, %dma_wait3A_272] : memref<32x128xi32, #tpu.memory_space<vmem>> -> memref<1x128xi32, #tpu.memory_space<vmem>>
        %dma_wait3A_274 = tpu.memref_squeeze %dma_wait3A_273 : memref<1x128xi32, #tpu.memory_space<vmem>> -> memref<128xi32, #tpu.memory_space<vmem>>
        %dma_wait3A_275 = arith.constant 0 : i32
        %dma_wait3A_276 = arith.constant 0 : i32
        %dma_wait3A_277 = tpu.memref_slice %arg9[%dma_wait3A_275, %dma_wait3A_276] : memref<10240x128xf32, #tpu.memory_space<vmem_shared>> -> memref<10240x128xf32, #tpu.memory_space<vmem_shared>>
        tpu.wait_indirect_dma semaphore(%run_scoped3A : memref<!tpu.dma_semaphore, #tpu.memory_space<semaphore_mem>>) src(%arg7 : memref<128x128xf32, #tpu.memory_space<vmem>>) dst(%dma_wait3A_277 : memref<10240x128xf32, #tpu.memory_space<vmem_shared>>)
        tpu.yield
      }) : () -> ()
      %lt3A_246 = arith.constant 9 : i32
      %lt3A_247 = arith.cmpi slt, %scan3A_61, %lt3A_246 : i32
      %convert_element_type3A = arith.extui %lt3A_247 : i1 to i32
      %cond3A = arith.constant 0 : i32
      %cond3A_248 = arith.cmpi ne, %convert_element_type3A, %cond3A : i32
      scf.if %cond3A_248 {
        %add3A_266 = arith.constant 1 : i32
        %add3A_267 = arith.addi %scan3A_61, %add3A_266 : i32
        %mul3A_268 = arith.constant 2 : i32
        %mul3A_269 = arith.muli %add3A_267, %mul3A_268 : i32
        %mul3A_270 = arith.constant 8 : i32
        %mul3A_271 = arith.muli %mul3A_269, %mul3A_270 : i32
        %add3A_272 = arith.addi %mul3A_6, %mul3A_271 : i32
        %dma_wait3A_273 = arith.constant 0 : i32
        %dma_wait3A_274 = tpu.memref_slice %arg6[%mul3A_92, %dma_wait3A_273] : memref<32x128xi32, #tpu.memory_space<vmem>> -> memref<16x128xi32, #tpu.memory_space<vmem>>
        %dma_wait3A_275 = arith.constant 0 : i32
        %dma_wait3A_276 = tpu.memref_slice %arg3[%add3A_272, %dma_wait3A_275] : memref<5120x128xi32, #tpu.memory_space<hbm>> -> memref<16x128xi32, #tpu.memory_space<hbm>>
        %dma_wait3A_277 = arith.constant 0 : i32
        %dma_wait3A_278 = tpu.memref_slice %arg6[%mul3A_92, %dma_wait3A_277] : memref<32x128xi32, #tpu.memory_space<vmem>> -> memref<16x128xi32, #tpu.memory_space<vmem>>
        %dma_wait3A_279 = arith.constant 0 : i32
        %dma_wait3A_280 = tpu.memref_slice %arg3[%add3A_272, %dma_wait3A_279] : memref<5120x128xi32, #tpu.memory_space<hbm>> -> memref<16x128xi32, #tpu.memory_space<hbm>>
        tpu.wait_dma2 semaphore(%arg12 : memref<!tpu.dma_semaphore, #tpu.memory_space<semaphore_mem>>) src(%dma_wait3A_280 : memref<16x128xi32, #tpu.memory_space<hbm>>) dst(%dma_wait3A_278 : memref<16x128xi32, #tpu.memory_space<vmem>>)
        %dma_start3A_281 = arith.constant 0 : i32
        %dma_start3A_282 = tpu.memref_slice %arg6[%mul3A_92, %dma_start3A_281] : memref<32x128xi32, #tpu.memory_space<vmem>> -> memref<1x128xi32, #tpu.memory_space<vmem>>
        %dma_start3A_283 = tpu.memref_squeeze %dma_start3A_282 : memref<1x128xi32, #tpu.memory_space<vmem>> -> memref<128xi32, #tpu.memory_space<vmem>>
        %dma_start3A_284 = arith.constant 0 : i32
        %dma_start3A_285 = arith.constant 0 : i32
        %dma_start3A_286 = tpu.memref_slice %arg2[%dma_start3A_284, %dma_start3A_285] : memref<10240x128xf32, #tpu.memory_space<hbm>> -> memref<10240x128xf32, #tpu.memory_space<hbm>>
        tpu.enqueue_indirect_dma source(%dma_start3A_286 : memref<10240x128xf32, #tpu.memory_space<hbm>>) target(%arg7 : memref<128x128xf32, #tpu.memory_space<vmem>>) offsets(%dma_start3A_283 : memref<128xi32, #tpu.memory_space<vmem>>) semaphore(%arg10 : memref<!tpu.dma_semaphore, #tpu.memory_space<semaphore_mem>>)
      } else {
      }
      %add3A_249 = arith.constant 14 : i32
      %add3A_250 = arith.addi %mul3A_72, %add3A_249 : i32
      %dma_wait3A_251 = arith.constant 0 : i32
      %dma_wait3A_252 = tpu.memref_slice %arg6[%add3A_250, %dma_wait3A_251] : memref<32x128xi32, #tpu.memory_space<vmem>> -> memref<1x128xi32, #tpu.memory_space<vmem>>
      %dma_wait3A_253 = tpu.memref_squeeze %dma_wait3A_252 : memref<1x128xi32, #tpu.memory_space<vmem>> -> memref<128xi32, #tpu.memory_space<vmem>>
      %dma_wait3A_254 = arith.constant 0 : i32
      %dma_wait3A_255 = arith.constant 0 : i32
      %dma_wait3A_256 = tpu.memref_slice %arg2[%dma_wait3A_254, %dma_wait3A_255] : memref<10240x128xf32, #tpu.memory_space<hbm>> -> memref<10240x128xf32, #tpu.memory_space<hbm>>
      tpu.wait_indirect_dma semaphore(%arg11 : memref<!tpu.dma_semaphore, #tpu.memory_space<semaphore_mem>>) src(%dma_wait3A_256 : memref<10240x128xf32, #tpu.memory_space<hbm>>) dst(%arg8 : memref<128x128xf32, #tpu.memory_space<vmem>>)
      %add3A_257 = arith.constant 14 : i32
      %add3A_258 = arith.addi %mul3A_72, %add3A_257 : i32
      %add3A_259 = arith.constant 1 : i32
      %add3A_260 = arith.addi %add3A_258, %add3A_259 : i32
      "tpu.region"() ({
        %run_scoped3A = tpu.sem_alloc : memref<!tpu.dma_semaphore, #tpu.memory_space<semaphore_mem>>
        %dma_start3A_266 = arith.constant 0 : i32
        %dma_start3A_267 = tpu.memref_slice %arg6[%add3A_260, %dma_start3A_266] : memref<32x128xi32, #tpu.memory_space<vmem>> -> memref<1x128xi32, #tpu.memory_space<vmem>>
        %dma_start3A_268 = tpu.memref_squeeze %dma_start3A_267 : memref<1x128xi32, #tpu.memory_space<vmem>> -> memref<128xi32, #tpu.memory_space<vmem>>
        %dma_start3A_269 = arith.constant 0 : i32
        %dma_start3A_270 = arith.constant 0 : i32
        %dma_start3A_271 = tpu.memref_slice %arg9[%dma_start3A_269, %dma_start3A_270] : memref<10240x128xf32, #tpu.memory_space<vmem_shared>> -> memref<10240x128xf32, #tpu.memory_space<vmem_shared>>
        tpu.enqueue_indirect_dma source(%arg8 : memref<128x128xf32, #tpu.memory_space<vmem>>) target(%dma_start3A_271 : memref<10240x128xf32, #tpu.memory_space<vmem_shared>>) offsets(%dma_start3A_268 : memref<128xi32, #tpu.memory_space<vmem>>) semaphore(%run_scoped3A : memref<!tpu.dma_semaphore, #tpu.memory_space<semaphore_mem>>) {add = true}
        %dma_wait3A_272 = arith.constant 0 : i32
        %dma_wait3A_273 = tpu.memref_slice %arg6[%add3A_260, %dma_wait3A_272] : memref<32x128xi32, #tpu.memory_space<vmem>> -> memref<1x128xi32, #tpu.memory_space<vmem>>
        %dma_wait3A_274 = tpu.memref_squeeze %dma_wait3A_273 : memref<1x128xi32, #tpu.memory_space<vmem>> -> memref<128xi32, #tpu.memory_space<vmem>>
        %dma_wait3A_275 = arith.constant 0 : i32
        %dma_wait3A_276 = arith.constant 0 : i32
        %dma_wait3A_277 = tpu.memref_slice %arg9[%dma_wait3A_275, %dma_wait3A_276] : memref<10240x128xf32, #tpu.memory_space<vmem_shared>> -> memref<10240x128xf32, #tpu.memory_space<vmem_shared>>
        tpu.wait_indirect_dma semaphore(%run_scoped3A : memref<!tpu.dma_semaphore, #tpu.memory_space<semaphore_mem>>) src(%arg8 : memref<128x128xf32, #tpu.memory_space<vmem>>) dst(%dma_wait3A_277 : memref<10240x128xf32, #tpu.memory_space<vmem_shared>>)
        tpu.yield
      }) : () -> ()
      %lt3A_261 = arith.constant 8 : i32
      %lt3A_262 = arith.cmpi slt, %scan3A_61, %lt3A_261 : i32
      %convert_element_type3A_263 = arith.extui %lt3A_262 : i1 to i32
      %cond3A_264 = arith.constant 0 : i32
      %cond3A_265 = arith.cmpi ne, %convert_element_type3A_263, %cond3A_264 : i32
      scf.if %cond3A_265 {
        %add3A_266 = arith.constant 2 : i32
        %add3A_267 = arith.addi %scan3A_61, %add3A_266 : i32
        %mul3A_268 = arith.constant 2 : i32
        %mul3A_269 = arith.muli %add3A_267, %mul3A_268 : i32
        %mul3A_270 = arith.constant 8 : i32
        %mul3A_271 = arith.muli %mul3A_269, %mul3A_270 : i32
        %add3A_272 = arith.addi %mul3A_6, %mul3A_271 : i32
        %dma_start3A_273 = arith.constant 0 : i32
        %dma_start3A_274 = tpu.memref_slice %arg6[%mul3A_72, %dma_start3A_273] : memref<32x128xi32, #tpu.memory_space<vmem>> -> memref<16x128xi32, #tpu.memory_space<vmem>>
        %dma_start3A_275 = arith.constant 0 : i32
        %dma_start3A_276 = tpu.memref_slice %arg3[%add3A_272, %dma_start3A_275] : memref<5120x128xi32, #tpu.memory_space<hbm>> -> memref<16x128xi32, #tpu.memory_space<hbm>>
        %dma_start3A_277 = arith.constant 0 : i32
        %dma_start3A_278 = tpu.memref_slice %arg6[%mul3A_72, %dma_start3A_277] : memref<32x128xi32, #tpu.memory_space<vmem>> -> memref<16x128xi32, #tpu.memory_space<vmem>>
        %dma_start3A_279 = arith.constant 0 : i32
        %dma_start3A_280 = tpu.memref_slice %arg3[%add3A_272, %dma_start3A_279] : memref<5120x128xi32, #tpu.memory_space<hbm>> -> memref<16x128xi32, #tpu.memory_space<hbm>>
        tpu.enqueue_dma source(%dma_start3A_280 : memref<16x128xi32, #tpu.memory_space<hbm>>) target(%dma_start3A_278 : memref<16x128xi32, #tpu.memory_space<vmem>>) target_semaphore(%arg12 : memref<!tpu.dma_semaphore, #tpu.memory_space<semaphore_mem>>)
      } else {
      }
    }
    %scan3A_39 = arith.constant 10 : i32
    %barrier3A_40 = arith.constant 0 : index
    tpu.barrier barrier_id(%barrier3A_40)
    %add3A_41 = arith.constant 0 : i32
    %add3A_42 = arith.addi %mul3A_0, %add3A_41 : i32
    "tpu.region"() ({
      %run_scoped3A = tpu.sem_alloc : memref<!tpu.dma_semaphore, #tpu.memory_space<semaphore_mem>>
      %dma_start3A_61 = arith.constant 0 : i32
      %dma_start3A_62 = tpu.memref_slice %arg9[%add3A_42, %dma_start3A_61] : memref<10240x128xf32, #tpu.memory_space<vmem_shared>> -> memref<128x128xf32, #tpu.memory_space<vmem_shared>>
      %dma_start3A_63 = arith.constant 0 : i32
      %dma_start3A_64 = tpu.memref_slice %arg9[%add3A_42, %dma_start3A_63] : memref<10240x128xf32, #tpu.memory_space<vmem_shared>> -> memref<128x128xf32, #tpu.memory_space<vmem_shared>>
      tpu.enqueue_dma source(%dma_start3A_64 : memref<128x128xf32, #tpu.memory_space<vmem_shared>>) target(%arg7 : memref<128x128xf32, #tpu.memory_space<vmem>>) target_semaphore(%run_scoped3A : memref<!tpu.dma_semaphore, #tpu.memory_space<semaphore_mem>>)
      %dma_wait3A = arith.constant 0 : i32
      %dma_wait3A_65 = tpu.memref_slice %arg9[%add3A_42, %dma_wait3A] : memref<10240x128xf32, #tpu.memory_space<vmem_shared>> -> memref<128x128xf32, #tpu.memory_space<vmem_shared>>
      %dma_wait3A_66 = arith.constant 0 : i32
      %dma_wait3A_67 = tpu.memref_slice %arg9[%add3A_42, %dma_wait3A_66] : memref<10240x128xf32, #tpu.memory_space<vmem_shared>> -> memref<128x128xf32, #tpu.memory_space<vmem_shared>>
      tpu.wait_dma2 semaphore(%run_scoped3A : memref<!tpu.dma_semaphore, #tpu.memory_space<semaphore_mem>>) src(%dma_wait3A_67 : memref<128x128xf32, #tpu.memory_space<vmem_shared>>) dst(%arg7 : memref<128x128xf32, #tpu.memory_space<vmem>>)
      tpu.yield
    }) : () -> ()
    %add3A_43 = arith.constant 0 : i32
    %add3A_44 = arith.addi %mul3A_0, %add3A_43 : i32
    "tpu.region"() ({
      %run_scoped3A = tpu.sem_alloc : memref<!tpu.dma_semaphore, #tpu.memory_space<semaphore_mem>>
      %dma_start3A_61 = arith.constant 0 : i32
      %dma_start3A_62 = tpu.memref_slice %arg5[%arg0, %add3A_44, %dma_start3A_61] : memref<2x10240x128xf32, #tpu.memory_space<hbm>> -> memref<1x128x128xf32, #tpu.memory_space<hbm>>
      %dma_start3A_63 = tpu.memref_squeeze %dma_start3A_62 : memref<1x128x128xf32, #tpu.memory_space<hbm>> -> memref<128x128xf32, #tpu.memory_space<hbm>>
      %dma_start3A_64 = arith.constant 0 : i32
      %dma_start3A_65 = tpu.memref_slice %arg5[%arg0, %add3A_44, %dma_start3A_64] : memref<2x10240x128xf32, #tpu.memory_space<hbm>> -> memref<1x128x128xf32, #tpu.memory_space<hbm>>
      %dma_start3A_66 = tpu.memref_squeeze %dma_start3A_65 : memref<1x128x128xf32, #tpu.memory_space<hbm>> -> memref<128x128xf32, #tpu.memory_space<hbm>>
      tpu.enqueue_dma source(%arg7 : memref<128x128xf32, #tpu.memory_space<vmem>>) target(%dma_start3A_66 : memref<128x128xf32, #tpu.memory_space<hbm>>) target_semaphore(%run_scoped3A : memref<!tpu.dma_semaphore, #tpu.memory_space<semaphore_mem>>)
      %dma_wait3A = arith.constant 0 : i32
      %dma_wait3A_67 = tpu.memref_slice %arg5[%arg0, %add3A_44, %dma_wait3A] : memref<2x10240x128xf32, #tpu.memory_space<hbm>> -> memref<1x128x128xf32, #tpu.memory_space<hbm>>
      %dma_wait3A_68 = tpu.memref_squeeze %dma_wait3A_67 : memref<1x128x128xf32, #tpu.memory_space<hbm>> -> memref<128x128xf32, #tpu.memory_space<hbm>>
      %dma_wait3A_69 = arith.constant 0 : i32
      %dma_wait3A_70 = tpu.memref_slice %arg5[%arg0, %add3A_44, %dma_wait3A_69] : memref<2x10240x128xf32, #tpu.memory_space<hbm>> -> memref<1x128x128xf32, #tpu.memory_space<hbm>>
      %dma_wait3A_71 = tpu.memref_squeeze %dma_wait3A_70 : memref<1x128x128xf32, #tpu.memory_space<hbm>> -> memref<128x128xf32, #tpu.memory_space<hbm>>
      tpu.wait_dma2 semaphore(%run_scoped3A : memref<!tpu.dma_semaphore, #tpu.memory_space<semaphore_mem>>) src(%arg7 : memref<128x128xf32, #tpu.memory_space<vmem>>) dst(%dma_wait3A_71 : memref<128x128xf32, #tpu.memory_space<hbm>>)
      tpu.yield
    }) : () -> ()
    %add3A_45 = arith.constant 128 : i32
    %add3A_46 = arith.addi %mul3A_0, %add3A_45 : i32
    "tpu.region"() ({
      %run_scoped3A = tpu.sem_alloc : memref<!tpu.dma_semaphore, #tpu.memory_space<semaphore_mem>>
      %dma_start3A_61 = arith.constant 0 : i32
      %dma_start3A_62 = tpu.memref_slice %arg9[%add3A_46, %dma_start3A_61] : memref<10240x128xf32, #tpu.memory_space<vmem_shared>> -> memref<128x128xf32, #tpu.memory_space<vmem_shared>>
      %dma_start3A_63 = arith.constant 0 : i32
      %dma_start3A_64 = tpu.memref_slice %arg9[%add3A_46, %dma_start3A_63] : memref<10240x128xf32, #tpu.memory_space<vmem_shared>> -> memref<128x128xf32, #tpu.memory_space<vmem_shared>>
      tpu.enqueue_dma source(%dma_start3A_64 : memref<128x128xf32, #tpu.memory_space<vmem_shared>>) target(%arg7 : memref<128x128xf32, #tpu.memory_space<vmem>>) target_semaphore(%run_scoped3A : memref<!tpu.dma_semaphore, #tpu.memory_space<semaphore_mem>>)
      %dma_wait3A = arith.constant 0 : i32
      %dma_wait3A_65 = tpu.memref_slice %arg9[%add3A_46, %dma_wait3A] : memref<10240x128xf32, #tpu.memory_space<vmem_shared>> -> memref<128x128xf32, #tpu.memory_space<vmem_shared>>
      %dma_wait3A_66 = arith.constant 0 : i32
      %dma_wait3A_67 = tpu.memref_slice %arg9[%add3A_46, %dma_wait3A_66] : memref<10240x128xf32, #tpu.memory_space<vmem_shared>> -> memref<128x128xf32, #tpu.memory_space<vmem_shared>>
      tpu.wait_dma2 semaphore(%run_scoped3A : memref<!tpu.dma_semaphore, #tpu.memory_space<semaphore_mem>>) src(%dma_wait3A_67 : memref<128x128xf32, #tpu.memory_space<vmem_shared>>) dst(%arg7 : memref<128x128xf32, #tpu.memory_space<vmem>>)
      tpu.yield
    }) : () -> ()
    %add3A_47 = arith.constant 128 : i32
    %add3A_48 = arith.addi %mul3A_0, %add3A_47 : i32
    "tpu.region"() ({
      %run_scoped3A = tpu.sem_alloc : memref<!tpu.dma_semaphore, #tpu.memory_space<semaphore_mem>>
      %dma_start3A_61 = arith.constant 0 : i32
      %dma_start3A_62 = tpu.memref_slice %arg5[%arg0, %add3A_48, %dma_start3A_61] : memref<2x10240x128xf32, #tpu.memory_space<hbm>> -> memref<1x128x128xf32, #tpu.memory_space<hbm>>
      %dma_start3A_63 = tpu.memref_squeeze %dma_start3A_62 : memref<1x128x128xf32, #tpu.memory_space<hbm>> -> memref<128x128xf32, #tpu.memory_space<hbm>>
      %dma_start3A_64 = arith.constant 0 : i32
      %dma_start3A_65 = tpu.memref_slice %arg5[%arg0, %add3A_48, %dma_start3A_64] : memref<2x10240x128xf32, #tpu.memory_space<hbm>> -> memref<1x128x128xf32, #tpu.memory_space<hbm>>
      %dma_start3A_66 = tpu.memref_squeeze %dma_start3A_65 : memref<1x128x128xf32, #tpu.memory_space<hbm>> -> memref<128x128xf32, #tpu.memory_space<hbm>>
      tpu.enqueue_dma source(%arg7 : memref<128x128xf32, #tpu.memory_space<vmem>>) target(%dma_start3A_66 : memref<128x128xf32, #tpu.memory_space<hbm>>) target_semaphore(%run_scoped3A : memref<!tpu.dma_semaphore, #tpu.memory_space<semaphore_mem>>)
      %dma_wait3A = arith.constant 0 : i32
      %dma_wait3A_67 = tpu.memref_slice %arg5[%arg0, %add3A_48, %dma_wait3A] : memref<2x10240x128xf32, #tpu.memory_space<hbm>> -> memref<1x128x128xf32, #tpu.memory_space<hbm>>
      %dma_wait3A_68 = tpu.memref_squeeze %dma_wait3A_67 : memref<1x128x128xf32, #tpu.memory_space<hbm>> -> memref<128x128xf32, #tpu.memory_space<hbm>>
      %dma_wait3A_69 = arith.constant 0 : i32
      %dma_wait3A_70 = tpu.memref_slice %arg5[%arg0, %add3A_48, %dma_wait3A_69] : memref<2x10240x128xf32, #tpu.memory_space<hbm>> -> memref<1x128x128xf32, #tpu.memory_space<hbm>>
      %dma_wait3A_71 = tpu.memref_squeeze %dma_wait3A_70 : memref<1x128x128xf32, #tpu.memory_space<hbm>> -> memref<128x128xf32, #tpu.memory_space<hbm>>
      tpu.wait_dma2 semaphore(%run_scoped3A : memref<!tpu.dma_semaphore, #tpu.memory_space<semaphore_mem>>) src(%arg7 : memref<128x128xf32, #tpu.memory_space<vmem>>) dst(%dma_wait3A_71 : memref<128x128xf32, #tpu.memory_space<hbm>>)
      tpu.yield
    }) : () -> ()
    %add3A_49 = arith.constant 256 : i32
    %add3A_50 = arith.addi %mul3A_0, %add3A_49 : i32
    "tpu.region"() ({
      %run_scoped3A = tpu.sem_alloc : memref<!tpu.dma_semaphore, #tpu.memory_space<semaphore_mem>>
      %dma_start3A_61 = arith.constant 0 : i32
      %dma_start3A_62 = tpu.memref_slice %arg9[%add3A_50, %dma_start3A_61] : memref<10240x128xf32, #tpu.memory_space<vmem_shared>> -> memref<128x128xf32, #tpu.memory_space<vmem_shared>>
      %dma_start3A_63 = arith.constant 0 : i32
      %dma_start3A_64 = tpu.memref_slice %arg9[%add3A_50, %dma_start3A_63] : memref<10240x128xf32, #tpu.memory_space<vmem_shared>> -> memref<128x128xf32, #tpu.memory_space<vmem_shared>>
      tpu.enqueue_dma source(%dma_start3A_64 : memref<128x128xf32, #tpu.memory_space<vmem_shared>>) target(%arg7 : memref<128x128xf32, #tpu.memory_space<vmem>>) target_semaphore(%run_scoped3A : memref<!tpu.dma_semaphore, #tpu.memory_space<semaphore_mem>>)
      %dma_wait3A = arith.constant 0 : i32
      %dma_wait3A_65 = tpu.memref_slice %arg9[%add3A_50, %dma_wait3A] : memref<10240x128xf32, #tpu.memory_space<vmem_shared>> -> memref<128x128xf32, #tpu.memory_space<vmem_shared>>
      %dma_wait3A_66 = arith.constant 0 : i32
      %dma_wait3A_67 = tpu.memref_slice %arg9[%add3A_50, %dma_wait3A_66] : memref<10240x128xf32, #tpu.memory_space<vmem_shared>> -> memref<128x128xf32, #tpu.memory_space<vmem_shared>>
      tpu.wait_dma2 semaphore(%run_scoped3A : memref<!tpu.dma_semaphore, #tpu.memory_space<semaphore_mem>>) src(%dma_wait3A_67 : memref<128x128xf32, #tpu.memory_space<vmem_shared>>) dst(%arg7 : memref<128x128xf32, #tpu.memory_space<vmem>>)
      tpu.yield
    }) : () -> ()
    %add3A_51 = arith.constant 256 : i32
    %add3A_52 = arith.addi %mul3A_0, %add3A_51 : i32
    "tpu.region"() ({
      %run_scoped3A = tpu.sem_alloc : memref<!tpu.dma_semaphore, #tpu.memory_space<semaphore_mem>>
      %dma_start3A_61 = arith.constant 0 : i32
      %dma_start3A_62 = tpu.memref_slice %arg5[%arg0, %add3A_52, %dma_start3A_61] : memref<2x10240x128xf32, #tpu.memory_space<hbm>> -> memref<1x128x128xf32, #tpu.memory_space<hbm>>
      %dma_start3A_63 = tpu.memref_squeeze %dma_start3A_62 : memref<1x128x128xf32, #tpu.memory_space<hbm>> -> memref<128x128xf32, #tpu.memory_space<hbm>>
      %dma_start3A_64 = arith.constant 0 : i32
      %dma_start3A_65 = tpu.memref_slice %arg5[%arg0, %add3A_52, %dma_start3A_64] : memref<2x10240x128xf32, #tpu.memory_space<hbm>> -> memref<1x128x128xf32, #tpu.memory_space<hbm>>
      %dma_start3A_66 = tpu.memref_squeeze %dma_start3A_65 : memref<1x128x128xf32, #tpu.memory_space<hbm>> -> memref<128x128xf32, #tpu.memory_space<hbm>>
      tpu.enqueue_dma source(%arg7 : memref<128x128xf32, #tpu.memory_space<vmem>>) target(%dma_start3A_66 : memref<128x128xf32, #tpu.memory_space<hbm>>) target_semaphore(%run_scoped3A : memref<!tpu.dma_semaphore, #tpu.memory_space<semaphore_mem>>)
      %dma_wait3A = arith.constant 0 : i32
      %dma_wait3A_67 = tpu.memref_slice %arg5[%arg0, %add3A_52, %dma_wait3A] : memref<2x10240x128xf32, #tpu.memory_space<hbm>> -> memref<1x128x128xf32, #tpu.memory_space<hbm>>
      %dma_wait3A_68 = tpu.memref_squeeze %dma_wait3A_67 : memref<1x128x128xf32, #tpu.memory_space<hbm>> -> memref<128x128xf32, #tpu.memory_space<hbm>>
      %dma_wait3A_69 = arith.constant 0 : i32
      %dma_wait3A_70 = tpu.memref_slice %arg5[%arg0, %add3A_52, %dma_wait3A_69] : memref<2x10240x128xf32, #tpu.memory_space<hbm>> -> memref<1x128x128xf32, #tpu.memory_space<hbm>>
      %dma_wait3A_71 = tpu.memref_squeeze %dma_wait3A_70 : memref<1x128x128xf32, #tpu.memory_space<hbm>> -> memref<128x128xf32, #tpu.memory_space<hbm>>
      tpu.wait_dma2 semaphore(%run_scoped3A : memref<!tpu.dma_semaphore, #tpu.memory_space<semaphore_mem>>) src(%arg7 : memref<128x128xf32, #tpu.memory_space<vmem>>) dst(%dma_wait3A_71 : memref<128x128xf32, #tpu.memory_space<hbm>>)
      tpu.yield
    }) : () -> ()
    %add3A_53 = arith.constant 384 : i32
    %add3A_54 = arith.addi %mul3A_0, %add3A_53 : i32
    "tpu.region"() ({
      %run_scoped3A = tpu.sem_alloc : memref<!tpu.dma_semaphore, #tpu.memory_space<semaphore_mem>>
      %dma_start3A_61 = arith.constant 0 : i32
      %dma_start3A_62 = tpu.memref_slice %arg9[%add3A_54, %dma_start3A_61] : memref<10240x128xf32, #tpu.memory_space<vmem_shared>> -> memref<128x128xf32, #tpu.memory_space<vmem_shared>>
      %dma_start3A_63 = arith.constant 0 : i32
      %dma_start3A_64 = tpu.memref_slice %arg9[%add3A_54, %dma_start3A_63] : memref<10240x128xf32, #tpu.memory_space<vmem_shared>> -> memref<128x128xf32, #tpu.memory_space<vmem_shared>>
      tpu.enqueue_dma source(%dma_start3A_64 : memref<128x128xf32, #tpu.memory_space<vmem_shared>>) target(%arg7 : memref<128x128xf32, #tpu.memory_space<vmem>>) target_semaphore(%run_scoped3A : memref<!tpu.dma_semaphore, #tpu.memory_space<semaphore_mem>>)
      %dma_wait3A = arith.constant 0 : i32
      %dma_wait3A_65 = tpu.memref_slice %arg9[%add3A_54, %dma_wait3A] : memref<10240x128xf32, #tpu.memory_space<vmem_shared>> -> memref<128x128xf32, #tpu.memory_space<vmem_shared>>
      %dma_wait3A_66 = arith.constant 0 : i32
      %dma_wait3A_67 = tpu.memref_slice %arg9[%add3A_54, %dma_wait3A_66] : memref<10240x128xf32, #tpu.memory_space<vmem_shared>> -> memref<128x128xf32, #tpu.memory_space<vmem_shared>>
      tpu.wait_dma2 semaphore(%run_scoped3A : memref<!tpu.dma_semaphore, #tpu.memory_space<semaphore_mem>>) src(%dma_wait3A_67 : memref<128x128xf32, #tpu.memory_space<vmem_shared>>) dst(%arg7 : memref<128x128xf32, #tpu.memory_space<vmem>>)
      tpu.yield
    }) : () -> ()
    %add3A_55 = arith.constant 384 : i32
    %add3A_56 = arith.addi %mul3A_0, %add3A_55 : i32
    "tpu.region"() ({
      %run_scoped3A = tpu.sem_alloc : memref<!tpu.dma_semaphore, #tpu.memory_space<semaphore_mem>>
      %dma_start3A_61 = arith.constant 0 : i32
      %dma_start3A_62 = tpu.memref_slice %arg5[%arg0, %add3A_56, %dma_start3A_61] : memref<2x10240x128xf32, #tpu.memory_space<hbm>> -> memref<1x128x128xf32, #tpu.memory_space<hbm>>
      %dma_start3A_63 = tpu.memref_squeeze %dma_start3A_62 : memref<1x128x128xf32, #tpu.memory_space<hbm>> -> memref<128x128xf32, #tpu.memory_space<hbm>>
      %dma_start3A_64 = arith.constant 0 : i32
      %dma_start3A_65 = tpu.memref_slice %arg5[%arg0, %add3A_56, %dma_start3A_64] : memref<2x10240x128xf32, #tpu.memory_space<hbm>> -> memref<1x128x128xf32, #tpu.memory_space<hbm>>
      %dma_start3A_66 = tpu.memref_squeeze %dma_start3A_65 : memref<1x128x128xf32, #tpu.memory_space<hbm>> -> memref<128x128xf32, #tpu.memory_space<hbm>>
      tpu.enqueue_dma source(%arg7 : memref<128x128xf32, #tpu.memory_space<vmem>>) target(%dma_start3A_66 : memref<128x128xf32, #tpu.memory_space<hbm>>) target_semaphore(%run_scoped3A : memref<!tpu.dma_semaphore, #tpu.memory_space<semaphore_mem>>)
      %dma_wait3A = arith.constant 0 : i32
      %dma_wait3A_67 = tpu.memref_slice %arg5[%arg0, %add3A_56, %dma_wait3A] : memref<2x10240x128xf32, #tpu.memory_space<hbm>> -> memref<1x128x128xf32, #tpu.memory_space<hbm>>
      %dma_wait3A_68 = tpu.memref_squeeze %dma_wait3A_67 : memref<1x128x128xf32, #tpu.memory_space<hbm>> -> memref<128x128xf32, #tpu.memory_space<hbm>>
      %dma_wait3A_69 = arith.constant 0 : i32
      %dma_wait3A_70 = tpu.memref_slice %arg5[%arg0, %add3A_56, %dma_wait3A_69] : memref<2x10240x128xf32, #tpu.memory_space<hbm>> -> memref<1x128x128xf32, #tpu.memory_space<hbm>>
      %dma_wait3A_71 = tpu.memref_squeeze %dma_wait3A_70 : memref<1x128x128xf32, #tpu.memory_space<hbm>> -> memref<128x128xf32, #tpu.memory_space<hbm>>
      tpu.wait_dma2 semaphore(%run_scoped3A : memref<!tpu.dma_semaphore, #tpu.memory_space<semaphore_mem>>) src(%arg7 : memref<128x128xf32, #tpu.memory_space<vmem>>) dst(%dma_wait3A_71 : memref<128x128xf32, #tpu.memory_space<hbm>>)
      tpu.yield
    }) : () -> ()
    %add3A_57 = arith.constant 512 : i32
    %add3A_58 = arith.addi %mul3A_0, %add3A_57 : i32
    "tpu.region"() ({
      %run_scoped3A = tpu.sem_alloc : memref<!tpu.dma_semaphore, #tpu.memory_space<semaphore_mem>>
      %dma_start3A_61 = arith.constant 0 : i32
      %dma_start3A_62 = tpu.memref_slice %arg9[%add3A_58, %dma_start3A_61] : memref<10240x128xf32, #tpu.memory_space<vmem_shared>> -> memref<128x128xf32, #tpu.memory_space<vmem_shared>>
      %dma_start3A_63 = arith.constant 0 : i32
      %dma_start3A_64 = tpu.memref_slice %arg9[%add3A_58, %dma_start3A_63] : memref<10240x128xf32, #tpu.memory_space<vmem_shared>> -> memref<128x128xf32, #tpu.memory_space<vmem_shared>>
      tpu.enqueue_dma source(%dma_start3A_64 : memref<128x128xf32, #tpu.memory_space<vmem_shared>>) target(%arg7 : memref<128x128xf32, #tpu.memory_space<vmem>>) target_semaphore(%run_scoped3A : memref<!tpu.dma_semaphore, #tpu.memory_space<semaphore_mem>>)
      %dma_wait3A = arith.constant 0 : i32
      %dma_wait3A_65 = tpu.memref_slice %arg9[%add3A_58, %dma_wait3A] : memref<10240x128xf32, #tpu.memory_space<vmem_shared>> -> memref<128x128xf32, #tpu.memory_space<vmem_shared>>
      %dma_wait3A_66 = arith.constant 0 : i32
      %dma_wait3A_67 = tpu.memref_slice %arg9[%add3A_58, %dma_wait3A_66] : memref<10240x128xf32, #tpu.memory_space<vmem_shared>> -> memref<128x128xf32, #tpu.memory_space<vmem_shared>>
      tpu.wait_dma2 semaphore(%run_scoped3A : memref<!tpu.dma_semaphore, #tpu.memory_space<semaphore_mem>>) src(%dma_wait3A_67 : memref<128x128xf32, #tpu.memory_space<vmem_shared>>) dst(%arg7 : memref<128x128xf32, #tpu.memory_space<vmem>>)
      tpu.yield
    }) : () -> ()
    %add3A_59 = arith.constant 512 : i32
    %add3A_60 = arith.addi %mul3A_0, %add3A_59 : i32
    "tpu.region"() ({
      %run_scoped3A = tpu.sem_alloc : memref<!tpu.dma_semaphore, #tpu.memory_space<semaphore_mem>>
      %dma_start3A_61 = arith.constant 0 : i32
      %dma_start3A_62 = tpu.memref_slice %arg5[%arg0, %add3A_60, %dma_start3A_61] : memref<2x10240x128xf32, #tpu.memory_space<hbm>> -> memref<1x128x128xf32, #tpu.memory_space<hbm>>
      %dma_start3A_63 = tpu.memref_squeeze %dma_start3A_62 : memref<1x128x128xf32, #tpu.memory_space<hbm>> -> memref<128x128xf32, #tpu.memory_space<hbm>>
      %dma_start3A_64 = arith.constant 0 : i32
      %dma_start3A_65 = tpu.memref_slice %arg5[%arg0, %add3A_60, %dma_start3A_64] : memref<2x10240x128xf32, #tpu.memory_space<hbm>> -> memref<1x128x128xf32, #tpu.memory_space<hbm>>
      %dma_start3A_66 = tpu.memref_squeeze %dma_start3A_65 : memref<1x128x128xf32, #tpu.memory_space<hbm>> -> memref<128x128xf32, #tpu.memory_space<hbm>>
      tpu.enqueue_dma source(%arg7 : memref<128x128xf32, #tpu.memory_space<vmem>>) target(%dma_start3A_66 : memref<128x128xf32, #tpu.memory_space<hbm>>) target_semaphore(%run_scoped3A : memref<!tpu.dma_semaphore, #tpu.memory_space<semaphore_mem>>)
      %dma_wait3A = arith.constant 0 : i32
      %dma_wait3A_67 = tpu.memref_slice %arg5[%arg0, %add3A_60, %dma_wait3A] : memref<2x10240x128xf32, #tpu.memory_space<hbm>> -> memref<1x128x128xf32, #tpu.memory_space<hbm>>
      %dma_wait3A_68 = tpu.memref_squeeze %dma_wait3A_67 : memref<1x128x128xf32, #tpu.memory_space<hbm>> -> memref<128x128xf32, #tpu.memory_space<hbm>>
      %dma_wait3A_69 = arith.constant 0 : i32
      %dma_wait3A_70 = tpu.memref_slice %arg5[%arg0, %add3A_60, %dma_wait3A_69] : memref<2x10240x128xf32, #tpu.memory_space<hbm>> -> memref<1x128x128xf32, #tpu.memory_space<hbm>>
      %dma_wait3A_71 = tpu.memref_squeeze %dma_wait3A_70 : memref<1x128x128xf32, #tpu.memory_space<hbm>> -> memref<128x128xf32, #tpu.memory_space<hbm>>
      tpu.wait_dma2 semaphore(%run_scoped3A : memref<!tpu.dma_semaphore, #tpu.memory_space<semaphore_mem>>) src(%arg7 : memref<128x128xf32, #tpu.memory_space<vmem>>) dst(%dma_wait3A_71 : memref<128x128xf32, #tpu.memory_space<hbm>>)
      tpu.yield
    }) : () -> ()
    return
  }
}

#map = affine_map<(d0, d1) -> (0, 0)>
#map1 = affine_map<(d0, d1) -> (0, 0, 0)>
module attributes {stable_mosaic.version = 14 : i64} {
  func.func @_spmm_kernel(%arg0: i32, %arg1: i32, %arg2: memref<10240x128xf32, #tpu.memory_space<hbm>>, %arg3: memref<5120x128xi32, #tpu.memory_space<hbm>>, %arg4: memref<128x128xf32, #tpu.memory_space<hbm>>, %arg5: memref<2x10240x128xf32, #tpu.memory_space<hbm>>, %arg6: memref<32x128xi32, #tpu.memory_space<vmem>>, %arg7: memref<128x128xf32, #tpu.memory_space<vmem>>, %arg8: memref<128x128xf32, #tpu.memory_space<vmem>>, %arg9: memref<10240x128xf32, #tpu.memory_space<vmem_shared>>, %arg10: memref<!tpu.dma_semaphore, #tpu.memory_space<semaphore_mem>>, %arg11: memref<!tpu.dma_semaphore, #tpu.memory_space<semaphore_mem>>, %arg12: memref<!tpu.dma_semaphore, #tpu.memory_space<semaphore_mem>>) attributes {dimension_semantics = [#tpu.dimension_semantics<core_parallel>, #tpu.dimension_semantics<subcore_parallel>], iteration_bounds = array<i64: 2, 16>, scalar_prefetch = 0 : i64, scratch_operands = 7 : i64, tpu.core_type = #tpu.core_type<sc_vector_subcore>, window_params = [{transform_indices = #map}, {transform_indices = #map}, {transform_indices = #map}, {transform_indices = #map1}]} {
    %mul3A = arith.constant 640 : i32
    %mul3A_0 = arith.muli %arg1, %mul3A : i32
    %mul3A_1 = arith.constant 2 : i32
    %mul3A_2 = arith.muli %arg1, %mul3A_1 : i32
    %add3A = arith.addi %mul3A_2, %arg0 : i32
    %mul3A_3 = arith.constant 2 : i32
    %mul3A_4 = arith.muli %mul3A_3, %add3A : i32
    %mul3A_5 = arith.constant 80 : i32
    %mul3A_6 = arith.muli %mul3A_4, %mul3A_5 : i32
    "tpu.region"() ({
      %run_scoped3A = tpu.sem_alloc : memref<!tpu.dma_semaphore, #tpu.memory_space<semaphore_mem>>
      tpu.enqueue_dma source(%arg4 : memref<128x128xf32, #tpu.memory_space<hbm>>) target(%arg7 : memref<128x128xf32, #tpu.memory_space<vmem>>) target_semaphore(%run_scoped3A : memref<!tpu.dma_semaphore, #tpu.memory_space<semaphore_mem>>)
      tpu.wait_dma2 semaphore(%run_scoped3A : memref<!tpu.dma_semaphore, #tpu.memory_space<semaphore_mem>>) src(%arg4 : memref<128x128xf32, #tpu.memory_space<hbm>>) dst(%arg7 : memref<128x128xf32, #tpu.memory_space<vmem>>)
      tpu.yield
    }) : () -> ()
    %add3A_7 = arith.constant 0 : i32
    %add3A_8 = arith.addi %mul3A_0, %add3A_7 : i32
    "tpu.region"() ({
      %run_scoped3A = tpu.sem_alloc : memref<!tpu.dma_semaphore, #tpu.memory_space<semaphore_mem>>
      %dma_start3A_61 = arith.constant 0 : i32
      %dma_start3A_62 = tpu.memref_slice %arg9[%add3A_8, %dma_start3A_61] : memref<10240x128xf32, #tpu.memory_space<vmem_shared>> -> memref<128x128xf32, #tpu.memory_space<vmem_shared>>
      %dma_start3A_63 = arith.constant 0 : i32
      %dma_start3A_64 = tpu.memref_slice %arg9[%add3A_8, %dma_start3A_63] : memref<10240x128xf32, #tpu.memory_space<vmem_shared>> -> memref<128x128xf32, #tpu.memory_space<vmem_shared>>
      tpu.enqueue_dma source(%arg7 : memref<128x128xf32, #tpu.memory_space<vmem>>) target(%dma_start3A_64 : memref<128x128xf32, #tpu.memory_space<vmem_shared>>) target_semaphore(%run_scoped3A : memref<!tpu.dma_semaphore, #tpu.memory_space<semaphore_mem>>)
      %dma_wait3A = arith.constant 0 : i32
      %dma_wait3A_65 = tpu.memref_slice %arg9[%add3A_8, %dma_wait3A] : memref<10240x128xf32, #tpu.memory_space<vmem_shared>> -> memref<128x128xf32, #tpu.memory_space<vmem_shared>>
      %dma_wait3A_66 = arith.constant 0 : i32
      %dma_wait3A_67 = tpu.memref_slice %arg9[%add3A_8, %dma_wait3A_66] : memref<10240x128xf32, #tpu.memory_space<vmem_shared>> -> memref<128x128xf32, #tpu.memory_space<vmem_shared>>
      tpu.wait_dma2 semaphore(%run_scoped3A : memref<!tpu.dma_semaphore, #tpu.memory_space<semaphore_mem>>) src(%arg7 : memref<128x128xf32, #tpu.memory_space<vmem>>) dst(%dma_wait3A_67 : memref<128x128xf32, #tpu.memory_space<vmem_shared>>)
      tpu.yield
    }) : () -> ()
    %add3A_9 = arith.constant 128 : i32
    %add3A_10 = arith.addi %mul3A_0, %add3A_9 : i32
    "tpu.region"() ({
      %run_scoped3A = tpu.sem_alloc : memref<!tpu.dma_semaphore, #tpu.memory_space<semaphore_mem>>
      %dma_start3A_61 = arith.constant 0 : i32
      %dma_start3A_62 = tpu.memref_slice %arg9[%add3A_10, %dma_start3A_61] : memref<10240x128xf32, #tpu.memory_space<vmem_shared>> -> memref<128x128xf32, #tpu.memory_space<vmem_shared>>
      %dma_start3A_63 = arith.constant 0 : i32
      %dma_start3A_64 = tpu.memref_slice %arg9[%add3A_10, %dma_start3A_63] : memref<10240x128xf32, #tpu.memory_space<vmem_shared>> -> memref<128x128xf32, #tpu.memory_space<vmem_shared>>
      tpu.enqueue_dma source(%arg7 : memref<128x128xf32, #tpu.memory_space<vmem>>) target(%dma_start3A_64 : memref<128x128xf32, #tpu.memory_space<vmem_shared>>) target_semaphore(%run_scoped3A : memref<!tpu.dma_semaphore, #tpu.memory_space<semaphore_mem>>)
      %dma_wait3A = arith.constant 0 : i32
      %dma_wait3A_65 = tpu.memref_slice %arg9[%add3A_10, %dma_wait3A] : memref<10240x128xf32, #tpu.memory_space<vmem_shared>> -> memref<128x128xf32, #tpu.memory_space<vmem_shared>>
      %dma_wait3A_66 = arith.constant 0 : i32
      %dma_wait3A_67 = tpu.memref_slice %arg9[%add3A_10, %dma_wait3A_66] : memref<10240x128xf32, #tpu.memory_space<vmem_shared>> -> memref<128x128xf32, #tpu.memory_space<vmem_shared>>
      tpu.wait_dma2 semaphore(%run_scoped3A : memref<!tpu.dma_semaphore, #tpu.memory_space<semaphore_mem>>) src(%arg7 : memref<128x128xf32, #tpu.memory_space<vmem>>) dst(%dma_wait3A_67 : memref<128x128xf32, #tpu.memory_space<vmem_shared>>)
      tpu.yield
    }) : () -> ()
    %add3A_11 = arith.constant 256 : i32
    %add3A_12 = arith.addi %mul3A_0, %add3A_11 : i32
    "tpu.region"() ({
      %run_scoped3A = tpu.sem_alloc : memref<!tpu.dma_semaphore, #tpu.memory_space<semaphore_mem>>
      %dma_start3A_61 = arith.constant 0 : i32
      %dma_start3A_62 = tpu.memref_slice %arg9[%add3A_12, %dma_start3A_61] : memref<10240x128xf32, #tpu.memory_space<vmem_shared>> -> memref<128x128xf32, #tpu.memory_space<vmem_shared>>
      %dma_start3A_63 = arith.constant 0 : i32
      %dma_start3A_64 = tpu.memref_slice %arg9[%add3A_12, %dma_start3A_63] : memref<10240x128xf32, #tpu.memory_space<vmem_shared>> -> memref<128x128xf32, #tpu.memory_space<vmem_shared>>
      tpu.enqueue_dma source(%arg7 : memref<128x128xf32, #tpu.memory_space<vmem>>) target(%dma_start3A_64 : memref<128x128xf32, #tpu.memory_space<vmem_shared>>) target_semaphore(%run_scoped3A : memref<!tpu.dma_semaphore, #tpu.memory_space<semaphore_mem>>)
      %dma_wait3A = arith.constant 0 : i32
      %dma_wait3A_65 = tpu.memref_slice %arg9[%add3A_12, %dma_wait3A] : memref<10240x128xf32, #tpu.memory_space<vmem_shared>> -> memref<128x128xf32, #tpu.memory_space<vmem_shared>>
      %dma_wait3A_66 = arith.constant 0 : i32
      %dma_wait3A_67 = tpu.memref_slice %arg9[%add3A_12, %dma_wait3A_66] : memref<10240x128xf32, #tpu.memory_space<vmem_shared>> -> memref<128x128xf32, #tpu.memory_space<vmem_shared>>
      tpu.wait_dma2 semaphore(%run_scoped3A : memref<!tpu.dma_semaphore, #tpu.memory_space<semaphore_mem>>) src(%arg7 : memref<128x128xf32, #tpu.memory_space<vmem>>) dst(%dma_wait3A_67 : memref<128x128xf32, #tpu.memory_space<vmem_shared>>)
      tpu.yield
    }) : () -> ()
    %add3A_13 = arith.constant 384 : i32
    %add3A_14 = arith.addi %mul3A_0, %add3A_13 : i32
    "tpu.region"() ({
      %run_scoped3A = tpu.sem_alloc : memref<!tpu.dma_semaphore, #tpu.memory_space<semaphore_mem>>
      %dma_start3A_61 = arith.constant 0 : i32
      %dma_start3A_62 = tpu.memref_slice %arg9[%add3A_14, %dma_start3A_61] : memref<10240x128xf32, #tpu.memory_space<vmem_shared>> -> memref<128x128xf32, #tpu.memory_space<vmem_shared>>
      %dma_start3A_63 = arith.constant 0 : i32
      %dma_start3A_64 = tpu.memref_slice %arg9[%add3A_14, %dma_start3A_63] : memref<10240x128xf32, #tpu.memory_space<vmem_shared>> -> memref<128x128xf32, #tpu.memory_space<vmem_shared>>
      tpu.enqueue_dma source(%arg7 : memref<128x128xf32, #tpu.memory_space<vmem>>) target(%dma_start3A_64 : memref<128x128xf32, #tpu.memory_space<vmem_shared>>) target_semaphore(%run_scoped3A : memref<!tpu.dma_semaphore, #tpu.memory_space<semaphore_mem>>)
      %dma_wait3A = arith.constant 0 : i32
      %dma_wait3A_65 = tpu.memref_slice %arg9[%add3A_14, %dma_wait3A] : memref<10240x128xf32, #tpu.memory_space<vmem_shared>> -> memref<128x128xf32, #tpu.memory_space<vmem_shared>>
      %dma_wait3A_66 = arith.constant 0 : i32
      %dma_wait3A_67 = tpu.memref_slice %arg9[%add3A_14, %dma_wait3A_66] : memref<10240x128xf32, #tpu.memory_space<vmem_shared>> -> memref<128x128xf32, #tpu.memory_space<vmem_shared>>
      tpu.wait_dma2 semaphore(%run_scoped3A : memref<!tpu.dma_semaphore, #tpu.memory_space<semaphore_mem>>) src(%arg7 : memref<128x128xf32, #tpu.memory_space<vmem>>) dst(%dma_wait3A_67 : memref<128x128xf32, #tpu.memory_space<vmem_shared>>)
      tpu.yield
    }) : () -> ()
    %add3A_15 = arith.constant 512 : i32
    %add3A_16 = arith.addi %mul3A_0, %add3A_15 : i32
    "tpu.region"() ({
      %run_scoped3A = tpu.sem_alloc : memref<!tpu.dma_semaphore, #tpu.memory_space<semaphore_mem>>
      %dma_start3A_61 = arith.constant 0 : i32
      %dma_start3A_62 = tpu.memref_slice %arg9[%add3A_16, %dma_start3A_61] : memref<10240x128xf32, #tpu.memory_space<vmem_shared>> -> memref<128x128xf32, #tpu.memory_space<vmem_shared>>
      %dma_start3A_63 = arith.constant 0 : i32
      %dma_start3A_64 = tpu.memref_slice %arg9[%add3A_16, %dma_start3A_63] : memref<10240x128xf32, #tpu.memory_space<vmem_shared>> -> memref<128x128xf32, #tpu.memory_space<vmem_shared>>
      tpu.enqueue_dma source(%arg7 : memref<128x128xf32, #tpu.memory_space<vmem>>) target(%dma_start3A_64 : memref<128x128xf32, #tpu.memory_space<vmem_shared>>) target_semaphore(%run_scoped3A : memref<!tpu.dma_semaphore, #tpu.memory_space<semaphore_mem>>)
      %dma_wait3A = arith.constant 0 : i32
      %dma_wait3A_65 = tpu.memref_slice %arg9[%add3A_16, %dma_wait3A] : memref<10240x128xf32, #tpu.memory_space<vmem_shared>> -> memref<128x128xf32, #tpu.memory_space<vmem_shared>>
      %dma_wait3A_66 = arith.constant 0 : i32
      %dma_wait3A_67 = tpu.memref_slice %arg9[%add3A_16, %dma_wait3A_66] : memref<10240x128xf32, #tpu.memory_space<vmem_shared>> -> memref<128x128xf32, #tpu.memory_space<vmem_shared>>
      tpu.wait_dma2 semaphore(%run_scoped3A : memref<!tpu.dma_semaphore, #tpu.memory_space<semaphore_mem>>) src(%arg7 : memref<128x128xf32, #tpu.memory_space<vmem>>) dst(%dma_wait3A_67 : memref<128x128xf32, #tpu.memory_space<vmem_shared>>)
      tpu.yield
    }) : () -> ()
    %barrier3A = arith.constant 0 : index
    tpu.barrier barrier_id(%barrier3A)
    "tpu.region"() ({
      %run_scoped3A = tpu.sem_alloc : memref<!tpu.dma_semaphore, #tpu.memory_space<semaphore_mem>>
      %dma_start3A_61 = arith.constant 0 : i32
      %dma_start3A_62 = arith.constant 0 : i32
      %dma_start3A_63 = tpu.memref_slice %arg6[%dma_start3A_61, %dma_start3A_62] : memref<32x128xi32, #tpu.memory_space<vmem>> -> memref<16x128xi32, #tpu.memory_space<vmem>>
      %dma_start3A_64 = arith.constant 0 : i32
      %dma_start3A_65 = tpu.memref_slice %arg3[%mul3A_6, %dma_start3A_64] : memref<5120x128xi32, #tpu.memory_space<hbm>> -> memref<16x128xi32, #tpu.memory_space<hbm>>
      %dma_start3A_66 = arith.constant 0 : i32
      %dma_start3A_67 = arith.constant 0 : i32
      %dma_start3A_68 = tpu.memref_slice %arg6[%dma_start3A_66, %dma_start3A_67] : memref<32x128xi32, #tpu.memory_space<vmem>> -> memref<16x128xi32, #tpu.memory_space<vmem>>
      %dma_start3A_69 = arith.constant 0 : i32
      %dma_start3A_70 = tpu.memref_slice %arg3[%mul3A_6, %dma_start3A_69] : memref<5120x128xi32, #tpu.memory_space<hbm>> -> memref<16x128xi32, #tpu.memory_space<hbm>>
      tpu.enqueue_dma source(%dma_start3A_70 : memref<16x128xi32, #tpu.memory_space<hbm>>) target(%dma_start3A_68 : memref<16x128xi32, #tpu.memory_space<vmem>>) target_semaphore(%run_scoped3A : memref<!tpu.dma_semaphore, #tpu.memory_space<semaphore_mem>>)
      %dma_wait3A = arith.constant 0 : i32
      %dma_wait3A_71 = arith.constant 0 : i32
      %dma_wait3A_72 = tpu.memref_slice %arg6[%dma_wait3A, %dma_wait3A_71] : memref<32x128xi32, #tpu.memory_space<vmem>> -> memref<16x128xi32, #tpu.memory_space<vmem>>
      %dma_wait3A_73 = arith.constant 0 : i32
      %dma_wait3A_74 = tpu.memref_slice %arg3[%mul3A_6, %dma_wait3A_73] : memref<5120x128xi32, #tpu.memory_space<hbm>> -> memref<16x128xi32, #tpu.memory_space<hbm>>
      %dma_wait3A_75 = arith.constant 0 : i32
      %dma_wait3A_76 = arith.constant 0 : i32
      %dma_wait3A_77 = tpu.memref_slice %arg6[%dma_wait3A_75, %dma_wait3A_76] : memref<32x128xi32, #tpu.memory_space<vmem>> -> memref<16x128xi32, #tpu.memory_space<vmem>>
      %dma_wait3A_78 = arith.constant 0 : i32
      %dma_wait3A_79 = tpu.memref_slice %arg3[%mul3A_6, %dma_wait3A_78] : memref<5120x128xi32, #tpu.memory_space<hbm>> -> memref<16x128xi32, #tpu.memory_space<hbm>>
      tpu.wait_dma2 semaphore(%run_scoped3A : memref<!tpu.dma_semaphore, #tpu.memory_space<semaphore_mem>>) src(%dma_wait3A_79 : memref<16x128xi32, #tpu.memory_space<hbm>>) dst(%dma_wait3A_77 : memref<16x128xi32, #tpu.memory_space<vmem>>)
      tpu.yield
    }) : () -> ()
    %add3A_17 = arith.constant 16 : i32
    %add3A_18 = arith.addi %mul3A_6, %add3A_17 : i32
    %dma_start3A = arith.constant 16 : i32
    %dma_start3A_19 = arith.constant 0 : i32
    %dma_start3A_20 = tpu.memref_slice %arg6[%dma_start3A, %dma_start3A_19] : memref<32x128xi32, #tpu.memory_space<vmem>> -> memref<16x128xi32, #tpu.memory_space<vmem>>
    %dma_start3A_21 = arith.constant 0 : i32
    %dma_start3A_22 = tpu.memref_slice %arg3[%add3A_18, %dma_start3A_21] : memref<5120x128xi32, #tpu.memory_space<hbm>> -> memref<16x128xi32, #tpu.memory_space<hbm>>
    %dma_start3A_23 = arith.constant 16 : i32
    %dma_start3A_24 = arith.constant 0 : i32
    %dma_start3A_25 = tpu.memref_slice %arg6[%dma_start3A_23, %dma_start3A_24] : memref<32x128xi32, #tpu.memory_space<vmem>> -> memref<16x128xi32, #tpu.memory_space<vmem>>
    %dma_start3A_26 = arith.constant 0 : i32
    %dma_start3A_27 = tpu.memref_slice %arg3[%add3A_18, %dma_start3A_26] : memref<5120x128xi32, #tpu.memory_space<hbm>> -> memref<16x128xi32, #tpu.memory_space<hbm>>
    tpu.enqueue_dma source(%dma_start3A_27 : memref<16x128xi32, #tpu.memory_space<hbm>>) target(%dma_start3A_25 : memref<16x128xi32, #tpu.memory_space<vmem>>) target_semaphore(%arg12 : memref<!tpu.dma_semaphore, #tpu.memory_space<semaphore_mem>>)
    %dma_start3A_28 = arith.constant 0 : i32
    %dma_start3A_29 = arith.constant 0 : i32
    %dma_start3A_30 = tpu.memref_slice %arg6[%dma_start3A_28, %dma_start3A_29] : memref<32x128xi32, #tpu.memory_space<vmem>> -> memref<1x128xi32, #tpu.memory_space<vmem>>
    %dma_start3A_31 = tpu.memref_squeeze %dma_start3A_30 : memref<1x128xi32, #tpu.memory_space<vmem>> -> memref<128xi32, #tpu.memory_space<vmem>>
    %dma_start3A_32 = arith.constant 0 : i32
    %dma_start3A_33 = arith.constant 0 : i32
    %dma_start3A_34 = tpu.memref_slice %arg2[%dma_start3A_32, %dma_start3A_33] : memref<10240x128xf32, #tpu.memory_space<hbm>> -> memref<10240x128xf32, #tpu.memory_space<hbm>>
    tpu.enqueue_indirect_dma source(%dma_start3A_34 : memref<10240x128xf32, #tpu.memory_space<hbm>>) target(%arg7 : memref<128x128xf32, #tpu.memory_space<vmem>>) offsets(%dma_start3A_31 : memref<128xi32, #tpu.memory_space<vmem>>) semaphore(%arg10 : memref<!tpu.dma_semaphore, #tpu.memory_space<semaphore_mem>>)
    %scan3A = arith.constant 0 : i32
    %scan3A_35 = arith.constant 0 : i32
    %scan3A_36 = arith.constant 10 : i32
    %scan3A_37 = arith.addi %scan3A_35, %scan3A_36 : i32
    %scan3A_38 = arith.constant 1 : i32
    scf.for %scan3A_61 = %scan3A_35 to %scan3A_37 step %scan3A_38  : i32 {
      %jit3A = arith.constant 2 : i32
      %eq3A = arith.constant 0 : i32
      %eq3A_62 = arith.cmpi eq, %jit3A, %eq3A : i32
      %jit3A_63 = arith.constant 1 : i32
      %select_n3A = arith.select %eq3A_62, %jit3A_63, %jit3A : i32
      %rem3A = arith.remsi %scan3A_61, %select_n3A : i32
      %ne3A = arith.constant 0 : i32
      %ne3A_64 = arith.cmpi ne, %rem3A, %ne3A : i32
      %lt3A = arith.constant 0 : i32
      %lt3A_65 = arith.cmpi slt, %rem3A, %lt3A : i32
      %lt3A_66 = arith.constant 0 : i32
      %lt3A_67 = arith.cmpi slt, %select_n3A, %lt3A_66 : i32
      %ne3A_68 = arith.xori %lt3A_65, %lt3A_67 : i1
      %and3A = arith.andi %ne3A_68, %ne3A_64 : i1
      %add3A_69 = arith.addi %rem3A, %select_n3A : i32
      %select_n3A_70 = arith.select %and3A, %add3A_69, %rem3A : i32
      %mul3A_71 = arith.constant 16 : i32
      %mul3A_72 = arith.muli %select_n3A_70, %mul3A_71 : i32
      %add3A_73 = arith.constant 1 : i32
      %add3A_74 = arith.addi %scan3A_61, %add3A_73 : i32
      %jit3A_75 = arith.constant 2 : i32
      %eq3A_76 = arith.constant 0 : i32
      %eq3A_77 = arith.cmpi eq, %jit3A_75, %eq3A_76 : i32
      %jit3A_78 = arith.constant 1 : i32
      %select_n3A_79 = arith.select %eq3A_77, %jit3A_78, %jit3A_75 : i32
      %rem3A_80 = arith.remsi %add3A_74, %select_n3A_79 : i32
      %ne3A_81 = arith.constant 0 : i32
      %ne3A_82 = arith.cmpi ne, %rem3A_80, %ne3A_81 : i32
      %lt3A_83 = arith.constant 0 : i32
      %lt3A_84 = arith.cmpi slt, %rem3A_80, %lt3A_83 : i32
      %lt3A_85 = arith.constant 0 : i32
      %lt3A_86 = arith.cmpi slt, %select_n3A_79, %lt3A_85 : i32
      %ne3A_87 = arith.xori %lt3A_84, %lt3A_86 : i1
      %and3A_88 = arith.andi %ne3A_87, %ne3A_82 : i1
      %add3A_89 = arith.addi %rem3A_80, %select_n3A_79 : i32
      %select_n3A_90 = arith.select %and3A_88, %add3A_89, %rem3A_80 : i32
      %mul3A_91 = arith.constant 16 : i32
      %mul3A_92 = arith.muli %select_n3A_90, %mul3A_91 : i32
      %add3A_93 = arith.constant 0 : i32
      %add3A_94 = arith.addi %mul3A_72, %add3A_93 : i32
      %add3A_95 = arith.constant 2 : i32
      %add3A_96 = arith.addi %add3A_94, %add3A_95 : i32
      %dma_start3A_97 = arith.constant 0 : i32
      %dma_start3A_98 = tpu.memref_slice %arg6[%add3A_96, %dma_start3A_97] : memref<32x128xi32, #tpu.memory_space<vmem>> -> memref<1x128xi32, #tpu.memory_space<vmem>>
      %dma_start3A_99 = tpu.memref_squeeze %dma_start3A_98 : memref<1x128xi32, #tpu.memory_space<vmem>> -> memref<128xi32, #tpu.memory_space<vmem>>
      %dma_start3A_100 = arith.constant 0 : i32
      %dma_start3A_101 = arith.constant 0 : i32
      %dma_start3A_102 = tpu.memref_slice %arg2[%dma_start3A_100, %dma_start3A_101] : memref<10240x128xf32, #tpu.memory_space<hbm>> -> memref<10240x128xf32, #tpu.memory_space<hbm>>
      tpu.enqueue_indirect_dma source(%dma_start3A_102 : memref<10240x128xf32, #tpu.memory_space<hbm>>) target(%arg8 : memref<128x128xf32, #tpu.memory_space<vmem>>) offsets(%dma_start3A_99 : memref<128xi32, #tpu.memory_space<vmem>>) semaphore(%arg11 : memref<!tpu.dma_semaphore, #tpu.memory_space<semaphore_mem>>)
      %add3A_103 = arith.constant 0 : i32
      %add3A_104 = arith.addi %mul3A_72, %add3A_103 : i32
      %dma_wait3A = arith.constant 0 : i32
      %dma_wait3A_105 = tpu.memref_slice %arg6[%add3A_104, %dma_wait3A] : memref<32x128xi32, #tpu.memory_space<vmem>> -> memref<1x128xi32, #tpu.memory_space<vmem>>
      %dma_wait3A_106 = tpu.memref_squeeze %dma_wait3A_105 : memref<1x128xi32, #tpu.memory_space<vmem>> -> memref<128xi32, #tpu.memory_space<vmem>>
      %dma_wait3A_107 = arith.constant 0 : i32
      %dma_wait3A_108 = arith.constant 0 : i32
      %dma_wait3A_109 = tpu.memref_slice %arg2[%dma_wait3A_107, %dma_wait3A_108] : memref<10240x128xf32, #tpu.memory_space<hbm>> -> memref<10240x128xf32, #tpu.memory_space<hbm>>
      tpu.wait_indirect_dma semaphore(%arg10 : memref<!tpu.dma_semaphore, #tpu.memory_space<semaphore_mem>>) src(%dma_wait3A_109 : memref<10240x128xf32, #tpu.memory_space<hbm>>) dst(%arg7 : memref<128x128xf32, #tpu.memory_space<vmem>>)
      %add3A_110 = arith.constant 0 : i32
      %add3A_111 = arith.addi %mul3A_72, %add3A_110 : i32
      %add3A_112 = arith.constant 1 : i32
      %add3A_113 = arith.addi %add3A_111, %add3A_112 : i32
      "tpu.region"() ({
        %run_scoped3A = tpu.sem_alloc : memref<!tpu.dma_semaphore, #tpu.memory_space<semaphore_mem>>
        %dma_start3A_266 = arith.constant 0 : i32
        %dma_start3A_267 = tpu.memref_slice %arg6[%add3A_113, %dma_start3A_266] : memref<32x128xi32, #tpu.memory_space<vmem>> -> memref<1x128xi32, #tpu.memory_space<vmem>>
        %dma_start3A_268 = tpu.memref_squeeze %dma_start3A_267 : memref<1x128xi32, #tpu.memory_space<vmem>> -> memref<128xi32, #tpu.memory_space<vmem>>
        %dma_start3A_269 = arith.constant 0 : i32
        %dma_start3A_270 = arith.constant 0 : i32
        %dma_start3A_271 = tpu.memref_slice %arg9[%dma_start3A_269, %dma_start3A_270] : memref<10240x128xf32, #tpu.memory_space<vmem_shared>> -> memref<10240x128xf32, #tpu.memory_space<vmem_shared>>
        tpu.enqueue_indirect_dma source(%arg7 : memref<128x128xf32, #tpu.memory_space<vmem>>) target(%dma_start3A_271 : memref<10240x128xf32, #tpu.memory_space<vmem_shared>>) offsets(%dma_start3A_268 : memref<128xi32, #tpu.memory_space<vmem>>) semaphore(%run_scoped3A : memref<!tpu.dma_semaphore, #tpu.memory_space<semaphore_mem>>) {add = true}
        %dma_wait3A_272 = arith.constant 0 : i32
        %dma_wait3A_273 = tpu.memref_slice %arg6[%add3A_113, %dma_wait3A_272] : memref<32x128xi32, #tpu.memory_space<vmem>> -> memref<1x128xi32, #tpu.memory_space<vmem>>
        %dma_wait3A_274 = tpu.memref_squeeze %dma_wait3A_273 : memref<1x128xi32, #tpu.memory_space<vmem>> -> memref<128xi32, #tpu.memory_space<vmem>>
        %dma_wait3A_275 = arith.constant 0 : i32
        %dma_wait3A_276 = arith.constant 0 : i32
        %dma_wait3A_277 = tpu.memref_slice %arg9[%dma_wait3A_275, %dma_wait3A_276] : memref<10240x128xf32, #tpu.memory_space<vmem_shared>> -> memref<10240x128xf32, #tpu.memory_space<vmem_shared>>
        tpu.wait_indirect_dma semaphore(%run_scoped3A : memref<!tpu.dma_semaphore, #tpu.memory_space<semaphore_mem>>) src(%arg7 : memref<128x128xf32, #tpu.memory_space<vmem>>) dst(%dma_wait3A_277 : memref<10240x128xf32, #tpu.memory_space<vmem_shared>>)
        tpu.yield
      }) : () -> ()
      %add3A_114 = arith.constant 2 : i32
      %add3A_115 = arith.addi %mul3A_72, %add3A_114 : i32
      %add3A_116 = arith.constant 2 : i32
      %add3A_117 = arith.addi %add3A_115, %add3A_116 : i32
      %dma_start3A_118 = arith.constant 0 : i32
      %dma_start3A_119 = tpu.memref_slice %arg6[%add3A_117, %dma_start3A_118] : memref<32x128xi32, #tpu.memory_space<vmem>> -> memref<1x128xi32, #tpu.memory_space<vmem>>
      %dma_start3A_120 = tpu.memref_squeeze %dma_start3A_119 : memref<1x128xi32, #tpu.memory_space<vmem>> -> memref<128xi32, #tpu.memory_space<vmem>>
      %dma_start3A_121 = arith.constant 0 : i32
      %dma_start3A_122 = arith.constant 0 : i32
      %dma_start3A_123 = tpu.memref_slice %arg2[%dma_start3A_121, %dma_start3A_122] : memref<10240x128xf32, #tpu.memory_space<hbm>> -> memref<10240x128xf32, #tpu.memory_space<hbm>>
      tpu.enqueue_indirect_dma source(%dma_start3A_123 : memref<10240x128xf32, #tpu.memory_space<hbm>>) target(%arg7 : memref<128x128xf32, #tpu.memory_space<vmem>>) offsets(%dma_start3A_120 : memref<128xi32, #tpu.memory_space<vmem>>) semaphore(%arg10 : memref<!tpu.dma_semaphore, #tpu.memory_space<semaphore_mem>>)
      %add3A_124 = arith.constant 2 : i32
      %add3A_125 = arith.addi %mul3A_72, %add3A_124 : i32
      %dma_wait3A_126 = arith.constant 0 : i32
      %dma_wait3A_127 = tpu.memref_slice %arg6[%add3A_125, %dma_wait3A_126] : memref<32x128xi32, #tpu.memory_space<vmem>> -> memref<1x128xi32, #tpu.memory_space<vmem>>
      %dma_wait3A_128 = tpu.memref_squeeze %dma_wait3A_127 : memref<1x128xi32, #tpu.memory_space<vmem>> -> memref<128xi32, #tpu.memory_space<vmem>>
      %dma_wait3A_129 = arith.constant 0 : i32
      %dma_wait3A_130 = arith.constant 0 : i32
      %dma_wait3A_131 = tpu.memref_slice %arg2[%dma_wait3A_129, %dma_wait3A_130] : memref<10240x128xf32, #tpu.memory_space<hbm>> -> memref<10240x128xf32, #tpu.memory_space<hbm>>
      tpu.wait_indirect_dma semaphore(%arg11 : memref<!tpu.dma_semaphore, #tpu.memory_space<semaphore_mem>>) src(%dma_wait3A_131 : memref<10240x128xf32, #tpu.memory_space<hbm>>) dst(%arg8 : memref<128x128xf32, #tpu.memory_space<vmem>>)
      %add3A_132 = arith.constant 2 : i32
      %add3A_133 = arith.addi %mul3A_72, %add3A_132 : i32
      %add3A_134 = arith.constant 1 : i32
      %add3A_135 = arith.addi %add3A_133, %add3A_134 : i32
      "tpu.region"() ({
        %run_scoped3A = tpu.sem_alloc : memref<!tpu.dma_semaphore, #tpu.memory_space<semaphore_mem>>
        %dma_start3A_266 = arith.constant 0 : i32
        %dma_start3A_267 = tpu.memref_slice %arg6[%add3A_135, %dma_start3A_266] : memref<32x128xi32, #tpu.memory_space<vmem>> -> memref<1x128xi32, #tpu.memory_space<vmem>>
        %dma_start3A_268 = tpu.memref_squeeze %dma_start3A_267 : memref<1x128xi32, #tpu.memory_space<vmem>> -> memref<128xi32, #tpu.memory_space<vmem>>
        %dma_start3A_269 = arith.constant 0 : i32
        %dma_start3A_270 = arith.constant 0 : i32
        %dma_start3A_271 = tpu.memref_slice %arg9[%dma_start3A_269, %dma_start3A_270] : memref<10240x128xf32, #tpu.memory_space<vmem_shared>> -> memref<10240x128xf32, #tpu.memory_space<vmem_shared>>
        tpu.enqueue_indirect_dma source(%arg8 : memref<128x128xf32, #tpu.memory_space<vmem>>) target(%dma_start3A_271 : memref<10240x128xf32, #tpu.memory_space<vmem_shared>>) offsets(%dma_start3A_268 : memref<128xi32, #tpu.memory_space<vmem>>) semaphore(%run_scoped3A : memref<!tpu.dma_semaphore, #tpu.memory_space<semaphore_mem>>) {add = true}
        %dma_wait3A_272 = arith.constant 0 : i32
        %dma_wait3A_273 = tpu.memref_slice %arg6[%add3A_135, %dma_wait3A_272] : memref<32x128xi32, #tpu.memory_space<vmem>> -> memref<1x128xi32, #tpu.memory_space<vmem>>
        %dma_wait3A_274 = tpu.memref_squeeze %dma_wait3A_273 : memref<1x128xi32, #tpu.memory_space<vmem>> -> memref<128xi32, #tpu.memory_space<vmem>>
        %dma_wait3A_275 = arith.constant 0 : i32
        %dma_wait3A_276 = arith.constant 0 : i32
        %dma_wait3A_277 = tpu.memref_slice %arg9[%dma_wait3A_275, %dma_wait3A_276] : memref<10240x128xf32, #tpu.memory_space<vmem_shared>> -> memref<10240x128xf32, #tpu.memory_space<vmem_shared>>
        tpu.wait_indirect_dma semaphore(%run_scoped3A : memref<!tpu.dma_semaphore, #tpu.memory_space<semaphore_mem>>) src(%arg8 : memref<128x128xf32, #tpu.memory_space<vmem>>) dst(%dma_wait3A_277 : memref<10240x128xf32, #tpu.memory_space<vmem_shared>>)
        tpu.yield
      }) : () -> ()
      %add3A_136 = arith.constant 4 : i32
      %add3A_137 = arith.addi %mul3A_72, %add3A_136 : i32
      %add3A_138 = arith.constant 2 : i32
      %add3A_139 = arith.addi %add3A_137, %add3A_138 : i32
      %dma_start3A_140 = arith.constant 0 : i32
      %dma_start3A_141 = tpu.memref_slice %arg6[%add3A_139, %dma_start3A_140] : memref<32x128xi32, #tpu.memory_space<vmem>> -> memref<1x128xi32, #tpu.memory_space<vmem>>
      %dma_start3A_142 = tpu.memref_squeeze %dma_start3A_141 : memref<1x128xi32, #tpu.memory_space<vmem>> -> memref<128xi32, #tpu.memory_space<vmem>>
      %dma_start3A_143 = arith.constant 0 : i32
      %dma_start3A_144 = arith.constant 0 : i32
      %dma_start3A_145 = tpu.memref_slice %arg2[%dma_start3A_143, %dma_start3A_144] : memref<10240x128xf32, #tpu.memory_space<hbm>> -> memref<10240x128xf32, #tpu.memory_space<hbm>>
      tpu.enqueue_indirect_dma source(%dma_start3A_145 : memref<10240x128xf32, #tpu.memory_space<hbm>>) target(%arg8 : memref<128x128xf32, #tpu.memory_space<vmem>>) offsets(%dma_start3A_142 : memref<128xi32, #tpu.memory_space<vmem>>) semaphore(%arg11 : memref<!tpu.dma_semaphore, #tpu.memory_space<semaphore_mem>>)
      %add3A_146 = arith.constant 4 : i32
      %add3A_147 = arith.addi %mul3A_72, %add3A_146 : i32
      %dma_wait3A_148 = arith.constant 0 : i32
      %dma_wait3A_149 = tpu.memref_slice %arg6[%add3A_147, %dma_wait3A_148] : memref<32x128xi32, #tpu.memory_space<vmem>> -> memref<1x128xi32, #tpu.memory_space<vmem>>
      %dma_wait3A_150 = tpu.memref_squeeze %dma_wait3A_149 : memref<1x128xi32, #tpu.memory_space<vmem>> -> memref<128xi32, #tpu.memory_space<vmem>>
      %dma_wait3A_151 = arith.constant 0 : i32
      %dma_wait3A_152 = arith.constant 0 : i32
      %dma_wait3A_153 = tpu.memref_slice %arg2[%dma_wait3A_151, %dma_wait3A_152] : memref<10240x128xf32, #tpu.memory_space<hbm>> -> memref<10240x128xf32, #tpu.memory_space<hbm>>
      tpu.wait_indirect_dma semaphore(%arg10 : memref<!tpu.dma_semaphore, #tpu.memory_space<semaphore_mem>>) src(%dma_wait3A_153 : memref<10240x128xf32, #tpu.memory_space<hbm>>) dst(%arg7 : memref<128x128xf32, #tpu.memory_space<vmem>>)
      %add3A_154 = arith.constant 4 : i32
      %add3A_155 = arith.addi %mul3A_72, %add3A_154 : i32
      %add3A_156 = arith.constant 1 : i32
      %add3A_157 = arith.addi %add3A_155, %add3A_156 : i32
      "tpu.region"() ({
        %run_scoped3A = tpu.sem_alloc : memref<!tpu.dma_semaphore, #tpu.memory_space<semaphore_mem>>
        %dma_start3A_266 = arith.constant 0 : i32
        %dma_start3A_267 = tpu.memref_slice %arg6[%add3A_157, %dma_start3A_266] : memref<32x128xi32, #tpu.memory_space<vmem>> -> memref<1x128xi32, #tpu.memory_space<vmem>>
        %dma_start3A_268 = tpu.memref_squeeze %dma_start3A_267 : memref<1x128xi32, #tpu.memory_space<vmem>> -> memref<128xi32, #tpu.memory_space<vmem>>
        %dma_start3A_269 = arith.constant 0 : i32
        %dma_start3A_270 = arith.constant 0 : i32
        %dma_start3A_271 = tpu.memref_slice %arg9[%dma_start3A_269, %dma_start3A_270] : memref<10240x128xf32, #tpu.memory_space<vmem_shared>> -> memref<10240x128xf32, #tpu.memory_space<vmem_shared>>
        tpu.enqueue_indirect_dma source(%arg7 : memref<128x128xf32, #tpu.memory_space<vmem>>) target(%dma_start3A_271 : memref<10240x128xf32, #tpu.memory_space<vmem_shared>>) offsets(%dma_start3A_268 : memref<128xi32, #tpu.memory_space<vmem>>) semaphore(%run_scoped3A : memref<!tpu.dma_semaphore, #tpu.memory_space<semaphore_mem>>) {add = true}
        %dma_wait3A_272 = arith.constant 0 : i32
        %dma_wait3A_273 = tpu.memref_slice %arg6[%add3A_157, %dma_wait3A_272] : memref<32x128xi32, #tpu.memory_space<vmem>> -> memref<1x128xi32, #tpu.memory_space<vmem>>
        %dma_wait3A_274 = tpu.memref_squeeze %dma_wait3A_273 : memref<1x128xi32, #tpu.memory_space<vmem>> -> memref<128xi32, #tpu.memory_space<vmem>>
        %dma_wait3A_275 = arith.constant 0 : i32
        %dma_wait3A_276 = arith.constant 0 : i32
        %dma_wait3A_277 = tpu.memref_slice %arg9[%dma_wait3A_275, %dma_wait3A_276] : memref<10240x128xf32, #tpu.memory_space<vmem_shared>> -> memref<10240x128xf32, #tpu.memory_space<vmem_shared>>
        tpu.wait_indirect_dma semaphore(%run_scoped3A : memref<!tpu.dma_semaphore, #tpu.memory_space<semaphore_mem>>) src(%arg7 : memref<128x128xf32, #tpu.memory_space<vmem>>) dst(%dma_wait3A_277 : memref<10240x128xf32, #tpu.memory_space<vmem_shared>>)
        tpu.yield
      }) : () -> ()
      %add3A_158 = arith.constant 6 : i32
      %add3A_159 = arith.addi %mul3A_72, %add3A_158 : i32
      %add3A_160 = arith.constant 2 : i32
      %add3A_161 = arith.addi %add3A_159, %add3A_160 : i32
      %dma_start3A_162 = arith.constant 0 : i32
      %dma_start3A_163 = tpu.memref_slice %arg6[%add3A_161, %dma_start3A_162] : memref<32x128xi32, #tpu.memory_space<vmem>> -> memref<1x128xi32, #tpu.memory_space<vmem>>
      %dma_start3A_164 = tpu.memref_squeeze %dma_start3A_163 : memref<1x128xi32, #tpu.memory_space<vmem>> -> memref<128xi32, #tpu.memory_space<vmem>>
      %dma_start3A_165 = arith.constant 0 : i32
      %dma_start3A_166 = arith.constant 0 : i32
      %dma_start3A_167 = tpu.memref_slice %arg2[%dma_start3A_165, %dma_start3A_166] : memref<10240x128xf32, #tpu.memory_space<hbm>> -> memref<10240x128xf32, #tpu.memory_space<hbm>>
      tpu.enqueue_indirect_dma source(%dma_start3A_167 : memref<10240x128xf32, #tpu.memory_space<hbm>>) target(%arg7 : memref<128x128xf32, #tpu.memory_space<vmem>>) offsets(%dma_start3A_164 : memref<128xi32, #tpu.memory_space<vmem>>) semaphore(%arg10 : memref<!tpu.dma_semaphore, #tpu.memory_space<semaphore_mem>>)
      %add3A_168 = arith.constant 6 : i32
      %add3A_169 = arith.addi %mul3A_72, %add3A_168 : i32
      %dma_wait3A_170 = arith.constant 0 : i32
      %dma_wait3A_171 = tpu.memref_slice %arg6[%add3A_169, %dma_wait3A_170] : memref<32x128xi32, #tpu.memory_space<vmem>> -> memref<1x128xi32, #tpu.memory_space<vmem>>
      %dma_wait3A_172 = tpu.memref_squeeze %dma_wait3A_171 : memref<1x128xi32, #tpu.memory_space<vmem>> -> memref<128xi32, #tpu.memory_space<vmem>>
      %dma_wait3A_173 = arith.constant 0 : i32
      %dma_wait3A_174 = arith.constant 0 : i32
      %dma_wait3A_175 = tpu.memref_slice %arg2[%dma_wait3A_173, %dma_wait3A_174] : memref<10240x128xf32, #tpu.memory_space<hbm>> -> memref<10240x128xf32, #tpu.memory_space<hbm>>
      tpu.wait_indirect_dma semaphore(%arg11 : memref<!tpu.dma_semaphore, #tpu.memory_space<semaphore_mem>>) src(%dma_wait3A_175 : memref<10240x128xf32, #tpu.memory_space<hbm>>) dst(%arg8 : memref<128x128xf32, #tpu.memory_space<vmem>>)
      %add3A_176 = arith.constant 6 : i32
      %add3A_177 = arith.addi %mul3A_72, %add3A_176 : i32
      %add3A_178 = arith.constant 1 : i32
      %add3A_179 = arith.addi %add3A_177, %add3A_178 : i32
      "tpu.region"() ({
        %run_scoped3A = tpu.sem_alloc : memref<!tpu.dma_semaphore, #tpu.memory_space<semaphore_mem>>
        %dma_start3A_266 = arith.constant 0 : i32
        %dma_start3A_267 = tpu.memref_slice %arg6[%add3A_179, %dma_start3A_266] : memref<32x128xi32, #tpu.memory_space<vmem>> -> memref<1x128xi32, #tpu.memory_space<vmem>>
        %dma_start3A_268 = tpu.memref_squeeze %dma_start3A_267 : memref<1x128xi32, #tpu.memory_space<vmem>> -> memref<128xi32, #tpu.memory_space<vmem>>
        %dma_start3A_269 = arith.constant 0 : i32
        %dma_start3A_270 = arith.constant 0 : i32
        %dma_start3A_271 = tpu.memref_slice %arg9[%dma_start3A_269, %dma_start3A_270] : memref<10240x128xf32, #tpu.memory_space<vmem_shared>> -> memref<10240x128xf32, #tpu.memory_space<vmem_shared>>
        tpu.enqueue_indirect_dma source(%arg8 : memref<128x128xf32, #tpu.memory_space<vmem>>) target(%dma_start3A_271 : memref<10240x128xf32, #tpu.memory_space<vmem_shared>>) offsets(%dma_start3A_268 : memref<128xi32, #tpu.memory_space<vmem>>) semaphore(%run_scoped3A : memref<!tpu.dma_semaphore, #tpu.memory_space<semaphore_mem>>) {add = true}
        %dma_wait3A_272 = arith.constant 0 : i32
        %dma_wait3A_273 = tpu.memref_slice %arg6[%add3A_179, %dma_wait3A_272] : memref<32x128xi32, #tpu.memory_space<vmem>> -> memref<1x128xi32, #tpu.memory_space<vmem>>
        %dma_wait3A_274 = tpu.memref_squeeze %dma_wait3A_273 : memref<1x128xi32, #tpu.memory_space<vmem>> -> memref<128xi32, #tpu.memory_space<vmem>>
        %dma_wait3A_275 = arith.constant 0 : i32
        %dma_wait3A_276 = arith.constant 0 : i32
        %dma_wait3A_277 = tpu.memref_slice %arg9[%dma_wait3A_275, %dma_wait3A_276] : memref<10240x128xf32, #tpu.memory_space<vmem_shared>> -> memref<10240x128xf32, #tpu.memory_space<vmem_shared>>
        tpu.wait_indirect_dma semaphore(%run_scoped3A : memref<!tpu.dma_semaphore, #tpu.memory_space<semaphore_mem>>) src(%arg8 : memref<128x128xf32, #tpu.memory_space<vmem>>) dst(%dma_wait3A_277 : memref<10240x128xf32, #tpu.memory_space<vmem_shared>>)
        tpu.yield
      }) : () -> ()
      %add3A_180 = arith.constant 8 : i32
      %add3A_181 = arith.addi %mul3A_72, %add3A_180 : i32
      %add3A_182 = arith.constant 2 : i32
      %add3A_183 = arith.addi %add3A_181, %add3A_182 : i32
      %dma_start3A_184 = arith.constant 0 : i32
      %dma_start3A_185 = tpu.memref_slice %arg6[%add3A_183, %dma_start3A_184] : memref<32x128xi32, #tpu.memory_space<vmem>> -> memref<1x128xi32, #tpu.memory_space<vmem>>
      %dma_start3A_186 = tpu.memref_squeeze %dma_start3A_185 : memref<1x128xi32, #tpu.memory_space<vmem>> -> memref<128xi32, #tpu.memory_space<vmem>>
      %dma_start3A_187 = arith.constant 0 : i32
      %dma_start3A_188 = arith.constant 0 : i32
      %dma_start3A_189 = tpu.memref_slice %arg2[%dma_start3A_187, %dma_start3A_188] : memref<10240x128xf32, #tpu.memory_space<hbm>> -> memref<10240x128xf32, #tpu.memory_space<hbm>>
      tpu.enqueue_indirect_dma source(%dma_start3A_189 : memref<10240x128xf32, #tpu.memory_space<hbm>>) target(%arg8 : memref<128x128xf32, #tpu.memory_space<vmem>>) offsets(%dma_start3A_186 : memref<128xi32, #tpu.memory_space<vmem>>) semaphore(%arg11 : memref<!tpu.dma_semaphore, #tpu.memory_space<semaphore_mem>>)
      %add3A_190 = arith.constant 8 : i32
      %add3A_191 = arith.addi %mul3A_72, %add3A_190 : i32
      %dma_wait3A_192 = arith.constant 0 : i32
      %dma_wait3A_193 = tpu.memref_slice %arg6[%add3A_191, %dma_wait3A_192] : memref<32x128xi32, #tpu.memory_space<vmem>> -> memref<1x128xi32, #tpu.memory_space<vmem>>
      %dma_wait3A_194 = tpu.memref_squeeze %dma_wait3A_193 : memref<1x128xi32, #tpu.memory_space<vmem>> -> memref<128xi32, #tpu.memory_space<vmem>>
      %dma_wait3A_195 = arith.constant 0 : i32
      %dma_wait3A_196 = arith.constant 0 : i32
      %dma_wait3A_197 = tpu.memref_slice %arg2[%dma_wait3A_195, %dma_wait3A_196] : memref<10240x128xf32, #tpu.memory_space<hbm>> -> memref<10240x128xf32, #tpu.memory_space<hbm>>
      tpu.wait_indirect_dma semaphore(%arg10 : memref<!tpu.dma_semaphore, #tpu.memory_space<semaphore_mem>>) src(%dma_wait3A_197 : memref<10240x128xf32, #tpu.memory_space<hbm>>) dst(%arg7 : memref<128x128xf32, #tpu.memory_space<vmem>>)
      %add3A_198 = arith.constant 8 : i32
      %add3A_199 = arith.addi %mul3A_72, %add3A_198 : i32
      %add3A_200 = arith.constant 1 : i32
      %add3A_201 = arith.addi %add3A_199, %add3A_200 : i32
      "tpu.region"() ({
        %run_scoped3A = tpu.sem_alloc : memref<!tpu.dma_semaphore, #tpu.memory_space<semaphore_mem>>
        %dma_start3A_266 = arith.constant 0 : i32
        %dma_start3A_267 = tpu.memref_slice %arg6[%add3A_201, %dma_start3A_266] : memref<32x128xi32, #tpu.memory_space<vmem>> -> memref<1x128xi32, #tpu.memory_space<vmem>>
        %dma_start3A_268 = tpu.memref_squeeze %dma_start3A_267 : memref<1x128xi32, #tpu.memory_space<vmem>> -> memref<128xi32, #tpu.memory_space<vmem>>
        %dma_start3A_269 = arith.constant 0 : i32
        %dma_start3A_270 = arith.constant 0 : i32
        %dma_start3A_271 = tpu.memref_slice %arg9[%dma_start3A_269, %dma_start3A_270] : memref<10240x128xf32, #tpu.memory_space<vmem_shared>> -> memref<10240x128xf32, #tpu.memory_space<vmem_shared>>
        tpu.enqueue_indirect_dma source(%arg7 : memref<128x128xf32, #tpu.memory_space<vmem>>) target(%dma_start3A_271 : memref<10240x128xf32, #tpu.memory_space<vmem_shared>>) offsets(%dma_start3A_268 : memref<128xi32, #tpu.memory_space<vmem>>) semaphore(%run_scoped3A : memref<!tpu.dma_semaphore, #tpu.memory_space<semaphore_mem>>) {add = true}
        %dma_wait3A_272 = arith.constant 0 : i32
        %dma_wait3A_273 = tpu.memref_slice %arg6[%add3A_201, %dma_wait3A_272] : memref<32x128xi32, #tpu.memory_space<vmem>> -> memref<1x128xi32, #tpu.memory_space<vmem>>
        %dma_wait3A_274 = tpu.memref_squeeze %dma_wait3A_273 : memref<1x128xi32, #tpu.memory_space<vmem>> -> memref<128xi32, #tpu.memory_space<vmem>>
        %dma_wait3A_275 = arith.constant 0 : i32
        %dma_wait3A_276 = arith.constant 0 : i32
        %dma_wait3A_277 = tpu.memref_slice %arg9[%dma_wait3A_275, %dma_wait3A_276] : memref<10240x128xf32, #tpu.memory_space<vmem_shared>> -> memref<10240x128xf32, #tpu.memory_space<vmem_shared>>
        tpu.wait_indirect_dma semaphore(%run_scoped3A : memref<!tpu.dma_semaphore, #tpu.memory_space<semaphore_mem>>) src(%arg7 : memref<128x128xf32, #tpu.memory_space<vmem>>) dst(%dma_wait3A_277 : memref<10240x128xf32, #tpu.memory_space<vmem_shared>>)
        tpu.yield
      }) : () -> ()
      %add3A_202 = arith.constant 10 : i32
      %add3A_203 = arith.addi %mul3A_72, %add3A_202 : i32
      %add3A_204 = arith.constant 2 : i32
      %add3A_205 = arith.addi %add3A_203, %add3A_204 : i32
      %dma_start3A_206 = arith.constant 0 : i32
      %dma_start3A_207 = tpu.memref_slice %arg6[%add3A_205, %dma_start3A_206] : memref<32x128xi32, #tpu.memory_space<vmem>> -> memref<1x128xi32, #tpu.memory_space<vmem>>
      %dma_start3A_208 = tpu.memref_squeeze %dma_start3A_207 : memref<1x128xi32, #tpu.memory_space<vmem>> -> memref<128xi32, #tpu.memory_space<vmem>>
      %dma_start3A_209 = arith.constant 0 : i32
      %dma_start3A_210 = arith.constant 0 : i32
      %dma_start3A_211 = tpu.memref_slice %arg2[%dma_start3A_209, %dma_start3A_210] : memref<10240x128xf32, #tpu.memory_space<hbm>> -> memref<10240x128xf32, #tpu.memory_space<hbm>>
      tpu.enqueue_indirect_dma source(%dma_start3A_211 : memref<10240x128xf32, #tpu.memory_space<hbm>>) target(%arg7 : memref<128x128xf32, #tpu.memory_space<vmem>>) offsets(%dma_start3A_208 : memref<128xi32, #tpu.memory_space<vmem>>) semaphore(%arg10 : memref<!tpu.dma_semaphore, #tpu.memory_space<semaphore_mem>>)
      %add3A_212 = arith.constant 10 : i32
      %add3A_213 = arith.addi %mul3A_72, %add3A_212 : i32
      %dma_wait3A_214 = arith.constant 0 : i32
      %dma_wait3A_215 = tpu.memref_slice %arg6[%add3A_213, %dma_wait3A_214] : memref<32x128xi32, #tpu.memory_space<vmem>> -> memref<1x128xi32, #tpu.memory_space<vmem>>
      %dma_wait3A_216 = tpu.memref_squeeze %dma_wait3A_215 : memref<1x128xi32, #tpu.memory_space<vmem>> -> memref<128xi32, #tpu.memory_space<vmem>>
      %dma_wait3A_217 = arith.constant 0 : i32
      %dma_wait3A_218 = arith.constant 0 : i32
      %dma_wait3A_219 = tpu.memref_slice %arg2[%dma_wait3A_217, %dma_wait3A_218] : memref<10240x128xf32, #tpu.memory_space<hbm>> -> memref<10240x128xf32, #tpu.memory_space<hbm>>
      tpu.wait_indirect_dma semaphore(%arg11 : memref<!tpu.dma_semaphore, #tpu.memory_space<semaphore_mem>>) src(%dma_wait3A_219 : memref<10240x128xf32, #tpu.memory_space<hbm>>) dst(%arg8 : memref<128x128xf32, #tpu.memory_space<vmem>>)
      %add3A_220 = arith.constant 10 : i32
      %add3A_221 = arith.addi %mul3A_72, %add3A_220 : i32
      %add3A_222 = arith.constant 1 : i32
      %add3A_223 = arith.addi %add3A_221, %add3A_222 : i32
      "tpu.region"() ({
        %run_scoped3A = tpu.sem_alloc : memref<!tpu.dma_semaphore, #tpu.memory_space<semaphore_mem>>
        %dma_start3A_266 = arith.constant 0 : i32
        %dma_start3A_267 = tpu.memref_slice %arg6[%add3A_223, %dma_start3A_266] : memref<32x128xi32, #tpu.memory_space<vmem>> -> memref<1x128xi32, #tpu.memory_space<vmem>>
        %dma_start3A_268 = tpu.memref_squeeze %dma_start3A_267 : memref<1x128xi32, #tpu.memory_space<vmem>> -> memref<128xi32, #tpu.memory_space<vmem>>
        %dma_start3A_269 = arith.constant 0 : i32
        %dma_start3A_270 = arith.constant 0 : i32
        %dma_start3A_271 = tpu.memref_slice %arg9[%dma_start3A_269, %dma_start3A_270] : memref<10240x128xf32, #tpu.memory_space<vmem_shared>> -> memref<10240x128xf32, #tpu.memory_space<vmem_shared>>
        tpu.enqueue_indirect_dma source(%arg8 : memref<128x128xf32, #tpu.memory_space<vmem>>) target(%dma_start3A_271 : memref<10240x128xf32, #tpu.memory_space<vmem_shared>>) offsets(%dma_start3A_268 : memref<128xi32, #tpu.memory_space<vmem>>) semaphore(%run_scoped3A : memref<!tpu.dma_semaphore, #tpu.memory_space<semaphore_mem>>) {add = true}
        %dma_wait3A_272 = arith.constant 0 : i32
        %dma_wait3A_273 = tpu.memref_slice %arg6[%add3A_223, %dma_wait3A_272] : memref<32x128xi32, #tpu.memory_space<vmem>> -> memref<1x128xi32, #tpu.memory_space<vmem>>
        %dma_wait3A_274 = tpu.memref_squeeze %dma_wait3A_273 : memref<1x128xi32, #tpu.memory_space<vmem>> -> memref<128xi32, #tpu.memory_space<vmem>>
        %dma_wait3A_275 = arith.constant 0 : i32
        %dma_wait3A_276 = arith.constant 0 : i32
        %dma_wait3A_277 = tpu.memref_slice %arg9[%dma_wait3A_275, %dma_wait3A_276] : memref<10240x128xf32, #tpu.memory_space<vmem_shared>> -> memref<10240x128xf32, #tpu.memory_space<vmem_shared>>
        tpu.wait_indirect_dma semaphore(%run_scoped3A : memref<!tpu.dma_semaphore, #tpu.memory_space<semaphore_mem>>) src(%arg8 : memref<128x128xf32, #tpu.memory_space<vmem>>) dst(%dma_wait3A_277 : memref<10240x128xf32, #tpu.memory_space<vmem_shared>>)
        tpu.yield
      }) : () -> ()
      %add3A_224 = arith.constant 12 : i32
      %add3A_225 = arith.addi %mul3A_72, %add3A_224 : i32
      %add3A_226 = arith.constant 2 : i32
      %add3A_227 = arith.addi %add3A_225, %add3A_226 : i32
      %dma_start3A_228 = arith.constant 0 : i32
      %dma_start3A_229 = tpu.memref_slice %arg6[%add3A_227, %dma_start3A_228] : memref<32x128xi32, #tpu.memory_space<vmem>> -> memref<1x128xi32, #tpu.memory_space<vmem>>
      %dma_start3A_230 = tpu.memref_squeeze %dma_start3A_229 : memref<1x128xi32, #tpu.memory_space<vmem>> -> memref<128xi32, #tpu.memory_space<vmem>>
      %dma_start3A_231 = arith.constant 0 : i32
      %dma_start3A_232 = arith.constant 0 : i32
      %dma_start3A_233 = tpu.memref_slice %arg2[%dma_start3A_231, %dma_start3A_232] : memref<10240x128xf32, #tpu.memory_space<hbm>> -> memref<10240x128xf32, #tpu.memory_space<hbm>>
      tpu.enqueue_indirect_dma source(%dma_start3A_233 : memref<10240x128xf32, #tpu.memory_space<hbm>>) target(%arg8 : memref<128x128xf32, #tpu.memory_space<vmem>>) offsets(%dma_start3A_230 : memref<128xi32, #tpu.memory_space<vmem>>) semaphore(%arg11 : memref<!tpu.dma_semaphore, #tpu.memory_space<semaphore_mem>>)
      %add3A_234 = arith.constant 12 : i32
      %add3A_235 = arith.addi %mul3A_72, %add3A_234 : i32
      %dma_wait3A_236 = arith.constant 0 : i32
      %dma_wait3A_237 = tpu.memref_slice %arg6[%add3A_235, %dma_wait3A_236] : memref<32x128xi32, #tpu.memory_space<vmem>> -> memref<1x128xi32, #tpu.memory_space<vmem>>
      %dma_wait3A_238 = tpu.memref_squeeze %dma_wait3A_237 : memref<1x128xi32, #tpu.memory_space<vmem>> -> memref<128xi32, #tpu.memory_space<vmem>>
      %dma_wait3A_239 = arith.constant 0 : i32
      %dma_wait3A_240 = arith.constant 0 : i32
      %dma_wait3A_241 = tpu.memref_slice %arg2[%dma_wait3A_239, %dma_wait3A_240] : memref<10240x128xf32, #tpu.memory_space<hbm>> -> memref<10240x128xf32, #tpu.memory_space<hbm>>
      tpu.wait_indirect_dma semaphore(%arg10 : memref<!tpu.dma_semaphore, #tpu.memory_space<semaphore_mem>>) src(%dma_wait3A_241 : memref<10240x128xf32, #tpu.memory_space<hbm>>) dst(%arg7 : memref<128x128xf32, #tpu.memory_space<vmem>>)
      %add3A_242 = arith.constant 12 : i32
      %add3A_243 = arith.addi %mul3A_72, %add3A_242 : i32
      %add3A_244 = arith.constant 1 : i32
      %add3A_245 = arith.addi %add3A_243, %add3A_244 : i32
      "tpu.region"() ({
        %run_scoped3A = tpu.sem_alloc : memref<!tpu.dma_semaphore, #tpu.memory_space<semaphore_mem>>
        %dma_start3A_266 = arith.constant 0 : i32
        %dma_start3A_267 = tpu.memref_slice %arg6[%add3A_245, %dma_start3A_266] : memref<32x128xi32, #tpu.memory_space<vmem>> -> memref<1x128xi32, #tpu.memory_space<vmem>>
        %dma_start3A_268 = tpu.memref_squeeze %dma_start3A_267 : memref<1x128xi32, #tpu.memory_space<vmem>> -> memref<128xi32, #tpu.memory_space<vmem>>
        %dma_start3A_269 = arith.constant 0 : i32
        %dma_start3A_270 = arith.constant 0 : i32
        %dma_start3A_271 = tpu.memref_slice %arg9[%dma_start3A_269, %dma_start3A_270] : memref<10240x128xf32, #tpu.memory_space<vmem_shared>> -> memref<10240x128xf32, #tpu.memory_space<vmem_shared>>
        tpu.enqueue_indirect_dma source(%arg7 : memref<128x128xf32, #tpu.memory_space<vmem>>) target(%dma_start3A_271 : memref<10240x128xf32, #tpu.memory_space<vmem_shared>>) offsets(%dma_start3A_268 : memref<128xi32, #tpu.memory_space<vmem>>) semaphore(%run_scoped3A : memref<!tpu.dma_semaphore, #tpu.memory_space<semaphore_mem>>) {add = true}
        %dma_wait3A_272 = arith.constant 0 : i32
        %dma_wait3A_273 = tpu.memref_slice %arg6[%add3A_245, %dma_wait3A_272] : memref<32x128xi32, #tpu.memory_space<vmem>> -> memref<1x128xi32, #tpu.memory_space<vmem>>
        %dma_wait3A_274 = tpu.memref_squeeze %dma_wait3A_273 : memref<1x128xi32, #tpu.memory_space<vmem>> -> memref<128xi32, #tpu.memory_space<vmem>>
        %dma_wait3A_275 = arith.constant 0 : i32
        %dma_wait3A_276 = arith.constant 0 : i32
        %dma_wait3A_277 = tpu.memref_slice %arg9[%dma_wait3A_275, %dma_wait3A_276] : memref<10240x128xf32, #tpu.memory_space<vmem_shared>> -> memref<10240x128xf32, #tpu.memory_space<vmem_shared>>
        tpu.wait_indirect_dma semaphore(%run_scoped3A : memref<!tpu.dma_semaphore, #tpu.memory_space<semaphore_mem>>) src(%arg7 : memref<128x128xf32, #tpu.memory_space<vmem>>) dst(%dma_wait3A_277 : memref<10240x128xf32, #tpu.memory_space<vmem_shared>>)
        tpu.yield
      }) : () -> ()
      %lt3A_246 = arith.constant 9 : i32
      %lt3A_247 = arith.cmpi slt, %scan3A_61, %lt3A_246 : i32
      %convert_element_type3A = arith.extui %lt3A_247 : i1 to i32
      %cond3A = arith.constant 0 : i32
      %cond3A_248 = arith.cmpi ne, %convert_element_type3A, %cond3A : i32
      scf.if %cond3A_248 {
        %add3A_266 = arith.constant 1 : i32
        %add3A_267 = arith.addi %scan3A_61, %add3A_266 : i32
        %mul3A_268 = arith.constant 2 : i32
        %mul3A_269 = arith.muli %add3A_267, %mul3A_268 : i32
        %mul3A_270 = arith.constant 8 : i32
        %mul3A_271 = arith.muli %mul3A_269, %mul3A_270 : i32
        %add3A_272 = arith.addi %mul3A_6, %mul3A_271 : i32
        %dma_wait3A_273 = arith.constant 0 : i32
        %dma_wait3A_274 = tpu.memref_slice %arg6[%mul3A_92, %dma_wait3A_273] : memref<32x128xi32, #tpu.memory_space<vmem>> -> memref<16x128xi32, #tpu.memory_space<vmem>>
        %dma_wait3A_275 = arith.constant 0 : i32
        %dma_wait3A_276 = tpu.memref_slice %arg3[%add3A_272, %dma_wait3A_275] : memref<5120x128xi32, #tpu.memory_space<hbm>> -> memref<16x128xi32, #tpu.memory_space<hbm>>
        %dma_wait3A_277 = arith.constant 0 : i32
        %dma_wait3A_278 = tpu.memref_slice %arg6[%mul3A_92, %dma_wait3A_277] : memref<32x128xi32, #tpu.memory_space<vmem>> -> memref<16x128xi32, #tpu.memory_space<vmem>>
        %dma_wait3A_279 = arith.constant 0 : i32
        %dma_wait3A_280 = tpu.memref_slice %arg3[%add3A_272, %dma_wait3A_279] : memref<5120x128xi32, #tpu.memory_space<hbm>> -> memref<16x128xi32, #tpu.memory_space<hbm>>
        tpu.wait_dma2 semaphore(%arg12 : memref<!tpu.dma_semaphore, #tpu.memory_space<semaphore_mem>>) src(%dma_wait3A_280 : memref<16x128xi32, #tpu.memory_space<hbm>>) dst(%dma_wait3A_278 : memref<16x128xi32, #tpu.memory_space<vmem>>)
        %dma_start3A_281 = arith.constant 0 : i32
        %dma_start3A_282 = tpu.memref_slice %arg6[%mul3A_92, %dma_start3A_281] : memref<32x128xi32, #tpu.memory_space<vmem>> -> memref<1x128xi32, #tpu.memory_space<vmem>>
        %dma_start3A_283 = tpu.memref_squeeze %dma_start3A_282 : memref<1x128xi32, #tpu.memory_space<vmem>> -> memref<128xi32, #tpu.memory_space<vmem>>
        %dma_start3A_284 = arith.constant 0 : i32
        %dma_start3A_285 = arith.constant 0 : i32
        %dma_start3A_286 = tpu.memref_slice %arg2[%dma_start3A_284, %dma_start3A_285] : memref<10240x128xf32, #tpu.memory_space<hbm>> -> memref<10240x128xf32, #tpu.memory_space<hbm>>
        tpu.enqueue_indirect_dma source(%dma_start3A_286 : memref<10240x128xf32, #tpu.memory_space<hbm>>) target(%arg7 : memref<128x128xf32, #tpu.memory_space<vmem>>) offsets(%dma_start3A_283 : memref<128xi32, #tpu.memory_space<vmem>>) semaphore(%arg10 : memref<!tpu.dma_semaphore, #tpu.memory_space<semaphore_mem>>)
      } else {
      }
      %add3A_249 = arith.constant 14 : i32
      %add3A_250 = arith.addi %mul3A_72, %add3A_249 : i32
      %dma_wait3A_251 = arith.constant 0 : i32
      %dma_wait3A_252 = tpu.memref_slice %arg6[%add3A_250, %dma_wait3A_251] : memref<32x128xi32, #tpu.memory_space<vmem>> -> memref<1x128xi32, #tpu.memory_space<vmem>>
      %dma_wait3A_253 = tpu.memref_squeeze %dma_wait3A_252 : memref<1x128xi32, #tpu.memory_space<vmem>> -> memref<128xi32, #tpu.memory_space<vmem>>
      %dma_wait3A_254 = arith.constant 0 : i32
      %dma_wait3A_255 = arith.constant 0 : i32
      %dma_wait3A_256 = tpu.memref_slice %arg2[%dma_wait3A_254, %dma_wait3A_255] : memref<10240x128xf32, #tpu.memory_space<hbm>> -> memref<10240x128xf32, #tpu.memory_space<hbm>>
      tpu.wait_indirect_dma semaphore(%arg11 : memref<!tpu.dma_semaphore, #tpu.memory_space<semaphore_mem>>) src(%dma_wait3A_256 : memref<10240x128xf32, #tpu.memory_space<hbm>>) dst(%arg8 : memref<128x128xf32, #tpu.memory_space<vmem>>)
      %add3A_257 = arith.constant 14 : i32
      %add3A_258 = arith.addi %mul3A_72, %add3A_257 : i32
      %add3A_259 = arith.constant 1 : i32
      %add3A_260 = arith.addi %add3A_258, %add3A_259 : i32
      "tpu.region"() ({
        %run_scoped3A = tpu.sem_alloc : memref<!tpu.dma_semaphore, #tpu.memory_space<semaphore_mem>>
        %dma_start3A_266 = arith.constant 0 : i32
        %dma_start3A_267 = tpu.memref_slice %arg6[%add3A_260, %dma_start3A_266] : memref<32x128xi32, #tpu.memory_space<vmem>> -> memref<1x128xi32, #tpu.memory_space<vmem>>
        %dma_start3A_268 = tpu.memref_squeeze %dma_start3A_267 : memref<1x128xi32, #tpu.memory_space<vmem>> -> memref<128xi32, #tpu.memory_space<vmem>>
        %dma_start3A_269 = arith.constant 0 : i32
        %dma_start3A_270 = arith.constant 0 : i32
        %dma_start3A_271 = tpu.memref_slice %arg9[%dma_start3A_269, %dma_start3A_270] : memref<10240x128xf32, #tpu.memory_space<vmem_shared>> -> memref<10240x128xf32, #tpu.memory_space<vmem_shared>>
        tpu.enqueue_indirect_dma source(%arg8 : memref<128x128xf32, #tpu.memory_space<vmem>>) target(%dma_start3A_271 : memref<10240x128xf32, #tpu.memory_space<vmem_shared>>) offsets(%dma_start3A_268 : memref<128xi32, #tpu.memory_space<vmem>>) semaphore(%run_scoped3A : memref<!tpu.dma_semaphore, #tpu.memory_space<semaphore_mem>>) {add = true}
        %dma_wait3A_272 = arith.constant 0 : i32
        %dma_wait3A_273 = tpu.memref_slice %arg6[%add3A_260, %dma_wait3A_272] : memref<32x128xi32, #tpu.memory_space<vmem>> -> memref<1x128xi32, #tpu.memory_space<vmem>>
        %dma_wait3A_274 = tpu.memref_squeeze %dma_wait3A_273 : memref<1x128xi32, #tpu.memory_space<vmem>> -> memref<128xi32, #tpu.memory_space<vmem>>
        %dma_wait3A_275 = arith.constant 0 : i32
        %dma_wait3A_276 = arith.constant 0 : i32
        %dma_wait3A_277 = tpu.memref_slice %arg9[%dma_wait3A_275, %dma_wait3A_276] : memref<10240x128xf32, #tpu.memory_space<vmem_shared>> -> memref<10240x128xf32, #tpu.memory_space<vmem_shared>>
        tpu.wait_indirect_dma semaphore(%run_scoped3A : memref<!tpu.dma_semaphore, #tpu.memory_space<semaphore_mem>>) src(%arg8 : memref<128x128xf32, #tpu.memory_space<vmem>>) dst(%dma_wait3A_277 : memref<10240x128xf32, #tpu.memory_space<vmem_shared>>)
        tpu.yield
      }) : () -> ()
      %lt3A_261 = arith.constant 8 : i32
      %lt3A_262 = arith.cmpi slt, %scan3A_61, %lt3A_261 : i32
      %convert_element_type3A_263 = arith.extui %lt3A_262 : i1 to i32
      %cond3A_264 = arith.constant 0 : i32
      %cond3A_265 = arith.cmpi ne, %convert_element_type3A_263, %cond3A_264 : i32
      scf.if %cond3A_265 {
        %add3A_266 = arith.constant 2 : i32
        %add3A_267 = arith.addi %scan3A_61, %add3A_266 : i32
        %mul3A_268 = arith.constant 2 : i32
        %mul3A_269 = arith.muli %add3A_267, %mul3A_268 : i32
        %mul3A_270 = arith.constant 8 : i32
        %mul3A_271 = arith.muli %mul3A_269, %mul3A_270 : i32
        %add3A_272 = arith.addi %mul3A_6, %mul3A_271 : i32
        %dma_start3A_273 = arith.constant 0 : i32
        %dma_start3A_274 = tpu.memref_slice %arg6[%mul3A_72, %dma_start3A_273] : memref<32x128xi32, #tpu.memory_space<vmem>> -> memref<16x128xi32, #tpu.memory_space<vmem>>
        %dma_start3A_275 = arith.constant 0 : i32
        %dma_start3A_276 = tpu.memref_slice %arg3[%add3A_272, %dma_start3A_275] : memref<5120x128xi32, #tpu.memory_space<hbm>> -> memref<16x128xi32, #tpu.memory_space<hbm>>
        %dma_start3A_277 = arith.constant 0 : i32
        %dma_start3A_278 = tpu.memref_slice %arg6[%mul3A_72, %dma_start3A_277] : memref<32x128xi32, #tpu.memory_space<vmem>> -> memref<16x128xi32, #tpu.memory_space<vmem>>
        %dma_start3A_279 = arith.constant 0 : i32
        %dma_start3A_280 = tpu.memref_slice %arg3[%add3A_272, %dma_start3A_279] : memref<5120x128xi32, #tpu.memory_space<hbm>> -> memref<16x128xi32, #tpu.memory_space<hbm>>
        tpu.enqueue_dma source(%dma_start3A_280 : memref<16x128xi32, #tpu.memory_space<hbm>>) target(%dma_start3A_278 : memref<16x128xi32, #tpu.memory_space<vmem>>) target_semaphore(%arg12 : memref<!tpu.dma_semaphore, #tpu.memory_space<semaphore_mem>>)
      } else {
      }
    }
    %scan3A_39 = arith.constant 10 : i32
    %barrier3A_40 = arith.constant 0 : index
    tpu.barrier barrier_id(%barrier3A_40)
    %add3A_41 = arith.constant 0 : i32
    %add3A_42 = arith.addi %mul3A_0, %add3A_41 : i32
    "tpu.region"() ({
      %run_scoped3A = tpu.sem_alloc : memref<!tpu.dma_semaphore, #tpu.memory_space<semaphore_mem>>
      %dma_start3A_61 = arith.constant 0 : i32
      %dma_start3A_62 = tpu.memref_slice %arg9[%add3A_42, %dma_start3A_61] : memref<10240x128xf32, #tpu.memory_space<vmem_shared>> -> memref<128x128xf32, #tpu.memory_space<vmem_shared>>
      %dma_start3A_63 = arith.constant 0 : i32
      %dma_start3A_64 = tpu.memref_slice %arg9[%add3A_42, %dma_start3A_63] : memref<10240x128xf32, #tpu.memory_space<vmem_shared>> -> memref<128x128xf32, #tpu.memory_space<vmem_shared>>
      tpu.enqueue_dma source(%dma_start3A_64 : memref<128x128xf32, #tpu.memory_space<vmem_shared>>) target(%arg7 : memref<128x128xf32, #tpu.memory_space<vmem>>) target_semaphore(%run_scoped3A : memref<!tpu.dma_semaphore, #tpu.memory_space<semaphore_mem>>)
      %dma_wait3A = arith.constant 0 : i32
      %dma_wait3A_65 = tpu.memref_slice %arg9[%add3A_42, %dma_wait3A] : memref<10240x128xf32, #tpu.memory_space<vmem_shared>> -> memref<128x128xf32, #tpu.memory_space<vmem_shared>>
      %dma_wait3A_66 = arith.constant 0 : i32
      %dma_wait3A_67 = tpu.memref_slice %arg9[%add3A_42, %dma_wait3A_66] : memref<10240x128xf32, #tpu.memory_space<vmem_shared>> -> memref<128x128xf32, #tpu.memory_space<vmem_shared>>
      tpu.wait_dma2 semaphore(%run_scoped3A : memref<!tpu.dma_semaphore, #tpu.memory_space<semaphore_mem>>) src(%dma_wait3A_67 : memref<128x128xf32, #tpu.memory_space<vmem_shared>>) dst(%arg7 : memref<128x128xf32, #tpu.memory_space<vmem>>)
      tpu.yield
    }) : () -> ()
    %add3A_43 = arith.constant 0 : i32
    %add3A_44 = arith.addi %mul3A_0, %add3A_43 : i32
    "tpu.region"() ({
      %run_scoped3A = tpu.sem_alloc : memref<!tpu.dma_semaphore, #tpu.memory_space<semaphore_mem>>
      %dma_start3A_61 = arith.constant 0 : i32
      %dma_start3A_62 = tpu.memref_slice %arg5[%arg0, %add3A_44, %dma_start3A_61] : memref<2x10240x128xf32, #tpu.memory_space<hbm>> -> memref<1x128x128xf32, #tpu.memory_space<hbm>>
      %dma_start3A_63 = tpu.memref_squeeze %dma_start3A_62 : memref<1x128x128xf32, #tpu.memory_space<hbm>> -> memref<128x128xf32, #tpu.memory_space<hbm>>
      %dma_start3A_64 = arith.constant 0 : i32
      %dma_start3A_65 = tpu.memref_slice %arg5[%arg0, %add3A_44, %dma_start3A_64] : memref<2x10240x128xf32, #tpu.memory_space<hbm>> -> memref<1x128x128xf32, #tpu.memory_space<hbm>>
      %dma_start3A_66 = tpu.memref_squeeze %dma_start3A_65 : memref<1x128x128xf32, #tpu.memory_space<hbm>> -> memref<128x128xf32, #tpu.memory_space<hbm>>
      tpu.enqueue_dma source(%arg7 : memref<128x128xf32, #tpu.memory_space<vmem>>) target(%dma_start3A_66 : memref<128x128xf32, #tpu.memory_space<hbm>>) target_semaphore(%run_scoped3A : memref<!tpu.dma_semaphore, #tpu.memory_space<semaphore_mem>>)
      %dma_wait3A = arith.constant 0 : i32
      %dma_wait3A_67 = tpu.memref_slice %arg5[%arg0, %add3A_44, %dma_wait3A] : memref<2x10240x128xf32, #tpu.memory_space<hbm>> -> memref<1x128x128xf32, #tpu.memory_space<hbm>>
      %dma_wait3A_68 = tpu.memref_squeeze %dma_wait3A_67 : memref<1x128x128xf32, #tpu.memory_space<hbm>> -> memref<128x128xf32, #tpu.memory_space<hbm>>
      %dma_wait3A_69 = arith.constant 0 : i32
      %dma_wait3A_70 = tpu.memref_slice %arg5[%arg0, %add3A_44, %dma_wait3A_69] : memref<2x10240x128xf32, #tpu.memory_space<hbm>> -> memref<1x128x128xf32, #tpu.memory_space<hbm>>
      %dma_wait3A_71 = tpu.memref_squeeze %dma_wait3A_70 : memref<1x128x128xf32, #tpu.memory_space<hbm>> -> memref<128x128xf32, #tpu.memory_space<hbm>>
      tpu.wait_dma2 semaphore(%run_scoped3A : memref<!tpu.dma_semaphore, #tpu.memory_space<semaphore_mem>>) src(%arg7 : memref<128x128xf32, #tpu.memory_space<vmem>>) dst(%dma_wait3A_71 : memref<128x128xf32, #tpu.memory_space<hbm>>)
      tpu.yield
    }) : () -> ()
    %add3A_45 = arith.constant 128 : i32
    %add3A_46 = arith.addi %mul3A_0, %add3A_45 : i32
    "tpu.region"() ({
      %run_scoped3A = tpu.sem_alloc : memref<!tpu.dma_semaphore, #tpu.memory_space<semaphore_mem>>
      %dma_start3A_61 = arith.constant 0 : i32
      %dma_start3A_62 = tpu.memref_slice %arg9[%add3A_46, %dma_start3A_61] : memref<10240x128xf32, #tpu.memory_space<vmem_shared>> -> memref<128x128xf32, #tpu.memory_space<vmem_shared>>
      %dma_start3A_63 = arith.constant 0 : i32
      %dma_start3A_64 = tpu.memref_slice %arg9[%add3A_46, %dma_start3A_63] : memref<10240x128xf32, #tpu.memory_space<vmem_shared>> -> memref<128x128xf32, #tpu.memory_space<vmem_shared>>
      tpu.enqueue_dma source(%dma_start3A_64 : memref<128x128xf32, #tpu.memory_space<vmem_shared>>) target(%arg7 : memref<128x128xf32, #tpu.memory_space<vmem>>) target_semaphore(%run_scoped3A : memref<!tpu.dma_semaphore, #tpu.memory_space<semaphore_mem>>)
      %dma_wait3A = arith.constant 0 : i32
      %dma_wait3A_65 = tpu.memref_slice %arg9[%add3A_46, %dma_wait3A] : memref<10240x128xf32, #tpu.memory_space<vmem_shared>> -> memref<128x128xf32, #tpu.memory_space<vmem_shared>>
      %dma_wait3A_66 = arith.constant 0 : i32
      %dma_wait3A_67 = tpu.memref_slice %arg9[%add3A_46, %dma_wait3A_66] : memref<10240x128xf32, #tpu.memory_space<vmem_shared>> -> memref<128x128xf32, #tpu.memory_space<vmem_shared>>
      tpu.wait_dma2 semaphore(%run_scoped3A : memref<!tpu.dma_semaphore, #tpu.memory_space<semaphore_mem>>) src(%dma_wait3A_67 : memref<128x128xf32, #tpu.memory_space<vmem_shared>>) dst(%arg7 : memref<128x128xf32, #tpu.memory_space<vmem>>)
      tpu.yield
    }) : () -> ()
    %add3A_47 = arith.constant 128 : i32
    %add3A_48 = arith.addi %mul3A_0, %add3A_47 : i32
    "tpu.region"() ({
      %run_scoped3A = tpu.sem_alloc : memref<!tpu.dma_semaphore, #tpu.memory_space<semaphore_mem>>
      %dma_start3A_61 = arith.constant 0 : i32
      %dma_start3A_62 = tpu.memref_slice %arg5[%arg0, %add3A_48, %dma_start3A_61] : memref<2x10240x128xf32, #tpu.memory_space<hbm>> -> memref<1x128x128xf32, #tpu.memory_space<hbm>>
      %dma_start3A_63 = tpu.memref_squeeze %dma_start3A_62 : memref<1x128x128xf32, #tpu.memory_space<hbm>> -> memref<128x128xf32, #tpu.memory_space<hbm>>
      %dma_start3A_64 = arith.constant 0 : i32
      %dma_start3A_65 = tpu.memref_slice %arg5[%arg0, %add3A_48, %dma_start3A_64] : memref<2x10240x128xf32, #tpu.memory_space<hbm>> -> memref<1x128x128xf32, #tpu.memory_space<hbm>>
      %dma_start3A_66 = tpu.memref_squeeze %dma_start3A_65 : memref<1x128x128xf32, #tpu.memory_space<hbm>> -> memref<128x128xf32, #tpu.memory_space<hbm>>
      tpu.enqueue_dma source(%arg7 : memref<128x128xf32, #tpu.memory_space<vmem>>) target(%dma_start3A_66 : memref<128x128xf32, #tpu.memory_space<hbm>>) target_semaphore(%run_scoped3A : memref<!tpu.dma_semaphore, #tpu.memory_space<semaphore_mem>>)
      %dma_wait3A = arith.constant 0 : i32
      %dma_wait3A_67 = tpu.memref_slice %arg5[%arg0, %add3A_48, %dma_wait3A] : memref<2x10240x128xf32, #tpu.memory_space<hbm>> -> memref<1x128x128xf32, #tpu.memory_space<hbm>>
      %dma_wait3A_68 = tpu.memref_squeeze %dma_wait3A_67 : memref<1x128x128xf32, #tpu.memory_space<hbm>> -> memref<128x128xf32, #tpu.memory_space<hbm>>
      %dma_wait3A_69 = arith.constant 0 : i32
      %dma_wait3A_70 = tpu.memref_slice %arg5[%arg0, %add3A_48, %dma_wait3A_69] : memref<2x10240x128xf32, #tpu.memory_space<hbm>> -> memref<1x128x128xf32, #tpu.memory_space<hbm>>
      %dma_wait3A_71 = tpu.memref_squeeze %dma_wait3A_70 : memref<1x128x128xf32, #tpu.memory_space<hbm>> -> memref<128x128xf32, #tpu.memory_space<hbm>>
      tpu.wait_dma2 semaphore(%run_scoped3A : memref<!tpu.dma_semaphore, #tpu.memory_space<semaphore_mem>>) src(%arg7 : memref<128x128xf32, #tpu.memory_space<vmem>>) dst(%dma_wait3A_71 : memref<128x128xf32, #tpu.memory_space<hbm>>)
      tpu.yield
    }) : () -> ()
    %add3A_49 = arith.constant 256 : i32
    %add3A_50 = arith.addi %mul3A_0, %add3A_49 : i32
    "tpu.region"() ({
      %run_scoped3A = tpu.sem_alloc : memref<!tpu.dma_semaphore, #tpu.memory_space<semaphore_mem>>
      %dma_start3A_61 = arith.constant 0 : i32
      %dma_start3A_62 = tpu.memref_slice %arg9[%add3A_50, %dma_start3A_61] : memref<10240x128xf32, #tpu.memory_space<vmem_shared>> -> memref<128x128xf32, #tpu.memory_space<vmem_shared>>
      %dma_start3A_63 = arith.constant 0 : i32
      %dma_start3A_64 = tpu.memref_slice %arg9[%add3A_50, %dma_start3A_63] : memref<10240x128xf32, #tpu.memory_space<vmem_shared>> -> memref<128x128xf32, #tpu.memory_space<vmem_shared>>
      tpu.enqueue_dma source(%dma_start3A_64 : memref<128x128xf32, #tpu.memory_space<vmem_shared>>) target(%arg7 : memref<128x128xf32, #tpu.memory_space<vmem>>) target_semaphore(%run_scoped3A : memref<!tpu.dma_semaphore, #tpu.memory_space<semaphore_mem>>)
      %dma_wait3A = arith.constant 0 : i32
      %dma_wait3A_65 = tpu.memref_slice %arg9[%add3A_50, %dma_wait3A] : memref<10240x128xf32, #tpu.memory_space<vmem_shared>> -> memref<128x128xf32, #tpu.memory_space<vmem_shared>>
      %dma_wait3A_66 = arith.constant 0 : i32
      %dma_wait3A_67 = tpu.memref_slice %arg9[%add3A_50, %dma_wait3A_66] : memref<10240x128xf32, #tpu.memory_space<vmem_shared>> -> memref<128x128xf32, #tpu.memory_space<vmem_shared>>
      tpu.wait_dma2 semaphore(%run_scoped3A : memref<!tpu.dma_semaphore, #tpu.memory_space<semaphore_mem>>) src(%dma_wait3A_67 : memref<128x128xf32, #tpu.memory_space<vmem_shared>>) dst(%arg7 : memref<128x128xf32, #tpu.memory_space<vmem>>)
      tpu.yield
    }) : () -> ()
    %add3A_51 = arith.constant 256 : i32
    %add3A_52 = arith.addi %mul3A_0, %add3A_51 : i32
    "tpu.region"() ({
      %run_scoped3A = tpu.sem_alloc : memref<!tpu.dma_semaphore, #tpu.memory_space<semaphore_mem>>
      %dma_start3A_61 = arith.constant 0 : i32
      %dma_start3A_62 = tpu.memref_slice %arg5[%arg0, %add3A_52, %dma_start3A_61] : memref<2x10240x128xf32, #tpu.memory_space<hbm>> -> memref<1x128x128xf32, #tpu.memory_space<hbm>>
      %dma_start3A_63 = tpu.memref_squeeze %dma_start3A_62 : memref<1x128x128xf32, #tpu.memory_space<hbm>> -> memref<128x128xf32, #tpu.memory_space<hbm>>
      %dma_start3A_64 = arith.constant 0 : i32
      %dma_start3A_65 = tpu.memref_slice %arg5[%arg0, %add3A_52, %dma_start3A_64] : memref<2x10240x128xf32, #tpu.memory_space<hbm>> -> memref<1x128x128xf32, #tpu.memory_space<hbm>>
      %dma_start3A_66 = tpu.memref_squeeze %dma_start3A_65 : memref<1x128x128xf32, #tpu.memory_space<hbm>> -> memref<128x128xf32, #tpu.memory_space<hbm>>
      tpu.enqueue_dma source(%arg7 : memref<128x128xf32, #tpu.memory_space<vmem>>) target(%dma_start3A_66 : memref<128x128xf32, #tpu.memory_space<hbm>>) target_semaphore(%run_scoped3A : memref<!tpu.dma_semaphore, #tpu.memory_space<semaphore_mem>>)
      %dma_wait3A = arith.constant 0 : i32
      %dma_wait3A_67 = tpu.memref_slice %arg5[%arg0, %add3A_52, %dma_wait3A] : memref<2x10240x128xf32, #tpu.memory_space<hbm>> -> memref<1x128x128xf32, #tpu.memory_space<hbm>>
      %dma_wait3A_68 = tpu.memref_squeeze %dma_wait3A_67 : memref<1x128x128xf32, #tpu.memory_space<hbm>> -> memref<128x128xf32, #tpu.memory_space<hbm>>
      %dma_wait3A_69 = arith.constant 0 : i32
      %dma_wait3A_70 = tpu.memref_slice %arg5[%arg0, %add3A_52, %dma_wait3A_69] : memref<2x10240x128xf32, #tpu.memory_space<hbm>> -> memref<1x128x128xf32, #tpu.memory_space<hbm>>
      %dma_wait3A_71 = tpu.memref_squeeze %dma_wait3A_70 : memref<1x128x128xf32, #tpu.memory_space<hbm>> -> memref<128x128xf32, #tpu.memory_space<hbm>>
      tpu.wait_dma2 semaphore(%run_scoped3A : memref<!tpu.dma_semaphore, #tpu.memory_space<semaphore_mem>>) src(%arg7 : memref<128x128xf32, #tpu.memory_space<vmem>>) dst(%dma_wait3A_71 : memref<128x128xf32, #tpu.memory_space<hbm>>)
      tpu.yield
    }) : () -> ()
    %add3A_53 = arith.constant 384 : i32
    %add3A_54 = arith.addi %mul3A_0, %add3A_53 : i32
    "tpu.region"() ({
      %run_scoped3A = tpu.sem_alloc : memref<!tpu.dma_semaphore, #tpu.memory_space<semaphore_mem>>
      %dma_start3A_61 = arith.constant 0 : i32
      %dma_start3A_62 = tpu.memref_slice %arg9[%add3A_54, %dma_start3A_61] : memref<10240x128xf32, #tpu.memory_space<vmem_shared>> -> memref<128x128xf32, #tpu.memory_space<vmem_shared>>
      %dma_start3A_63 = arith.constant 0 : i32
      %dma_start3A_64 = tpu.memref_slice %arg9[%add3A_54, %dma_start3A_63] : memref<10240x128xf32, #tpu.memory_space<vmem_shared>> -> memref<128x128xf32, #tpu.memory_space<vmem_shared>>
      tpu.enqueue_dma source(%dma_start3A_64 : memref<128x128xf32, #tpu.memory_space<vmem_shared>>) target(%arg7 : memref<128x128xf32, #tpu.memory_space<vmem>>) target_semaphore(%run_scoped3A : memref<!tpu.dma_semaphore, #tpu.memory_space<semaphore_mem>>)
      %dma_wait3A = arith.constant 0 : i32
      %dma_wait3A_65 = tpu.memref_slice %arg9[%add3A_54, %dma_wait3A] : memref<10240x128xf32, #tpu.memory_space<vmem_shared>> -> memref<128x128xf32, #tpu.memory_space<vmem_shared>>
      %dma_wait3A_66 = arith.constant 0 : i32
      %dma_wait3A_67 = tpu.memref_slice %arg9[%add3A_54, %dma_wait3A_66] : memref<10240x128xf32, #tpu.memory_space<vmem_shared>> -> memref<128x128xf32, #tpu.memory_space<vmem_shared>>
      tpu.wait_dma2 semaphore(%run_scoped3A : memref<!tpu.dma_semaphore, #tpu.memory_space<semaphore_mem>>) src(%dma_wait3A_67 : memref<128x128xf32, #tpu.memory_space<vmem_shared>>) dst(%arg7 : memref<128x128xf32, #tpu.memory_space<vmem>>)
      tpu.yield
    }) : () -> ()
    %add3A_55 = arith.constant 384 : i32
    %add3A_56 = arith.addi %mul3A_0, %add3A_55 : i32
    "tpu.region"() ({
      %run_scoped3A = tpu.sem_alloc : memref<!tpu.dma_semaphore, #tpu.memory_space<semaphore_mem>>
      %dma_start3A_61 = arith.constant 0 : i32
      %dma_start3A_62 = tpu.memref_slice %arg5[%arg0, %add3A_56, %dma_start3A_61] : memref<2x10240x128xf32, #tpu.memory_space<hbm>> -> memref<1x128x128xf32, #tpu.memory_space<hbm>>
      %dma_start3A_63 = tpu.memref_squeeze %dma_start3A_62 : memref<1x128x128xf32, #tpu.memory_space<hbm>> -> memref<128x128xf32, #tpu.memory_space<hbm>>
      %dma_start3A_64 = arith.constant 0 : i32
      %dma_start3A_65 = tpu.memref_slice %arg5[%arg0, %add3A_56, %dma_start3A_64] : memref<2x10240x128xf32, #tpu.memory_space<hbm>> -> memref<1x128x128xf32, #tpu.memory_space<hbm>>
      %dma_start3A_66 = tpu.memref_squeeze %dma_start3A_65 : memref<1x128x128xf32, #tpu.memory_space<hbm>> -> memref<128x128xf32, #tpu.memory_space<hbm>>
      tpu.enqueue_dma source(%arg7 : memref<128x128xf32, #tpu.memory_space<vmem>>) target(%dma_start3A_66 : memref<128x128xf32, #tpu.memory_space<hbm>>) target_semaphore(%run_scoped3A : memref<!tpu.dma_semaphore, #tpu.memory_space<semaphore_mem>>)
      %dma_wait3A = arith.constant 0 : i32
      %dma_wait3A_67 = tpu.memref_slice %arg5[%arg0, %add3A_56, %dma_wait3A] : memref<2x10240x128xf32, #tpu.memory_space<hbm>> -> memref<1x128x128xf32, #tpu.memory_space<hbm>>
      %dma_wait3A_68 = tpu.memref_squeeze %dma_wait3A_67 : memref<1x128x128xf32, #tpu.memory_space<hbm>> -> memref<128x128xf32, #tpu.memory_space<hbm>>
      %dma_wait3A_69 = arith.constant 0 : i32
      %dma_wait3A_70 = tpu.memref_slice %arg5[%arg0, %add3A_56, %dma_wait3A_69] : memref<2x10240x128xf32, #tpu.memory_space<hbm>> -> memref<1x128x128xf32, #tpu.memory_space<hbm>>
      %dma_wait3A_71 = tpu.memref_squeeze %dma_wait3A_70 : memref<1x128x128xf32, #tpu.memory_space<hbm>> -> memref<128x128xf32, #tpu.memory_space<hbm>>
      tpu.wait_dma2 semaphore(%run_scoped3A : memref<!tpu.dma_semaphore, #tpu.memory_space<semaphore_mem>>) src(%arg7 : memref<128x128xf32, #tpu.memory_space<vmem>>) dst(%dma_wait3A_71 : memref<128x128xf32, #tpu.memory_space<hbm>>)
      tpu.yield
    }) : () -> ()
    %add3A_57 = arith.constant 512 : i32
    %add3A_58 = arith.addi %mul3A_0, %add3A_57 : i32
    "tpu.region"() ({
      %run_scoped3A = tpu.sem_alloc : memref<!tpu.dma_semaphore, #tpu.memory_space<semaphore_mem>>
      %dma_start3A_61 = arith.constant 0 : i32
      %dma_start3A_62 = tpu.memref_slice %arg9[%add3A_58, %dma_start3A_61] : memref<10240x128xf32, #tpu.memory_space<vmem_shared>> -> memref<128x128xf32, #tpu.memory_space<vmem_shared>>
      %dma_start3A_63 = arith.constant 0 : i32
      %dma_start3A_64 = tpu.memref_slice %arg9[%add3A_58, %dma_start3A_63] : memref<10240x128xf32, #tpu.memory_space<vmem_shared>> -> memref<128x128xf32, #tpu.memory_space<vmem_shared>>
      tpu.enqueue_dma source(%dma_start3A_64 : memref<128x128xf32, #tpu.memory_space<vmem_shared>>) target(%arg7 : memref<128x128xf32, #tpu.memory_space<vmem>>) target_semaphore(%run_scoped3A : memref<!tpu.dma_semaphore, #tpu.memory_space<semaphore_mem>>)
      %dma_wait3A = arith.constant 0 : i32
      %dma_wait3A_65 = tpu.memref_slice %arg9[%add3A_58, %dma_wait3A] : memref<10240x128xf32, #tpu.memory_space<vmem_shared>> -> memref<128x128xf32, #tpu.memory_space<vmem_shared>>
      %dma_wait3A_66 = arith.constant 0 : i32
      %dma_wait3A_67 = tpu.memref_slice %arg9[%add3A_58, %dma_wait3A_66] : memref<10240x128xf32, #tpu.memory_space<vmem_shared>> -> memref<128x128xf32, #tpu.memory_space<vmem_shared>>
      tpu.wait_dma2 semaphore(%run_scoped3A : memref<!tpu.dma_semaphore, #tpu.memory_space<semaphore_mem>>) src(%dma_wait3A_67 : memref<128x128xf32, #tpu.memory_space<vmem_shared>>) dst(%arg7 : memref<128x128xf32, #tpu.memory_space<vmem>>)
      tpu.yield
    }) : () -> ()
    %add3A_59 = arith.constant 512 : i32
    %add3A_60 = arith.addi %mul3A_0, %add3A_59 : i32
    "tpu.region"() ({
      %run_scoped3A = tpu.sem_alloc : memref<!tpu.dma_semaphore, #tpu.memory_space<semaphore_mem>>
      %dma_start3A_61 = arith.constant 0 : i32
      %dma_start3A_62 = tpu.memref_slice %arg5[%arg0, %add3A_60, %dma_start3A_61] : memref<2x10240x128xf32, #tpu.memory_space<hbm>> -> memref<1x128x128xf32, #tpu.memory_space<hbm>>
      %dma_start3A_63 = tpu.memref_squeeze %dma_start3A_62 : memref<1x128x128xf32, #tpu.memory_space<hbm>> -> memref<128x128xf32, #tpu.memory_space<hbm>>
      %dma_start3A_64 = arith.constant 0 : i32
      %dma_start3A_65 = tpu.memref_slice %arg5[%arg0, %add3A_60, %dma_start3A_64] : memref<2x10240x128xf32, #tpu.memory_space<hbm>> -> memref<1x128x128xf32, #tpu.memory_space<hbm>>
      %dma_start3A_66 = tpu.memref_squeeze %dma_start3A_65 : memref<1x128x128xf32, #tpu.memory_space<hbm>> -> memref<128x128xf32, #tpu.memory_space<hbm>>
      tpu.enqueue_dma source(%arg7 : memref<128x128xf32, #tpu.memory_space<vmem>>) target(%dma_start3A_66 : memref<128x128xf32, #tpu.memory_space<hbm>>) target_semaphore(%run_scoped3A : memref<!tpu.dma_semaphore, #tpu.memory_space<semaphore_mem>>)
      %dma_wait3A = arith.constant 0 : i32
      %dma_wait3A_67 = tpu.memref_slice %arg5[%arg0, %add3A_60, %dma_wait3A] : memref<2x10240x128xf32, #tpu.memory_space<hbm>> -> memref<1x128x128xf32, #tpu.memory_space<hbm>>
      %dma_wait3A_68 = tpu.memref_squeeze %dma_wait3A_67 : memref<1x128x128xf32, #tpu.memory_space<hbm>> -> memref<128x128xf32, #tpu.memory_space<hbm>>
      %dma_wait3A_69 = arith.constant 0 : i32
      %dma_wait3A_70 = tpu.memref_slice %arg5[%arg0, %add3A_60, %dma_wait3A_69] : memref<2x10240x128xf32, #tpu.memory_space<hbm>> -> memref<1x128x128xf32, #tpu.memory_space<hbm>>
      %dma_wait3A_71 = tpu.memref_squeeze %dma_wait3A_70 : memref<1x128x128xf32, #tpu.memory_space<hbm>> -> memref<128x128xf32, #tpu.memory_space<hbm>>
      tpu.wait_dma2 semaphore(%run_scoped3A : memref<!tpu.dma_semaphore, #tpu.memory_space<semaphore_mem>>) src(%arg7 : memref<128x128xf32, #tpu.memory_space<vmem>>) dst(%dma_wait3A_71 : memref<128x128xf32, #tpu.memory_space<hbm>>)
      tpu.yield
    }) : () -> ()
    return
  }
}

module attributes {stable_mosaic.version = 14 : i64} {
  func.func @_tc_prep_body(%arg0: memref<10240x1xf32, #tpu.memory_space<vmem>>, %arg1: memref<10000x128xf32, #tpu.memory_space<vmem>>, %arg2: memref<128x128xf32, #tpu.memory_space<vmem>>, %arg3: memref<10240x1xf32, #tpu.memory_space<vmem>>, %arg4: memref<10240x128xf32, #tpu.memory_space<vmem>>, %arg5: memref<10240x128xf32, #tpu.memory_space<vmem>>) attributes {dimension_semantics = [], scalar_prefetch = 0 : i64, scratch_operands = 0 : i64, tpu.core_type = #tpu.core_type<tc>} {
    %get3A = arith.constant 0 : index
    %get3A_0 = arith.constant 0 : index
    %get3A_1 = vector.load %arg0[%get3A, %get3A_0] : memref<10240x1xf32, #tpu.memory_space<vmem>>, vector<10240x1xf32>
    %add3A = arith.constant 1.000000e+00 : f32
    %add3A_2 = vector.broadcast %add3A : f32 to vector<10240x1xf32>
    %add3A_3 = arith.addf %get3A_1, %add3A_2 : vector<10240x1xf32>
    %rsqrt3A = math.rsqrt %add3A_3 : vector<10240x1xf32>
    %swap3A = arith.constant 0 : index
    %swap3A_4 = arith.constant 0 : index
    %swap3A_5 = vector.load %arg3[%swap3A, %swap3A_4] : memref<10240x1xf32, #tpu.memory_space<vmem>>, vector<10240x1xf32>
    tpu.vector_store %arg3[%swap3A, %swap3A_4], %rsqrt3A {strides = array<i32>} : memref<10240x1xf32, #tpu.memory_space<vmem>>, vector<10240x1xf32>,
    %get3A_6 = arith.constant 0 : index
    %get3A_7 = arith.constant 0 : index
    %get3A_8 = vector.load %arg1[%get3A_6, %get3A_7] : memref<10000x128xf32, #tpu.memory_space<vmem>>, vector<10000x128xf32>
    %get3A_9 = arith.constant 0 : index
    %get3A_10 = arith.constant 0 : index
    %get3A_11 = vector.load %arg2[%get3A_9, %get3A_10] : memref<128x128xf32, #tpu.memory_space<vmem>>, vector<128x128xf32>
    %dot_general3A = arith.constant dense<0.000000e+00> : vector<10000x128xf32>
    %dot_general3A_12 = tpu.matmul %get3A_8, %get3A_11, %dot_general3A {dimension_numbers = #tpu.dot_dimension_numbers<[1], [0], [0], [1], [0, 0, 1, 1], [], []>, transpose_lhs_hint = false} : vector<10000x128xf32>, vector<128x128xf32>, vector<10000x128xf32> -> vector<10000x128xf32>
    %broadcast_in_dim3A = arith.constant 0.000000e+00 : f32
    %broadcast_in_dim3A_13 = vector.broadcast %broadcast_in_dim3A : f32 to vector<240x128xf32>
    %slice3A = vector.extract_strided_slice %rsqrt3A {offsets = [0, 0], sizes = [10000, 1], strides = [1, 1]} : vector<10240x1xf32> to vector<10000x1xf32>
    %mul3A = vector.broadcast %slice3A : vector<10000x1xf32> to vector<10000x128xf32>
    %mul3A_14 = arith.mulf %mul3A, %dot_general3A_12 : vector<10000x128xf32>
    %swap3A_15 = arith.constant 0 : index
    %swap3A_16 = arith.constant 0 : index
    %swap3A_17 = vector.load %arg4[%swap3A_15, %swap3A_16] : memref<10240x128xf32, #tpu.memory_space<vmem>>, vector<10000x128xf32>
    tpu.vector_store %arg4[%swap3A_15, %swap3A_16], %mul3A_14 {strides = array<i32>} : memref<10240x128xf32, #tpu.memory_space<vmem>>, vector<10000x128xf32>,
    %swap3A_18 = arith.constant 10000 : index
    %swap3A_19 = arith.constant 0 : index
    %swap3A_20 = vector.load %arg4[%swap3A_18, %swap3A_19] : memref<10240x128xf32, #tpu.memory_space<vmem>>, vector<240x128xf32>
    tpu.vector_store %arg4[%swap3A_18, %swap3A_19], %broadcast_in_dim3A_13 {strides = array<i32>} : memref<10240x128xf32, #tpu.memory_space<vmem>>, vector<240x128xf32>,
    %broadcast_in_dim3A_21 = vector.shape_cast %rsqrt3A : vector<10240x1xf32> to vector<10240x1xf32>
    %broadcast_in_dim3A_22 = vector.broadcast %broadcast_in_dim3A_21 : vector<10240x1xf32> to vector<10240x128xf32>
    %swap3A_23 = arith.constant 0 : index
    %swap3A_24 = arith.constant 0 : index
    %swap3A_25 = vector.load %arg5[%swap3A_23, %swap3A_24] : memref<10240x128xf32, #tpu.memory_space<vmem>>, vector<10240x128xf32>
    tpu.vector_store %arg5[%swap3A_23, %swap3A_24], %broadcast_in_dim3A_22 {strides = array<i32>} : memref<10240x128xf32, #tpu.memory_space<vmem>>, vector<10240x128xf32>,
    return
  }
}

module attributes {stable_mosaic.version = 14 : i64} {
  func.func @_tc_mid_body(%arg0: memref<2x10240x128xf32, #tpu.memory_space<vmem>>, %arg1: memref<10240x128xf32, #tpu.memory_space<vmem>>, %arg2: memref<10240x1xf32, #tpu.memory_space<vmem>>, %arg3: memref<1x128xf32, #tpu.memory_space<vmem>>, %arg4: memref<128x128xf32, #tpu.memory_space<vmem>>, %arg5: memref<10240x128xf32, #tpu.memory_space<vmem>>) attributes {dimension_semantics = [], scalar_prefetch = 0 : i64, scratch_operands = 0 : i64, tpu.core_type = #tpu.core_type<tc>} {
    %get3A = arith.constant 0 : index
    %get3A_0 = arith.constant 0 : index
    %get3A_1 = vector.load %arg2[%get3A, %get3A_0] : memref<10240x1xf32, #tpu.memory_space<vmem>>, vector<10000x1xf32>
    %get3A_2 = arith.constant 0 : index
    %get3A_3 = arith.constant 0 : index
    %get3A_4 = arith.constant 0 : index
    %get3A_5 = vector.load %arg0[%get3A_2, %get3A_3, %get3A_4] : memref<2x10240x128xf32, #tpu.memory_space<vmem>>, vector<1x10000x128xf32>
    %get3A_6 = vector.shape_cast %get3A_5 : vector<1x10000x128xf32> to vector<10000x128xf32>
    %get3A_7 = arith.constant 1 : index
    %get3A_8 = arith.constant 0 : index
    %get3A_9 = arith.constant 0 : index
    %get3A_10 = vector.load %arg0[%get3A_7, %get3A_8, %get3A_9] : memref<2x10240x128xf32, #tpu.memory_space<vmem>>, vector<1x10000x128xf32>
    %get3A_11 = vector.shape_cast %get3A_10 : vector<1x10000x128xf32> to vector<10000x128xf32>
    %add3A = arith.addf %get3A_6, %get3A_11 : vector<10000x128xf32>
    %get3A_12 = arith.constant 0 : index
    %get3A_13 = arith.constant 0 : index
    %get3A_14 = vector.load %arg1[%get3A_12, %get3A_13] : memref<10240x128xf32, #tpu.memory_space<vmem>>, vector<10000x128xf32>
    %add3A_15 = arith.addf %add3A, %get3A_14 : vector<10000x128xf32>
    %mul3A = vector.broadcast %get3A_1 : vector<10000x1xf32> to vector<10000x128xf32>
    %mul3A_16 = arith.mulf %mul3A, %add3A_15 : vector<10000x128xf32>
    %get3A_17 = arith.constant 0 : index
    %get3A_18 = arith.constant 0 : index
    %get3A_19 = vector.load %arg3[%get3A_17, %get3A_18] : memref<1x128xf32, #tpu.memory_space<vmem>>, vector<1x128xf32>
    %add3A_20 = vector.broadcast %get3A_19 : vector<1x128xf32> to vector<10000x128xf32>
    %add3A_21 = arith.addf %mul3A_16, %add3A_20 : vector<10000x128xf32>
    %max3A = arith.constant 0.000000e+00 : f32
    %max3A_22 = vector.broadcast %max3A : f32 to vector<10000x128xf32>
    %max3A_23 = arith.maximumf %add3A_21, %max3A_22 : vector<10000x128xf32>
    %get3A_24 = arith.constant 0 : index
    %get3A_25 = arith.constant 0 : index
    %get3A_26 = vector.load %arg4[%get3A_24, %get3A_25] : memref<128x128xf32, #tpu.memory_space<vmem>>, vector<128x128xf32>
    %dot_general3A = arith.constant dense<0.000000e+00> : vector<10000x128xf32>
    %dot_general3A_27 = tpu.matmul %max3A_23, %get3A_26, %dot_general3A {dimension_numbers = #tpu.dot_dimension_numbers<[1], [0], [0], [1], [0, 0, 1, 1], [], []>, transpose_lhs_hint = false} : vector<10000x128xf32>, vector<128x128xf32>, vector<10000x128xf32> -> vector<10000x128xf32>
    %mul3A_28 = vector.broadcast %get3A_1 : vector<10000x1xf32> to vector<10000x128xf32>
    %mul3A_29 = arith.mulf %mul3A_28, %dot_general3A_27 : vector<10000x128xf32>
    %swap3A = arith.constant 0 : index
    %swap3A_30 = arith.constant 0 : index
    %swap3A_31 = vector.load %arg5[%swap3A, %swap3A_30] : memref<10240x128xf32, #tpu.memory_space<vmem>>, vector<10000x128xf32>
    tpu.vector_store %arg5[%swap3A, %swap3A_30], %mul3A_29 {strides = array<i32>} : memref<10240x128xf32, #tpu.memory_space<vmem>>, vector<10000x128xf32>,
    %broadcast_in_dim3A = arith.constant 0.000000e+00 : f32
    %broadcast_in_dim3A_32 = vector.broadcast %broadcast_in_dim3A : f32 to vector<240x128xf32>
    %swap3A_33 = arith.constant 10000 : index
    %swap3A_34 = arith.constant 0 : index
    %swap3A_35 = vector.load %arg5[%swap3A_33, %swap3A_34] : memref<10240x128xf32, #tpu.memory_space<vmem>>, vector<240x128xf32>
    tpu.vector_store %arg5[%swap3A_33, %swap3A_34], %broadcast_in_dim3A_32 {strides = array<i32>} : memref<10240x128xf32, #tpu.memory_space<vmem>>, vector<240x128xf32>,
    return
  }
}

module attributes {stable_mosaic.version = 14 : i64} {
  func.func @_tc_final_body(%arg0: memref<2x10240x128xf32, #tpu.memory_space<vmem>>, %arg1: memref<10240x128xf32, #tpu.memory_space<vmem>>, %arg2: memref<10240x1xf32, #tpu.memory_space<vmem>>, %arg3: memref<1x128xf32, #tpu.memory_space<vmem>>, %arg4: memref<10240x1xf32, #tpu.memory_space<vmem>>, %arg5: memref<128x128xf32, #tpu.memory_space<vmem>>, %arg6: memref<1x128xf32, #tpu.memory_space<vmem>>, %arg7: memref<1x128xf32, #tpu.memory_space<vmem>>) attributes {dimension_semantics = [], scalar_prefetch = 0 : i64, scratch_operands = 0 : i64, tpu.core_type = #tpu.core_type<tc>} {
    %get3A = arith.constant 0 : index
    %get3A_0 = arith.constant 0 : index
    %get3A_1 = vector.load %arg2[%get3A, %get3A_0] : memref<10240x1xf32, #tpu.memory_space<vmem>>, vector<10000x1xf32>
    %get3A_2 = arith.constant 0 : index
    %get3A_3 = arith.constant 0 : index
    %get3A_4 = arith.constant 0 : index
    %get3A_5 = vector.load %arg0[%get3A_2, %get3A_3, %get3A_4] : memref<2x10240x128xf32, #tpu.memory_space<vmem>>, vector<1x10000x128xf32>
    %get3A_6 = vector.shape_cast %get3A_5 : vector<1x10000x128xf32> to vector<10000x128xf32>
    %get3A_7 = arith.constant 1 : index
    %get3A_8 = arith.constant 0 : index
    %get3A_9 = arith.constant 0 : index
    %get3A_10 = vector.load %arg0[%get3A_7, %get3A_8, %get3A_9] : memref<2x10240x128xf32, #tpu.memory_space<vmem>>, vector<1x10000x128xf32>
    %get3A_11 = vector.shape_cast %get3A_10 : vector<1x10000x128xf32> to vector<10000x128xf32>
    %add3A = arith.addf %get3A_6, %get3A_11 : vector<10000x128xf32>
    %get3A_12 = arith.constant 0 : index
    %get3A_13 = arith.constant 0 : index
    %get3A_14 = vector.load %arg1[%get3A_12, %get3A_13] : memref<10240x128xf32, #tpu.memory_space<vmem>>, vector<10000x128xf32>
    %add3A_15 = arith.addf %add3A, %get3A_14 : vector<10000x128xf32>
    %mul3A = vector.broadcast %get3A_1 : vector<10000x1xf32> to vector<10000x128xf32>
    %mul3A_16 = arith.mulf %mul3A, %add3A_15 : vector<10000x128xf32>
    %get3A_17 = arith.constant 0 : index
    %get3A_18 = arith.constant 0 : index
    %get3A_19 = vector.load %arg3[%get3A_17, %get3A_18] : memref<1x128xf32, #tpu.memory_space<vmem>>, vector<1x128xf32>
    %add3A_20 = vector.broadcast %get3A_19 : vector<1x128xf32> to vector<10000x128xf32>
    %add3A_21 = arith.addf %mul3A_16, %add3A_20 : vector<10000x128xf32>
    %max3A = arith.constant 0.000000e+00 : f32
    %max3A_22 = vector.broadcast %max3A : f32 to vector<10000x128xf32>
    %max3A_23 = arith.maximumf %add3A_21, %max3A_22 : vector<10000x128xf32>
    %get3A_24 = arith.constant 0 : index
    %get3A_25 = arith.constant 0 : index
    %get3A_26 = vector.load %arg4[%get3A_24, %get3A_25] : memref<10240x1xf32, #tpu.memory_space<vmem>>, vector<10000x1xf32>
    %add3A_27 = arith.addf %get3A_26, %get3A_1 : vector<10000x1xf32>
    %mul3A_28 = arith.mulf %get3A_1, %add3A_27 : vector<10000x1xf32>
    %mul3A_29 = vector.broadcast %mul3A_28 : vector<10000x1xf32> to vector<10000x128xf32>
    %mul3A_30 = arith.mulf %max3A_23, %mul3A_29 : vector<10000x128xf32>
    %reduce_sum3A = arith.constant dense<0.000000e+00> : vector<128xf32>
    %reduce_sum3A_31 = vector.multi_reduction <add>, %mul3A_30, %reduce_sum3A [0] : vector<10000x128xf32> to vector<128xf32>
    %broadcast_in_dim3A = vector.shape_cast %reduce_sum3A_31 : vector<128xf32> to vector<1x128xf32>
    %get3A_32 = arith.constant 0 : index
    %get3A_33 = arith.constant 0 : index
    %get3A_34 = vector.load %arg5[%get3A_32, %get3A_33] : memref<128x128xf32, #tpu.memory_space<vmem>>, vector<128x128xf32>
    %dot_general3A = arith.constant dense<0.000000e+00> : vector<1x128xf32>
    %dot_general3A_35 = tpu.matmul %broadcast_in_dim3A, %get3A_34, %dot_general3A {dimension_numbers = #tpu.dot_dimension_numbers<[1], [0], [0], [1], [0, 0, 1, 1], [], []>, transpose_lhs_hint = false} : vector<1x128xf32>, vector<128x128xf32>, vector<1x128xf32> -> vector<1x128xf32>
    %mul3A_36 = arith.constant 9.99999974E-5 : f32
    %mul3A_37 = vector.broadcast %mul3A_36 : f32 to vector<1x128xf32>
    %mul3A_38 = arith.mulf %dot_general3A_35, %mul3A_37 : vector<1x128xf32>
    %get3A_39 = arith.constant 0 : index
    %get3A_40 = arith.constant 0 : index
    %get3A_41 = vector.load %arg6[%get3A_39, %get3A_40] : memref<1x128xf32, #tpu.memory_space<vmem>>, vector<1x128xf32>
    %add3A_42 = arith.addf %mul3A_38, %get3A_41 : vector<1x128xf32>
    %swap3A = arith.constant 0 : index
    %swap3A_43 = arith.constant 0 : index
    %swap3A_44 = vector.load %arg7[%swap3A, %swap3A_43] : memref<1x128xf32, #tpu.memory_space<vmem>>, vector<1x128xf32>
    tpu.vector_store %arg7[%swap3A, %swap3A_43], %add3A_42 {strides = array<i32>} : memref<1x128xf32, #tpu.memory_space<vmem>>, vector<1x128xf32>,
    return
  }
}

</mosaic_0001>

<sc_bundles>
// kernel: kernel.12.cloned.1.call-start
scs
__scs_entry_jumppad:
0x0: {  	(pc) =	sbr.rel $0x88, $3  }
0x1: {  	(tag) =	ssettag $0x0;
	lr =	simm.s32 $0x1  }
0x2: {  	[smem:$0x3F99] =	sst lr;
	_ =	strace $0xD0000000  }
0x3: {  	_ = 	snop  }
0x4: {  	_ = 	snop  }
0x5: {  	_ = 	snop  }
0x6: {  	_ = 	snop  }
0x7: {  	_ = 	snop  }
__scs_overlays_trampoline_lowered:
0x8: {  	[smem:$0x3FA8] =	sst s0  }
0x9: {  	[smem:$0x3FA9] =	sst s1  }
0xa: {  	[smem:$0x3FAA] =	sst s2  }
0xb: {  	[smem:$0x3FAB] =	sst s3  }
0xc: {  	[smem:$0x3FAC] =	sst s4  }
0xd: {  	[smem:$0x3FAD] =	sst s5  }
0xe: {  	[smem:$0x3FAE] =	sst s6  }
0xf: {  	[smem:$0x3FAF] =	sst s7  }
0x10: {  	[smem:$0x3FB0] =	sst s8  }
0x11: {  	[smem:$0x3FB1] =	sst s9;
	s0 =	simm.s32 @!p0 $0x0  }
0x12: {  	s1 =	sld [smem:$0x3F97];
	s0 =	simm.s32 @p0 $0x1  }
0x13: {  	[smem:$0x3FB2] =	sst s0;
	s0 =	simm.s32 @!p1 $0x0  }
0x14: {  	s2 =	sld [smem:$0x3F96];
	s0 =	simm.s32 @p1 $0x1  }
0x15: {  	[smem:$0x3FB3] =	sst s0;
	s0 =	simm.s32 @!p2 $0x0  }
0x16: {  	s3 =	sld [smem:$0x3FDB];
	s0 =	simm.s32 @p2 $0x1  }
0x17: {  	s4 =	simm.s32 $0x1BF5;
	[smem:$0x3FB5] =	sst s0  }
0x18: {  	s0 =	sld [smem:$0x3F98];
	_ =	swait.ge [sflag:s4], $0x0  }
0x19: {  	s7 =	sld [smem:$0x3F99]  }
0x1a: {  	s8 =	sadd.s32 $0xFFFFE003, lr  }
0x1b: {  	s9 =	sadd.s32 $0xFFFFFEF7, lr;
	s5 =	simm.s32 $0xFFFFFFFF;
	p2 =	slt.u32 s8, $0xFFFFF086  }
0x1c: {  	p1 =	slt.u32 s9, $0xF7A;
	s5 =	simm.s32 @!p2 $0x0  }
0x1d: {  	s5 =	simm.s32 @p1 $0x1;
	p0 =	seq.s32 s7, s2  }
0x1e: {  	s7 =	smul.u32 @!p0 $0xF7A, s2;
	p2 =	seq.s32 @!p0 s5, $0x0  }
0x1f: {  	s9 =	smul.u32 $0xF7A, s1;
	s8 =	simm.s32 @!p0 $0x1BF5;
	p2 =	por !p2, p0  }
0x20: {  	[sflag:s8] =	ssyncset.s32 @!p0 $0xFFFFF086;
	s6 =	sadd.s32 @!p0 s3, s7;
	s7 =	simm.s32 @!p0 $0x108  }
0x21: {  	s3 =	sadd.s32 s3, s9;
	s6 =	sadd.s32 @!p0 $0x88, s6;
	s7 =	simm.s32 @p2 $0x1082  }
0x22: {  	[simem:s7], [sflag:s8] =	dma.local @!p0 [hbm:s6], $0xF7A  }
0x23: {  	s9 =	sor.u32 $0xD0000000, s2;
	s6 =	simm.s32 $0x108;
	_ =	swait.ge @!p0 [sflag:s8], $0x0  }
0x24: {  	s3 =	sadd.s32 $0x88, s3;
	s6 =	simm.s32 @!p1 $0x1082;
	[sflag:s4] =	ssyncset.s32 $0xFFFFF086  }
0x25: {  	[simem:s6], [sflag:s4] =	dma.local [hbm:s3], $0xF7A  }
0x26: {  	[smem:$0x3F99] =	sst s1;
	(tag) =	ssettag s2;
	_ =	strace s9  }
0x27: {  	s1 =	sld [smem:$0x3FA9]  }
0x28: {  	s2 =	sld [smem:$0x3FAA]  }
0x29: {  	s4 =	sld [smem:$0x3FAC]  }
0x2a: {  	p0 =	seq.s32 s5, $0x0;
	s5 =	sld [smem:$0x3FAD]  }
0x2b: {  	s6 =	sld [smem:$0x3FAE]  }
0x2c: {  	s7 =	sld [smem:$0x3FAF]  }
0x2d: {  	s3 =	simm.s32 $0x108;
	s8 =	sld [smem:$0x3FB0]  }
0x2e: {  	s3 =	simm.s32 @!p0 $0x1082;
	s9 =	sld [smem:$0x3FB1]  }
0x2f: {  	lr =	sadd.s32 s0, s3;
	s0 =	sld [smem:$0x3FA8]  }
0x30: {  	s3 =	sld [smem:$0x3FAB]  }
0x31: {  	[smem:$0x3FB4] =	sst s10  }
0x32: {  	s10 =	sld [smem:$0x3FB2];
	_ =	sdelay $0x3  }
0x33: {  	p0 =	seq.s32 s10, $0x1;
	s10 =	sld [smem:$0x3FB4];
	_ =	sdelay $0x3  }
0x34: {  	[smem:$0x3FB4] =	sst s10  }
0x35: {  	s10 =	sld [smem:$0x3FB3];
	_ =	sdelay $0x3  }
0x36: {  	p1 =	seq.s32 s10, $0x1;
	s10 =	sld [smem:$0x3FB4];
	_ =	sdelay $0x3  }
0x37: {  	[smem:$0x3FB4] =	sst s10  }
0x38: {  	s10 =	sld [smem:$0x3FB5]  }
0x39: {  	_ = 	snop;
	(pc) =	sbr.ind lr, $3  }
0x3a: {  	_ = 	snop  }
0x3b: {  	_ = 	snop  }
0x3c: {  	p2 =	seq.s32 s10, $0x1;
	s10 =	sld [smem:$0x3FB4]  }
0x3d: {  	_ =	shalt  }
0x3e: {  	_ =	shalt  }
0x3f: {  	_ =	shalt  }
0x40: {  	_ =	shalt  }
0x41: {  	_ =	shalt  }
0x42: {  	_ =	shalt  }
0x43: {  	_ =	shalt  }
0x44: {  	_ =	shalt  }
0x45: {  	_ =	shalt  }
0x46: {  	_ =	shalt  }
0x47: {  	_ =	shalt  }
0x48: {  	_ =	shalt  }
0x49: {  	_ =	shalt  }
0x4a: {  	_ =	shalt  }
0x4b: {  	_ =	shalt  }
0x4c: {  	_ =	shalt  }
0x4d: {  	_ =	shalt  }
0x4e: {  	_ =	shalt  }
0x4f: {  	_ =	shalt  }
0x50: {  	_ =	shalt  }
0x51: {  	_ =	shalt  }
0x52: {  	_ =	shalt  }
0x53: {  	_ =	shalt  }
0x54: {  	_ =	shalt  }
0x55: {  	_ =	shalt  }
0x56: {  	_ =	shalt  }
0x57: {  	_ =	shalt  }
0x58: {  	_ =	shalt  }
0x59: {  	_ =	shalt  }
0x5a: {  	_ =	shalt  }
0x5b: {  	_ =	shalt  }
0x5c: {  	_ =	shalt  }
0x5d: {  	_ =	shalt  }
0x5e: {  	_ =	shalt  }
0x5f: {  	_ =	shalt  }
0x60: {  	_ =	shalt  }
0x61: {  	_ =	shalt  }
0x62: {  	_ =	shalt  }
0x63: {  	_ =	shalt  }
0x64: {  	_ =	shalt  }
0x65: {  	_ =	shalt  }
0x66: {  	_ =	shalt  }
0x67: {  	_ =	shalt  }
0x68: {  	_ =	shalt  }
0x69: {  	_ =	shalt  }
0x6a: {  	_ =	shalt  }
0x6b: {  	_ =	shalt  }
0x6c: {  	_ =	shalt  }
0x6d: {  	_ =	shalt  }
0x6e: {  	_ =	shalt  }
0x6f: {  	_ =	shalt  }
0x70: {  	_ =	shalt  }
0x71: {  	_ =	shalt  }
0x72: {  	_ =	shalt  }
0x73: {  	_ =	shalt  }
0x74: {  	_ =	shalt  }
0x75: {  	_ =	shalt  }
0x76: {  	_ =	shalt  }
0x77: {  	_ =	shalt  }
0x78: {  	_ =	shalt  }
0x79: {  	_ =	shalt  }
0x7a: {  	_ =	shalt  }
0x7b: {  	_ =	shalt  }
0x7c: {  	_ =	shalt  }
0x7d: {  	_ =	shalt  }
0x7e: {  	_ =	shalt  }
0x7f: {  	_ =	shalt  }
0x80: {  	_ =	shalt  }
0x81: {  	_ =	shalt  }
0x82: {  	_ =	shalt  }
0x83: {  	_ =	shalt  }
0x84: {  	_ =	shalt  }
0x85: {  	_ =	shalt  }
0x86: {  	_ =	shalt  }
0x87: {  	_ =	shalt  }
.Lfunc_end0:
.L_simem_size_0:
called_computation.1_lowered:
.L_overlay_start_0:
0x88: {  	s2 =	sld [smem:$0x3FD9]  }
0x89: {  	s3 =	sld [smem:$0x3FFE];
	_ =	sdelay $0x1  }
0x8a: {  	s1 =	srdreg.scid  }
0x8b: {  	s0 =	sand.u32 $0x1, s1  }
0x8c: {  	s16 =	sshll.u32 s0, $0xA;
	s2 =	sadd.s32 s3, s2  }
0x8d: {  	s2 =	sadd.s32 s2, s16  }
0x8e: {  	[smem:$0x3FC0] =	sst s2  }
0x8f: {  	_ = 	snop  }
0x90: {  	(tm) =	ssettm $0x1  }
0x91: {  	s17 =	sld [smem:$0x3FFB];
	_ =	sdelay $0x3  }
0x92: {  	_ =	strace s17  }
0x93: {  	s2 =	sld [smem:$0x3FFC];
	_ =	sdelay $0x3  }
0x94: {  	_ =	strace s2  }
0x95: {  	s2 =	sld [smem:$0x3FFD];
	_ =	sdelay $0x3  }
0x96: {  	_ =	strace s2  }
0x97: {  	_ =	strace $0x8FFFFFFF  }
0x98: {  	s18 =	sld [smem:$0x3FDB];
	_ =	sdelay $0x1  }
0x99: {  	s19 =	simm.s32 $_scs_section_size  }
0x9a: {  	s4 =	simm.s32 $_size__tile_overlayer_lowered;
	s5 =	simm.s32 $_tile_overlayer_lowered  }
0x9b: {  	s22 =	simm.s32 $0x1BFF;
	s21 =	sshll.u32 s5, $0x1;
	s2 =	sadd.s32 s19, s18  }
0x9c: {  	s6 =	simm.s32 $0x0;
	s20 =	sshll.u32 s4, $0x1;
	s4 =	sadd.s32 s21, s2  }
0x9d: {  	[timem:s6], [sflag:s22] =	dma.local [hbm:s4], s20  }
0x9e: {  	_ =	swait.ge [sflag:s22], s20  }
0x9f: {  	s3 =	ssub.s32 $0x0, s20;
	[sflag:s22] =	ssyncset.done $0x0  }
0xa0: {  	[sflag:s22] =	ssyncadd.s32 s3;
	_ =	sdelay $0x1  }
0xa1: {  	s23 =	simm.s32 $0x1B8B  }
0xa2: {  	_ =	swait.ge [sflag:s23], $0x1  }
0xa3: {  	[sflag:s23] =	ssyncset.done $0x0  }
0xa4: {  	s25 =	simm.s32 $0x1B8E;
	s24 =	sld [smem:$0x3FFE];
	[sflag:s23] =	ssyncadd.s32 $0xFFFFFFFF  }
0xa5: {  	s26 =	simm.s32 $execute0_lowered;
	[smem:$0x3FD2] =	sst s25  }
0xa6: {  	s4 =	sshll.u32 s26, $0x1;
	_ =	strace $0x80000049;
	[dreg:$0x1] =	wrdreg $0xFFFFFFFF  }
0xa7: {  	s28 =	simm.s32 $_size_execute0_lowered;
	s2 =	sadd.s32 s2, s4;
	[dreg:$0x0] =	wrdreg $0x0  }
0xa8: {  	s4 =	sshll.u32 s28, $0x1;
	[dreg:$0x2] =	wrdreg s2  }
0xa9: {  	[dreg:$0x3] =	wrdreg s4  }
0xaa: {  	[dreg:$0x4] =	wrdreg $0xC0  }
0xab: {  	_ =	task [dreg:s6], $0x5FFFF  }
0xac: {  	[dreg:$0x1] =	wrdreg $0xFFFFFFFF  }
0xad: {  	[dreg:$0x0] =	wrdreg $0x60  }
0xae: {  	[dreg:$0x2] =	wrdreg s24  }
0xaf: {  	[dreg:$0x3] =	wrdreg $0x90000  }
0xb0: {  	[dreg:$0x4] =	wrdreg $0xA  }
0xb1: {  	_ =	task.clear_ibuf [dreg:s6], $0x5FFFF;
	_ =	strace $0x90000049  }
0xb2: {  	s29 =	simm.s32 $0xA;
	_ =	strace $0x8000004B  }
0xb3: {  	_ =	swait.ge [sflag:s29], $0x1  }
0xb4: {  	[sflag:s29] =	ssyncadd.s32 $0xFFFFFFFF  }
0xb5: {  	_ =	strace $0x9000004B  }
0xb6: {  	_ =	sfence  }
0xb7: {  	s30 =	sld [smem:$0x0];
	_ =	sdelay $0x2  }
0xb8: {  	s31 =	sshll.u32 s1, $0xD;
	s1 =	sshrl.u32 s1, $0x2  }
0xb9: {  	s3 =	sand.u32 $0x4000, s31;
	s1 =	sadd.s32 s1, s30  }
0xba: {  	s0 =	sor.u32 s3, s0;
	s1 =	sshll.u32 s1, $0x11  }
0xbb: {  	s0 =	sor.u32 s1, s0  }
0xbc: {  	s0 =	sadd.s32 $0x8F2B, s0  }
0xbd: {  	[sflag:s0] =	ssyncadd.remote.s32 $0x1  }
0xbe: {  	_ =	sfence.sel $0xFFFF  }
0xbf: {  	[dreg:$0x0] =	wrdreg $0xFFFFFFFF;
	(pc) =	sbr.abs _section_cstart, $3  }
0xc0: {  	[dreg:$0x1] =	wrdreg $0xFFFFFFFF  }
0xc1: {  	_ =	task.clear_ibuf [dreg:s6], $0x2FFFF;
	_ =	strace $0x9FFFFFFF  }
0xc2: {  	(tm) =	ssettm $0x7FFFFFFF  }
0xc3: {  	_ =	shalt  }
tec
execute0_lowered:
.L_overlay_start_1:
0x0: {  	(tag) =	ssettag $0x1  }
0x1: {  	s0 =	rddreg [dreg:$0x0]  }
0x2: {  	s1 =	rddreg [dreg:$0x1];
	s2 =	simm.s32 $0x0;
	s3 =	srdreg.scid  }
0x3: {  	s19 =	stileid.u32;
	s21 =	simm.s32 $0x4;
	s22 =	simm.s32 $0x80  }
0x4: {  	s23 =	simm.s32 $0x5000;
	s24 =	simm.s32 $0x1;
	[smem:$0x7FF] =	sst s2  }
0x5: {  	s4 =	sadd.s32 $0xE200, s0;
	s3 =	sand.u32 $0x1, s3;
	s5 =	sadd.s32 $0x72A00, s0  }
0x6: {  	s7 =	sadd.s32 $0xDA00, s0;
	s12 =	smul.u32 $0x14000, s19;
	s0 =	sadd.s32 $0x86A00, s0  }
0x7: {  	s26 =	sshll.u32 s19, $0x1;
	s30 =	smul.u32 $0x1400, s19;
	_ =	strace $0x8000004A  }
0x8: {  	s6 =	ssub.s32 $0x2, s3;
	[dreg:$0x3] =	wrdreg s7;
	s17 =	smul.u32 $0x140000, s3  }
0x9: {  	s8 =	sor.u32 s3, s26;
	s3 =	smul.u32 $0xA00, s3;
	s26 =	simm.s32 $0x0  }
0xa: {  	s25 =	sshrl.u32 s6, $0x1;
	s14 =	sadd.s32 $0x4000, s12;
	s15 =	sadd.s32 $0x8000, s12  }
0xb: {  	s10 =	smul.u32 $0xA00, s8;
	s16 =	sadd.s32 $0xC000, s12;
	s18 =	sadd.s32 $0x10000, s12  }
0xc: {  	s13 =	ssub.s32 s6, s25;
	s6 =	sadd.s32 s12, s1;
	s7 =	sadd.s32 s14, s1  }
0xd: {  	s8 =	sadd.s32 s15, s1;
	s9 =	sadd.s32 s16, s1;
	s11 =	sadd.s32 s18, s1  }
0xe: {  	s12 =	sadd.s32 s12, s17;
	s14 =	sadd.s32 s17, s14;
	s15 =	sadd.s32 s17, s15  }
0xf: {  	s16 =	sadd.s32 s17, s16;
	s17 =	sadd.s32 s17, s18;
	s25 =	simm.s32 $0x2  }
0x10: {  	s10 =	sadd.s32 s5, s10;
	s12 =	sshrl.u32 s12, $0x3;
	s28 =	sshrl.u32 s14, $0x3  }
0x11: {  	s15 =	sshrl.u32 s15, $0x3;
	s16 =	sshrl.u32 s16, $0x3;
	s17 =	sshrl.u32 s17, $0x3  }
0x12: {  	s5 =	sadd.s32 s30, s5;
	s18 =	smax.u32 s13, $0x1;
	s20 =	sadd.s32 $0x100, s10  }
0x13: {  	s12 =	sadd.s32 s0, s12;
	s29 =	sadd.s32 s0, s15;
	[dreg:$0x4] =	wrdreg s20  }
0x14: {  	s16 =	sadd.s32 s0, s16;
	s17 =	sadd.s32 s0, s17;
	[dreg:$0x5] =	wrdreg s12  }
0x15: {  	s31 =	sadd.s32 s3, s5;
	s12 =	sadd.s32 s0, s28;
	[dreg:$0x7] =	wrdreg s29  }
0x16: {  	s5 =	sadd.s32 $0x200, s31;
	s20 =	simm.s32 $0x1000;
	[dreg:$0x6] =	wrdreg s12  }
.LBB2_1:
0x17: {  	s0 =	rddreg [dreg:$0x3]  }
0x18: {  	[tilespmem:s20], [sflag:$0x4] =	stream.linear.gather [hbm4b:s0+s2], $0x4000, $0x38;
	[tilespmem:$0x1D000] =	vst v63  }
0x19: {  	_ =	swait.ge [sflag:s21], $0x4000  }
0x1a: {  	[sflag:s21] =	ssyncset.done $0x0  }
0x1b: {  	[sflag:s21] =	ssyncadd.s32 $0xFFFFC000  }
0x1c: {  	[spmem:s6] =	stream.linear.scatter [tilespmem:s20], [sflag:$0x4], $0x4000, $0x38;
	[tilespmem:$0x1D000] =	vst v63  }
0x1d: {  	_ =	swait.ge [sflag:s21], $0x4000  }
0x1e: {  	[sflag:s21] =	ssyncset.done $0x0  }
0x1f: {  	[sflag:s21] =	ssyncadd.s32 $0xFFFFC000  }
0x20: {  	[spmem:s7] =	stream.linear.scatter [tilespmem:s20], [sflag:$0x4], $0x4000, $0x38;
	[tilespmem:$0x1D000] =	vst v63  }
0x21: {  	_ =	swait.ge [sflag:s21], $0x4000  }
0x22: {  	[sflag:s21] =	ssyncset.done $0x0  }
0x23: {  	[sflag:s21] =	ssyncadd.s32 $0xFFFFC000  }
0x24: {  	[spmem:s8] =	stream.linear.scatter [tilespmem:s20], [sflag:$0x4], $0x4000, $0x38;
	[tilespmem:$0x1D000] =	vst v63  }
0x25: {  	_ =	swait.ge [sflag:s21], $0x4000  }
0x26: {  	[sflag:s21] =	ssyncset.done $0x0  }
0x27: {  	[sflag:s21] =	ssyncadd.s32 $0xFFFFC000  }
0x28: {  	[spmem:s9] =	stream.linear.scatter [tilespmem:s20], [sflag:$0x4], $0x4000, $0x38;
	[tilespmem:$0x1D000] =	vst v63  }
0x29: {  	_ =	swait.ge [sflag:s21], $0x4000  }
0x2a: {  	[sflag:s21] =	ssyncset.done $0x0  }
0x2b: {  	[sflag:s21] =	ssyncadd.s32 $0xFFFFC000  }
0x2c: {  	[spmem:s11] =	stream.linear.scatter [tilespmem:s20], [sflag:$0x4], $0x4000, $0x38;
	[tilespmem:$0x1D000] =	vst v63  }
0x2d: {  	_ =	swait.ge [sflag:s21], $0x4000  }
0x2e: {  	[sflag:s21] =	ssyncset.done $0x0  }
0x2f: {  	[sflag:s21] =	ssyncadd.s32 $0xFFFFC000  }
0x30: {  	[bflag:$0x0] =	sbarrier.arrive $0xFFFF  }
0x31: {  	[tilespmem:s2], [sflag:$0x4] =	stream.linear.gather [hbm4b:s10+s2], $0x800, $0x38;
	[tilespmem:$0x1D000] =	vst v63  }
0x32: {  	_ =	swait.ge [sflag:s21], $0x800  }
0x33: {  	s12 =	simm.s32 $0x0;
	[sflag:s21] =	ssyncset.done $0x0  }
0x34: {  	s0 =	simm.s32 $0x800;
	s3 =	rddreg [dreg:$0x4];
	[sflag:s21] =	ssyncadd.s32 $0xFFFFF800  }
0x35: {  	[tilespmem:s0], [sflag:$0x3] =	stream.linear.gather [hbm4b:s3+s2], $0x800, $0x38;
	[tilespmem:$0x1D000] =	vst v63  }
0x36: {  	s30 =	sand.u32 $0x800, s12  }
0x37: {  	[tilespmem:s20], [sflag:$0x1] =	stream.indirect.gather [hbm4b:s4+s22], $0x80, s2, s22, $0xb8;
	[tilespmem:$0x1D000] =	vst v63  }
0x38: {  	s3 =	sor.u32 $0x100, s30  }
0x39: {  	[tilespmem:s23], [sflag:$0x2] =	stream.indirect.gather [hbm4b:s4+s22], $0x80, s3, s22, $0xb8;
	[tilespmem:$0x1D000] =	vst v63  }
0x3a: {  	_ =	swait.ge [sflag:s24], $0x4000  }
0x3b: {  	[sflag:s24] =	ssyncset.done $0x0  }
0x3c: {  	s13 =	sor.u32 $0x80, s30;
	[sflag:s24] =	ssyncadd.s32 $0xFFFFC000  }
0x3d: {  	[spmem:s1] =	stream.indirect.scatter.add.f32 [tilespmem:s20], [sflag:$0x4], $0x80, s13, s22, $0xb8;
	[tilespmem:$0x1D000] =	vst v63  }
0x3e: {  	_ =	swait.ge [sflag:s21], $0x4000  }
0x3f: {  	[sflag:s21] =	ssyncset.done $0x0  }
0x40: {  	s14 =	sor.u32 $0x200, s30;
	[sflag:s21] =	ssyncadd.s32 $0xFFFFC000  }
0x41: {  	[tilespmem:s20], [sflag:$0x1] =	stream.indirect.gather [hbm4b:s4+s22], $0x80, s14, s22, $0xb8;
	[tilespmem:$0x1D000] =	vst v63  }
0x42: {  	_ =	swait.ge [sflag:s25], $0x4000  }
0x43: {  	[sflag:s25] =	ssyncset.done $0x0  }
0x44: {  	s15 =	sor.u32 $0x180, s30;
	[sflag:s25] =	ssyncadd.s32 $0xFFFFC000  }
0x45: {  	[spmem:s1] =	stream.indirect.scatter.add.f32 [tilespmem:s23], [sflag:$0x4], $0x80, s15, s22, $0xb8;
	[tilespmem:$0x1D000] =	vst v63  }
0x46: {  	_ =	swait.ge [sflag:s21], $0x4000  }
0x47: {  	[sflag:s21] =	ssyncset.done $0x0  }
0x48: {  	s19 =	sor.u32 $0x300, s30;
	[sflag:s21] =	ssyncadd.s32 $0xFFFFC000  }
0x49: {  	[tilespmem:s23], [sflag:$0x2] =	stream.indirect.gather [hbm4b:s4+s22], $0x80, s19, s22, $0xb8;
	[tilespmem:$0x1D000] =	vst v63  }
0x4a: {  	_ =	swait.ge [sflag:s24], $0x4000  }
0x4b: {  	[sflag:s24] =	ssyncset.done $0x0  }
0x4c: {  	s12 =	sor.u32 $0x280, s30;
	[sflag:s24] =	ssyncadd.s32 $0xFFFFC000  }
0x4d: {  	[spmem:s1] =	stream.indirect.scatter.add.f32 [tilespmem:s20], [sflag:$0x4], $0x80, s12, s22, $0xb8;
	[tilespmem:$0x1D000] =	vst v63  }
0x4e: {  	_ =	swait.ge [sflag:s21], $0x4000  }
0x4f: {  	[sflag:s21] =	ssyncset.done $0x0  }
0x50: {  	s13 =	sor.u32 $0x400, s30;
	[sflag:s21] =	ssyncadd.s32 $0xFFFFC000  }
0x51: {  	[tilespmem:s20], [sflag:$0x1] =	stream.indirect.gather [hbm4b:s4+s22], $0x80, s13, s22, $0xb8;
	[tilespmem:$0x1D000] =	vst v63  }
0x52: {  	_ =	swait.ge [sflag:s25], $0x4000  }
0x53: {  	[sflag:s25] =	ssyncset.done $0x0  }
0x54: {  	s14 =	sor.u32 $0x380, s30;
	[sflag:s25] =	ssyncadd.s32 $0xFFFFC000  }
0x55: {  	[spmem:s1] =	stream.indirect.scatter.add.f32 [tilespmem:s23], [sflag:$0x4], $0x80, s14, s22, $0xb8;
	[tilespmem:$0x1D000] =	vst v63  }
0x56: {  	_ =	swait.ge [sflag:s21], $0x4000  }
0x57: {  	[sflag:s21] =	ssyncset.done $0x0  }
0x58: {  	s15 =	sor.u32 $0x500, s30;
	[sflag:s21] =	ssyncadd.s32 $0xFFFFC000  }
0x59: {  	[tilespmem:s23], [sflag:$0x2] =	stream.indirect.gather [hbm4b:s4+s22], $0x80, s15, s22, $0xb8;
	[tilespmem:$0x1D000] =	vst v63  }
0x5a: {  	_ =	swait.ge [sflag:s24], $0x4000  }
0x5b: {  	[sflag:s24] =	ssyncset.done $0x0  }
0x5c: {  	s19 =	sor.u32 $0x480, s30;
	[sflag:s24] =	ssyncadd.s32 $0xFFFFC000  }
0x5d: {  	[spmem:s1] =	stream.indirect.scatter.add.f32 [tilespmem:s20], [sflag:$0x4], $0x80, s19, s22, $0xb8;
	[tilespmem:$0x1D000] =	vst v63  }
0x5e: {  	_ =	swait.ge [sflag:s21], $0x4000  }
0x5f: {  	[sflag:s21] =	ssyncset.done $0x0  }
0x60: {  	s12 =	sor.u32 $0x600, s30;
	[sflag:s21] =	ssyncadd.s32 $0xFFFFC000  }
0x61: {  	[tilespmem:s20], [sflag:$0x1] =	stream.indirect.gather [hbm4b:s4+s22], $0x80, s12, s22, $0xb8;
	[tilespmem:$0x1D000] =	vst v63  }
0x62: {  	_ =	swait.ge [sflag:s25], $0x4000  }
0x63: {  	[sflag:s25] =	ssyncset.done $0x0  }
0x64: {  	s13 =	sor.u32 $0x580, s30;
	[sflag:s25] =	ssyncadd.s32 $0xFFFFC000  }
0x65: {  	[spmem:s1] =	stream.indirect.scatter.add.f32 [tilespmem:s23], [sflag:$0x4], $0x80, s13, s22, $0xb8;
	[tilespmem:$0x1D000] =	vst v63  }
0x66: {  	_ =	swait.ge [sflag:s21], $0x4000  }
0x67: {  	[sflag:s21] =	ssyncset.done $0x0  }
0x68: {  	s14 =	sor.u32 $0x700, s30;
	[sflag:s21] =	ssyncadd.s32 $0xFFFFC000  }
0x69: {  	[tilespmem:s23], [sflag:$0x2] =	stream.indirect.gather [hbm4b:s4+s22], $0x80, s14, s22, $0xb8;
	[tilespmem:$0x1D000] =	vst v63  }
0x6a: {  	_ =	swait.ge [sflag:s24], $0x4000  }
0x6b: {  	[sflag:s24] =	ssyncset.done $0x0  }
0x6c: {  	s15 =	sor.u32 $0x680, s30;
	[sflag:s24] =	ssyncadd.s32 $0xFFFFC000  }
0x6d: {  	[spmem:s1] =	stream.indirect.scatter.add.f32 [tilespmem:s20], [sflag:$0x4], $0x80, s15, s22, $0xb8;
	[tilespmem:$0x1D000] =	vst v63  }
0x6e: {  	_ =	swait.ge [sflag:s21], $0x4000  }
0x6f: {  	p0 =	por $0x0, $0x0;
	[sflag:s21] =	ssyncset.done $0x0  }
0x70: {  	s3 =	simm.s32 @!p0 $0x3;
	[sflag:s21] =	ssyncadd.s32 $0xFFFFC000  }
0x71: {  	_ =	swait.ge @!p0 [sflag:s3], $0x800  }
0x72: {  	s0 =	sand.u32 @!p0 $0x800, s0;
	[sflag:s3] =	ssyncset.done @!p0 $0x0  }
0x73: {  	s12 =	simm.s32 @!p0 $0x1000;
	[sflag:s3] =	ssyncadd.s32 @!p0 $0xFFFFF800;
	s3 =	simm.s32 @!p0 $0x80  }
0x74: {  	[tilespmem:s12], [sflag:$0x1] =	stream.indirect.gather @!p0 [hbm4b:s4+s3], $0x80, s0, s3, $0xb8;
	[tilespmem:$0x1D000] =	vst v63  }
0x75: {  	s28 =	simm.s32 $0x1;
	s31 =	simm.s32 $0x1000;
	_ =	swait.ge [sflag:s25], $0x4000  }
0x76: {  	s29 =	sadd.s32 $0x100, s5;
	p1 =	por $0x0, $0x0;
	[sflag:s25] =	ssyncset.done $0x0  }
0x77: {  	s19 =	sadd.s32 $0x780, s30;
	s13 =	simm.s32 @!p1 $0x0;
	[sflag:s25] =	ssyncadd.s32 $0xFFFFC000  }
0x78: {  	[spmem:s1] =	stream.indirect.scatter.add.f32 [tilespmem:s23], [sflag:$0x4], $0x80, s19, s22, $0xb8;
	[tilespmem:$0x1D000] =	vst v63  }
0x79: {  	s0 =	simm.s32 $0x2;
	s3 =	simm.s32 $0x2000;
	_ =	swait.ge [sflag:s21], $0x4000  }
0x7a: {  	s12 =	simm.s32 $0x800;
	s19 =	smov.u32 s5;
	[sflag:s21] =	ssyncset.done $0x0  }
.LBB2_2:
0x7b: {  	s14 =	sand.u32 $0x800, s12;
	[sflag:s21] =	ssyncadd.s32 $0xFFFFC000  }
0x7c: {  	s12 =	smov.u32 s28;
	s28 =	smov.u32 s0;
	s0 =	sadd.s32 $0x1, s0  }
0x7d: {  	[tilespmem:s30], [sflag:$0x3] =	stream.linear.gather @!p1 [hbm4b:s19+s13], $0x800, $0x38;
	[tilespmem:$0x1D000] =	vst v63  }
0x7e: {  	p0 =	sne.s32 s0, $0xA;
	s13 =	sor.u32 $0x100, s14;
	s30 =	smov.u32 s14  }
0x7f: {  	[tilespmem:s23], [sflag:$0x2] =	stream.indirect.gather [hbm4b:s4+s22], $0x80, s13, s22, $0xb8;
	[tilespmem:$0x1D000] =	vst v63  }
0x80: {  	s19 =	smov.u32 s29;
	_ =	swait.ge [sflag:s24], $0x4000  }
0x81: {  	[sflag:s24] =	ssyncset.done $0x0  }
0x82: {  	s13 =	sor.u32 $0x80, s30;
	[sflag:s24] =	ssyncadd.s32 $0xFFFFC000  }
0x83: {  	[spmem:s1] =	stream.indirect.scatter.add.f32 [tilespmem:s20], [sflag:$0x4], $0x80, s13, s22, $0xb8;
	[tilespmem:$0x1D000] =	vst v63  }
0x84: {  	_ =	swait.ge [sflag:s21], $0x4000  }
0x85: {  	[sflag:s21] =	ssyncset.done $0x0  }
0x86: {  	s13 =	sor.u32 $0x200, s30;
	[sflag:s21] =	ssyncadd.s32 $0xFFFFC000  }
0x87: {  	[tilespmem:s20], [sflag:$0x1] =	stream.indirect.gather [hbm4b:s4+s22], $0x80, s13, s22, $0xb8;
	[tilespmem:$0x1D000] =	vst v63  }
0x88: {  	_ =	swait.ge [sflag:s25], $0x4000  }
0x89: {  	[sflag:s25] =	ssyncset.done $0x0  }
0x8a: {  	s13 =	sor.u32 $0x180, s30;
	[sflag:s25] =	ssyncadd.s32 $0xFFFFC000  }
0x8b: {  	[spmem:s1] =	stream.indirect.scatter.add.f32 [tilespmem:s23], [sflag:$0x4], $0x80, s13, s22, $0xb8;
	[tilespmem:$0x1D000] =	vst v63  }
0x8c: {  	_ =	swait.ge [sflag:s21], $0x4000  }
0x8d: {  	[sflag:s21] =	ssyncset.done $0x0  }
0x8e: {  	s13 =	sor.u32 $0x300, s30;
	[sflag:s21] =	ssyncadd.s32 $0xFFFFC000  }
0x8f: {  	[tilespmem:s23], [sflag:$0x2] =	stream.indirect.gather [hbm4b:s4+s22], $0x80, s13, s22, $0xb8;
	[tilespmem:$0x1D000] =	vst v63  }
0x90: {  	_ =	swait.ge [sflag:s24], $0x4000  }
0x91: {  	[sflag:s24] =	ssyncset.done $0x0  }
0x92: {  	s13 =	sor.u32 $0x280, s30;
	[sflag:s24] =	ssyncadd.s32 $0xFFFFC000  }
0x93: {  	[spmem:s1] =	stream.indirect.scatter.add.f32 [tilespmem:s20], [sflag:$0x4], $0x80, s13, s22, $0xb8;
	[tilespmem:$0x1D000] =	vst v63  }
0x94: {  	_ =	swait.ge [sflag:s21], $0x4000  }
0x95: {  	[sflag:s21] =	ssyncset.done $0x0  }
0x96: {  	s13 =	sor.u32 $0x400, s30;
	[sflag:s21] =	ssyncadd.s32 $0xFFFFC000  }
0x97: {  	[tilespmem:s20], [sflag:$0x1] =	stream.indirect.gather [hbm4b:s4+s22], $0x80, s13, s22, $0xb8;
	[tilespmem:$0x1D000] =	vst v63  }
0x98: {  	_ =	swait.ge [sflag:s25], $0x4000  }
0x99: {  	[sflag:s25] =	ssyncset.done $0x0  }
0x9a: {  	s13 =	sor.u32 $0x380, s30;
	[sflag:s25] =	ssyncadd.s32 $0xFFFFC000  }
0x9b: {  	[spmem:s1] =	stream.indirect.scatter.add.f32 [tilespmem:s23], [sflag:$0x4], $0x80, s13, s22, $0xb8;
	[tilespmem:$0x1D000] =	vst v63  }
0x9c: {  	_ =	swait.ge [sflag:s21], $0x4000  }
0x9d: {  	[sflag:s21] =	ssyncset.done $0x0  }
0x9e: {  	s13 =	sor.u32 $0x500, s30;
	[sflag:s21] =	ssyncadd.s32 $0xFFFFC000  }
0x9f: {  	[tilespmem:s23], [sflag:$0x2] =	stream.indirect.gather [hbm4b:s4+s22], $0x80, s13, s22, $0xb8;
	[tilespmem:$0x1D000] =	vst v63  }
0xa0: {  	_ =	swait.ge [sflag:s24], $0x4000  }
0xa1: {  	[sflag:s24] =	ssyncset.done $0x0  }
0xa2: {  	s13 =	sor.u32 $0x480, s30;
	[sflag:s24] =	ssyncadd.s32 $0xFFFFC000  }
0xa3: {  	[spmem:s1] =	stream.indirect.scatter.add.f32 [tilespmem:s20], [sflag:$0x4], $0x80, s13, s22, $0xb8;
	[tilespmem:$0x1D000] =	vst v63  }
0xa4: {  	_ =	swait.ge [sflag:s21], $0x4000  }
0xa5: {  	[sflag:s21] =	ssyncset.done $0x0  }
0xa6: {  	s13 =	sor.u32 $0x600, s30;
	[sflag:s21] =	ssyncadd.s32 $0xFFFFC000  }
0xa7: {  	[tilespmem:s20], [sflag:$0x1] =	stream.indirect.gather [hbm4b:s4+s22], $0x80, s13, s22, $0xb8;
	[tilespmem:$0x1D000] =	vst v63  }
0xa8: {  	_ =	swait.ge [sflag:s25], $0x4000  }
0xa9: {  	[sflag:s25] =	ssyncset.done $0x0  }
0xaa: {  	s13 =	sor.u32 $0x580, s30;
	[sflag:s25] =	ssyncadd.s32 $0xFFFFC000  }
0xab: {  	[spmem:s1] =	stream.indirect.scatter.add.f32 [tilespmem:s23], [sflag:$0x4], $0x80, s13, s22, $0xb8;
	[tilespmem:$0x1D000] =	vst v63  }
0xac: {  	_ =	swait.ge [sflag:s21], $0x4000  }
0xad: {  	[sflag:s21] =	ssyncset.done $0x0  }
0xae: {  	s13 =	sor.u32 $0x700, s30;
	[sflag:s21] =	ssyncadd.s32 $0xFFFFC000  }
0xaf: {  	[tilespmem:s23], [sflag:$0x2] =	stream.indirect.gather [hbm4b:s4+s22], $0x80, s13, s22, $0xb8;
	[tilespmem:$0x1D000] =	vst v63  }
0xb0: {  	_ =	swait.ge [sflag:s24], $0x4000  }
0xb1: {  	[sflag:s24] =	ssyncset.done $0x0  }
0xb2: {  	s13 =	sor.u32 $0x680, s30;
	[sflag:s24] =	ssyncadd.s32 $0xFFFFC000  }
0xb3: {  	[spmem:s1] =	stream.indirect.scatter.add.f32 [tilespmem:s20], [sflag:$0x4], $0x80, s13, s22, $0xb8;
	[tilespmem:$0x1D000] =	vst v63  }
0xb4: {  	_ =	swait.ge [sflag:s21], $0x4000  }
0xb5: {  	p1 =	seq.s32 s12, $0x9;
	[sflag:s21] =	ssyncset.done $0x0  }
0xb6: {  	s13 =	simm.s32 @!p1 $0x3;
	[sflag:s21] =	ssyncadd.s32 $0xFFFFC000  }
0xb7: {  	_ =	swait.ge @!p1 [sflag:s13], $0x800  }
0xb8: {  	s14 =	simm.s32 @!p1 $0x1000;
	[sflag:s13] =	ssyncset.done @!p1 $0x0  }
0xb9: {  	s15 =	sand.u32 @!p1 $0x800, s31;
	[sflag:s13] =	ssyncadd.s32 @!p1 $0xFFFFF800;
	s13 =	simm.s32 @!p1 $0x80  }
0xba: {  	[tilespmem:s14], [sflag:$0x1] =	stream.indirect.gather @!p1 [hbm4b:s4+s13], $0x80, s15, s13, $0xb8;
	[tilespmem:$0x1D000] =	vst v63  }
0xbb: {  	_ =	swait.ge [sflag:s25], $0x4000  }
.Ltmp0:
0xbc: {  	s31 =	sadd.s32 $0x800, s31;
	[sflag:s25] =	ssyncset.done $0x0;
	(pc) =	sbr.rel @p0 .LBB2_2-.Ltmp0, $4  }
0xbd: {  	s29 =	sadd.s32 $0x100, s29;
	s13 =	sadd.s32 $0x780, s30;
	[sflag:s25] =	ssyncadd.s32 $0xFFFFC000  }
0xbe: {  	[spmem:s1] =	stream.indirect.scatter.add.f32 [tilespmem:s23], [sflag:$0x4], $0x80, s13, s22, $0xb8;
	[tilespmem:$0x1D000] =	vst v63  }
0xbf: {  	s3 =	sadd.s32 $0x2000, s3;
	p1 =	sgt.u32 s12, $0x7;
	_ =	swait.ge [sflag:s21], $0x4000  }
0xc0: {  	s12 =	sshrl.u32 s3, $0x2;
	s13 =	simm.s32 @!p1 $0x0;
	[sflag:s21] =	ssyncset.done $0x0  }
0xc1: {  	[sflag:s21] =	ssyncadd.s32 $0xFFFFC000;
	s0 =	sand.u32 $0x800, s12  }
0xc2: {  	[tilespmem:s30], [sflag:$0x3] =	stream.linear.gather @!p1 [hbm4b:s19+s13], $0x800, $0x38;
	[tilespmem:$0x1D000] =	vst v63  }
0xc3: {  	s3 =	sor.u32 $0x100, s0  }
0xc4: {  	[tilespmem:s23], [sflag:$0x2] =	stream.indirect.gather [hbm4b:s4+s22], $0x80, s3, s22, $0xb8;
	[tilespmem:$0x1D000] =	vst v63  }
0xc5: {  	_ =	swait.ge [sflag:s24], $0x4000  }
0xc6: {  	[sflag:s24] =	ssyncset.done $0x0  }
0xc7: {  	s15 =	sor.u32 $0x80, s0;
	[sflag:s24] =	ssyncadd.s32 $0xFFFFC000  }
0xc8: {  	[spmem:s1] =	stream.indirect.scatter.add.f32 [tilespmem:s20], [sflag:$0x4], $0x80, s15, s22, $0xb8;
	[tilespmem:$0x1D000] =	vst v63  }
0xc9: {  	_ =	swait.ge [sflag:s21], $0x4000  }
0xca: {  	[sflag:s21] =	ssyncset.done $0x0  }
0xcb: {  	s19 =	sor.u32 $0x200, s0;
	[sflag:s21] =	ssyncadd.s32 $0xFFFFC000  }
0xcc: {  	[tilespmem:s20], [sflag:$0x1] =	stream.indirect.gather [hbm4b:s4+s22], $0x80, s19, s22, $0xb8;
	[tilespmem:$0x1D000] =	vst v63  }
0xcd: {  	_ =	swait.ge [sflag:s25], $0x4000  }
0xce: {  	[sflag:s25] =	ssyncset.done $0x0  }
0xcf: {  	s30 =	sor.u32 $0x180, s0;
	[sflag:s25] =	ssyncadd.s32 $0xFFFFC000  }
0xd0: {  	[spmem:s1] =	stream.indirect.scatter.add.f32 [tilespmem:s23], [sflag:$0x4], $0x80, s30, s22, $0xb8;
	[tilespmem:$0x1D000] =	vst v63  }
0xd1: {  	_ =	swait.ge [sflag:s21], $0x4000  }
0xd2: {  	[sflag:s21] =	ssyncset.done $0x0  }
0xd3: {  	s12 =	sor.u32 $0x300, s0;
	[sflag:s21] =	ssyncadd.s32 $0xFFFFC000  }
0xd4: {  	[tilespmem:s23], [sflag:$0x2] =	stream.indirect.gather [hbm4b:s4+s22], $0x80, s12, s22, $0xb8;
	[tilespmem:$0x1D000] =	vst v63  }
0xd5: {  	_ =	swait.ge [sflag:s24], $0x4000  }
0xd6: {  	[sflag:s24] =	ssyncset.done $0x0  }
0xd7: {  	s13 =	sor.u32 $0x280, s0;
	[sflag:s24] =	ssyncadd.s32 $0xFFFFC000  }
0xd8: {  	[spmem:s1] =	stream.indirect.scatter.add.f32 [tilespmem:s20], [sflag:$0x4], $0x80, s13, s22, $0xb8;
	[tilespmem:$0x1D000] =	vst v63  }
0xd9: {  	_ =	swait.ge [sflag:s21], $0x4000  }
0xda: {  	[sflag:s21] =	ssyncset.done $0x0  }
0xdb: {  	s14 =	sor.u32 $0x400, s0;
	[sflag:s21] =	ssyncadd.s32 $0xFFFFC000  }
0xdc: {  	[tilespmem:s20], [sflag:$0x1] =	stream.indirect.gather [hbm4b:s4+s22], $0x80, s14, s22, $0xb8;
	[tilespmem:$0x1D000] =	vst v63  }
0xdd: {  	_ =	swait.ge [sflag:s25], $0x4000  }
0xde: {  	[sflag:s25] =	ssyncset.done $0x0  }
0xdf: {  	s15 =	sor.u32 $0x380, s0;
	[sflag:s25] =	ssyncadd.s32 $0xFFFFC000  }
0xe0: {  	[spmem:s1] =	stream.indirect.scatter.add.f32 [tilespmem:s23], [sflag:$0x4], $0x80, s15, s22, $0xb8;
	[tilespmem:$0x1D000] =	vst v63  }
0xe1: {  	_ =	swait.ge [sflag:s21], $0x4000  }
0xe2: {  	[sflag:s21] =	ssyncset.done $0x0  }
0xe3: {  	s19 =	sor.u32 $0x500, s0;
	[sflag:s21] =	ssyncadd.s32 $0xFFFFC000  }
0xe4: {  	[tilespmem:s23], [sflag:$0x2] =	stream.indirect.gather [hbm4b:s4+s22], $0x80, s19, s22, $0xb8;
	[tilespmem:$0x1D000] =	vst v63  }
0xe5: {  	_ =	swait.ge [sflag:s24], $0x4000  }
0xe6: {  	[sflag:s24] =	ssyncset.done $0x0  }
0xe7: {  	s30 =	sor.u32 $0x480, s0;
	[sflag:s24] =	ssyncadd.s32 $0xFFFFC000  }
0xe8: {  	[spmem:s1] =	stream.indirect.scatter.add.f32 [tilespmem:s20], [sflag:$0x4], $0x80, s30, s22, $0xb8;
	[tilespmem:$0x1D000] =	vst v63  }
0xe9: {  	_ =	swait.ge [sflag:s21], $0x4000  }
0xea: {  	[sflag:s21] =	ssyncset.done $0x0  }
0xeb: {  	s12 =	sor.u32 $0x600, s0;
	[sflag:s21] =	ssyncadd.s32 $0xFFFFC000  }
0xec: {  	[tilespmem:s20], [sflag:$0x1] =	stream.indirect.gather [hbm4b:s4+s22], $0x80, s12, s22, $0xb8;
	[tilespmem:$0x1D000] =	vst v63  }
0xed: {  	_ =	swait.ge [sflag:s25], $0x4000  }
0xee: {  	[sflag:s25] =	ssyncset.done $0x0  }
0xef: {  	s13 =	sor.u32 $0x580, s0;
	[sflag:s25] =	ssyncadd.s32 $0xFFFFC000  }
0xf0: {  	[spmem:s1] =	stream.indirect.scatter.add.f32 [tilespmem:s23], [sflag:$0x4], $0x80, s13, s22, $0xb8;
	[tilespmem:$0x1D000] =	vst v63  }
0xf1: {  	_ =	swait.ge [sflag:s21], $0x4000  }
0xf2: {  	[sflag:s21] =	ssyncset.done $0x0  }
0xf3: {  	s14 =	sor.u32 $0x700, s0;
	[sflag:s21] =	ssyncadd.s32 $0xFFFFC000  }
0xf4: {  	[tilespmem:s23], [sflag:$0x2] =	stream.indirect.gather [hbm4b:s4+s22], $0x80, s14, s22, $0xb8;
	[tilespmem:$0x1D000] =	vst v63  }
0xf5: {  	_ =	swait.ge [sflag:s24], $0x4000  }
0xf6: {  	[sflag:s24] =	ssyncset.done $0x0  }
0xf7: {  	s15 =	sor.u32 $0x680, s0;
	[sflag:s24] =	ssyncadd.s32 $0xFFFFC000  }
0xf8: {  	[spmem:s1] =	stream.indirect.scatter.add.f32 [tilespmem:s20], [sflag:$0x4], $0x80, s15, s22, $0xb8;
	[tilespmem:$0x1D000] =	vst v63  }
0xf9: {  	_ =	swait.ge [sflag:s21], $0x4000  }
0xfa: {  	p0 =	seq.s32 s28, $0x9;
	[sflag:s21] =	ssyncset.done $0x0  }
0xfb: {  	s3 =	simm.s32 @!p0 $0x3;
	[sflag:s21] =	ssyncadd.s32 $0xFFFFC000  }
0xfc: {  	_ =	swait.ge @!p0 [sflag:s3], $0x800  }
0xfd: {  	s12 =	simm.s32 @!p0 $0x1000;
	[sflag:s3] =	ssyncset.done @!p0 $0x0  }
0xfe: {  	s13 =	sand.u32 @!p0 $0x800, s31;
	[sflag:s3] =	ssyncadd.s32 @!p0 $0xFFFFF800;
	s3 =	simm.s32 @!p0 $0x80  }
0xff: {  	[tilespmem:s12], [sflag:$0x1] =	stream.indirect.gather @!p0 [hbm4b:s4+s3], $0x80, s13, s3, $0xb8;
	[tilespmem:$0x1D000] =	vst v63  }
0x100: {  	_ =	swait.ge [sflag:s25], $0x4000  }
0x101: {  	[sflag:s25] =	ssyncset.done $0x0  }
0x102: {  	s19 =	sadd.s32 $0x780, s0;
	[sflag:s25] =	ssyncadd.s32 $0xFFFFC000  }
0x103: {  	[spmem:s1] =	stream.indirect.scatter.add.f32 [tilespmem:s23], [sflag:$0x4], $0x80, s19, s22, $0xb8;
	[tilespmem:$0x1D000] =	vst v63  }
0x104: {  	_ =	swait.ge [sflag:s21], $0x4000  }
0x105: {  	p0 =	sgt.u32 s28, $0x7;
	[sflag:s21] =	ssyncset.done $0x0  }
0x106: {  	s3 =	simm.s32 @!p0 $0x0;
	[sflag:s21] =	ssyncadd.s32 $0xFFFFC000  }
0x107: {  	[tilespmem:s0], [sflag:$0x3] =	stream.linear.gather @!p0 [hbm4b:s29+s3], $0x800, $0x38;
	[tilespmem:$0x1D000] =	vst v63  }
0x108: {  	[bflag:$0x0] =	sbarrier.arrive $0xFFFF  }
0x109: {  	[tilespmem:s20], [sflag:$0x4] =	stream.linear.gather [spmem:s6], $0x4000, $0x38;
	[tilespmem:$0x1D000] =	vst v63  }
0x10a: {  	_ =	swait.ge [sflag:s21], $0x4000  }
0x10b: {  	[sflag:s21] =	ssyncset.done $0x0  }
0x10c: {  	s29 =	rddreg [dreg:$0x5];
	[sflag:s21] =	ssyncadd.s32 $0xFFFFC000  }
0x10d: {  	[hbm4b:s29+s2] =	stream.linear.scatter [tilespmem:s20], [sflag:$0x4], $0x4000, $0x38;
	[tilespmem:$0x1D000] =	vst v63  }
0x10e: {  	_ =	swait.ge [sflag:s21], $0x4000  }
0x10f: {  	[sflag:s21] =	ssyncset.done $0x0  }
0x110: {  	[sflag:s21] =	ssyncadd.s32 $0xFFFFC000  }
0x111: {  	[tilespmem:s20], [sflag:$0x4] =	stream.linear.gather [spmem:s7], $0x4000, $0x38;
	[tilespmem:$0x1D000] =	vst v63  }
0x112: {  	_ =	swait.ge [sflag:s21], $0x4000  }
0x113: {  	[sflag:s21] =	ssyncset.done $0x0  }
0x114: {  	s30 =	rddreg [dreg:$0x6];
	[sflag:s21] =	ssyncadd.s32 $0xFFFFC000  }
0x115: {  	[hbm4b:s30+s2] =	stream.linear.scatter [tilespmem:s20], [sflag:$0x4], $0x4000, $0x38;
	[tilespmem:$0x1D000] =	vst v63  }
0x116: {  	_ =	swait.ge [sflag:s21], $0x4000  }
0x117: {  	[sflag:s21] =	ssyncset.done $0x0  }
0x118: {  	[sflag:s21] =	ssyncadd.s32 $0xFFFFC000  }
0x119: {  	[tilespmem:s20], [sflag:$0x4] =	stream.linear.gather [spmem:s8], $0x4000, $0x38;
	[tilespmem:$0x1D000] =	vst v63  }
0x11a: {  	_ =	swait.ge [sflag:s21], $0x4000  }
0x11b: {  	[sflag:s21] =	ssyncset.done $0x0  }
0x11c: {  	s31 =	rddreg [dreg:$0x7];
	[sflag:s21] =	ssyncadd.s32 $0xFFFFC000  }
0x11d: {  	[hbm4b:s31+s2] =	stream.linear.scatter [tilespmem:s20], [sflag:$0x4], $0x4000, $0x38;
	[tilespmem:$0x1D000] =	vst v63  }
0x11e: {  	_ =	swait.ge [sflag:s21], $0x4000  }
0x11f: {  	[sflag:s21] =	ssyncset.done $0x0  }
0x120: {  	[sflag:s21] =	ssyncadd.s32 $0xFFFFC000  }
0x121: {  	[tilespmem:s20], [sflag:$0x4] =	stream.linear.gather [spmem:s9], $0x4000, $0x38;
	[tilespmem:$0x1D000] =	vst v63  }
0x122: {  	_ =	swait.ge [sflag:s21], $0x4000  }
0x123: {  	[sflag:s21] =	ssyncset.done $0x0  }
0x124: {  	[sflag:s21] =	ssyncadd.s32 $0xFFFFC000  }
0x125: {  	[hbm4b:s16+s2] =	stream.linear.scatter [tilespmem:s20], [sflag:$0x4], $0x4000, $0x38;
	[tilespmem:$0x1D000] =	vst v63  }
0x126: {  	_ =	swait.ge [sflag:s21], $0x4000  }
0x127: {  	[sflag:s21] =	ssyncset.done $0x0  }
0x128: {  	[sflag:s21] =	ssyncadd.s32 $0xFFFFC000  }
0x129: {  	[tilespmem:s20], [sflag:$0x4] =	stream.linear.gather [spmem:s11], $0x4000, $0x38;
	[tilespmem:$0x1D000] =	vst v63  }
0x12a: {  	s26 =	sadd.s32 $0x1, s26;
	_ =	swait.ge [sflag:s21], $0x4000  }
0x12b: {  	p0 =	sne.s32 s26, s18;
	[sflag:s21] =	ssyncset.done $0x0  }
.Ltmp1:
0x12c: {  	[sflag:s21] =	ssyncadd.s32 $0xFFFFC000;
	(pc) =	sbr.rel @p0 .LBB2_1-.Ltmp1, $4  }
0x12d: {  	[hbm4b:s17+s2] =	stream.linear.scatter [tilespmem:s20], [sflag:$0x4], $0x4000, $0x38;
	[tilespmem:$0x1D000] =	vst v63  }
0x12e: {  	_ =	swait.ge [sflag:s21], $0x4000  }
0x12f: {  	[sflag:s21] =	ssyncset.done $0x0  }
0x130: {  	[sflag:s21] =	ssyncadd.s32 $0xFFFFC000  }
0x131: {  	_ =	sfence.sel $0x180000  }
0x132: {  	[bflag:$0x0] =	sbarrier.arrive $0xFFFF  }
0x133: {  	_ =	strace $0x9000004A  }
0x134: {  	s0 =	stileid.u32;
	[bflag:$0x2] =	sbarrier.arrive $0xFFFF  }
0x135: {  	p0 =	sne.s32 s0, $0x0;
	s0 =	rddreg [dreg:$0x2]  }
0x136: {  	s0 =	sadd.s32 @!p0 $0x100000, s0  }
0x137: {  	[sflag:s0] =	ssyncadd.tile.s32 @!p0 $0x1;
	_ =	shalt  }
.Lfunc_end2:
_tile_overlayer_lowered:
.L_overlay_start_2:
0x138: {  	(tag) =	ssettag $0x2  }
0x139: {  	s0 =	rddreg [dreg:$0x0];
	s2 =	stileid.u32  }
0x13a: {  	s1 =	rddreg [dreg:$0x1];
	p0 =	sne.s32 s2, $0x0  }
0x13b: {  	s3 =	rddreg [dreg:$0x2];
	[bflag:$0x3] =	sbarrier.arrive $0xFFFF;
	s2 =	simm.s32 @!p0 $0x1C04  }
0x13c: {  	[timem:s3], [sflag:s2] =	dma.local @!p0 [hbm:s0], s1  }
0x13d: {  	s0 =	simm.s32 @!p0 $0x4  }
0x13e: {  	_ =	swait.ge @!p0 [sflag:s0], s1  }
0x13f: {  	s1 =	ssub.s32 @!p0 $0x0, s1;
	[sflag:s0] =	ssyncset.done @!p0 $0x0  }
0x140: {  	[sflag:s0] =	ssyncadd.s32 @!p0 s1  }
0x141: {  	[bflag:$0x3] =	sbarrier.arrive $0xFFFF  }
0x142: {  	_ =	shalt  }

// kernel: kernel.15.cloned.1.call-start
scs
__scs_entry_jumppad:
0x0: {  	(pc) =	sbr.rel $0x88, $3  }
0x1: {  	(tag) =	ssettag $0x0;
	lr =	simm.s32 $0x1  }
0x2: {  	[smem:$0x3F99] =	sst lr;
	_ =	strace $0xD0000000  }
0x3: {  	_ = 	snop  }
0x4: {  	_ = 	snop  }
0x5: {  	_ = 	snop  }
0x6: {  	_ = 	snop  }
0x7: {  	_ = 	snop  }
__scs_overlays_trampoline_lowered:
0x8: {  	[smem:$0x3FA8] =	sst s0  }
0x9: {  	[smem:$0x3FA9] =	sst s1  }
0xa: {  	[smem:$0x3FAA] =	sst s2  }
0xb: {  	[smem:$0x3FAB] =	sst s3  }
0xc: {  	[smem:$0x3FAC] =	sst s4  }
0xd: {  	[smem:$0x3FAD] =	sst s5  }
0xe: {  	[smem:$0x3FAE] =	sst s6  }
0xf: {  	[smem:$0x3FAF] =	sst s7  }
0x10: {  	[smem:$0x3FB0] =	sst s8  }
0x11: {  	[smem:$0x3FB1] =	sst s9;
	s0 =	simm.s32 @!p0 $0x0  }
0x12: {  	s1 =	sld [smem:$0x3F97];
	s0 =	simm.s32 @p0 $0x1  }
0x13: {  	[smem:$0x3FB2] =	sst s0;
	s0 =	simm.s32 @!p1 $0x0  }
0x14: {  	s2 =	sld [smem:$0x3F96];
	s0 =	simm.s32 @p1 $0x1  }
0x15: {  	[smem:$0x3FB3] =	sst s0;
	s0 =	simm.s32 @!p2 $0x0  }
0x16: {  	s3 =	sld [smem:$0x3FDB];
	s0 =	simm.s32 @p2 $0x1  }
0x17: {  	s4 =	simm.s32 $0x1BF5;
	[smem:$0x3FB5] =	sst s0  }
0x18: {  	s0 =	sld [smem:$0x3F98];
	_ =	swait.ge [sflag:s4], $0x0  }
0x19: {  	s7 =	sld [smem:$0x3F99]  }
0x1a: {  	s8 =	sadd.s32 $0xFFFFE003, lr  }
0x1b: {  	s9 =	sadd.s32 $0xFFFFFEF7, lr;
	s5 =	simm.s32 $0xFFFFFFFF;
	p2 =	slt.u32 s8, $0xFFFFF086  }
0x1c: {  	p1 =	slt.u32 s9, $0xF7A;
	s5 =	simm.s32 @!p2 $0x0  }
0x1d: {  	s5 =	simm.s32 @p1 $0x1;
	p0 =	seq.s32 s7, s2  }
0x1e: {  	s7 =	smul.u32 @!p0 $0xF7A, s2;
	p2 =	seq.s32 @!p0 s5, $0x0  }
0x1f: {  	s9 =	smul.u32 $0xF7A, s1;
	s8 =	simm.s32 @!p0 $0x1BF5;
	p2 =	por !p2, p0  }
0x20: {  	[sflag:s8] =	ssyncset.s32 @!p0 $0xFFFFF086;
	s6 =	sadd.s32 @!p0 s3, s7;
	s7 =	simm.s32 @!p0 $0x108  }
0x21: {  	s3 =	sadd.s32 s3, s9;
	s6 =	sadd.s32 @!p0 $0x88, s6;
	s7 =	simm.s32 @p2 $0x1082  }
0x22: {  	[simem:s7], [sflag:s8] =	dma.local @!p0 [hbm:s6], $0xF7A  }
0x23: {  	s9 =	sor.u32 $0xD0000000, s2;
	s6 =	simm.s32 $0x108;
	_ =	swait.ge @!p0 [sflag:s8], $0x0  }
0x24: {  	s3 =	sadd.s32 $0x88, s3;
	s6 =	simm.s32 @!p1 $0x1082;
	[sflag:s4] =	ssyncset.s32 $0xFFFFF086  }
0x25: {  	[simem:s6], [sflag:s4] =	dma.local [hbm:s3], $0xF7A  }
0x26: {  	[smem:$0x3F99] =	sst s1;
	(tag) =	ssettag s2;
	_ =	strace s9  }
0x27: {  	s1 =	sld [smem:$0x3FA9]  }
0x28: {  	s2 =	sld [smem:$0x3FAA]  }
0x29: {  	s4 =	sld [smem:$0x3FAC]  }
0x2a: {  	p0 =	seq.s32 s5, $0x0;
	s5 =	sld [smem:$0x3FAD]  }
0x2b: {  	s6 =	sld [smem:$0x3FAE]  }
0x2c: {  	s7 =	sld [smem:$0x3FAF]  }
0x2d: {  	s3 =	simm.s32 $0x108;
	s8 =	sld [smem:$0x3FB0]  }
0x2e: {  	s3 =	simm.s32 @!p0 $0x1082;
	s9 =	sld [smem:$0x3FB1]  }
0x2f: {  	lr =	sadd.s32 s0, s3;
	s0 =	sld [smem:$0x3FA8]  }
0x30: {  	s3 =	sld [smem:$0x3FAB]  }
0x31: {  	[smem:$0x3FB4] =	sst s10  }
0x32: {  	s10 =	sld [smem:$0x3FB2];
	_ =	sdelay $0x3  }
0x33: {  	p0 =	seq.s32 s10, $0x1;
	s10 =	sld [smem:$0x3FB4];
	_ =	sdelay $0x3  }
0x34: {  	[smem:$0x3FB4] =	sst s10  }
0x35: {  	s10 =	sld [smem:$0x3FB3];
	_ =	sdelay $0x3  }
0x36: {  	p1 =	seq.s32 s10, $0x1;
	s10 =	sld [smem:$0x3FB4];
	_ =	sdelay $0x3  }
0x37: {  	[smem:$0x3FB4] =	sst s10  }
0x38: {  	s10 =	sld [smem:$0x3FB5]  }
0x39: {  	_ = 	snop;
	(pc) =	sbr.ind lr, $3  }
0x3a: {  	_ = 	snop  }
0x3b: {  	_ = 	snop  }
0x3c: {  	p2 =	seq.s32 s10, $0x1;
	s10 =	sld [smem:$0x3FB4]  }
0x3d: {  	_ =	shalt  }
0x3e: {  	_ =	shalt  }
0x3f: {  	_ =	shalt  }
0x40: {  	_ =	shalt  }
0x41: {  	_ =	shalt  }
0x42: {  	_ =	shalt  }
0x43: {  	_ =	shalt  }
0x44: {  	_ =	shalt  }
0x45: {  	_ =	shalt  }
0x46: {  	_ =	shalt  }
0x47: {  	_ =	shalt  }
0x48: {  	_ =	shalt  }
0x49: {  	_ =	shalt  }
0x4a: {  	_ =	shalt  }
0x4b: {  	_ =	shalt  }
0x4c: {  	_ =	shalt  }
0x4d: {  	_ =	shalt  }
0x4e: {  	_ =	shalt  }
0x4f: {  	_ =	shalt  }
0x50: {  	_ =	shalt  }
0x51: {  	_ =	shalt  }
0x52: {  	_ =	shalt  }
0x53: {  	_ =	shalt  }
0x54: {  	_ =	shalt  }
0x55: {  	_ =	shalt  }
0x56: {  	_ =	shalt  }
0x57: {  	_ =	shalt  }
0x58: {  	_ =	shalt  }
0x59: {  	_ =	shalt  }
0x5a: {  	_ =	shalt  }
0x5b: {  	_ =	shalt  }
0x5c: {  	_ =	shalt  }
0x5d: {  	_ =	shalt  }
0x5e: {  	_ =	shalt  }
0x5f: {  	_ =	shalt  }
0x60: {  	_ =	shalt  }
0x61: {  	_ =	shalt  }
0x62: {  	_ =	shalt  }
0x63: {  	_ =	shalt  }
0x64: {  	_ =	shalt  }
0x65: {  	_ =	shalt  }
0x66: {  	_ =	shalt  }
0x67: {  	_ =	shalt  }
0x68: {  	_ =	shalt  }
0x69: {  	_ =	shalt  }
0x6a: {  	_ =	shalt  }
0x6b: {  	_ =	shalt  }
0x6c: {  	_ =	shalt  }
0x6d: {  	_ =	shalt  }
0x6e: {  	_ =	shalt  }
0x6f: {  	_ =	shalt  }
0x70: {  	_ =	shalt  }
0x71: {  	_ =	shalt  }
0x72: {  	_ =	shalt  }
0x73: {  	_ =	shalt  }
0x74: {  	_ =	shalt  }
0x75: {  	_ =	shalt  }
0x76: {  	_ =	shalt  }
0x77: {  	_ =	shalt  }
0x78: {  	_ =	shalt  }
0x79: {  	_ =	shalt  }
0x7a: {  	_ =	shalt  }
0x7b: {  	_ =	shalt  }
0x7c: {  	_ =	shalt  }
0x7d: {  	_ =	shalt  }
0x7e: {  	_ =	shalt  }
0x7f: {  	_ =	shalt  }
0x80: {  	_ =	shalt  }
0x81: {  	_ =	shalt  }
0x82: {  	_ =	shalt  }
0x83: {  	_ =	shalt  }
0x84: {  	_ =	shalt  }
0x85: {  	_ =	shalt  }
0x86: {  	_ =	shalt  }
0x87: {  	_ =	shalt  }
.Lfunc_end0:
.L_simem_size_0:
called_computation.2_lowered:
.L_overlay_start_0:
0x88: {  	s2 =	sld [smem:$0x3FD9]  }
0x89: {  	s3 =	sld [smem:$0x3FFE];
	_ =	sdelay $0x1  }
0x8a: {  	s1 =	srdreg.scid  }
0x8b: {  	s0 =	sand.u32 $0x1, s1  }
0x8c: {  	s17 =	sshll.u32 s0, $0xA;
	s2 =	sadd.s32 s3, s2  }
0x8d: {  	s2 =	sadd.s32 s2, s17  }
0x8e: {  	[smem:$0x3FC0] =	sst s2  }
0x8f: {  	_ = 	snop  }
0x90: {  	(tm) =	ssettm $0x1  }
0x91: {  	s18 =	sld [smem:$0x3FFB];
	_ =	sdelay $0x3  }
0x92: {  	_ =	strace s18  }
0x93: {  	s2 =	sld [smem:$0x3FFC];
	_ =	sdelay $0x3  }
0x94: {  	_ =	strace s2  }
0x95: {  	s2 =	sld [smem:$0x3FFD];
	_ =	sdelay $0x3  }
0x96: {  	_ =	strace s2  }
0x97: {  	_ =	strace $0x8FFFFFFF  }
0x98: {  	s19 =	sld [smem:$0x3FDB];
	_ =	sdelay $0x1  }
0x99: {  	s20 =	simm.s32 $_scs_section_size  }
0x9a: {  	s4 =	simm.s32 $_size__tile_overlayer_lowered;
	s5 =	simm.s32 $_tile_overlayer_lowered  }
0x9b: {  	s6 =	simm.s32 $0x1BFF;
	s21 =	sshll.u32 s5, $0x1;
	s3 =	sadd.s32 s20, s19  }
0x9c: {  	s22 =	simm.s32 $0x0;
	s4 =	sshll.u32 s4, $0x1;
	s5 =	sadd.s32 s21, s3  }
0x9d: {  	[timem:s22], [sflag:s6] =	dma.local [hbm:s5], s4  }
0x9e: {  	_ =	swait.ge [sflag:s6], s4  }
0x9f: {  	s4 =	ssub.s32 $0x0, s4;
	[sflag:s6] =	ssyncset.done $0x0  }
0xa0: {  	[sflag:s6] =	ssyncadd.s32 s4;
	_ =	sdelay $0x1  }
0xa1: {  	s23 =	simm.s32 $0x1B8B  }
0xa2: {  	_ =	swait.ge [sflag:s23], $0x1  }
0xa3: {  	[sflag:s23] =	ssyncset.done $0x0  }
0xa4: {  	[sflag:s23] =	ssyncadd.s32 $0xFFFFFFFF  }
0xa5: {  	s4 =	sld [smem:$0x0]  }
0xa6: {  	s5 =	sand.u32 $0xFFFFFFFE, s1  }
0xa7: {  	p0 =	sne.s32 s1, s5  }
0xa8: {  	s5 =	sshll.u32 @p0 s5, $0xE  }
0xa9: {  	s5 =	sadd.s32 @p0 $0x11B8D, s5;
	s6 =	sshll.u32 @p0 s4, $0x11  }
0xaa: {  	s5 =	sor.u32 @p0 s6, s5  }
0xab: {  	[sflag:s5] =	ssyncadd.remote.s32 @p0 $0x1;
	_ =	sdelay $0x1  }
0xac: {  	s5 =	simm.s32 @p0 $0x1B8D  }
0xad: {  	_ =	swait.eq @p0 [sflag:s5], $0x1  }
0xae: {  	[sflag:s5] =	ssyncadd.s32 @p0 $0xFFFFFFFF  }
0xaf: {  	s6 =	sshll.u32 @!p0 s1, $0xE  }
0xb0: {  	s6 =	sor.u32 @!p0 $0x4000, s6;
	s5 =	simm.s32 @!p0 $0x1B8D  }
0xb1: {  	s4 =	sshll.u32 @!p0 s4, $0x11;
	s6 =	sadd.s32 @!p0 $0x11B8D, s6;
	_ =	swait.eq @!p0 [sflag:s5], $0x1  }
0xb2: {  	s4 =	sor.u32 @!p0 s4, s6;
	[sflag:s5] =	ssyncadd.s32 @!p0 $0xFFFFFFFF  }
0xb3: {  	s25 =	simm.s32 $0x1B8E;
	s24 =	sld [smem:$0x3FFE];
	[sflag:s4] =	ssyncadd.remote.s32 @!p0 $0x1  }
0xb4: {  	s26 =	simm.s32 $execute0_lowered;
	[smem:$0x3FD2] =	sst s25  }
0xb5: {  	s5 =	sshll.u32 s26, $0x1;
	_ =	strace $0x8000004C;
	[dreg:$0x1] =	wrdreg $0xFFFFFFFF  }
0xb6: {  	s28 =	simm.s32 $_size_execute0_lowered;
	s3 =	sadd.s32 s3, s5;
	[dreg:$0x0] =	wrdreg $0x0  }
0xb7: {  	s5 =	sshll.u32 s28, $0x1;
	[dreg:$0x2] =	wrdreg s3  }
0xb8: {  	[dreg:$0x3] =	wrdreg s5  }
0xb9: {  	[dreg:$0x4] =	wrdreg $0xC0  }
0xba: {  	_ =	task [dreg:s22], $0x5FFFF  }
0xbb: {  	[dreg:$0x1] =	wrdreg $0xFFFFFFFF  }
0xbc: {  	[dreg:$0x0] =	wrdreg $0x60  }
0xbd: {  	[dreg:$0x2] =	wrdreg s24  }
0xbe: {  	[dreg:$0x3] =	wrdreg $0x90000  }
0xbf: {  	[dreg:$0x4] =	wrdreg $0x9  }
0xc0: {  	_ =	task.clear_ibuf [dreg:s22], $0x5FFFF;
	_ =	strace $0x9000004C  }
0xc1: {  	s29 =	simm.s32 $0x9;
	_ =	strace $0x8000004E  }
0xc2: {  	_ =	swait.ge [sflag:s29], $0x1  }
0xc3: {  	[sflag:s29] =	ssyncadd.s32 $0xFFFFFFFF  }
0xc4: {  	_ =	strace $0x9000004E  }
0xc5: {  	_ =	sfence  }
0xc6: {  	s30 =	sld [smem:$0x0];
	_ =	sdelay $0x2  }
0xc7: {  	s31 =	sshll.u32 s1, $0xD;
	s1 =	sshrl.u32 s1, $0x2  }
0xc8: {  	s4 =	sand.u32 $0x4000, s31;
	s1 =	sadd.s32 s1, s30  }
0xc9: {  	s0 =	sor.u32 s4, s0;
	s1 =	sshll.u32 s1, $0x11  }
0xca: {  	s0 =	sor.u32 s1, s0  }
0xcb: {  	s0 =	sadd.s32 $0x8F2B, s0  }
0xcc: {  	[sflag:s0] =	ssyncadd.remote.s32 $0x1  }
0xcd: {  	_ =	sfence.sel $0xFFFF  }
0xce: {  	[dreg:$0x0] =	wrdreg $0xFFFFFFFF;
	(pc) =	sbr.abs _section_cstart, $3  }
0xcf: {  	[dreg:$0x1] =	wrdreg $0xFFFFFFFF  }
0xd0: {  	_ =	task.clear_ibuf [dreg:s22], $0x2FFFF;
	_ =	strace $0x9FFFFFFF  }
0xd1: {  	(tm) =	ssettm $0x7FFFFFFF  }
tec
execute0_lowered:
.L_overlay_start_1:
0x0: {  	(tag) =	ssettag $0x1  }
0x1: {  	s0 =	rddreg [dreg:$0x0]  }
0x2: {  	s1 =	rddreg [dreg:$0x1];
	s2 =	simm.s32 $0x0;
	s3 =	srdreg.scid  }
0x3: {  	s19 =	stileid.u32;
	s21 =	simm.s32 $0x4;
	s22 =	simm.s32 $0x80  }
0x4: {  	s23 =	simm.s32 $0x5000;
	s24 =	simm.s32 $0x1;
	[smem:$0x7FF] =	sst s2  }
0x5: {  	s4 =	sadd.s32 $0x36200, s0;
	s3 =	sand.u32 $0x1, s3;
	s5 =	sadd.s32 $0x5EA00, s0  }
0x6: {  	s7 =	sadd.s32 $0xDA00, s0;
	s12 =	smul.u32 $0x14000, s19;
	s0 =	sadd.s32 $0xD6A00, s0  }
0x7: {  	s26 =	sshll.u32 s19, $0x1;
	s30 =	smul.u32 $0x1400, s19;
	_ =	strace $0x8000004D  }
0x8: {  	s6 =	ssub.s32 $0x2, s3;
	[dreg:$0x3] =	wrdreg s7;
	s17 =	smul.u32 $0x140000, s3  }
0x9: {  	s8 =	sor.u32 s3, s26;
	s3 =	smul.u32 $0xA00, s3;
	s26 =	simm.s32 $0x0  }
0xa: {  	s25 =	sshrl.u32 s6, $0x1;
	s14 =	sadd.s32 $0x4000, s12;
	s15 =	sadd.s32 $0x8000, s12  }
0xb: {  	s10 =	smul.u32 $0xA00, s8;
	s16 =	sadd.s32 $0xC000, s12;
	s18 =	sadd.s32 $0x10000, s12  }
0xc: {  	s13 =	ssub.s32 s6, s25;
	s6 =	sadd.s32 s12, s1;
	s7 =	sadd.s32 s14, s1  }
0xd: {  	s8 =	sadd.s32 s15, s1;
	s9 =	sadd.s32 s16, s1;
	s11 =	sadd.s32 s18, s1  }
0xe: {  	s12 =	sadd.s32 s12, s17;
	s14 =	sadd.s32 s17, s14;
	s15 =	sadd.s32 s17, s15  }
0xf: {  	s16 =	sadd.s32 s17, s16;
	s17 =	sadd.s32 s17, s18;
	s25 =	simm.s32 $0x2  }
0x10: {  	s10 =	sadd.s32 s5, s10;
	s12 =	sshrl.u32 s12, $0x3;
	s28 =	sshrl.u32 s14, $0x3  }
0x11: {  	s15 =	sshrl.u32 s15, $0x3;
	s16 =	sshrl.u32 s16, $0x3;
	s17 =	sshrl.u32 s17, $0x3  }
0x12: {  	s5 =	sadd.s32 s30, s5;
	s18 =	smax.u32 s13, $0x1;
	s20 =	sadd.s32 $0x100, s10  }
0x13: {  	s12 =	sadd.s32 s0, s12;
	s29 =	sadd.s32 s0, s15;
	[dreg:$0x4] =	wrdreg s20  }
0x14: {  	s16 =	sadd.s32 s0, s16;
	s17 =	sadd.s32 s0, s17;
	[dreg:$0x5] =	wrdreg s12  }
0x15: {  	s31 =	sadd.s32 s3, s5;
	s12 =	sadd.s32 s0, s28;
	[dreg:$0x7] =	wrdreg s29  }
0x16: {  	s5 =	sadd.s32 $0x200, s31;
	s20 =	simm.s32 $0x1000;
	[dreg:$0x6] =	wrdreg s12  }
.LBB2_1:
0x17: {  	s0 =	rddreg [dreg:$0x3]  }
0x18: {  	[tilespmem:s20], [sflag:$0x4] =	stream.linear.gather [hbm4b:s0+s2], $0x4000, $0x38;
	[tilespmem:$0x1D000] =	vst v63  }
0x19: {  	_ =	swait.ge [sflag:s21], $0x4000  }
0x1a: {  	[sflag:s21] =	ssyncset.done $0x0  }
0x1b: {  	[sflag:s21] =	ssyncadd.s32 $0xFFFFC000  }
0x1c: {  	[spmem:s6] =	stream.linear.scatter [tilespmem:s20], [sflag:$0x4], $0x4000, $0x38;
	[tilespmem:$0x1D000] =	vst v63  }
0x1d: {  	_ =	swait.ge [sflag:s21], $0x4000  }
0x1e: {  	[sflag:s21] =	ssyncset.done $0x0  }
0x1f: {  	[sflag:s21] =	ssyncadd.s32 $0xFFFFC000  }
0x20: {  	[spmem:s7] =	stream.linear.scatter [tilespmem:s20], [sflag:$0x4], $0x4000, $0x38;
	[tilespmem:$0x1D000] =	vst v63  }
0x21: {  	_ =	swait.ge [sflag:s21], $0x4000  }
0x22: {  	[sflag:s21] =	ssyncset.done $0x0  }
0x23: {  	[sflag:s21] =	ssyncadd.s32 $0xFFFFC000  }
0x24: {  	[spmem:s8] =	stream.linear.scatter [tilespmem:s20], [sflag:$0x4], $0x4000, $0x38;
	[tilespmem:$0x1D000] =	vst v63  }
0x25: {  	_ =	swait.ge [sflag:s21], $0x4000  }
0x26: {  	[sflag:s21] =	ssyncset.done $0x0  }
0x27: {  	[sflag:s21] =	ssyncadd.s32 $0xFFFFC000  }
0x28: {  	[spmem:s9] =	stream.linear.scatter [tilespmem:s20], [sflag:$0x4], $0x4000, $0x38;
	[tilespmem:$0x1D000] =	vst v63  }
0x29: {  	_ =	swait.ge [sflag:s21], $0x4000  }
0x2a: {  	[sflag:s21] =	ssyncset.done $0x0  }
0x2b: {  	[sflag:s21] =	ssyncadd.s32 $0xFFFFC000  }
0x2c: {  	[spmem:s11] =	stream.linear.scatter [tilespmem:s20], [sflag:$0x4], $0x4000, $0x38;
	[tilespmem:$0x1D000] =	vst v63  }
0x2d: {  	_ =	swait.ge [sflag:s21], $0x4000  }
0x2e: {  	[sflag:s21] =	ssyncset.done $0x0  }
0x2f: {  	[sflag:s21] =	ssyncadd.s32 $0xFFFFC000  }
0x30: {  	[bflag:$0x0] =	sbarrier.arrive $0xFFFF  }
0x31: {  	[tilespmem:s2], [sflag:$0x4] =	stream.linear.gather [hbm4b:s10+s2], $0x800, $0x38;
	[tilespmem:$0x1D000] =	vst v63  }
0x32: {  	_ =	swait.ge [sflag:s21], $0x800  }
0x33: {  	s12 =	simm.s32 $0x0;
	[sflag:s21] =	ssyncset.done $0x0  }
0x34: {  	s0 =	simm.s32 $0x800;
	s3 =	rddreg [dreg:$0x4];
	[sflag:s21] =	ssyncadd.s32 $0xFFFFF800  }
0x35: {  	[tilespmem:s0], [sflag:$0x3] =	stream.linear.gather [hbm4b:s3+s2], $0x800, $0x38;
	[tilespmem:$0x1D000] =	vst v63  }
0x36: {  	s30 =	sand.u32 $0x800, s12  }
0x37: {  	[tilespmem:s20], [sflag:$0x1] =	stream.indirect.gather [hbm4b:s4+s22], $0x80, s2, s22, $0xb8;
	[tilespmem:$0x1D000] =	vst v63  }
0x38: {  	s3 =	sor.u32 $0x100, s30  }
0x39: {  	[tilespmem:s23], [sflag:$0x2] =	stream.indirect.gather [hbm4b:s4+s22], $0x80, s3, s22, $0xb8;
	[tilespmem:$0x1D000] =	vst v63  }
0x3a: {  	_ =	swait.ge [sflag:s24], $0x4000  }
0x3b: {  	[sflag:s24] =	ssyncset.done $0x0  }
0x3c: {  	s13 =	sor.u32 $0x80, s30;
	[sflag:s24] =	ssyncadd.s32 $0xFFFFC000  }
0x3d: {  	[spmem:s1] =	stream.indirect.scatter.add.f32 [tilespmem:s20], [sflag:$0x4], $0x80, s13, s22, $0xb8;
	[tilespmem:$0x1D000] =	vst v63  }
0x3e: {  	_ =	swait.ge [sflag:s21], $0x4000  }
0x3f: {  	[sflag:s21] =	ssyncset.done $0x0  }
0x40: {  	s14 =	sor.u32 $0x200, s30;
	[sflag:s21] =	ssyncadd.s32 $0xFFFFC000  }
0x41: {  	[tilespmem:s20], [sflag:$0x1] =	stream.indirect.gather [hbm4b:s4+s22], $0x80, s14, s22, $0xb8;
	[tilespmem:$0x1D000] =	vst v63  }
0x42: {  	_ =	swait.ge [sflag:s25], $0x4000  }
0x43: {  	[sflag:s25] =	ssyncset.done $0x0  }
0x44: {  	s15 =	sor.u32 $0x180, s30;
	[sflag:s25] =	ssyncadd.s32 $0xFFFFC000  }
0x45: {  	[spmem:s1] =	stream.indirect.scatter.add.f32 [tilespmem:s23], [sflag:$0x4], $0x80, s15, s22, $0xb8;
	[tilespmem:$0x1D000] =	vst v63  }
0x46: {  	_ =	swait.ge [sflag:s21], $0x4000  }
0x47: {  	[sflag:s21] =	ssyncset.done $0x0  }
0x48: {  	s19 =	sor.u32 $0x300, s30;
	[sflag:s21] =	ssyncadd.s32 $0xFFFFC000  }
0x49: {  	[tilespmem:s23], [sflag:$0x2] =	stream.indirect.gather [hbm4b:s4+s22], $0x80, s19, s22, $0xb8;
	[tilespmem:$0x1D000] =	vst v63  }
0x4a: {  	_ =	swait.ge [sflag:s24], $0x4000  }
0x4b: {  	[sflag:s24] =	ssyncset.done $0x0  }
0x4c: {  	s12 =	sor.u32 $0x280, s30;
	[sflag:s24] =	ssyncadd.s32 $0xFFFFC000  }
0x4d: {  	[spmem:s1] =	stream.indirect.scatter.add.f32 [tilespmem:s20], [sflag:$0x4], $0x80, s12, s22, $0xb8;
	[tilespmem:$0x1D000] =	vst v63  }
0x4e: {  	_ =	swait.ge [sflag:s21], $0x4000  }
0x4f: {  	[sflag:s21] =	ssyncset.done $0x0  }
0x50: {  	s13 =	sor.u32 $0x400, s30;
	[sflag:s21] =	ssyncadd.s32 $0xFFFFC000  }
0x51: {  	[tilespmem:s20], [sflag:$0x1] =	stream.indirect.gather [hbm4b:s4+s22], $0x80, s13, s22, $0xb8;
	[tilespmem:$0x1D000] =	vst v63  }
0x52: {  	_ =	swait.ge [sflag:s25], $0x4000  }
0x53: {  	[sflag:s25] =	ssyncset.done $0x0  }
0x54: {  	s14 =	sor.u32 $0x380, s30;
	[sflag:s25] =	ssyncadd.s32 $0xFFFFC000  }
0x55: {  	[spmem:s1] =	stream.indirect.scatter.add.f32 [tilespmem:s23], [sflag:$0x4], $0x80, s14, s22, $0xb8;
	[tilespmem:$0x1D000] =	vst v63  }
0x56: {  	_ =	swait.ge [sflag:s21], $0x4000  }
0x57: {  	[sflag:s21] =	ssyncset.done $0x0  }
0x58: {  	s15 =	sor.u32 $0x500, s30;
	[sflag:s21] =	ssyncadd.s32 $0xFFFFC000  }
0x59: {  	[tilespmem:s23], [sflag:$0x2] =	stream.indirect.gather [hbm4b:s4+s22], $0x80, s15, s22, $0xb8;
	[tilespmem:$0x1D000] =	vst v63  }
0x5a: {  	_ =	swait.ge [sflag:s24], $0x4000  }
0x5b: {  	[sflag:s24] =	ssyncset.done $0x0  }
0x5c: {  	s19 =	sor.u32 $0x480, s30;
	[sflag:s24] =	ssyncadd.s32 $0xFFFFC000  }
0x5d: {  	[spmem:s1] =	stream.indirect.scatter.add.f32 [tilespmem:s20], [sflag:$0x4], $0x80, s19, s22, $0xb8;
	[tilespmem:$0x1D000] =	vst v63  }
0x5e: {  	_ =	swait.ge [sflag:s21], $0x4000  }
0x5f: {  	[sflag:s21] =	ssyncset.done $0x0  }
0x60: {  	s12 =	sor.u32 $0x600, s30;
	[sflag:s21] =	ssyncadd.s32 $0xFFFFC000  }
0x61: {  	[tilespmem:s20], [sflag:$0x1] =	stream.indirect.gather [hbm4b:s4+s22], $0x80, s12, s22, $0xb8;
	[tilespmem:$0x1D000] =	vst v63  }
0x62: {  	_ =	swait.ge [sflag:s25], $0x4000  }
0x63: {  	[sflag:s25] =	ssyncset.done $0x0  }
0x64: {  	s13 =	sor.u32 $0x580, s30;
	[sflag:s25] =	ssyncadd.s32 $0xFFFFC000  }
0x65: {  	[spmem:s1] =	stream.indirect.scatter.add.f32 [tilespmem:s23], [sflag:$0x4], $0x80, s13, s22, $0xb8;
	[tilespmem:$0x1D000] =	vst v63  }
0x66: {  	_ =	swait.ge [sflag:s21], $0x4000  }
0x67: {  	[sflag:s21] =	ssyncset.done $0x0  }
0x68: {  	s14 =	sor.u32 $0x700, s30;
	[sflag:s21] =	ssyncadd.s32 $0xFFFFC000  }
0x69: {  	[tilespmem:s23], [sflag:$0x2] =	stream.indirect.gather [hbm4b:s4+s22], $0x80, s14, s22, $0xb8;
	[tilespmem:$0x1D000] =	vst v63  }
0x6a: {  	_ =	swait.ge [sflag:s24], $0x4000  }
0x6b: {  	[sflag:s24] =	ssyncset.done $0x0  }
0x6c: {  	s15 =	sor.u32 $0x680, s30;
	[sflag:s24] =	ssyncadd.s32 $0xFFFFC000  }
0x6d: {  	[spmem:s1] =	stream.indirect.scatter.add.f32 [tilespmem:s20], [sflag:$0x4], $0x80, s15, s22, $0xb8;
	[tilespmem:$0x1D000] =	vst v63  }
0x6e: {  	_ =	swait.ge [sflag:s21], $0x4000  }
0x6f: {  	p0 =	por $0x0, $0x0;
	[sflag:s21] =	ssyncset.done $0x0  }
0x70: {  	s3 =	simm.s32 @!p0 $0x3;
	[sflag:s21] =	ssyncadd.s32 $0xFFFFC000  }
0x71: {  	_ =	swait.ge @!p0 [sflag:s3], $0x800  }
0x72: {  	s0 =	sand.u32 @!p0 $0x800, s0;
	[sflag:s3] =	ssyncset.done @!p0 $0x0  }
0x73: {  	s12 =	simm.s32 @!p0 $0x1000;
	[sflag:s3] =	ssyncadd.s32 @!p0 $0xFFFFF800;
	s3 =	simm.s32 @!p0 $0x80  }
0x74: {  	[tilespmem:s12], [sflag:$0x1] =	stream.indirect.gather @!p0 [hbm4b:s4+s3], $0x80, s0, s3, $0xb8;
	[tilespmem:$0x1D000] =	vst v63  }
0x75: {  	s28 =	simm.s32 $0x1;
	s31 =	simm.s32 $0x1000;
	_ =	swait.ge [sflag:s25], $0x4000  }
0x76: {  	s29 =	sadd.s32 $0x100, s5;
	p1 =	por $0x0, $0x0;
	[sflag:s25] =	ssyncset.done $0x0  }
0x77: {  	s19 =	sadd.s32 $0x780, s30;
	s13 =	simm.s32 @!p1 $0x0;
	[sflag:s25] =	ssyncadd.s32 $0xFFFFC000  }
0x78: {  	[spmem:s1] =	stream.indirect.scatter.add.f32 [tilespmem:s23], [sflag:$0x4], $0x80, s19, s22, $0xb8;
	[tilespmem:$0x1D000] =	vst v63  }
0x79: {  	s0 =	simm.s32 $0x2;
	s3 =	simm.s32 $0x2000;
	_ =	swait.ge [sflag:s21], $0x4000  }
0x7a: {  	s12 =	simm.s32 $0x800;
	s19 =	smov.u32 s5;
	[sflag:s21] =	ssyncset.done $0x0  }
.LBB2_2:
0x7b: {  	s14 =	sand.u32 $0x800, s12;
	[sflag:s21] =	ssyncadd.s32 $0xFFFFC000  }
0x7c: {  	s12 =	smov.u32 s28;
	s28 =	smov.u32 s0;
	s0 =	sadd.s32 $0x1, s0  }
0x7d: {  	[tilespmem:s30], [sflag:$0x3] =	stream.linear.gather @!p1 [hbm4b:s19+s13], $0x800, $0x38;
	[tilespmem:$0x1D000] =	vst v63  }
0x7e: {  	p0 =	sne.s32 s0, $0xA;
	s13 =	sor.u32 $0x100, s14;
	s30 =	smov.u32 s14  }
0x7f: {  	[tilespmem:s23], [sflag:$0x2] =	stream.indirect.gather [hbm4b:s4+s22], $0x80, s13, s22, $0xb8;
	[tilespmem:$0x1D000] =	vst v63  }
0x80: {  	s19 =	smov.u32 s29;
	_ =	swait.ge [sflag:s24], $0x4000  }
0x81: {  	[sflag:s24] =	ssyncset.done $0x0  }
0x82: {  	s13 =	sor.u32 $0x80, s30;
	[sflag:s24] =	ssyncadd.s32 $0xFFFFC000  }
0x83: {  	[spmem:s1] =	stream.indirect.scatter.add.f32 [tilespmem:s20], [sflag:$0x4], $0x80, s13, s22, $0xb8;
	[tilespmem:$0x1D000] =	vst v63  }
0x84: {  	_ =	swait.ge [sflag:s21], $0x4000  }
0x85: {  	[sflag:s21] =	ssyncset.done $0x0  }
0x86: {  	s13 =	sor.u32 $0x200, s30;
	[sflag:s21] =	ssyncadd.s32 $0xFFFFC000  }
0x87: {  	[tilespmem:s20], [sflag:$0x1] =	stream.indirect.gather [hbm4b:s4+s22], $0x80, s13, s22, $0xb8;
	[tilespmem:$0x1D000] =	vst v63  }
0x88: {  	_ =	swait.ge [sflag:s25], $0x4000  }
0x89: {  	[sflag:s25] =	ssyncset.done $0x0  }
0x8a: {  	s13 =	sor.u32 $0x180, s30;
	[sflag:s25] =	ssyncadd.s32 $0xFFFFC000  }
0x8b: {  	[spmem:s1] =	stream.indirect.scatter.add.f32 [tilespmem:s23], [sflag:$0x4], $0x80, s13, s22, $0xb8;
	[tilespmem:$0x1D000] =	vst v63  }
0x8c: {  	_ =	swait.ge [sflag:s21], $0x4000  }
0x8d: {  	[sflag:s21] =	ssyncset.done $0x0  }
0x8e: {  	s13 =	sor.u32 $0x300, s30;
	[sflag:s21] =	ssyncadd.s32 $0xFFFFC000  }
0x8f: {  	[tilespmem:s23], [sflag:$0x2] =	stream.indirect.gather [hbm4b:s4+s22], $0x80, s13, s22, $0xb8;
	[tilespmem:$0x1D000] =	vst v63  }
0x90: {  	_ =	swait.ge [sflag:s24], $0x4000  }
0x91: {  	[sflag:s24] =	ssyncset.done $0x0  }
0x92: {  	s13 =	sor.u32 $0x280, s30;
	[sflag:s24] =	ssyncadd.s32 $0xFFFFC000  }
0x93: {  	[spmem:s1] =	stream.indirect.scatter.add.f32 [tilespmem:s20], [sflag:$0x4], $0x80, s13, s22, $0xb8;
	[tilespmem:$0x1D000] =	vst v63  }
0x94: {  	_ =	swait.ge [sflag:s21], $0x4000  }
0x95: {  	[sflag:s21] =	ssyncset.done $0x0  }
0x96: {  	s13 =	sor.u32 $0x400, s30;
	[sflag:s21] =	ssyncadd.s32 $0xFFFFC000  }
0x97: {  	[tilespmem:s20], [sflag:$0x1] =	stream.indirect.gather [hbm4b:s4+s22], $0x80, s13, s22, $0xb8;
	[tilespmem:$0x1D000] =	vst v63  }
0x98: {  	_ =	swait.ge [sflag:s25], $0x4000  }
0x99: {  	[sflag:s25] =	ssyncset.done $0x0  }
0x9a: {  	s13 =	sor.u32 $0x380, s30;
	[sflag:s25] =	ssyncadd.s32 $0xFFFFC000  }
0x9b: {  	[spmem:s1] =	stream.indirect.scatter.add.f32 [tilespmem:s23], [sflag:$0x4], $0x80, s13, s22, $0xb8;
	[tilespmem:$0x1D000] =	vst v63  }
0x9c: {  	_ =	swait.ge [sflag:s21], $0x4000  }
0x9d: {  	[sflag:s21] =	ssyncset.done $0x0  }
0x9e: {  	s13 =	sor.u32 $0x500, s30;
	[sflag:s21] =	ssyncadd.s32 $0xFFFFC000  }
0x9f: {  	[tilespmem:s23], [sflag:$0x2] =	stream.indirect.gather [hbm4b:s4+s22], $0x80, s13, s22, $0xb8;
	[tilespmem:$0x1D000] =	vst v63  }
0xa0: {  	_ =	swait.ge [sflag:s24], $0x4000  }
0xa1: {  	[sflag:s24] =	ssyncset.done $0x0  }
0xa2: {  	s13 =	sor.u32 $0x480, s30;
	[sflag:s24] =	ssyncadd.s32 $0xFFFFC000  }
0xa3: {  	[spmem:s1] =	stream.indirect.scatter.add.f32 [tilespmem:s20], [sflag:$0x4], $0x80, s13, s22, $0xb8;
	[tilespmem:$0x1D000] =	vst v63  }
0xa4: {  	_ =	swait.ge [sflag:s21], $0x4000  }
0xa5: {  	[sflag:s21] =	ssyncset.done $0x0  }
0xa6: {  	s13 =	sor.u32 $0x600, s30;
	[sflag:s21] =	ssyncadd.s32 $0xFFFFC000  }
0xa7: {  	[tilespmem:s20], [sflag:$0x1] =	stream.indirect.gather [hbm4b:s4+s22], $0x80, s13, s22, $0xb8;
	[tilespmem:$0x1D000] =	vst v63  }
0xa8: {  	_ =	swait.ge [sflag:s25], $0x4000  }
0xa9: {  	[sflag:s25] =	ssyncset.done $0x0  }
0xaa: {  	s13 =	sor.u32 $0x580, s30;
	[sflag:s25] =	ssyncadd.s32 $0xFFFFC000  }
0xab: {  	[spmem:s1] =	stream.indirect.scatter.add.f32 [tilespmem:s23], [sflag:$0x4], $0x80, s13, s22, $0xb8;
	[tilespmem:$0x1D000] =	vst v63  }
0xac: {  	_ =	swait.ge [sflag:s21], $0x4000  }
0xad: {  	[sflag:s21] =	ssyncset.done $0x0  }
0xae: {  	s13 =	sor.u32 $0x700, s30;
	[sflag:s21] =	ssyncadd.s32 $0xFFFFC000  }
0xaf: {  	[tilespmem:s23], [sflag:$0x2] =	stream.indirect.gather [hbm4b:s4+s22], $0x80, s13, s22, $0xb8;
	[tilespmem:$0x1D000] =	vst v63  }
0xb0: {  	_ =	swait.ge [sflag:s24], $0x4000  }
0xb1: {  	[sflag:s24] =	ssyncset.done $0x0  }
0xb2: {  	s13 =	sor.u32 $0x680, s30;
	[sflag:s24] =	ssyncadd.s32 $0xFFFFC000  }
0xb3: {  	[spmem:s1] =	stream.indirect.scatter.add.f32 [tilespmem:s20], [sflag:$0x4], $0x80, s13, s22, $0xb8;
	[tilespmem:$0x1D000] =	vst v63  }
0xb4: {  	_ =	swait.ge [sflag:s21], $0x4000  }
0xb5: {  	p1 =	seq.s32 s12, $0x9;
	[sflag:s21] =	ssyncset.done $0x0  }
0xb6: {  	s13 =	simm.s32 @!p1 $0x3;
	[sflag:s21] =	ssyncadd.s32 $0xFFFFC000  }
0xb7: {  	_ =	swait.ge @!p1 [sflag:s13], $0x800  }
0xb8: {  	s14 =	simm.s32 @!p1 $0x1000;
	[sflag:s13] =	ssyncset.done @!p1 $0x0  }
0xb9: {  	s15 =	sand.u32 @!p1 $0x800, s31;
	[sflag:s13] =	ssyncadd.s32 @!p1 $0xFFFFF800;
	s13 =	simm.s32 @!p1 $0x80  }
0xba: {  	[tilespmem:s14], [sflag:$0x1] =	stream.indirect.gather @!p1 [hbm4b:s4+s13], $0x80, s15, s13, $0xb8;
	[tilespmem:$0x1D000] =	vst v63  }
0xbb: {  	_ =	swait.ge [sflag:s25], $0x4000  }
.Ltmp0:
0xbc: {  	s31 =	sadd.s32 $0x800, s31;
	[sflag:s25] =	ssyncset.done $0x0;
	(pc) =	sbr.rel @p0 .LBB2_2-.Ltmp0, $4  }
0xbd: {  	s29 =	sadd.s32 $0x100, s29;
	s13 =	sadd.s32 $0x780, s30;
	[sflag:s25] =	ssyncadd.s32 $0xFFFFC000  }
0xbe: {  	[spmem:s1] =	stream.indirect.scatter.add.f32 [tilespmem:s23], [sflag:$0x4], $0x80, s13, s22, $0xb8;
	[tilespmem:$0x1D000] =	vst v63  }
0xbf: {  	s3 =	sadd.s32 $0x2000, s3;
	p1 =	sgt.u32 s12, $0x7;
	_ =	swait.ge [sflag:s21], $0x4000  }
0xc0: {  	s12 =	sshrl.u32 s3, $0x2;
	s13 =	simm.s32 @!p1 $0x0;
	[sflag:s21] =	ssyncset.done $0x0  }
0xc1: {  	[sflag:s21] =	ssyncadd.s32 $0xFFFFC000;
	s0 =	sand.u32 $0x800, s12  }
0xc2: {  	[tilespmem:s30], [sflag:$0x3] =	stream.linear.gather @!p1 [hbm4b:s19+s13], $0x800, $0x38;
	[tilespmem:$0x1D000] =	vst v63  }
0xc3: {  	s3 =	sor.u32 $0x100, s0  }
0xc4: {  	[tilespmem:s23], [sflag:$0x2] =	stream.indirect.gather [hbm4b:s4+s22], $0x80, s3, s22, $0xb8;
	[tilespmem:$0x1D000] =	vst v63  }
0xc5: {  	_ =	swait.ge [sflag:s24], $0x4000  }
0xc6: {  	[sflag:s24] =	ssyncset.done $0x0  }
0xc7: {  	s15 =	sor.u32 $0x80, s0;
	[sflag:s24] =	ssyncadd.s32 $0xFFFFC000  }
0xc8: {  	[spmem:s1] =	stream.indirect.scatter.add.f32 [tilespmem:s20], [sflag:$0x4], $0x80, s15, s22, $0xb8;
	[tilespmem:$0x1D000] =	vst v63  }
0xc9: {  	_ =	swait.ge [sflag:s21], $0x4000  }
0xca: {  	[sflag:s21] =	ssyncset.done $0x0  }
0xcb: {  	s19 =	sor.u32 $0x200, s0;
	[sflag:s21] =	ssyncadd.s32 $0xFFFFC000  }
0xcc: {  	[tilespmem:s20], [sflag:$0x1] =	stream.indirect.gather [hbm4b:s4+s22], $0x80, s19, s22, $0xb8;
	[tilespmem:$0x1D000] =	vst v63  }
0xcd: {  	_ =	swait.ge [sflag:s25], $0x4000  }
0xce: {  	[sflag:s25] =	ssyncset.done $0x0  }
0xcf: {  	s30 =	sor.u32 $0x180, s0;
	[sflag:s25] =	ssyncadd.s32 $0xFFFFC000  }
0xd0: {  	[spmem:s1] =	stream.indirect.scatter.add.f32 [tilespmem:s23], [sflag:$0x4], $0x80, s30, s22, $0xb8;
	[tilespmem:$0x1D000] =	vst v63  }
0xd1: {  	_ =	swait.ge [sflag:s21], $0x4000  }
0xd2: {  	[sflag:s21] =	ssyncset.done $0x0  }
0xd3: {  	s12 =	sor.u32 $0x300, s0;
	[sflag:s21] =	ssyncadd.s32 $0xFFFFC000  }
0xd4: {  	[tilespmem:s23], [sflag:$0x2] =	stream.indirect.gather [hbm4b:s4+s22], $0x80, s12, s22, $0xb8;
	[tilespmem:$0x1D000] =	vst v63  }
0xd5: {  	_ =	swait.ge [sflag:s24], $0x4000  }
0xd6: {  	[sflag:s24] =	ssyncset.done $0x0  }
0xd7: {  	s13 =	sor.u32 $0x280, s0;
	[sflag:s24] =	ssyncadd.s32 $0xFFFFC000  }
0xd8: {  	[spmem:s1] =	stream.indirect.scatter.add.f32 [tilespmem:s20], [sflag:$0x4], $0x80, s13, s22, $0xb8;
	[tilespmem:$0x1D000] =	vst v63  }
0xd9: {  	_ =	swait.ge [sflag:s21], $0x4000  }
0xda: {  	[sflag:s21] =	ssyncset.done $0x0  }
0xdb: {  	s14 =	sor.u32 $0x400, s0;
	[sflag:s21] =	ssyncadd.s32 $0xFFFFC000  }
0xdc: {  	[tilespmem:s20], [sflag:$0x1] =	stream.indirect.gather [hbm4b:s4+s22], $0x80, s14, s22, $0xb8;
	[tilespmem:$0x1D000] =	vst v63  }
0xdd: {  	_ =	swait.ge [sflag:s25], $0x4000  }
0xde: {  	[sflag:s25] =	ssyncset.done $0x0  }
0xdf: {  	s15 =	sor.u32 $0x380, s0;
	[sflag:s25] =	ssyncadd.s32 $0xFFFFC000  }
0xe0: {  	[spmem:s1] =	stream.indirect.scatter.add.f32 [tilespmem:s23], [sflag:$0x4], $0x80, s15, s22, $0xb8;
	[tilespmem:$0x1D000] =	vst v63  }
0xe1: {  	_ =	swait.ge [sflag:s21], $0x4000  }
0xe2: {  	[sflag:s21] =	ssyncset.done $0x0  }
0xe3: {  	s19 =	sor.u32 $0x500, s0;
	[sflag:s21] =	ssyncadd.s32 $0xFFFFC000  }
0xe4: {  	[tilespmem:s23], [sflag:$0x2] =	stream.indirect.gather [hbm4b:s4+s22], $0x80, s19, s22, $0xb8;
	[tilespmem:$0x1D000] =	vst v63  }
0xe5: {  	_ =	swait.ge [sflag:s24], $0x4000  }
0xe6: {  	[sflag:s24] =	ssyncset.done $0x0  }
0xe7: {  	s30 =	sor.u32 $0x480, s0;
	[sflag:s24] =	ssyncadd.s32 $0xFFFFC000  }
0xe8: {  	[spmem:s1] =	stream.indirect.scatter.add.f32 [tilespmem:s20], [sflag:$0x4], $0x80, s30, s22, $0xb8;
	[tilespmem:$0x1D000] =	vst v63  }
0xe9: {  	_ =	swait.ge [sflag:s21], $0x4000  }
0xea: {  	[sflag:s21] =	ssyncset.done $0x0  }
0xeb: {  	s12 =	sor.u32 $0x600, s0;
	[sflag:s21] =	ssyncadd.s32 $0xFFFFC000  }
0xec: {  	[tilespmem:s20], [sflag:$0x1] =	stream.indirect.gather [hbm4b:s4+s22], $0x80, s12, s22, $0xb8;
	[tilespmem:$0x1D000] =	vst v63  }
0xed: {  	_ =	swait.ge [sflag:s25], $0x4000  }
0xee: {  	[sflag:s25] =	ssyncset.done $0x0  }
0xef: {  	s13 =	sor.u32 $0x580, s0;
	[sflag:s25] =	ssyncadd.s32 $0xFFFFC000  }
0xf0: {  	[spmem:s1] =	stream.indirect.scatter.add.f32 [tilespmem:s23], [sflag:$0x4], $0x80, s13, s22, $0xb8;
	[tilespmem:$0x1D000] =	vst v63  }
0xf1: {  	_ =	swait.ge [sflag:s21], $0x4000  }
0xf2: {  	[sflag:s21] =	ssyncset.done $0x0  }
0xf3: {  	s14 =	sor.u32 $0x700, s0;
	[sflag:s21] =	ssyncadd.s32 $0xFFFFC000  }
0xf4: {  	[tilespmem:s23], [sflag:$0x2] =	stream.indirect.gather [hbm4b:s4+s22], $0x80, s14, s22, $0xb8;
	[tilespmem:$0x1D000] =	vst v63  }
0xf5: {  	_ =	swait.ge [sflag:s24], $0x4000  }
0xf6: {  	[sflag:s24] =	ssyncset.done $0x0  }
0xf7: {  	s15 =	sor.u32 $0x680, s0;
	[sflag:s24] =	ssyncadd.s32 $0xFFFFC000  }
0xf8: {  	[spmem:s1] =	stream.indirect.scatter.add.f32 [tilespmem:s20], [sflag:$0x4], $0x80, s15, s22, $0xb8;
	[tilespmem:$0x1D000] =	vst v63  }
0xf9: {  	_ =	swait.ge [sflag:s21], $0x4000  }
0xfa: {  	p0 =	seq.s32 s28, $0x9;
	[sflag:s21] =	ssyncset.done $0x0  }
0xfb: {  	s3 =	simm.s32 @!p0 $0x3;
	[sflag:s21] =	ssyncadd.s32 $0xFFFFC000  }
0xfc: {  	_ =	swait.ge @!p0 [sflag:s3], $0x800  }
0xfd: {  	s12 =	simm.s32 @!p0 $0x1000;
	[sflag:s3] =	ssyncset.done @!p0 $0x0  }
0xfe: {  	s13 =	sand.u32 @!p0 $0x800, s31;
	[sflag:s3] =	ssyncadd.s32 @!p0 $0xFFFFF800;
	s3 =	simm.s32 @!p0 $0x80  }
0xff: {  	[tilespmem:s12], [sflag:$0x1] =	stream.indirect.gather @!p0 [hbm4b:s4+s3], $0x80, s13, s3, $0xb8;
	[tilespmem:$0x1D000] =	vst v63  }
0x100: {  	_ =	swait.ge [sflag:s25], $0x4000  }
0x101: {  	[sflag:s25] =	ssyncset.done $0x0  }
0x102: {  	s19 =	sadd.s32 $0x780, s0;
	[sflag:s25] =	ssyncadd.s32 $0xFFFFC000  }
0x103: {  	[spmem:s1] =	stream.indirect.scatter.add.f32 [tilespmem:s23], [sflag:$0x4], $0x80, s19, s22, $0xb8;
	[tilespmem:$0x1D000] =	vst v63  }
0x104: {  	_ =	swait.ge [sflag:s21], $0x4000  }
0x105: {  	p0 =	sgt.u32 s28, $0x7;
	[sflag:s21] =	ssyncset.done $0x0  }
0x106: {  	s3 =	simm.s32 @!p0 $0x0;
	[sflag:s21] =	ssyncadd.s32 $0xFFFFC000  }
0x107: {  	[tilespmem:s0], [sflag:$0x3] =	stream.linear.gather @!p0 [hbm4b:s29+s3], $0x800, $0x38;
	[tilespmem:$0x1D000] =	vst v63  }
0x108: {  	[bflag:$0x0] =	sbarrier.arrive $0xFFFF  }
0x109: {  	[tilespmem:s20], [sflag:$0x4] =	stream.linear.gather [spmem:s6], $0x4000, $0x38;
	[tilespmem:$0x1D000] =	vst v63  }
0x10a: {  	_ =	swait.ge [sflag:s21], $0x4000  }
0x10b: {  	[sflag:s21] =	ssyncset.done $0x0  }
0x10c: {  	s29 =	rddreg [dreg:$0x5];
	[sflag:s21] =	ssyncadd.s32 $0xFFFFC000  }
0x10d: {  	[hbm4b:s29+s2] =	stream.linear.scatter [tilespmem:s20], [sflag:$0x4], $0x4000, $0x38;
	[tilespmem:$0x1D000] =	vst v63  }
0x10e: {  	_ =	swait.ge [sflag:s21], $0x4000  }
0x10f: {  	[sflag:s21] =	ssyncset.done $0x0  }
0x110: {  	[sflag:s21] =	ssyncadd.s32 $0xFFFFC000  }
0x111: {  	[tilespmem:s20], [sflag:$0x4] =	stream.linear.gather [spmem:s7], $0x4000, $0x38;
	[tilespmem:$0x1D000] =	vst v63  }
0x112: {  	_ =	swait.ge [sflag:s21], $0x4000  }
0x113: {  	[sflag:s21] =	ssyncset.done $0x0  }
0x114: {  	s30 =	rddreg [dreg:$0x6];
	[sflag:s21] =	ssyncadd.s32 $0xFFFFC000  }
0x115: {  	[hbm4b:s30+s2] =	stream.linear.scatter [tilespmem:s20], [sflag:$0x4], $0x4000, $0x38;
	[tilespmem:$0x1D000] =	vst v63  }
0x116: {  	_ =	swait.ge [sflag:s21], $0x4000  }
0x117: {  	[sflag:s21] =	ssyncset.done $0x0  }
0x118: {  	[sflag:s21] =	ssyncadd.s32 $0xFFFFC000  }
0x119: {  	[tilespmem:s20], [sflag:$0x4] =	stream.linear.gather [spmem:s8], $0x4000, $0x38;
	[tilespmem:$0x1D000] =	vst v63  }
0x11a: {  	_ =	swait.ge [sflag:s21], $0x4000  }
0x11b: {  	[sflag:s21] =	ssyncset.done $0x0  }
0x11c: {  	s31 =	rddreg [dreg:$0x7];
	[sflag:s21] =	ssyncadd.s32 $0xFFFFC000  }
0x11d: {  	[hbm4b:s31+s2] =	stream.linear.scatter [tilespmem:s20], [sflag:$0x4], $0x4000, $0x38;
	[tilespmem:$0x1D000] =	vst v63  }
0x11e: {  	_ =	swait.ge [sflag:s21], $0x4000  }
0x11f: {  	[sflag:s21] =	ssyncset.done $0x0  }
0x120: {  	[sflag:s21] =	ssyncadd.s32 $0xFFFFC000  }
0x121: {  	[tilespmem:s20], [sflag:$0x4] =	stream.linear.gather [spmem:s9], $0x4000, $0x38;
	[tilespmem:$0x1D000] =	vst v63  }
0x122: {  	_ =	swait.ge [sflag:s21], $0x4000  }
0x123: {  	[sflag:s21] =	ssyncset.done $0x0  }
0x124: {  	[sflag:s21] =	ssyncadd.s32 $0xFFFFC000  }
0x125: {  	[hbm4b:s16+s2] =	stream.linear.scatter [tilespmem:s20], [sflag:$0x4], $0x4000, $0x38;
	[tilespmem:$0x1D000] =	vst v63  }
0x126: {  	_ =	swait.ge [sflag:s21], $0x4000  }
0x127: {  	[sflag:s21] =	ssyncset.done $0x0  }
0x128: {  	[sflag:s21] =	ssyncadd.s32 $0xFFFFC000  }
0x129: {  	[tilespmem:s20], [sflag:$0x4] =	stream.linear.gather [spmem:s11], $0x4000, $0x38;
	[tilespmem:$0x1D000] =	vst v63  }
0x12a: {  	s26 =	sadd.s32 $0x1, s26;
	_ =	swait.ge [sflag:s21], $0x4000  }
0x12b: {  	p0 =	sne.s32 s26, s18;
	[sflag:s21] =	ssyncset.done $0x0  }
.Ltmp1:
0x12c: {  	[sflag:s21] =	ssyncadd.s32 $0xFFFFC000;
	(pc) =	sbr.rel @p0 .LBB2_1-.Ltmp1, $4  }
0x12d: {  	[hbm4b:s17+s2] =	stream.linear.scatter [tilespmem:s20], [sflag:$0x4], $0x4000, $0x38;
	[tilespmem:$0x1D000] =	vst v63  }
0x12e: {  	_ =	swait.ge [sflag:s21], $0x4000  }
0x12f: {  	[sflag:s21] =	ssyncset.done $0x0  }
0x130: {  	[sflag:s21] =	ssyncadd.s32 $0xFFFFC000  }
0x131: {  	_ =	sfence.sel $0x180000  }
0x132: {  	[bflag:$0x0] =	sbarrier.arrive $0xFFFF  }
0x133: {  	_ =	strace $0x9000004D  }
0x134: {  	s0 =	stileid.u32;
	[bflag:$0x2] =	sbarrier.arrive $0xFFFF  }
0x135: {  	p0 =	sne.s32 s0, $0x0;
	s0 =	rddreg [dreg:$0x2]  }
0x136: {  	s0 =	sadd.s32 @!p0 $0x100000, s0  }
0x137: {  	[sflag:s0] =	ssyncadd.tile.s32 @!p0 $0x1;
	_ =	shalt  }
.Lfunc_end2:
_tile_overlayer_lowered:
.L_overlay_start_2:
0x138: {  	(tag) =	ssettag $0x2  }
0x139: {  	s0 =	rddreg [dreg:$0x0];
	s2 =	stileid.u32  }
0x13a: {  	s1 =	rddreg [dreg:$0x1];
	p0 =	sne.s32 s2, $0x0  }
0x13b: {  	s3 =	rddreg [dreg:$0x2];
	[bflag:$0x3] =	sbarrier.arrive $0xFFFF;
	s2 =	simm.s32 @!p0 $0x1C04  }
0x13c: {  	[timem:s3], [sflag:s2] =	dma.local @!p0 [hbm:s0], s1  }
0x13d: {  	s0 =	simm.s32 @!p0 $0x4  }
0x13e: {  	_ =	swait.ge @!p0 [sflag:s0], s1  }
0x13f: {  	s1 =	ssub.s32 @!p0 $0x0, s1;
	[sflag:s0] =	ssyncset.done @!p0 $0x0  }
0x140: {  	[sflag:s0] =	ssyncadd.s32 @!p0 s1  }
0x141: {  	[bflag:$0x3] =	sbarrier.arrive $0xFFFF  }
0x142: {  	_ =	shalt  }

// kernel: kernel.18.cloned.1.call-start
scs
__scs_entry_jumppad:
0x0: {  	(pc) =	sbr.rel $0x88, $3  }
0x1: {  	(tag) =	ssettag $0x0;
	lr =	simm.s32 $0x1  }
0x2: {  	[smem:$0x3F99] =	sst lr;
	_ =	strace $0xD0000000  }
0x3: {  	_ = 	snop  }
0x4: {  	_ = 	snop  }
0x5: {  	_ = 	snop  }
0x6: {  	_ = 	snop  }
0x7: {  	_ = 	snop  }
__scs_overlays_trampoline_lowered:
0x8: {  	[smem:$0x3FA8] =	sst s0  }
0x9: {  	[smem:$0x3FA9] =	sst s1  }
0xa: {  	[smem:$0x3FAA] =	sst s2  }
0xb: {  	[smem:$0x3FAB] =	sst s3  }
0xc: {  	[smem:$0x3FAC] =	sst s4  }
0xd: {  	[smem:$0x3FAD] =	sst s5  }
0xe: {  	[smem:$0x3FAE] =	sst s6  }
0xf: {  	[smem:$0x3FAF] =	sst s7  }
0x10: {  	[smem:$0x3FB0] =	sst s8  }
0x11: {  	[smem:$0x3FB1] =	sst s9;
	s0 =	simm.s32 @!p0 $0x0  }
0x12: {  	s1 =	sld [smem:$0x3F97];
	s0 =	simm.s32 @p0 $0x1  }
0x13: {  	[smem:$0x3FB2] =	sst s0;
	s0 =	simm.s32 @!p1 $0x0  }
0x14: {  	s2 =	sld [smem:$0x3F96];
	s0 =	simm.s32 @p1 $0x1  }
0x15: {  	[smem:$0x3FB3] =	sst s0;
	s0 =	simm.s32 @!p2 $0x0  }
0x16: {  	s3 =	sld [smem:$0x3FDB];
	s0 =	simm.s32 @p2 $0x1  }
0x17: {  	s4 =	simm.s32 $0x1BF5;
	[smem:$0x3FB5] =	sst s0  }
0x18: {  	s0 =	sld [smem:$0x3F98];
	_ =	swait.ge [sflag:s4], $0x0  }
0x19: {  	s7 =	sld [smem:$0x3F99]  }
0x1a: {  	s8 =	sadd.s32 $0xFFFFE003, lr  }
0x1b: {  	s9 =	sadd.s32 $0xFFFFFEF7, lr;
	s5 =	simm.s32 $0xFFFFFFFF;
	p2 =	slt.u32 s8, $0xFFFFF086  }
0x1c: {  	p1 =	slt.u32 s9, $0xF7A;
	s5 =	simm.s32 @!p2 $0x0  }
0x1d: {  	s5 =	simm.s32 @p1 $0x1;
	p0 =	seq.s32 s7, s2  }
0x1e: {  	s7 =	smul.u32 @!p0 $0xF7A, s2;
	p2 =	seq.s32 @!p0 s5, $0x0  }
0x1f: {  	s9 =	smul.u32 $0xF7A, s1;
	s8 =	simm.s32 @!p0 $0x1BF5;
	p2 =	por !p2, p0  }
0x20: {  	[sflag:s8] =	ssyncset.s32 @!p0 $0xFFFFF086;
	s6 =	sadd.s32 @!p0 s3, s7;
	s7 =	simm.s32 @!p0 $0x108  }
0x21: {  	s3 =	sadd.s32 s3, s9;
	s6 =	sadd.s32 @!p0 $0x88, s6;
	s7 =	simm.s32 @p2 $0x1082  }
0x22: {  	[simem:s7], [sflag:s8] =	dma.local @!p0 [hbm:s6], $0xF7A  }
0x23: {  	s9 =	sor.u32 $0xD0000000, s2;
	s6 =	simm.s32 $0x108;
	_ =	swait.ge @!p0 [sflag:s8], $0x0  }
0x24: {  	s3 =	sadd.s32 $0x88, s3;
	s6 =	simm.s32 @!p1 $0x1082;
	[sflag:s4] =	ssyncset.s32 $0xFFFFF086  }
0x25: {  	[simem:s6], [sflag:s4] =	dma.local [hbm:s3], $0xF7A  }
0x26: {  	[smem:$0x3F99] =	sst s1;
	(tag) =	ssettag s2;
	_ =	strace s9  }
0x27: {  	s1 =	sld [smem:$0x3FA9]  }
0x28: {  	s2 =	sld [smem:$0x3FAA]  }
0x29: {  	s4 =	sld [smem:$0x3FAC]  }
0x2a: {  	p0 =	seq.s32 s5, $0x0;
	s5 =	sld [smem:$0x3FAD]  }
0x2b: {  	s6 =	sld [smem:$0x3FAE]  }
0x2c: {  	s7 =	sld [smem:$0x3FAF]  }
0x2d: {  	s3 =	simm.s32 $0x108;
	s8 =	sld [smem:$0x3FB0]  }
0x2e: {  	s3 =	simm.s32 @!p0 $0x1082;
	s9 =	sld [smem:$0x3FB1]  }
0x2f: {  	lr =	sadd.s32 s0, s3;
	s0 =	sld [smem:$0x3FA8]  }
0x30: {  	s3 =	sld [smem:$0x3FAB]  }
0x31: {  	[smem:$0x3FB4] =	sst s10  }
0x32: {  	s10 =	sld [smem:$0x3FB2];
	_ =	sdelay $0x3  }
0x33: {  	p0 =	seq.s32 s10, $0x1;
	s10 =	sld [smem:$0x3FB4];
	_ =	sdelay $0x3  }
0x34: {  	[smem:$0x3FB4] =	sst s10  }
0x35: {  	s10 =	sld [smem:$0x3FB3];
	_ =	sdelay $0x3  }
0x36: {  	p1 =	seq.s32 s10, $0x1;
	s10 =	sld [smem:$0x3FB4];
	_ =	sdelay $0x3  }
0x37: {  	[smem:$0x3FB4] =	sst s10  }
0x38: {  	s10 =	sld [smem:$0x3FB5]  }
0x39: {  	_ = 	snop;
	(pc) =	sbr.ind lr, $3  }
0x3a: {  	_ = 	snop  }
0x3b: {  	_ = 	snop  }
0x3c: {  	p2 =	seq.s32 s10, $0x1;
	s10 =	sld [smem:$0x3FB4]  }
0x3d: {  	_ =	shalt  }
0x3e: {  	_ =	shalt  }
0x3f: {  	_ =	shalt  }
0x40: {  	_ =	shalt  }
0x41: {  	_ =	shalt  }
0x42: {  	_ =	shalt  }
0x43: {  	_ =	shalt  }
0x44: {  	_ =	shalt  }
0x45: {  	_ =	shalt  }
0x46: {  	_ =	shalt  }
0x47: {  	_ =	shalt  }
0x48: {  	_ =	shalt  }
0x49: {  	_ =	shalt  }
0x4a: {  	_ =	shalt  }
0x4b: {  	_ =	shalt  }
0x4c: {  	_ =	shalt  }
0x4d: {  	_ =	shalt  }
0x4e: {  	_ =	shalt  }
0x4f: {  	_ =	shalt  }
0x50: {  	_ =	shalt  }
0x51: {  	_ =	shalt  }
0x52: {  	_ =	shalt  }
0x53: {  	_ =	shalt  }
0x54: {  	_ =	shalt  }
0x55: {  	_ =	shalt  }
0x56: {  	_ =	shalt  }
0x57: {  	_ =	shalt  }
0x58: {  	_ =	shalt  }
0x59: {  	_ =	shalt  }
0x5a: {  	_ =	shalt  }
0x5b: {  	_ =	shalt  }
0x5c: {  	_ =	shalt  }
0x5d: {  	_ =	shalt  }
0x5e: {  	_ =	shalt  }
0x5f: {  	_ =	shalt  }
0x60: {  	_ =	shalt  }
0x61: {  	_ =	shalt  }
0x62: {  	_ =	shalt  }
0x63: {  	_ =	shalt  }
0x64: {  	_ =	shalt  }
0x65: {  	_ =	shalt  }
0x66: {  	_ =	shalt  }
0x67: {  	_ =	shalt  }
0x68: {  	_ =	shalt  }
0x69: {  	_ =	shalt  }
0x6a: {  	_ =	shalt  }
0x6b: {  	_ =	shalt  }
0x6c: {  	_ =	shalt  }
0x6d: {  	_ =	shalt  }
0x6e: {  	_ =	shalt  }
0x6f: {  	_ =	shalt  }
0x70: {  	_ =	shalt  }
0x71: {  	_ =	shalt  }
0x72: {  	_ =	shalt  }
0x73: {  	_ =	shalt  }
0x74: {  	_ =	shalt  }
0x75: {  	_ =	shalt  }
0x76: {  	_ =	shalt  }
0x77: {  	_ =	shalt  }
0x78: {  	_ =	shalt  }
0x79: {  	_ =	shalt  }
0x7a: {  	_ =	shalt  }
0x7b: {  	_ =	shalt  }
0x7c: {  	_ =	shalt  }
0x7d: {  	_ =	shalt  }
0x7e: {  	_ =	shalt  }
0x7f: {  	_ =	shalt  }
0x80: {  	_ =	shalt  }
0x81: {  	_ =	shalt  }
0x82: {  	_ =	shalt  }
0x83: {  	_ =	shalt  }
0x84: {  	_ =	shalt  }
0x85: {  	_ =	shalt  }
0x86: {  	_ =	shalt  }
0x87: {  	_ =	shalt  }
.Lfunc_end0:
.L_simem_size_0:
called_computation.3_lowered:
.L_overlay_start_0:
0x88: {  	s2 =	sld [smem:$0x3FD9]  }
0x89: {  	s3 =	sld [smem:$0x3FFE];
	_ =	sdelay $0x1  }
0x8a: {  	s1 =	srdreg.scid  }
0x8b: {  	s0 =	sand.u32 $0x1, s1  }
0x8c: {  	s17 =	sshll.u32 s0, $0xA;
	s2 =	sadd.s32 s3, s2  }
0x8d: {  	s2 =	sadd.s32 s2, s17  }
0x8e: {  	[smem:$0x3FC0] =	sst s2  }
0x8f: {  	_ = 	snop  }
0x90: {  	(tm) =	ssettm $0x1  }
0x91: {  	s18 =	sld [smem:$0x3FFB];
	_ =	sdelay $0x3  }
0x92: {  	_ =	strace s18  }
0x93: {  	s2 =	sld [smem:$0x3FFC];
	_ =	sdelay $0x3  }
0x94: {  	_ =	strace s2  }
0x95: {  	s2 =	sld [smem:$0x3FFD];
	_ =	sdelay $0x3  }
0x96: {  	_ =	strace s2  }
0x97: {  	_ =	strace $0x8FFFFFFF  }
0x98: {  	s19 =	sld [smem:$0x3FDB];
	_ =	sdelay $0x1  }
0x99: {  	s20 =	simm.s32 $_scs_section_size  }
0x9a: {  	s4 =	simm.s32 $_size__tile_overlayer_lowered;
	s5 =	simm.s32 $_tile_overlayer_lowered  }
0x9b: {  	s6 =	simm.s32 $0x1BFF;
	s21 =	sshll.u32 s5, $0x1;
	s3 =	sadd.s32 s20, s19  }
0x9c: {  	s22 =	simm.s32 $0x0;
	s4 =	sshll.u32 s4, $0x1;
	s5 =	sadd.s32 s21, s3  }
0x9d: {  	[timem:s22], [sflag:s6] =	dma.local [hbm:s5], s4  }
0x9e: {  	_ =	swait.ge [sflag:s6], s4  }
0x9f: {  	s4 =	ssub.s32 $0x0, s4;
	[sflag:s6] =	ssyncset.done $0x0  }
0xa0: {  	[sflag:s6] =	ssyncadd.s32 s4;
	_ =	sdelay $0x1  }
0xa1: {  	s23 =	simm.s32 $0x1B8B  }
0xa2: {  	_ =	swait.ge [sflag:s23], $0x1  }
0xa3: {  	[sflag:s23] =	ssyncset.done $0x0  }
0xa4: {  	[sflag:s23] =	ssyncadd.s32 $0xFFFFFFFF  }
0xa5: {  	s4 =	sld [smem:$0x0]  }
0xa6: {  	s5 =	sand.u32 $0xFFFFFFFE, s1  }
0xa7: {  	p0 =	sne.s32 s1, s5  }
0xa8: {  	s5 =	sshll.u32 @p0 s5, $0xE  }
0xa9: {  	s5 =	sadd.s32 @p0 $0x11B8D, s5;
	s6 =	sshll.u32 @p0 s4, $0x11  }
0xaa: {  	s5 =	sor.u32 @p0 s6, s5  }
0xab: {  	[sflag:s5] =	ssyncadd.remote.s32 @p0 $0x1;
	_ =	sdelay $0x1  }
0xac: {  	s5 =	simm.s32 @p0 $0x1B8D  }
0xad: {  	_ =	swait.eq @p0 [sflag:s5], $0x1  }
0xae: {  	[sflag:s5] =	ssyncadd.s32 @p0 $0xFFFFFFFF  }
0xaf: {  	s6 =	sshll.u32 @!p0 s1, $0xE  }
0xb0: {  	s6 =	sor.u32 @!p0 $0x4000, s6;
	s5 =	simm.s32 @!p0 $0x1B8D  }
0xb1: {  	s4 =	sshll.u32 @!p0 s4, $0x11;
	s6 =	sadd.s32 @!p0 $0x11B8D, s6;
	_ =	swait.eq @!p0 [sflag:s5], $0x1  }
0xb2: {  	s4 =	sor.u32 @!p0 s4, s6;
	[sflag:s5] =	ssyncadd.s32 @!p0 $0xFFFFFFFF  }
0xb3: {  	s25 =	simm.s32 $0x1B8E;
	s24 =	sld [smem:$0x3FFE];
	[sflag:s4] =	ssyncadd.remote.s32 @!p0 $0x1  }
0xb4: {  	s26 =	simm.s32 $execute0_lowered;
	[smem:$0x3FD2] =	sst s25  }
0xb5: {  	s5 =	sshll.u32 s26, $0x1;
	_ =	strace $0x8000004F;
	[dreg:$0x1] =	wrdreg $0xFFFFFFFF  }
0xb6: {  	s28 =	simm.s32 $_size_execute0_lowered;
	s3 =	sadd.s32 s3, s5;
	[dreg:$0x0] =	wrdreg $0x0  }
0xb7: {  	s5 =	sshll.u32 s28, $0x1;
	[dreg:$0x2] =	wrdreg s3  }
0xb8: {  	[dreg:$0x3] =	wrdreg s5  }
0xb9: {  	[dreg:$0x4] =	wrdreg $0xC0  }
0xba: {  	_ =	task [dreg:s22], $0x5FFFF  }
0xbb: {  	[dreg:$0x1] =	wrdreg $0xFFFFFFFF  }
0xbc: {  	[dreg:$0x0] =	wrdreg $0x60  }
0xbd: {  	[dreg:$0x2] =	wrdreg s24  }
0xbe: {  	[dreg:$0x3] =	wrdreg $0x90000  }
0xbf: {  	[dreg:$0x4] =	wrdreg $0xA  }
0xc0: {  	_ =	task.clear_ibuf [dreg:s22], $0x5FFFF;
	_ =	strace $0x9000004F  }
0xc1: {  	s29 =	simm.s32 $0xA;
	_ =	strace $0x80000051  }
0xc2: {  	_ =	swait.ge [sflag:s29], $0x1  }
0xc3: {  	[sflag:s29] =	ssyncadd.s32 $0xFFFFFFFF  }
0xc4: {  	_ =	strace $0x90000051  }
0xc5: {  	_ =	sfence  }
0xc6: {  	s30 =	sld [smem:$0x0];
	_ =	sdelay $0x2  }
0xc7: {  	s31 =	sshll.u32 s1, $0xD;
	s1 =	sshrl.u32 s1, $0x2  }
0xc8: {  	s4 =	sand.u32 $0x4000, s31;
	s1 =	sadd.s32 s1, s30  }
0xc9: {  	s0 =	sor.u32 s4, s0;
	s1 =	sshll.u32 s1, $0x11  }
0xca: {  	s0 =	sor.u32 s1, s0  }
0xcb: {  	s0 =	sadd.s32 $0x8F2B, s0  }
0xcc: {  	[sflag:s0] =	ssyncadd.remote.s32 $0x1  }
0xcd: {  	_ =	sfence.sel $0xFFFF  }
0xce: {  	[dreg:$0x0] =	wrdreg $0xFFFFFFFF;
	(pc) =	sbr.abs _section_cstart, $3  }
0xcf: {  	[dreg:$0x1] =	wrdreg $0xFFFFFFFF  }
0xd0: {  	_ =	task.clear_ibuf [dreg:s22], $0x2FFFF;
	_ =	strace $0x9FFFFFFF  }
0xd1: {  	(tm) =	ssettm $0x7FFFFFFF  }
tec
execute0_lowered:
.L_overlay_start_1:
0x0: {  	(tag) =	ssettag $0x1  }
0x1: {  	s0 =	rddreg [dreg:$0x0]  }
0x2: {  	s1 =	rddreg [dreg:$0x1];
	s2 =	simm.s32 $0x0;
	s3 =	srdreg.scid  }
0x3: {  	s19 =	stileid.u32;
	s21 =	simm.s32 $0x4;
	s22 =	simm.s32 $0x80  }
0x4: {  	s23 =	simm.s32 $0x5000;
	s24 =	simm.s32 $0x1;
	[smem:$0x7FF] =	sst s2  }
0x5: {  	s4 =	sadd.s32 $0xE200, s0;
	s3 =	sand.u32 $0x1, s3;
	s5 =	sadd.s32 $0x72A00, s0  }
0x6: {  	s7 =	sadd.s32 $0xDA00, s0;
	s12 =	smul.u32 $0x14000, s19;
	s0 =	sadd.s32 $0x86A00, s0  }
0x7: {  	s26 =	sshll.u32 s19, $0x1;
	s30 =	smul.u32 $0x1400, s19;
	_ =	strace $0x80000050  }
0x8: {  	s6 =	ssub.s32 $0x2, s3;
	[dreg:$0x3] =	wrdreg s7;
	s17 =	smul.u32 $0x140000, s3  }
0x9: {  	s8 =	sor.u32 s3, s26;
	s3 =	smul.u32 $0xA00, s3;
	s26 =	simm.s32 $0x0  }
0xa: {  	s25 =	sshrl.u32 s6, $0x1;
	s14 =	sadd.s32 $0x4000, s12;
	s15 =	sadd.s32 $0x8000, s12  }
0xb: {  	s10 =	smul.u32 $0xA00, s8;
	s16 =	sadd.s32 $0xC000, s12;
	s18 =	sadd.s32 $0x10000, s12  }
0xc: {  	s13 =	ssub.s32 s6, s25;
	s6 =	sadd.s32 s12, s1;
	s7 =	sadd.s32 s14, s1  }
0xd: {  	s8 =	sadd.s32 s15, s1;
	s9 =	sadd.s32 s16, s1;
	s11 =	sadd.s32 s18, s1  }
0xe: {  	s12 =	sadd.s32 s12, s17;
	s14 =	sadd.s32 s17, s14;
	s15 =	sadd.s32 s17, s15  }
0xf: {  	s16 =	sadd.s32 s17, s16;
	s17 =	sadd.s32 s17, s18;
	s25 =	simm.s32 $0x2  }
0x10: {  	s10 =	sadd.s32 s5, s10;
	s12 =	sshrl.u32 s12, $0x3;
	s28 =	sshrl.u32 s14, $0x3  }
0x11: {  	s15 =	sshrl.u32 s15, $0x3;
	s16 =	sshrl.u32 s16, $0x3;
	s17 =	sshrl.u32 s17, $0x3  }
0x12: {  	s5 =	sadd.s32 s30, s5;
	s18 =	smax.u32 s13, $0x1;
	s20 =	sadd.s32 $0x100, s10  }
0x13: {  	s12 =	sadd.s32 s0, s12;
	s29 =	sadd.s32 s0, s15;
	[dreg:$0x4] =	wrdreg s20  }
0x14: {  	s16 =	sadd.s32 s0, s16;
	s17 =	sadd.s32 s0, s17;
	[dreg:$0x5] =	wrdreg s12  }
0x15: {  	s31 =	sadd.s32 s3, s5;
	s12 =	sadd.s32 s0, s28;
	[dreg:$0x7] =	wrdreg s29  }
0x16: {  	s5 =	sadd.s32 $0x200, s31;
	s20 =	simm.s32 $0x1000;
	[dreg:$0x6] =	wrdreg s12  }
.LBB2_1:
0x17: {  	s0 =	rddreg [dreg:$0x3]  }
0x18: {  	[tilespmem:s20], [sflag:$0x4] =	stream.linear.gather [hbm4b:s0+s2], $0x4000, $0x38;
	[tilespmem:$0x1D000] =	vst v63  }
0x19: {  	_ =	swait.ge [sflag:s21], $0x4000  }
0x1a: {  	[sflag:s21] =	ssyncset.done $0x0  }
0x1b: {  	[sflag:s21] =	ssyncadd.s32 $0xFFFFC000  }
0x1c: {  	[spmem:s6] =	stream.linear.scatter [tilespmem:s20], [sflag:$0x4], $0x4000, $0x38;
	[tilespmem:$0x1D000] =	vst v63  }
0x1d: {  	_ =	swait.ge [sflag:s21], $0x4000  }
0x1e: {  	[sflag:s21] =	ssyncset.done $0x0  }
0x1f: {  	[sflag:s21] =	ssyncadd.s32 $0xFFFFC000  }
0x20: {  	[spmem:s7] =	stream.linear.scatter [tilespmem:s20], [sflag:$0x4], $0x4000, $0x38;
	[tilespmem:$0x1D000] =	vst v63  }
0x21: {  	_ =	swait.ge [sflag:s21], $0x4000  }
0x22: {  	[sflag:s21] =	ssyncset.done $0x0  }
0x23: {  	[sflag:s21] =	ssyncadd.s32 $0xFFFFC000  }
0x24: {  	[spmem:s8] =	stream.linear.scatter [tilespmem:s20], [sflag:$0x4], $0x4000, $0x38;
	[tilespmem:$0x1D000] =	vst v63  }
0x25: {  	_ =	swait.ge [sflag:s21], $0x4000  }
0x26: {  	[sflag:s21] =	ssyncset.done $0x0  }
0x27: {  	[sflag:s21] =	ssyncadd.s32 $0xFFFFC000  }
0x28: {  	[spmem:s9] =	stream.linear.scatter [tilespmem:s20], [sflag:$0x4], $0x4000, $0x38;
	[tilespmem:$0x1D000] =	vst v63  }
0x29: {  	_ =	swait.ge [sflag:s21], $0x4000  }
0x2a: {  	[sflag:s21] =	ssyncset.done $0x0  }
0x2b: {  	[sflag:s21] =	ssyncadd.s32 $0xFFFFC000  }
0x2c: {  	[spmem:s11] =	stream.linear.scatter [tilespmem:s20], [sflag:$0x4], $0x4000, $0x38;
	[tilespmem:$0x1D000] =	vst v63  }
0x2d: {  	_ =	swait.ge [sflag:s21], $0x4000  }
0x2e: {  	[sflag:s21] =	ssyncset.done $0x0  }
0x2f: {  	[sflag:s21] =	ssyncadd.s32 $0xFFFFC000  }
0x30: {  	[bflag:$0x0] =	sbarrier.arrive $0xFFFF  }
0x31: {  	[tilespmem:s2], [sflag:$0x4] =	stream.linear.gather [hbm4b:s10+s2], $0x800, $0x38;
	[tilespmem:$0x1D000] =	vst v63  }
0x32: {  	_ =	swait.ge [sflag:s21], $0x800  }
0x33: {  	s12 =	simm.s32 $0x0;
	[sflag:s21] =	ssyncset.done $0x0  }
0x34: {  	s0 =	simm.s32 $0x800;
	s3 =	rddreg [dreg:$0x4];
	[sflag:s21] =	ssyncadd.s32 $0xFFFFF800  }
0x35: {  	[tilespmem:s0], [sflag:$0x3] =	stream.linear.gather [hbm4b:s3+s2], $0x800, $0x38;
	[tilespmem:$0x1D000] =	vst v63  }
0x36: {  	s30 =	sand.u32 $0x800, s12  }
0x37: {  	[tilespmem:s20], [sflag:$0x1] =	stream.indirect.gather [hbm4b:s4+s22], $0x80, s2, s22, $0xb8;
	[tilespmem:$0x1D000] =	vst v63  }
0x38: {  	s3 =	sor.u32 $0x100, s30  }
0x39: {  	[tilespmem:s23], [sflag:$0x2] =	stream.indirect.gather [hbm4b:s4+s22], $0x80, s3, s22, $0xb8;
	[tilespmem:$0x1D000] =	vst v63  }
0x3a: {  	_ =	swait.ge [sflag:s24], $0x4000  }
0x3b: {  	[sflag:s24] =	ssyncset.done $0x0  }
0x3c: {  	s13 =	sor.u32 $0x80, s30;
	[sflag:s24] =	ssyncadd.s32 $0xFFFFC000  }
0x3d: {  	[spmem:s1] =	stream.indirect.scatter.add.f32 [tilespmem:s20], [sflag:$0x4], $0x80, s13, s22, $0xb8;
	[tilespmem:$0x1D000] =	vst v63  }
0x3e: {  	_ =	swait.ge [sflag:s21], $0x4000  }
0x3f: {  	[sflag:s21] =	ssyncset.done $0x0  }
0x40: {  	s14 =	sor.u32 $0x200, s30;
	[sflag:s21] =	ssyncadd.s32 $0xFFFFC000  }
0x41: {  	[tilespmem:s20], [sflag:$0x1] =	stream.indirect.gather [hbm4b:s4+s22], $0x80, s14, s22, $0xb8;
	[tilespmem:$0x1D000] =	vst v63  }
0x42: {  	_ =	swait.ge [sflag:s25], $0x4000  }
0x43: {  	[sflag:s25] =	ssyncset.done $0x0  }
0x44: {  	s15 =	sor.u32 $0x180, s30;
	[sflag:s25] =	ssyncadd.s32 $0xFFFFC000  }
0x45: {  	[spmem:s1] =	stream.indirect.scatter.add.f32 [tilespmem:s23], [sflag:$0x4], $0x80, s15, s22, $0xb8;
	[tilespmem:$0x1D000] =	vst v63  }
0x46: {  	_ =	swait.ge [sflag:s21], $0x4000  }
0x47: {  	[sflag:s21] =	ssyncset.done $0x0  }
0x48: {  	s19 =	sor.u32 $0x300, s30;
	[sflag:s21] =	ssyncadd.s32 $0xFFFFC000  }
0x49: {  	[tilespmem:s23], [sflag:$0x2] =	stream.indirect.gather [hbm4b:s4+s22], $0x80, s19, s22, $0xb8;
	[tilespmem:$0x1D000] =	vst v63  }
0x4a: {  	_ =	swait.ge [sflag:s24], $0x4000  }
0x4b: {  	[sflag:s24] =	ssyncset.done $0x0  }
0x4c: {  	s12 =	sor.u32 $0x280, s30;
	[sflag:s24] =	ssyncadd.s32 $0xFFFFC000  }
0x4d: {  	[spmem:s1] =	stream.indirect.scatter.add.f32 [tilespmem:s20], [sflag:$0x4], $0x80, s12, s22, $0xb8;
	[tilespmem:$0x1D000] =	vst v63  }
0x4e: {  	_ =	swait.ge [sflag:s21], $0x4000  }
0x4f: {  	[sflag:s21] =	ssyncset.done $0x0  }
0x50: {  	s13 =	sor.u32 $0x400, s30;
	[sflag:s21] =	ssyncadd.s32 $0xFFFFC000  }
0x51: {  	[tilespmem:s20], [sflag:$0x1] =	stream.indirect.gather [hbm4b:s4+s22], $0x80, s13, s22, $0xb8;
	[tilespmem:$0x1D000] =	vst v63  }
0x52: {  	_ =	swait.ge [sflag:s25], $0x4000  }
0x53: {  	[sflag:s25] =	ssyncset.done $0x0  }
0x54: {  	s14 =	sor.u32 $0x380, s30;
	[sflag:s25] =	ssyncadd.s32 $0xFFFFC000  }
0x55: {  	[spmem:s1] =	stream.indirect.scatter.add.f32 [tilespmem:s23], [sflag:$0x4], $0x80, s14, s22, $0xb8;
	[tilespmem:$0x1D000] =	vst v63  }
0x56: {  	_ =	swait.ge [sflag:s21], $0x4000  }
0x57: {  	[sflag:s21] =	ssyncset.done $0x0  }
0x58: {  	s15 =	sor.u32 $0x500, s30;
	[sflag:s21] =	ssyncadd.s32 $0xFFFFC000  }
0x59: {  	[tilespmem:s23], [sflag:$0x2] =	stream.indirect.gather [hbm4b:s4+s22], $0x80, s15, s22, $0xb8;
	[tilespmem:$0x1D000] =	vst v63  }
0x5a: {  	_ =	swait.ge [sflag:s24], $0x4000  }
0x5b: {  	[sflag:s24] =	ssyncset.done $0x0  }
0x5c: {  	s19 =	sor.u32 $0x480, s30;
	[sflag:s24] =	ssyncadd.s32 $0xFFFFC000  }
0x5d: {  	[spmem:s1] =	stream.indirect.scatter.add.f32 [tilespmem:s20], [sflag:$0x4], $0x80, s19, s22, $0xb8;
	[tilespmem:$0x1D000] =	vst v63  }
0x5e: {  	_ =	swait.ge [sflag:s21], $0x4000  }
0x5f: {  	[sflag:s21] =	ssyncset.done $0x0  }
0x60: {  	s12 =	sor.u32 $0x600, s30;
	[sflag:s21] =	ssyncadd.s32 $0xFFFFC000  }
0x61: {  	[tilespmem:s20], [sflag:$0x1] =	stream.indirect.gather [hbm4b:s4+s22], $0x80, s12, s22, $0xb8;
	[tilespmem:$0x1D000] =	vst v63  }
0x62: {  	_ =	swait.ge [sflag:s25], $0x4000  }
0x63: {  	[sflag:s25] =	ssyncset.done $0x0  }
0x64: {  	s13 =	sor.u32 $0x580, s30;
	[sflag:s25] =	ssyncadd.s32 $0xFFFFC000  }
0x65: {  	[spmem:s1] =	stream.indirect.scatter.add.f32 [tilespmem:s23], [sflag:$0x4], $0x80, s13, s22, $0xb8;
	[tilespmem:$0x1D000] =	vst v63  }
0x66: {  	_ =	swait.ge [sflag:s21], $0x4000  }
0x67: {  	[sflag:s21] =	ssyncset.done $0x0  }
0x68: {  	s14 =	sor.u32 $0x700, s30;
	[sflag:s21] =	ssyncadd.s32 $0xFFFFC000  }
0x69: {  	[tilespmem:s23], [sflag:$0x2] =	stream.indirect.gather [hbm4b:s4+s22], $0x80, s14, s22, $0xb8;
	[tilespmem:$0x1D000] =	vst v63  }
0x6a: {  	_ =	swait.ge [sflag:s24], $0x4000  }
0x6b: {  	[sflag:s24] =	ssyncset.done $0x0  }
0x6c: {  	s15 =	sor.u32 $0x680, s30;
	[sflag:s24] =	ssyncadd.s32 $0xFFFFC000  }
0x6d: {  	[spmem:s1] =	stream.indirect.scatter.add.f32 [tilespmem:s20], [sflag:$0x4], $0x80, s15, s22, $0xb8;
	[tilespmem:$0x1D000] =	vst v63  }
0x6e: {  	_ =	swait.ge [sflag:s21], $0x4000  }
0x6f: {  	p0 =	por $0x0, $0x0;
	[sflag:s21] =	ssyncset.done $0x0  }
0x70: {  	s3 =	simm.s32 @!p0 $0x3;
	[sflag:s21] =	ssyncadd.s32 $0xFFFFC000  }
0x71: {  	_ =	swait.ge @!p0 [sflag:s3], $0x800  }
0x72: {  	s0 =	sand.u32 @!p0 $0x800, s0;
	[sflag:s3] =	ssyncset.done @!p0 $0x0  }
0x73: {  	s12 =	simm.s32 @!p0 $0x1000;
	[sflag:s3] =	ssyncadd.s32 @!p0 $0xFFFFF800;
	s3 =	simm.s32 @!p0 $0x80  }
0x74: {  	[tilespmem:s12], [sflag:$0x1] =	stream.indirect.gather @!p0 [hbm4b:s4+s3], $0x80, s0, s3, $0xb8;
	[tilespmem:$0x1D000] =	vst v63  }
0x75: {  	s28 =	simm.s32 $0x1;
	s31 =	simm.s32 $0x1000;
	_ =	swait.ge [sflag:s25], $0x4000  }
0x76: {  	s29 =	sadd.s32 $0x100, s5;
	p1 =	por $0x0, $0x0;
	[sflag:s25] =	ssyncset.done $0x0  }
0x77: {  	s19 =	sadd.s32 $0x780, s30;
	s13 =	simm.s32 @!p1 $0x0;
	[sflag:s25] =	ssyncadd.s32 $0xFFFFC000  }
0x78: {  	[spmem:s1] =	stream.indirect.scatter.add.f32 [tilespmem:s23], [sflag:$0x4], $0x80, s19, s22, $0xb8;
	[tilespmem:$0x1D000] =	vst v63  }
0x79: {  	s0 =	simm.s32 $0x2;
	s3 =	simm.s32 $0x2000;
	_ =	swait.ge [sflag:s21], $0x4000  }
0x7a: {  	s12 =	simm.s32 $0x800;
	s19 =	smov.u32 s5;
	[sflag:s21] =	ssyncset.done $0x0  }
.LBB2_2:
0x7b: {  	s14 =	sand.u32 $0x800, s12;
	[sflag:s21] =	ssyncadd.s32 $0xFFFFC000  }
0x7c: {  	s12 =	smov.u32 s28;
	s28 =	smov.u32 s0;
	s0 =	sadd.s32 $0x1, s0  }
0x7d: {  	[tilespmem:s30], [sflag:$0x3] =	stream.linear.gather @!p1 [hbm4b:s19+s13], $0x800, $0x38;
	[tilespmem:$0x1D000] =	vst v63  }
0x7e: {  	p0 =	sne.s32 s0, $0xA;
	s13 =	sor.u32 $0x100, s14;
	s30 =	smov.u32 s14  }
0x7f: {  	[tilespmem:s23], [sflag:$0x2] =	stream.indirect.gather [hbm4b:s4+s22], $0x80, s13, s22, $0xb8;
	[tilespmem:$0x1D000] =	vst v63  }
0x80: {  	s19 =	smov.u32 s29;
	_ =	swait.ge [sflag:s24], $0x4000  }
0x81: {  	[sflag:s24] =	ssyncset.done $0x0  }
0x82: {  	s13 =	sor.u32 $0x80, s30;
	[sflag:s24] =	ssyncadd.s32 $0xFFFFC000  }
0x83: {  	[spmem:s1] =	stream.indirect.scatter.add.f32 [tilespmem:s20], [sflag:$0x4], $0x80, s13, s22, $0xb8;
	[tilespmem:$0x1D000] =	vst v63  }
0x84: {  	_ =	swait.ge [sflag:s21], $0x4000  }
0x85: {  	[sflag:s21] =	ssyncset.done $0x0  }
0x86: {  	s13 =	sor.u32 $0x200, s30;
	[sflag:s21] =	ssyncadd.s32 $0xFFFFC000  }
0x87: {  	[tilespmem:s20], [sflag:$0x1] =	stream.indirect.gather [hbm4b:s4+s22], $0x80, s13, s22, $0xb8;
	[tilespmem:$0x1D000] =	vst v63  }
0x88: {  	_ =	swait.ge [sflag:s25], $0x4000  }
0x89: {  	[sflag:s25] =	ssyncset.done $0x0  }
0x8a: {  	s13 =	sor.u32 $0x180, s30;
	[sflag:s25] =	ssyncadd.s32 $0xFFFFC000  }
0x8b: {  	[spmem:s1] =	stream.indirect.scatter.add.f32 [tilespmem:s23], [sflag:$0x4], $0x80, s13, s22, $0xb8;
	[tilespmem:$0x1D000] =	vst v63  }
0x8c: {  	_ =	swait.ge [sflag:s21], $0x4000  }
0x8d: {  	[sflag:s21] =	ssyncset.done $0x0  }
0x8e: {  	s13 =	sor.u32 $0x300, s30;
	[sflag:s21] =	ssyncadd.s32 $0xFFFFC000  }
0x8f: {  	[tilespmem:s23], [sflag:$0x2] =	stream.indirect.gather [hbm4b:s4+s22], $0x80, s13, s22, $0xb8;
	[tilespmem:$0x1D000] =	vst v63  }
0x90: {  	_ =	swait.ge [sflag:s24], $0x4000  }
0x91: {  	[sflag:s24] =	ssyncset.done $0x0  }
0x92: {  	s13 =	sor.u32 $0x280, s30;
	[sflag:s24] =	ssyncadd.s32 $0xFFFFC000  }
0x93: {  	[spmem:s1] =	stream.indirect.scatter.add.f32 [tilespmem:s20], [sflag:$0x4], $0x80, s13, s22, $0xb8;
	[tilespmem:$0x1D000] =	vst v63  }
0x94: {  	_ =	swait.ge [sflag:s21], $0x4000  }
0x95: {  	[sflag:s21] =	ssyncset.done $0x0  }
0x96: {  	s13 =	sor.u32 $0x400, s30;
	[sflag:s21] =	ssyncadd.s32 $0xFFFFC000  }
0x97: {  	[tilespmem:s20], [sflag:$0x1] =	stream.indirect.gather [hbm4b:s4+s22], $0x80, s13, s22, $0xb8;
	[tilespmem:$0x1D000] =	vst v63  }
0x98: {  	_ =	swait.ge [sflag:s25], $0x4000  }
0x99: {  	[sflag:s25] =	ssyncset.done $0x0  }
0x9a: {  	s13 =	sor.u32 $0x380, s30;
	[sflag:s25] =	ssyncadd.s32 $0xFFFFC000  }
0x9b: {  	[spmem:s1] =	stream.indirect.scatter.add.f32 [tilespmem:s23], [sflag:$0x4], $0x80, s13, s22, $0xb8;
	[tilespmem:$0x1D000] =	vst v63  }
0x9c: {  	_ =	swait.ge [sflag:s21], $0x4000  }
0x9d: {  	[sflag:s21] =	ssyncset.done $0x0  }
0x9e: {  	s13 =	sor.u32 $0x500, s30;
	[sflag:s21] =	ssyncadd.s32 $0xFFFFC000  }
0x9f: {  	[tilespmem:s23], [sflag:$0x2] =	stream.indirect.gather [hbm4b:s4+s22], $0x80, s13, s22, $0xb8;
	[tilespmem:$0x1D000] =	vst v63  }
0xa0: {  	_ =	swait.ge [sflag:s24], $0x4000  }
0xa1: {  	[sflag:s24] =	ssyncset.done $0x0  }
0xa2: {  	s13 =	sor.u32 $0x480, s30;
	[sflag:s24] =	ssyncadd.s32 $0xFFFFC000  }
0xa3: {  	[spmem:s1] =	stream.indirect.scatter.add.f32 [tilespmem:s20], [sflag:$0x4], $0x80, s13, s22, $0xb8;
	[tilespmem:$0x1D000] =	vst v63  }
0xa4: {  	_ =	swait.ge [sflag:s21], $0x4000  }
0xa5: {  	[sflag:s21] =	ssyncset.done $0x0  }
0xa6: {  	s13 =	sor.u32 $0x600, s30;
	[sflag:s21] =	ssyncadd.s32 $0xFFFFC000  }
0xa7: {  	[tilespmem:s20], [sflag:$0x1] =	stream.indirect.gather [hbm4b:s4+s22], $0x80, s13, s22, $0xb8;
	[tilespmem:$0x1D000] =	vst v63  }
0xa8: {  	_ =	swait.ge [sflag:s25], $0x4000  }
0xa9: {  	[sflag:s25] =	ssyncset.done $0x0  }
0xaa: {  	s13 =	sor.u32 $0x580, s30;
	[sflag:s25] =	ssyncadd.s32 $0xFFFFC000  }
0xab: {  	[spmem:s1] =	stream.indirect.scatter.add.f32 [tilespmem:s23], [sflag:$0x4], $0x80, s13, s22, $0xb8;
	[tilespmem:$0x1D000] =	vst v63  }
0xac: {  	_ =	swait.ge [sflag:s21], $0x4000  }
0xad: {  	[sflag:s21] =	ssyncset.done $0x0  }
0xae: {  	s13 =	sor.u32 $0x700, s30;
	[sflag:s21] =	ssyncadd.s32 $0xFFFFC000  }
0xaf: {  	[tilespmem:s23], [sflag:$0x2] =	stream.indirect.gather [hbm4b:s4+s22], $0x80, s13, s22, $0xb8;
	[tilespmem:$0x1D000] =	vst v63  }
0xb0: {  	_ =	swait.ge [sflag:s24], $0x4000  }
0xb1: {  	[sflag:s24] =	ssyncset.done $0x0  }
0xb2: {  	s13 =	sor.u32 $0x680, s30;
	[sflag:s24] =	ssyncadd.s32 $0xFFFFC000  }
0xb3: {  	[spmem:s1] =	stream.indirect.scatter.add.f32 [tilespmem:s20], [sflag:$0x4], $0x80, s13, s22, $0xb8;
	[tilespmem:$0x1D000] =	vst v63  }
0xb4: {  	_ =	swait.ge [sflag:s21], $0x4000  }
0xb5: {  	p1 =	seq.s32 s12, $0x9;
	[sflag:s21] =	ssyncset.done $0x0  }
0xb6: {  	s13 =	simm.s32 @!p1 $0x3;
	[sflag:s21] =	ssyncadd.s32 $0xFFFFC000  }
0xb7: {  	_ =	swait.ge @!p1 [sflag:s13], $0x800  }
0xb8: {  	s14 =	simm.s32 @!p1 $0x1000;
	[sflag:s13] =	ssyncset.done @!p1 $0x0  }
0xb9: {  	s15 =	sand.u32 @!p1 $0x800, s31;
	[sflag:s13] =	ssyncadd.s32 @!p1 $0xFFFFF800;
	s13 =	simm.s32 @!p1 $0x80  }
0xba: {  	[tilespmem:s14], [sflag:$0x1] =	stream.indirect.gather @!p1 [hbm4b:s4+s13], $0x80, s15, s13, $0xb8;
	[tilespmem:$0x1D000] =	vst v63  }
0xbb: {  	_ =	swait.ge [sflag:s25], $0x4000  }
.Ltmp0:
0xbc: {  	s31 =	sadd.s32 $0x800, s31;
	[sflag:s25] =	ssyncset.done $0x0;
	(pc) =	sbr.rel @p0 .LBB2_2-.Ltmp0, $4  }
0xbd: {  	s29 =	sadd.s32 $0x100, s29;
	s13 =	sadd.s32 $0x780, s30;
	[sflag:s25] =	ssyncadd.s32 $0xFFFFC000  }
0xbe: {  	[spmem:s1] =	stream.indirect.scatter.add.f32 [tilespmem:s23], [sflag:$0x4], $0x80, s13, s22, $0xb8;
	[tilespmem:$0x1D000] =	vst v63  }
0xbf: {  	s3 =	sadd.s32 $0x2000, s3;
	p1 =	sgt.u32 s12, $0x7;
	_ =	swait.ge [sflag:s21], $0x4000  }
0xc0: {  	s12 =	sshrl.u32 s3, $0x2;
	s13 =	simm.s32 @!p1 $0x0;
	[sflag:s21] =	ssyncset.done $0x0  }
0xc1: {  	[sflag:s21] =	ssyncadd.s32 $0xFFFFC000;
	s0 =	sand.u32 $0x800, s12  }
0xc2: {  	[tilespmem:s30], [sflag:$0x3] =	stream.linear.gather @!p1 [hbm4b:s19+s13], $0x800, $0x38;
	[tilespmem:$0x1D000] =	vst v63  }
0xc3: {  	s3 =	sor.u32 $0x100, s0  }
0xc4: {  	[tilespmem:s23], [sflag:$0x2] =	stream.indirect.gather [hbm4b:s4+s22], $0x80, s3, s22, $0xb8;
	[tilespmem:$0x1D000] =	vst v63  }
0xc5: {  	_ =	swait.ge [sflag:s24], $0x4000  }
0xc6: {  	[sflag:s24] =	ssyncset.done $0x0  }
0xc7: {  	s15 =	sor.u32 $0x80, s0;
	[sflag:s24] =	ssyncadd.s32 $0xFFFFC000  }
0xc8: {  	[spmem:s1] =	stream.indirect.scatter.add.f32 [tilespmem:s20], [sflag:$0x4], $0x80, s15, s22, $0xb8;
	[tilespmem:$0x1D000] =	vst v63  }
0xc9: {  	_ =	swait.ge [sflag:s21], $0x4000  }
0xca: {  	[sflag:s21] =	ssyncset.done $0x0  }
0xcb: {  	s19 =	sor.u32 $0x200, s0;
	[sflag:s21] =	ssyncadd.s32 $0xFFFFC000  }
0xcc: {  	[tilespmem:s20], [sflag:$0x1] =	stream.indirect.gather [hbm4b:s4+s22], $0x80, s19, s22, $0xb8;
	[tilespmem:$0x1D000] =	vst v63  }
0xcd: {  	_ =	swait.ge [sflag:s25], $0x4000  }
0xce: {  	[sflag:s25] =	ssyncset.done $0x0  }
0xcf: {  	s30 =	sor.u32 $0x180, s0;
	[sflag:s25] =	ssyncadd.s32 $0xFFFFC000  }
0xd0: {  	[spmem:s1] =	stream.indirect.scatter.add.f32 [tilespmem:s23], [sflag:$0x4], $0x80, s30, s22, $0xb8;
	[tilespmem:$0x1D000] =	vst v63  }
0xd1: {  	_ =	swait.ge [sflag:s21], $0x4000  }
0xd2: {  	[sflag:s21] =	ssyncset.done $0x0  }
0xd3: {  	s12 =	sor.u32 $0x300, s0;
	[sflag:s21] =	ssyncadd.s32 $0xFFFFC000  }
0xd4: {  	[tilespmem:s23], [sflag:$0x2] =	stream.indirect.gather [hbm4b:s4+s22], $0x80, s12, s22, $0xb8;
	[tilespmem:$0x1D000] =	vst v63  }
0xd5: {  	_ =	swait.ge [sflag:s24], $0x4000  }
0xd6: {  	[sflag:s24] =	ssyncset.done $0x0  }
0xd7: {  	s13 =	sor.u32 $0x280, s0;
	[sflag:s24] =	ssyncadd.s32 $0xFFFFC000  }
0xd8: {  	[spmem:s1] =	stream.indirect.scatter.add.f32 [tilespmem:s20], [sflag:$0x4], $0x80, s13, s22, $0xb8;
	[tilespmem:$0x1D000] =	vst v63  }
0xd9: {  	_ =	swait.ge [sflag:s21], $0x4000  }
0xda: {  	[sflag:s21] =	ssyncset.done $0x0  }
0xdb: {  	s14 =	sor.u32 $0x400, s0;
	[sflag:s21] =	ssyncadd.s32 $0xFFFFC000  }
0xdc: {  	[tilespmem:s20], [sflag:$0x1] =	stream.indirect.gather [hbm4b:s4+s22], $0x80, s14, s22, $0xb8;
	[tilespmem:$0x1D000] =	vst v63  }
0xdd: {  	_ =	swait.ge [sflag:s25], $0x4000  }
0xde: {  	[sflag:s25] =	ssyncset.done $0x0  }
0xdf: {  	s15 =	sor.u32 $0x380, s0;
	[sflag:s25] =	ssyncadd.s32 $0xFFFFC000  }
0xe0: {  	[spmem:s1] =	stream.indirect.scatter.add.f32 [tilespmem:s23], [sflag:$0x4], $0x80, s15, s22, $0xb8;
	[tilespmem:$0x1D000] =	vst v63  }
0xe1: {  	_ =	swait.ge [sflag:s21], $0x4000  }
0xe2: {  	[sflag:s21] =	ssyncset.done $0x0  }
0xe3: {  	s19 =	sor.u32 $0x500, s0;
	[sflag:s21] =	ssyncadd.s32 $0xFFFFC000  }
0xe4: {  	[tilespmem:s23], [sflag:$0x2] =	stream.indirect.gather [hbm4b:s4+s22], $0x80, s19, s22, $0xb8;
	[tilespmem:$0x1D000] =	vst v63  }
0xe5: {  	_ =	swait.ge [sflag:s24], $0x4000  }
0xe6: {  	[sflag:s24] =	ssyncset.done $0x0  }
0xe7: {  	s30 =	sor.u32 $0x480, s0;
	[sflag:s24] =	ssyncadd.s32 $0xFFFFC000  }
0xe8: {  	[spmem:s1] =	stream.indirect.scatter.add.f32 [tilespmem:s20], [sflag:$0x4], $0x80, s30, s22, $0xb8;
	[tilespmem:$0x1D000] =	vst v63  }
0xe9: {  	_ =	swait.ge [sflag:s21], $0x4000  }
0xea: {  	[sflag:s21] =	ssyncset.done $0x0  }
0xeb: {  	s12 =	sor.u32 $0x600, s0;
	[sflag:s21] =	ssyncadd.s32 $0xFFFFC000  }
0xec: {  	[tilespmem:s20], [sflag:$0x1] =	stream.indirect.gather [hbm4b:s4+s22], $0x80, s12, s22, $0xb8;
	[tilespmem:$0x1D000] =	vst v63  }
0xed: {  	_ =	swait.ge [sflag:s25], $0x4000  }
0xee: {  	[sflag:s25] =	ssyncset.done $0x0  }
0xef: {  	s13 =	sor.u32 $0x580, s0;
	[sflag:s25] =	ssyncadd.s32 $0xFFFFC000  }
0xf0: {  	[spmem:s1] =	stream.indirect.scatter.add.f32 [tilespmem:s23], [sflag:$0x4], $0x80, s13, s22, $0xb8;
	[tilespmem:$0x1D000] =	vst v63  }
0xf1: {  	_ =	swait.ge [sflag:s21], $0x4000  }
0xf2: {  	[sflag:s21] =	ssyncset.done $0x0  }
0xf3: {  	s14 =	sor.u32 $0x700, s0;
	[sflag:s21] =	ssyncadd.s32 $0xFFFFC000  }
0xf4: {  	[tilespmem:s23], [sflag:$0x2] =	stream.indirect.gather [hbm4b:s4+s22], $0x80, s14, s22, $0xb8;
	[tilespmem:$0x1D000] =	vst v63  }
0xf5: {  	_ =	swait.ge [sflag:s24], $0x4000  }
0xf6: {  	[sflag:s24] =	ssyncset.done $0x0  }
0xf7: {  	s15 =	sor.u32 $0x680, s0;
	[sflag:s24] =	ssyncadd.s32 $0xFFFFC000  }
0xf8: {  	[spmem:s1] =	stream.indirect.scatter.add.f32 [tilespmem:s20], [sflag:$0x4], $0x80, s15, s22, $0xb8;
	[tilespmem:$0x1D000] =	vst v63  }
0xf9: {  	_ =	swait.ge [sflag:s21], $0x4000  }
0xfa: {  	p0 =	seq.s32 s28, $0x9;
	[sflag:s21] =	ssyncset.done $0x0  }
0xfb: {  	s3 =	simm.s32 @!p0 $0x3;
	[sflag:s21] =	ssyncadd.s32 $0xFFFFC000  }
0xfc: {  	_ =	swait.ge @!p0 [sflag:s3], $0x800  }
0xfd: {  	s12 =	simm.s32 @!p0 $0x1000;
	[sflag:s3] =	ssyncset.done @!p0 $0x0  }
0xfe: {  	s13 =	sand.u32 @!p0 $0x800, s31;
	[sflag:s3] =	ssyncadd.s32 @!p0 $0xFFFFF800;
	s3 =	simm.s32 @!p0 $0x80  }
0xff: {  	[tilespmem:s12], [sflag:$0x1] =	stream.indirect.gather @!p0 [hbm4b:s4+s3], $0x80, s13, s3, $0xb8;
	[tilespmem:$0x1D000] =	vst v63  }
0x100: {  	_ =	swait.ge [sflag:s25], $0x4000  }
0x101: {  	[sflag:s25] =	ssyncset.done $0x0  }
0x102: {  	s19 =	sadd.s32 $0x780, s0;
	[sflag:s25] =	ssyncadd.s32 $0xFFFFC000  }
0x103: {  	[spmem:s1] =	stream.indirect.scatter.add.f32 [tilespmem:s23], [sflag:$0x4], $0x80, s19, s22, $0xb8;
	[tilespmem:$0x1D000] =	vst v63  }
0x104: {  	_ =	swait.ge [sflag:s21], $0x4000  }
0x105: {  	p0 =	sgt.u32 s28, $0x7;
	[sflag:s21] =	ssyncset.done $0x0  }
0x106: {  	s3 =	simm.s32 @!p0 $0x0;
	[sflag:s21] =	ssyncadd.s32 $0xFFFFC000  }
0x107: {  	[tilespmem:s0], [sflag:$0x3] =	stream.linear.gather @!p0 [hbm4b:s29+s3], $0x800, $0x38;
	[tilespmem:$0x1D000] =	vst v63  }
0x108: {  	[bflag:$0x0] =	sbarrier.arrive $0xFFFF  }
0x109: {  	[tilespmem:s20], [sflag:$0x4] =	stream.linear.gather [spmem:s6], $0x4000, $0x38;
	[tilespmem:$0x1D000] =	vst v63  }
0x10a: {  	_ =	swait.ge [sflag:s21], $0x4000  }
0x10b: {  	[sflag:s21] =	ssyncset.done $0x0  }
0x10c: {  	s29 =	rddreg [dreg:$0x5];
	[sflag:s21] =	ssyncadd.s32 $0xFFFFC000  }
0x10d: {  	[hbm4b:s29+s2] =	stream.linear.scatter [tilespmem:s20], [sflag:$0x4], $0x4000, $0x38;
	[tilespmem:$0x1D000] =	vst v63  }
0x10e: {  	_ =	swait.ge [sflag:s21], $0x4000  }
0x10f: {  	[sflag:s21] =	ssyncset.done $0x0  }
0x110: {  	[sflag:s21] =	ssyncadd.s32 $0xFFFFC000  }
0x111: {  	[tilespmem:s20], [sflag:$0x4] =	stream.linear.gather [spmem:s7], $0x4000, $0x38;
	[tilespmem:$0x1D000] =	vst v63  }
0x112: {  	_ =	swait.ge [sflag:s21], $0x4000  }
0x113: {  	[sflag:s21] =	ssyncset.done $0x0  }
0x114: {  	s30 =	rddreg [dreg:$0x6];
	[sflag:s21] =	ssyncadd.s32 $0xFFFFC000  }
0x115: {  	[hbm4b:s30+s2] =	stream.linear.scatter [tilespmem:s20], [sflag:$0x4], $0x4000, $0x38;
	[tilespmem:$0x1D000] =	vst v63  }
0x116: {  	_ =	swait.ge [sflag:s21], $0x4000  }
0x117: {  	[sflag:s21] =	ssyncset.done $0x0  }
0x118: {  	[sflag:s21] =	ssyncadd.s32 $0xFFFFC000  }
0x119: {  	[tilespmem:s20], [sflag:$0x4] =	stream.linear.gather [spmem:s8], $0x4000, $0x38;
	[tilespmem:$0x1D000] =	vst v63  }
0x11a: {  	_ =	swait.ge [sflag:s21], $0x4000  }
0x11b: {  	[sflag:s21] =	ssyncset.done $0x0  }
0x11c: {  	s31 =	rddreg [dreg:$0x7];
	[sflag:s21] =	ssyncadd.s32 $0xFFFFC000  }
0x11d: {  	[hbm4b:s31+s2] =	stream.linear.scatter [tilespmem:s20], [sflag:$0x4], $0x4000, $0x38;
	[tilespmem:$0x1D000] =	vst v63  }
0x11e: {  	_ =	swait.ge [sflag:s21], $0x4000  }
0x11f: {  	[sflag:s21] =	ssyncset.done $0x0  }
0x120: {  	[sflag:s21] =	ssyncadd.s32 $0xFFFFC000  }
0x121: {  	[tilespmem:s20], [sflag:$0x4] =	stream.linear.gather [spmem:s9], $0x4000, $0x38;
	[tilespmem:$0x1D000] =	vst v63  }
0x122: {  	_ =	swait.ge [sflag:s21], $0x4000  }
0x123: {  	[sflag:s21] =	ssyncset.done $0x0  }
0x124: {  	[sflag:s21] =	ssyncadd.s32 $0xFFFFC000  }
0x125: {  	[hbm4b:s16+s2] =	stream.linear.scatter [tilespmem:s20], [sflag:$0x4], $0x4000, $0x38;
	[tilespmem:$0x1D000] =	vst v63  }
0x126: {  	_ =	swait.ge [sflag:s21], $0x4000  }
0x127: {  	[sflag:s21] =	ssyncset.done $0x0  }
0x128: {  	[sflag:s21] =	ssyncadd.s32 $0xFFFFC000  }
0x129: {  	[tilespmem:s20], [sflag:$0x4] =	stream.linear.gather [spmem:s11], $0x4000, $0x38;
	[tilespmem:$0x1D000] =	vst v63  }
0x12a: {  	s26 =	sadd.s32 $0x1, s26;
	_ =	swait.ge [sflag:s21], $0x4000  }
0x12b: {  	p0 =	sne.s32 s26, s18;
	[sflag:s21] =	ssyncset.done $0x0  }
.Ltmp1:
0x12c: {  	[sflag:s21] =	ssyncadd.s32 $0xFFFFC000;
	(pc) =	sbr.rel @p0 .LBB2_1-.Ltmp1, $4  }
0x12d: {  	[hbm4b:s17+s2] =	stream.linear.scatter [tilespmem:s20], [sflag:$0x4], $0x4000, $0x38;
	[tilespmem:$0x1D000] =	vst v63  }
0x12e: {  	_ =	swait.ge [sflag:s21], $0x4000  }
0x12f: {  	[sflag:s21] =	ssyncset.done $0x0  }
0x130: {  	[sflag:s21] =	ssyncadd.s32 $0xFFFFC000  }
0x131: {  	_ =	sfence.sel $0x180000  }
0x132: {  	[bflag:$0x0] =	sbarrier.arrive $0xFFFF  }
0x133: {  	_ =	strace $0x90000050  }
0x134: {  	s0 =	stileid.u32;
	[bflag:$0x2] =	sbarrier.arrive $0xFFFF  }
0x135: {  	p0 =	sne.s32 s0, $0x0;
	s0 =	rddreg [dreg:$0x2]  }
0x136: {  	s0 =	sadd.s32 @!p0 $0x100000, s0  }
0x137: {  	[sflag:s0] =	ssyncadd.tile.s32 @!p0 $0x1;
	_ =	shalt  }
.Lfunc_end2:
_tile_overlayer_lowered:
.L_overlay_start_2:
0x138: {  	(tag) =	ssettag $0x2  }
0x139: {  	s0 =	rddreg [dreg:$0x0];
	s2 =	stileid.u32  }
0x13a: {  	s1 =	rddreg [dreg:$0x1];
	p0 =	sne.s32 s2, $0x0  }
0x13b: {  	s3 =	rddreg [dreg:$0x2];
	[bflag:$0x3] =	sbarrier.arrive $0xFFFF;
	s2 =	simm.s32 @!p0 $0x1C04  }
0x13c: {  	[timem:s3], [sflag:s2] =	dma.local @!p0 [hbm:s0], s1  }
0x13d: {  	s0 =	simm.s32 @!p0 $0x4  }
0x13e: {  	_ =	swait.ge @!p0 [sflag:s0], s1  }
0x13f: {  	s1 =	ssub.s32 @!p0 $0x0, s1;
	[sflag:s0] =	ssyncset.done @!p0 $0x0  }
0x140: {  	[sflag:s0] =	ssyncadd.s32 @!p0 s1  }
0x141: {  	[bflag:$0x3] =	sbarrier.arrive $0xFFFF  }
0x142: {  	_ =	shalt  }

// kernel: kernel.9.cloned.1.call-start
scs
__scs_entry_jumppad:
0x0: {  	(pc) =	sbr.rel $0x88, $3  }
0x1: {  	(tag) =	ssettag $0x0;
	lr =	simm.s32 $0x1  }
0x2: {  	[smem:$0x3F99] =	sst lr;
	_ =	strace $0xD0000000  }
0x3: {  	_ = 	snop  }
0x4: {  	_ = 	snop  }
0x5: {  	_ = 	snop  }
0x6: {  	_ = 	snop  }
0x7: {  	_ = 	snop  }
__scs_overlays_trampoline_lowered:
0x8: {  	[smem:$0x3FA8] =	sst s0  }
0x9: {  	[smem:$0x3FA9] =	sst s1  }
0xa: {  	[smem:$0x3FAA] =	sst s2  }
0xb: {  	[smem:$0x3FAB] =	sst s3  }
0xc: {  	[smem:$0x3FAC] =	sst s4  }
0xd: {  	[smem:$0x3FAD] =	sst s5  }
0xe: {  	[smem:$0x3FAE] =	sst s6  }
0xf: {  	[smem:$0x3FAF] =	sst s7  }
0x10: {  	[smem:$0x3FB0] =	sst s8  }
0x11: {  	[smem:$0x3FB1] =	sst s9;
	s0 =	simm.s32 @!p0 $0x0  }
0x12: {  	s1 =	sld [smem:$0x3F97];
	s0 =	simm.s32 @p0 $0x1  }
0x13: {  	[smem:$0x3FB2] =	sst s0;
	s0 =	simm.s32 @!p1 $0x0  }
0x14: {  	s2 =	sld [smem:$0x3F96];
	s0 =	simm.s32 @p1 $0x1  }
0x15: {  	[smem:$0x3FB3] =	sst s0;
	s0 =	simm.s32 @!p2 $0x0  }
0x16: {  	s3 =	sld [smem:$0x3FDB];
	s0 =	simm.s32 @p2 $0x1  }
0x17: {  	s4 =	simm.s32 $0x1BF5;
	[smem:$0x3FB5] =	sst s0  }
0x18: {  	s0 =	sld [smem:$0x3F98];
	_ =	swait.ge [sflag:s4], $0x0  }
0x19: {  	s7 =	sld [smem:$0x3F99]  }
0x1a: {  	s8 =	sadd.s32 $0xFFFFE003, lr  }
0x1b: {  	s9 =	sadd.s32 $0xFFFFFEF7, lr;
	s5 =	simm.s32 $0xFFFFFFFF;
	p2 =	slt.u32 s8, $0xFFFFF086  }
0x1c: {  	p1 =	slt.u32 s9, $0xF7A;
	s5 =	simm.s32 @!p2 $0x0  }
0x1d: {  	s5 =	simm.s32 @p1 $0x1;
	p0 =	seq.s32 s7, s2  }
0x1e: {  	s7 =	smul.u32 @!p0 $0xF7A, s2;
	p2 =	seq.s32 @!p0 s5, $0x0  }
0x1f: {  	s9 =	smul.u32 $0xF7A, s1;
	s8 =	simm.s32 @!p0 $0x1BF5;
	p2 =	por !p2, p0  }
0x20: {  	[sflag:s8] =	ssyncset.s32 @!p0 $0xFFFFF086;
	s6 =	sadd.s32 @!p0 s3, s7;
	s7 =	simm.s32 @!p0 $0x108  }
0x21: {  	s3 =	sadd.s32 s3, s9;
	s6 =	sadd.s32 @!p0 $0x88, s6;
	s7 =	simm.s32 @p2 $0x1082  }
0x22: {  	[simem:s7], [sflag:s8] =	dma.local @!p0 [hbm:s6], $0xF7A  }
0x23: {  	s9 =	sor.u32 $0xD0000000, s2;
	s6 =	simm.s32 $0x108;
	_ =	swait.ge @!p0 [sflag:s8], $0x0  }
0x24: {  	s3 =	sadd.s32 $0x88, s3;
	s6 =	simm.s32 @!p1 $0x1082;
	[sflag:s4] =	ssyncset.s32 $0xFFFFF086  }
0x25: {  	[simem:s6], [sflag:s4] =	dma.local [hbm:s3], $0xF7A  }
0x26: {  	[smem:$0x3F99] =	sst s1;
	(tag) =	ssettag s2;
	_ =	strace s9  }
0x27: {  	s1 =	sld [smem:$0x3FA9]  }
0x28: {  	s2 =	sld [smem:$0x3FAA]  }
0x29: {  	s4 =	sld [smem:$0x3FAC]  }
0x2a: {  	p0 =	seq.s32 s5, $0x0;
	s5 =	sld [smem:$0x3FAD]  }
0x2b: {  	s6 =	sld [smem:$0x3FAE]  }
0x2c: {  	s7 =	sld [smem:$0x3FAF]  }
0x2d: {  	s3 =	simm.s32 $0x108;
	s8 =	sld [smem:$0x3FB0]  }
0x2e: {  	s3 =	simm.s32 @!p0 $0x1082;
	s9 =	sld [smem:$0x3FB1]  }
0x2f: {  	lr =	sadd.s32 s0, s3;
	s0 =	sld [smem:$0x3FA8]  }
0x30: {  	s3 =	sld [smem:$0x3FAB]  }
0x31: {  	[smem:$0x3FB4] =	sst s10  }
0x32: {  	s10 =	sld [smem:$0x3FB2];
	_ =	sdelay $0x3  }
0x33: {  	p0 =	seq.s32 s10, $0x1;
	s10 =	sld [smem:$0x3FB4];
	_ =	sdelay $0x3  }
0x34: {  	[smem:$0x3FB4] =	sst s10  }
0x35: {  	s10 =	sld [smem:$0x3FB3];
	_ =	sdelay $0x3  }
0x36: {  	p1 =	seq.s32 s10, $0x1;
	s10 =	sld [smem:$0x3FB4];
	_ =	sdelay $0x3  }
0x37: {  	[smem:$0x3FB4] =	sst s10  }
0x38: {  	s10 =	sld [smem:$0x3FB5]  }
0x39: {  	_ = 	snop;
	(pc) =	sbr.ind lr, $3  }
0x3a: {  	_ = 	snop  }
0x3b: {  	_ = 	snop  }
0x3c: {  	p2 =	seq.s32 s10, $0x1;
	s10 =	sld [smem:$0x3FB4]  }
0x3d: {  	_ =	shalt  }
0x3e: {  	_ =	shalt  }
0x3f: {  	_ =	shalt  }
0x40: {  	_ =	shalt  }
0x41: {  	_ =	shalt  }
0x42: {  	_ =	shalt  }
0x43: {  	_ =	shalt  }
0x44: {  	_ =	shalt  }
0x45: {  	_ =	shalt  }
0x46: {  	_ =	shalt  }
0x47: {  	_ =	shalt  }
0x48: {  	_ =	shalt  }
0x49: {  	_ =	shalt  }
0x4a: {  	_ =	shalt  }
0x4b: {  	_ =	shalt  }
0x4c: {  	_ =	shalt  }
0x4d: {  	_ =	shalt  }
0x4e: {  	_ =	shalt  }
0x4f: {  	_ =	shalt  }
0x50: {  	_ =	shalt  }
0x51: {  	_ =	shalt  }
0x52: {  	_ =	shalt  }
0x53: {  	_ =	shalt  }
0x54: {  	_ =	shalt  }
0x55: {  	_ =	shalt  }
0x56: {  	_ =	shalt  }
0x57: {  	_ =	shalt  }
0x58: {  	_ =	shalt  }
0x59: {  	_ =	shalt  }
0x5a: {  	_ =	shalt  }
0x5b: {  	_ =	shalt  }
0x5c: {  	_ =	shalt  }
0x5d: {  	_ =	shalt  }
0x5e: {  	_ =	shalt  }
0x5f: {  	_ =	shalt  }
0x60: {  	_ =	shalt  }
0x61: {  	_ =	shalt  }
0x62: {  	_ =	shalt  }
0x63: {  	_ =	shalt  }
0x64: {  	_ =	shalt  }
0x65: {  	_ =	shalt  }
0x66: {  	_ =	shalt  }
0x67: {  	_ =	shalt  }
0x68: {  	_ =	shalt  }
0x69: {  	_ =	shalt  }
0x6a: {  	_ =	shalt  }
0x6b: {  	_ =	shalt  }
0x6c: {  	_ =	shalt  }
0x6d: {  	_ =	shalt  }
0x6e: {  	_ =	shalt  }
0x6f: {  	_ =	shalt  }
0x70: {  	_ =	shalt  }
0x71: {  	_ =	shalt  }
0x72: {  	_ =	shalt  }
0x73: {  	_ =	shalt  }
0x74: {  	_ =	shalt  }
0x75: {  	_ =	shalt  }
0x76: {  	_ =	shalt  }
0x77: {  	_ =	shalt  }
0x78: {  	_ =	shalt  }
0x79: {  	_ =	shalt  }
0x7a: {  	_ =	shalt  }
0x7b: {  	_ =	shalt  }
0x7c: {  	_ =	shalt  }
0x7d: {  	_ =	shalt  }
0x7e: {  	_ =	shalt  }
0x7f: {  	_ =	shalt  }
0x80: {  	_ =	shalt  }
0x81: {  	_ =	shalt  }
0x82: {  	_ =	shalt  }
0x83: {  	_ =	shalt  }
0x84: {  	_ =	shalt  }
0x85: {  	_ =	shalt  }
0x86: {  	_ =	shalt  }
0x87: {  	_ =	shalt  }
.Lfunc_end0:
.L_simem_size_0:
called_computation_lowered:
.L_overlay_start_0:
0x88: {  	s2 =	sld [smem:$0x3FD9]  }
0x89: {  	s3 =	sld [smem:$0x3FFE];
	_ =	sdelay $0x1  }
0x8a: {  	s1 =	srdreg.scid  }
0x8b: {  	s0 =	sand.u32 $0x1, s1  }
0x8c: {  	s16 =	sshll.u32 s0, $0xA;
	s2 =	sadd.s32 s3, s2  }
0x8d: {  	s2 =	sadd.s32 s2, s16  }
0x8e: {  	[smem:$0x3FC0] =	sst s2  }
0x8f: {  	_ = 	snop  }
0x90: {  	(tm) =	ssettm $0x1  }
0x91: {  	s17 =	sld [smem:$0x3FFB];
	_ =	sdelay $0x3  }
0x92: {  	_ =	strace s17  }
0x93: {  	s2 =	sld [smem:$0x3FFC];
	_ =	sdelay $0x3  }
0x94: {  	_ =	strace s2  }
0x95: {  	s2 =	sld [smem:$0x3FFD];
	_ =	sdelay $0x3  }
0x96: {  	_ =	strace s2  }
0x97: {  	_ =	strace $0x8FFFFFFF  }
0x98: {  	s18 =	sld [smem:$0x3FDB];
	_ =	sdelay $0x1  }
0x99: {  	s19 =	simm.s32 $_scs_section_size  }
0x9a: {  	s4 =	simm.s32 $_size__tile_overlayer_lowered;
	s5 =	simm.s32 $_tile_overlayer_lowered  }
0x9b: {  	s22 =	simm.s32 $0x1BFF;
	s21 =	sshll.u32 s5, $0x1;
	s2 =	sadd.s32 s19, s18  }
0x9c: {  	s6 =	simm.s32 $0x0;
	s20 =	sshll.u32 s4, $0x1;
	s4 =	sadd.s32 s21, s2  }
0x9d: {  	[timem:s6], [sflag:s22] =	dma.local [hbm:s4], s20  }
0x9e: {  	_ =	swait.ge [sflag:s22], s20  }
0x9f: {  	s3 =	ssub.s32 $0x0, s20;
	[sflag:s22] =	ssyncset.done $0x0  }
0xa0: {  	[sflag:s22] =	ssyncadd.s32 s3;
	_ =	sdelay $0x1  }
0xa1: {  	s23 =	simm.s32 $0x1B8B  }
0xa2: {  	_ =	swait.ge [sflag:s23], $0x1  }
0xa3: {  	[sflag:s23] =	ssyncset.done $0x0  }
0xa4: {  	s25 =	simm.s32 $0x1B8E;
	s24 =	sld [smem:$0x3FFE];
	[sflag:s23] =	ssyncadd.s32 $0xFFFFFFFF  }
0xa5: {  	s26 =	simm.s32 $execute0_lowered;
	[smem:$0x3FD2] =	sst s25  }
0xa6: {  	s4 =	sshll.u32 s26, $0x1;
	_ =	strace $0x80000046;
	[dreg:$0x1] =	wrdreg $0xFFFFFFFF  }
0xa7: {  	s28 =	simm.s32 $_size_execute0_lowered;
	s2 =	sadd.s32 s2, s4;
	[dreg:$0x0] =	wrdreg $0x0  }
0xa8: {  	s4 =	sshll.u32 s28, $0x1;
	[dreg:$0x2] =	wrdreg s2  }
0xa9: {  	[dreg:$0x3] =	wrdreg s4  }
0xaa: {  	[dreg:$0x4] =	wrdreg $0xC0  }
0xab: {  	_ =	task [dreg:s6], $0x5FFFF  }
0xac: {  	[dreg:$0x1] =	wrdreg $0xFFFFFFFF  }
0xad: {  	[dreg:$0x0] =	wrdreg $0x60  }
0xae: {  	[dreg:$0x2] =	wrdreg s24  }
0xaf: {  	[dreg:$0x3] =	wrdreg $0x80800  }
0xb0: {  	[dreg:$0x4] =	wrdreg $0x9  }
0xb1: {  	_ =	task.clear_ibuf [dreg:s6], $0x5FFFF;
	_ =	strace $0x90000046  }
0xb2: {  	s29 =	simm.s32 $0x9;
	_ =	strace $0x80000048  }
0xb3: {  	_ =	swait.ge [sflag:s29], $0x1  }
0xb4: {  	[sflag:s29] =	ssyncadd.s32 $0xFFFFFFFF  }
0xb5: {  	_ =	strace $0x90000048  }
0xb6: {  	_ =	sfence  }
0xb7: {  	s30 =	sld [smem:$0x0];
	_ =	sdelay $0x2  }
0xb8: {  	s31 =	sshll.u32 s1, $0xD;
	s1 =	sshrl.u32 s1, $0x2  }
0xb9: {  	s3 =	sand.u32 $0x4000, s31;
	s1 =	sadd.s32 s1, s30  }
0xba: {  	s0 =	sor.u32 s3, s0;
	s1 =	sshll.u32 s1, $0x11  }
0xbb: {  	s0 =	sor.u32 s1, s0  }
0xbc: {  	s0 =	sadd.s32 $0x8F2B, s0  }
0xbd: {  	[sflag:s0] =	ssyncadd.remote.s32 $0x1  }
0xbe: {  	_ =	sfence.sel $0xFFFF  }
0xbf: {  	[dreg:$0x0] =	wrdreg $0xFFFFFFFF;
	(pc) =	sbr.abs _section_cstart, $3  }
0xc0: {  	[dreg:$0x1] =	wrdreg $0xFFFFFFFF  }
0xc1: {  	_ =	task.clear_ibuf [dreg:s6], $0x2FFFF;
	_ =	strace $0x9FFFFFFF  }
0xc2: {  	(tm) =	ssettm $0x7FFFFFFF  }
0xc3: {  	_ =	shalt  }
tec
execute0_lowered:
.L_overlay_start_1:
0x0: {  	(tag) =	ssettag $0x1  }
0x1: {  	s6 =	rddreg [dreg:$0x0]  }
0x2: {  	s2 =	rddreg [dreg:$0x1]  }
0x3: {  	s0 =	rddreg [dreg:$0x2]  }
0x4: {  	s3 =	simm.s32 $0x0;
	s1 =	stileid.u32;
	s5 =	srdreg.scid  }
0x5: {  	s21 =	simm.s32 $0x0;
	[smem:$0x7FF] =	sst s3;
	s4 =	smul.u32 $0xA00, s1  }
0x6: {  	s13 =	sand.u32 $0x1, s5;
	s11 =	smul.u32 $0x14000, s1;
	s5 =	sadd.s32 $0xDA00, s6  }
0x7: {  	s15 =	sadd.s32 $0xEA00, s6;
	_ =	strace $0x80000047;
	s19 =	smul.u32 $0x140000, s13  }
0x8: {  	s7 =	ssub.s32 $0x2, s13;
	s28 =	smul.u32 $0x500, s13;
	s16 =	sadd.s32 s4, s6  }
0x9: {  	s4 =	sadd.s32 $0xE200, s6;
	s26 =	sshrl.u32 s7, $0x1;
	s12 =	sadd.s32 $0x4000, s11  }
0xa: {  	s6 =	sadd.s32 s11, s2;
	s14 =	sadd.s32 $0x8000, s11;
	s18 =	sadd.s32 $0xC000, s11  }
0xb: {  	s20 =	sadd.s32 $0x10000, s11;
	s17 =	ssub.s32 s7, s26;
	s7 =	sadd.s32 s12, s2  }
0xc: {  	s8 =	sadd.s32 s14, s2;
	s9 =	sadd.s32 s18, s2;
	s10 =	sadd.s32 s20, s2  }
0xd: {  	s11 =	sadd.s32 s11, s19;
	s12 =	sadd.s32 s19, s12;
	s14 =	sadd.s32 s19, s14  }
0xe: {  	s18 =	sadd.s32 s19, s18;
	s19 =	sadd.s32 s19, s20;
	s31 =	sadd.s32 s28, s16  }
0xf: {  	s20 =	simm.s32 $0x4080;
	s11 =	sshrl.u32 s11, $0x3;
	s12 =	sshrl.u32 s12, $0x3  }
0x10: {  	s14 =	sshrl.u32 s14, $0x3;
	s29 =	sshrl.u32 s18, $0x3;
	s30 =	sshrl.u32 s19, $0x3  }
0x11: {  	s16 =	smax.u32 s17, $0x1;
	s17 =	sadd.s32 $0x3A00, s31;
	s18 =	simm.s32 $0x80  }
0x12: {  	s19 =	simm.s32 $0x1;
	s11 =	sadd.s32 s15, s11;
	s12 =	sadd.s32 s15, s12  }
0x13: {  	s13 =	sadd.s32 s15, s14;
	s14 =	sadd.s32 s15, s29;
	s15 =	sadd.s32 s15, s30  }
.LBB2_1:
0x14: {  	[tilespmem:s18], [sflag:$0x1] =	stream.linear.gather [hbm4b:s4+s3], $0x4000, $0x38;
	[tilespmem:$0x1C080] =	vst v63  }
0x15: {  	_ =	swait.ge [sflag:s19], $0x4000  }
0x16: {  	[sflag:s19] =	ssyncset.done $0x0  }
0x17: {  	[sflag:s19] =	ssyncadd.s32 $0xFFFFC000  }
0x18: {  	[tilespmem:s20], [sflag:$0x1] =	stream.linear.gather [hbm4b:s5+s3], $0x4000, $0x38;
	[tilespmem:$0x1C080] =	vst v63  }
0x19: {  	_ =	swait.ge [sflag:s19], $0x4000  }
0x1a: {  	[sflag:s19] =	ssyncset.done $0x0  }
0x1b: {  	[sflag:s19] =	ssyncadd.s32 $0xFFFFC000  }
0x1c: {  	[spmem:s6] =	stream.linear.scatter [tilespmem:s20], [sflag:$0x1], $0x4000, $0x38;
	[tilespmem:$0x1C080] =	vst v63  }
0x1d: {  	_ =	swait.ge [sflag:s19], $0x4000  }
0x1e: {  	[sflag:s19] =	ssyncset.done $0x0  }
0x1f: {  	[sflag:s19] =	ssyncadd.s32 $0xFFFFC000  }
0x20: {  	[spmem:s7] =	stream.linear.scatter [tilespmem:s20], [sflag:$0x1], $0x4000, $0x38;
	[tilespmem:$0x1C080] =	vst v63  }
0x21: {  	_ =	swait.ge [sflag:s19], $0x4000  }
0x22: {  	[sflag:s19] =	ssyncset.done $0x0  }
0x23: {  	[sflag:s19] =	ssyncadd.s32 $0xFFFFC000  }
0x24: {  	[spmem:s8] =	stream.linear.scatter [tilespmem:s20], [sflag:$0x1], $0x4000, $0x38;
	[tilespmem:$0x1C080] =	vst v63  }
0x25: {  	_ =	swait.ge [sflag:s19], $0x4000  }
0x26: {  	[sflag:s19] =	ssyncset.done $0x0  }
0x27: {  	[sflag:s19] =	ssyncadd.s32 $0xFFFFC000  }
0x28: {  	[spmem:s9] =	stream.linear.scatter [tilespmem:s20], [sflag:$0x1], $0x4000, $0x38;
	[tilespmem:$0x1C080] =	vst v63  }
0x29: {  	_ =	swait.ge [sflag:s19], $0x4000  }
0x2a: {  	[sflag:s19] =	ssyncset.done $0x0  }
0x2b: {  	[sflag:s19] =	ssyncadd.s32 $0xFFFFC000  }
0x2c: {  	[spmem:s10] =	stream.linear.scatter [tilespmem:s20], [sflag:$0x1], $0x4000, $0x38;
	[tilespmem:$0x1C080] =	vst v63  }
0x2d: {  	_ =	swait.ge [sflag:s19], $0x4000  }
0x2e: {  	[sflag:s19] =	ssyncset.done $0x0  }
0x2f: {  	[sflag:s19] =	ssyncadd.s32 $0xFFFFC000  }
0x30: {  	s22 =	sadd.s32 $0x0, s17;
	[bflag:$0x0] =	sbarrier.arrive $0xFFFF  }
0x31: {  	[tilespmem:s3], [sflag:$0x1] =	stream.linear.gather [hbm4b:s22+s3], $0x80, $0x38;
	[tilespmem:$0x1C080] =	vst v63  }
0x32: {  	_ =	swait.ge [sflag:s19], $0x80  }
0x33: {  	[sflag:s19] =	ssyncset.done $0x0  }
0x34: {  	[sflag:s19] =	ssyncadd.s32 $0xFFFFFF80  }
0x35: {  	[spmem:s2] =	stream.indirect.scatter.add.f32 [tilespmem:s18], [sflag:$0x1], $0x80, s3, s18, $0xb8;
	[tilespmem:$0x1C080] =	vst v63  }
0x36: {  	_ =	swait.ge [sflag:s19], $0x4000  }
0x37: {  	s23 =	simm.s32 $0x20;
	s22 =	simm.s32 $0x10;
	[sflag:s19] =	ssyncset.done $0x0  }
.LBB2_2:
0x38: {  	s24 =	sadd.s32 s22, s17  }
0x39: {  	[sflag:s19] =	ssyncadd.s32 $0xFFFFC000;
	s22 =	smov.u32 s23;
	s25 =	sadd.s32 $0x10, s23  }
0x3a: {  	[tilespmem:s3], [sflag:$0x1] =	stream.linear.gather [hbm4b:s24+s3], $0x80, $0x38;
	[tilespmem:$0x1C080] =	vst v63  }
0x3b: {  	p0 =	sne.s32 s23, $0x4F0;
	_ =	swait.ge [sflag:s19], $0x80  }
.Ltmp0:
0x3c: {  	[sflag:s19] =	ssyncset.done $0x0;
	(pc) =	sbr.rel @p0 .LBB2_2-.Ltmp0, $4  }
0x3d: {  	[sflag:s19] =	ssyncadd.s32 $0xFFFFFF80  }
0x3e: {  	[spmem:s2] =	stream.indirect.scatter.add.f32 [tilespmem:s18], [sflag:$0x1], $0x80, s3, s18, $0xb8;
	[tilespmem:$0x1C080] =	vst v63  }
0x3f: {  	_ =	swait.ge [sflag:s19], $0x4000  }
0x40: {  	s23 =	smov.u32 s25;
	[sflag:s19] =	ssyncset.done $0x0  }
0x41: {  	s22 =	sadd.s32 s22, s17;
	[sflag:s19] =	ssyncadd.s32 $0xFFFFC000  }
0x42: {  	[tilespmem:s3], [sflag:$0x1] =	stream.linear.gather [hbm4b:s22+s3], $0x80, $0x38;
	[tilespmem:$0x1C080] =	vst v63  }
0x43: {  	_ =	swait.ge [sflag:s19], $0x80  }
0x44: {  	[sflag:s19] =	ssyncset.done $0x0  }
0x45: {  	[sflag:s19] =	ssyncadd.s32 $0xFFFFFF80  }
0x46: {  	[spmem:s2] =	stream.indirect.scatter.add.f32 [tilespmem:s18], [sflag:$0x1], $0x80, s3, s18, $0xb8;
	[tilespmem:$0x1C080] =	vst v63  }
0x47: {  	_ =	swait.ge [sflag:s19], $0x4000  }
0x48: {  	[sflag:s19] =	ssyncset.done $0x0  }
0x49: {  	[sflag:s19] =	ssyncadd.s32 $0xFFFFC000  }
0x4a: {  	[bflag:$0x0] =	sbarrier.arrive $0xFFFF  }
0x4b: {  	[tilespmem:s20], [sflag:$0x1] =	stream.linear.gather [spmem:s6], $0x4000, $0x38;
	[tilespmem:$0x1C080] =	vst v63  }
0x4c: {  	_ =	swait.ge [sflag:s19], $0x4000  }
0x4d: {  	[sflag:s19] =	ssyncset.done $0x0  }
0x4e: {  	[sflag:s19] =	ssyncadd.s32 $0xFFFFC000  }
0x4f: {  	[hbm4b:s11+s3] =	stream.linear.scatter [tilespmem:s20], [sflag:$0x1], $0x4000, $0x38;
	[tilespmem:$0x1C080] =	vst v63  }
0x50: {  	_ =	swait.ge [sflag:s19], $0x4000  }
0x51: {  	[sflag:s19] =	ssyncset.done $0x0  }
0x52: {  	[sflag:s19] =	ssyncadd.s32 $0xFFFFC000  }
0x53: {  	[tilespmem:s20], [sflag:$0x1] =	stream.linear.gather [spmem:s7], $0x4000, $0x38;
	[tilespmem:$0x1C080] =	vst v63  }
0x54: {  	_ =	swait.ge [sflag:s19], $0x4000  }
0x55: {  	[sflag:s19] =	ssyncset.done $0x0  }
0x56: {  	[sflag:s19] =	ssyncadd.s32 $0xFFFFC000  }
0x57: {  	[hbm4b:s12+s3] =	stream.linear.scatter [tilespmem:s20], [sflag:$0x1], $0x4000, $0x38;
	[tilespmem:$0x1C080] =	vst v63  }
0x58: {  	_ =	swait.ge [sflag:s19], $0x4000  }
0x59: {  	[sflag:s19] =	ssyncset.done $0x0  }
0x5a: {  	[sflag:s19] =	ssyncadd.s32 $0xFFFFC000  }
0x5b: {  	[tilespmem:s20], [sflag:$0x1] =	stream.linear.gather [spmem:s8], $0x4000, $0x38;
	[tilespmem:$0x1C080] =	vst v63  }
0x5c: {  	_ =	swait.ge [sflag:s19], $0x4000  }
0x5d: {  	[sflag:s19] =	ssyncset.done $0x0  }
0x5e: {  	[sflag:s19] =	ssyncadd.s32 $0xFFFFC000  }
0x5f: {  	[hbm4b:s13+s3] =	stream.linear.scatter [tilespmem:s20], [sflag:$0x1], $0x4000, $0x38;
	[tilespmem:$0x1C080] =	vst v63  }
0x60: {  	_ =	swait.ge [sflag:s19], $0x4000  }
0x61: {  	[sflag:s19] =	ssyncset.done $0x0  }
0x62: {  	[sflag:s19] =	ssyncadd.s32 $0xFFFFC000  }
0x63: {  	[tilespmem:s20], [sflag:$0x1] =	stream.linear.gather [spmem:s9], $0x4000, $0x38;
	[tilespmem:$0x1C080] =	vst v63  }
0x64: {  	_ =	swait.ge [sflag:s19], $0x4000  }
0x65: {  	[sflag:s19] =	ssyncset.done $0x0  }
0x66: {  	[sflag:s19] =	ssyncadd.s32 $0xFFFFC000  }
0x67: {  	[hbm4b:s14+s3] =	stream.linear.scatter [tilespmem:s20], [sflag:$0x1], $0x4000, $0x38;
	[tilespmem:$0x1C080] =	vst v63  }
0x68: {  	_ =	swait.ge [sflag:s19], $0x4000  }
0x69: {  	[sflag:s19] =	ssyncset.done $0x0  }
0x6a: {  	[sflag:s19] =	ssyncadd.s32 $0xFFFFC000  }
0x6b: {  	[tilespmem:s20], [sflag:$0x1] =	stream.linear.gather [spmem:s10], $0x4000, $0x38;
	[tilespmem:$0x1C080] =	vst v63  }
0x6c: {  	s21 =	sadd.s32 $0x1, s21;
	_ =	swait.ge [sflag:s19], $0x4000  }
0x6d: {  	p0 =	sne.s32 s21, s16;
	[sflag:s19] =	ssyncset.done $0x0  }
.Ltmp1:
0x6e: {  	[sflag:s19] =	ssyncadd.s32 $0xFFFFC000;
	(pc) =	sbr.rel @p0 .LBB2_1-.Ltmp1, $4  }
0x6f: {  	[hbm4b:s15+s3] =	stream.linear.scatter [tilespmem:s20], [sflag:$0x1], $0x4000, $0x38;
	[tilespmem:$0x1C080] =	vst v63  }
0x70: {  	_ =	swait.ge [sflag:s19], $0x4000  }
0x71: {  	[sflag:s19] =	ssyncset.done $0x0  }
0x72: {  	[sflag:s19] =	ssyncadd.s32 $0xFFFFC000  }
0x73: {  	_ =	sfence.sel $0x180000  }
0x74: {  	[bflag:$0x0] =	sbarrier.arrive $0xFFFF  }
0x75: {  	p0 =	sne.s32 s1, $0x0;
	_ =	strace $0x90000047  }
0x76: {  	s0 =	sadd.s32 @!p0 $0x100000, s0;
	[bflag:$0x2] =	sbarrier.arrive $0xFFFF  }
0x77: {  	[sflag:s0] =	ssyncadd.tile.s32 @!p0 $0x1;
	_ =	shalt  }
.Lfunc_end2:
_tile_overlayer_lowered:
.L_overlay_start_2:
0x78: {  	(tag) =	ssettag $0x2  }
0x79: {  	s0 =	rddreg [dreg:$0x0];
	s2 =	stileid.u32  }
0x7a: {  	s1 =	rddreg [dreg:$0x1];
	p0 =	sne.s32 s2, $0x0  }
0x7b: {  	s3 =	rddreg [dreg:$0x2];
	[bflag:$0x3] =	sbarrier.arrive $0xFFFF;
	s2 =	simm.s32 @!p0 $0x1C01  }
0x7c: {  	[timem:s3], [sflag:s2] =	dma.local @!p0 [hbm:s0], s1  }
0x7d: {  	s0 =	simm.s32 @!p0 $0x1  }
0x7e: {  	_ =	swait.ge @!p0 [sflag:s0], s1  }
0x7f: {  	s1 =	ssub.s32 @!p0 $0x0, s1;
	[sflag:s0] =	ssyncset.done @!p0 $0x0  }
0x80: {  	[sflag:s0] =	ssyncadd.s32 @!p0 s1  }
0x81: {  	[bflag:$0x3] =	sbarrier.arrive $0xFFFF  }
0x82: {  	_ =	shalt  }

</sc_bundles>
